<compile_context>
chip_gen: v7x
topology: tpu7x:2x2x1
jax: 0.10.2.dev20260603
libtpu: 0.0.44.dev20260713+nightly
codegen_flags: <defaults>
</compile_context>

<pallas_src>
import functools

import jax
import jax.numpy as jnp
from jax import lax
from jax.experimental import pallas as pl
from jax.experimental.pallas import tpu as pltpu
from jax.experimental.pallas import tpu_sc as plsc

_NUM_CORES = 2
_NUM_SUBCORES = 16
_NUM_WORKERS = _NUM_CORES * _NUM_SUBCORES


def _mesh():
  return plsc.VectorSubcoreMesh(
      core_axis_name="c", subcore_axis_name="s",
      num_cores=_NUM_CORES, num_subcores=_NUM_SUBCORES)


def _worker_id():
  return lax.axis_index("s") * _NUM_CORES + lax.axis_index("c")


def _sc_transpose(table_t, panel=512):
  d, v = table_t.shape
  n_full = v // panel
  tail = v - n_full * panel
  per_w = n_full // _NUM_WORKERS
  n_extra = n_full - per_w * _NUM_WORKERS
  assert per_w % 2 == 1 and n_extra < _NUM_WORKERS

  @functools.partial(
      pl.kernel,
      mesh=_mesh(),
      compiler_params=pltpu.CompilerParams(needs_layout_passes=False),
      out_type=jax.ShapeDtypeStruct((v * d,), jnp.float32),
      scratch_types=[
          pltpu.VMEM((d, panel + 1), jnp.float32),
          pltpu.VMEM((d, panel + 1), jnp.float32),
          pltpu.VMEM((panel * d,), jnp.float32),
          pltpu.VMEM((panel * d,), jnp.float32),
          pltpu.VMEM((d, 64), jnp.float32),
          pltpu.VMEM((64 * d,), jnp.float32),
          pltpu.SemaphoreType.DMA,
      ],
  )
  def k(tab_hbm, out_hbm, in0, in1, o0, o1, tail_v, tail_o, sem):
    wid = _worker_id()
    base = wid * per_w
    iota = lax.iota(jnp.int32, 16)
    iota_hi = iota + 16
    ins = (in0, in1)
    outs = (o0, o1)

    def fire(c, slot):
      pltpu.async_copy(tab_hbm.at[:, pl.ds(c * panel, panel)],
                       ins[slot].at[:, pl.ds(0, panel)], sem)

    def wait(c, slot):
      pltpu.make_async_copy(tab_hbm.at[:, pl.ds(c * panel, panel)],
                            ins[slot].at[:, pl.ds(0, panel)], sem).wait()

    def transpose_slot(slot):
      src = ins[slot]
      dst = outs[slot]

      @plsc.parallel_loop(0, panel, step=8, unroll=4)
      def body(b0):
        bb0 = jnp.full((16,), b0, jnp.int32)
        o0 = b0 * d
        for kk in range(8):
          bb = bb0 + kk
          dst[pl.ds(o0 + kk * d, 16)] = plsc.load_gather(src, [iota, bb])
          dst[pl.ds(o0 + kk * d + 16, 16)] = plsc.load_gather(
              src, [iota_hi, bb])

    def flush(c, slot):
      pltpu.sync_copy(outs[slot], out_hbm.at[pl.ds(c * panel * d,
                                                   panel * d)])

    fire(base, 0)

    def pair(g, carry):
      c0 = base + 2 * g
      fire(c0 + 1, 1)
      wait(c0, 0)
      transpose_slot(0)
      flush(c0, 0)

      @pl.when(g < per_w // 2 - 1)
      def _():
        fire(c0 + 2, 0)

      wait(c0 + 1, 1)
      transpose_slot(1)
      flush(c0 + 1, 1)
      return carry

    lax.fori_loop(0, per_w // 2, pair, 0)

    c_last = base + per_w - 1
    fire(c_last, 0)
    wait(c_last, 0)
    transpose_slot(0)
    flush(c_last, 0)

    @pl.when(wid < n_extra)
    def _():
      c = _NUM_WORKERS * per_w + wid
      fire(c, 1)
      wait(c, 1)
      transpose_slot(1)
      flush(c, 1)

    if tail:
      @pl.when(wid == _NUM_WORKERS - 1)
      def _():
        col0 = n_full * panel
        pltpu.sync_copy(tab_hbm.at[:, pl.ds(col0, tail)], tail_v)

        def tbody(b, carry):
          bb = jnp.full((16,), b, jnp.int32)
          tail_o[pl.ds(b * d, 16)] = plsc.load_gather(tail_v, [iota, bb])
          tail_o[pl.ds(b * d + 16, 16)] = plsc.load_gather(
              tail_v, [iota_hi, bb])
          return carry

        lax.fori_loop(0, tail, tbody, 0)
        pltpu.sync_copy(tail_o, out_hbm.at[pl.ds(col0 * d, tail * d)])

  return k(table_t)


def _sc_gather(idx_flat, table_lin, chunk=1280):
  n = idx_flat.shape[0]
  v, d = table_lin.shape
  n_per_w = n // _NUM_WORKERS
  n_chunks = n_per_w // chunk
  assert n_per_w % chunk == 0 and n_chunks % 2 == 0

  @functools.partial(
      pl.kernel,
      mesh=_mesh(),
      compiler_params=pltpu.CompilerParams(use_tc_tiling_on_sc=False),
      out_type=jax.ShapeDtypeStruct((n, d), jnp.float32),
      scratch_types=[
          pltpu.VMEM((2, chunk), jnp.int32),
          pltpu.VMEM((2, chunk, d), jnp.float32),
          pltpu.SemaphoreType.DMA,
      ],
  )
  def k(idx_hbm, table_hbm, out_hbm, idx_v, rows_v, sem):
    base = _worker_id() * n_per_w
    n_groups = n_chunks // 2

    def stage_and_fire(c, slot):
      pltpu.sync_copy(idx_hbm.at[pl.ds(base + c * chunk, chunk)],
                      idx_v.at[slot])
      pltpu.async_copy(table_hbm.at[idx_v.at[slot]], rows_v.at[slot], sem)

    def drain_and_flush(c, slot):
      pltpu.make_async_copy(table_hbm.at[idx_v.at[slot]], rows_v.at[slot],
                            sem).wait()
      pltpu.sync_copy(rows_v.at[slot], out_hbm.at[pl.ds(base + c * chunk,
                                                        chunk)])

    stage_and_fire(0, 0)

    def body(g, carry):
      stage_and_fire(2 * g + 1, 1)
      drain_and_flush(2 * g, 0)

      @pl.when(g < n_groups - 1)
      def _():
        stage_and_fire(2 * g + 2, 0)

      drain_and_flush(2 * g + 1, 1)
      return carry

    lax.fori_loop(0, n_groups, body, 0)

  return k(idx_flat, table_lin)


def _tc_format(rows128, b, s, d):
  bt = 128
  g = d * bt // 128
  assert (bt * s * d) % 128 == 0

  def body(in_ref, out_ref):
    x = in_ref[...].reshape(bt, s * d)
    out_ref[...] = x.T.reshape(s, d, bt)

  return pl.pallas_call(
      body,
      grid=(b // bt,),
      in_specs=[pl.BlockSpec((bt * s * d // 128, 128), lambda i: (i, 0))],
      out_specs=pl.BlockSpec((s, d, bt), lambda i: (0, 0, i)),
      out_shape=jax.ShapeDtypeStruct((s, d, b), jnp.float32),
  )(rows128)


@jax.jit
def _run(input_ids, table):
  b, s = input_ids.shape
  v, d = table.shape
  idx_flat = input_ids.reshape(b * s).astype(jnp.int32)
  table_lin = _sc_transpose(jnp.swapaxes(table, 0, 1)).reshape(v, d)
  out = _sc_gather(idx_flat, table_lin)
  out_t = _tc_format(out.reshape(b * s * d // 128, 128), b, s, d)
  return jnp.transpose(out_t, (2, 0, 1))


def kernel(input_ids, table):
  return _run(input_ids, table)

# --- scband reference (transcript-rebuilt; emitter-appended) ---
"""Pipeline reference for scband-encoder-12515534700986 (READ-ONLY COPY).

The authoritative reference and input builder live on the scoring server;
editing this copy changes nothing except your own understanding.
"""

import jax, jax.numpy as jnp
import numpy as np

VOCAB = 1000000
LATENT = 32
BATCH = 4096
SEQ = 200

def setup_inputs(seed: int = 0) -> dict:
    key = jax.random.key(seed)
    k_idx, k_tab = jax.random.split(key)
    input_ids = jax.random.randint(k_idx, (BATCH, SEQ), 0, VOCAB, dtype=jnp.int64 if jax.config.jax_enable_x64 else jnp.int32)
    table = jax.random.normal(k_tab, (VOCAB, LATENT), dtype=jnp.float32)
    return {"input_ids": input_ids, "table": table}

def reference(input_ids, table):
    # nn.Embedding lookup: gather rows of the embedding table
    x0 = jnp.take(table, input_ids, axis=0)
    return x0

if __name__ == "__main__":
    import jax
    _d = setup_inputs()
    print(jax.jit(kernel)(*tuple(_d.values())))

</pallas_src>

<mosaic_0001>
#map = affine_map<(d0, d1) -> (0, 0)>
#map1 = affine_map<(d0, d1) -> (0)>
module attributes {stable_mosaic.version = 14 : i64} {
  func.func @k(%arg0: i32, %arg1: i32, %arg2: memref<32x1000000xf32, #tpu.memory_space<hbm>>, %arg3: memref<32000000xf32, #tpu.memory_space<hbm>>, %arg4: memref<32x513xf32, #tpu.memory_space<vmem>>, %arg5: memref<32x513xf32, #tpu.memory_space<vmem>>, %arg6: memref<16384xf32, #tpu.memory_space<vmem>>, %arg7: memref<16384xf32, #tpu.memory_space<vmem>>, %arg8: memref<32x64xf32, #tpu.memory_space<vmem>>, %arg9: memref<2048xf32, #tpu.memory_space<vmem>>, %arg10: memref<!tpu.dma_semaphore, #tpu.memory_space<semaphore_mem>>) attributes {dimension_semantics = [#tpu.dimension_semantics<core_parallel>, #tpu.dimension_semantics<subcore_parallel>], iteration_bounds = array<i64: 2, 16>, scalar_prefetch = 0 : i64, scratch_operands = 7 : i64, tpu.core_type = #tpu.core_type<sc_vector_subcore>, window_params = [{transform_indices = #map}, {transform_indices = #map1}]} {
    %mul3A = arith.constant 2 : i32
    %mul3A_0 = arith.muli %arg1, %mul3A : i32
    %add3A = arith.addi %mul3A_0, %arg0 : i32
    %mul3A_1 = arith.constant 61 : i32
    %mul3A_2 = arith.muli %add3A, %mul3A_1 : i32
    %iota3A = tpu.iota {dimensions = array<i32: 0>} : vector<16xi32>
    %add3A_3 = arith.constant 16 : i32
    %add3A_4 = vector.broadcast %add3A_3 : i32 to vector<16xi32>
    %add3A_5 = arith.addi %iota3A, %add3A_4 : vector<16xi32>
    %mul3A_6 = arith.constant 512 : i32
    %mul3A_7 = arith.muli %mul3A_2, %mul3A_6 : i32
    %dma_start3A = arith.constant 0 : i32
    %dma_start3A_8 = arith.constant 0 : i32
    %dma_start3A_9 = tpu.memref_slice %arg4[%dma_start3A, %dma_start3A_8] : memref<32x513xf32, #tpu.memory_space<vmem>> -> memref<32x512xf32, #tpu.memory_space<vmem>>
    %dma_start3A_10 = arith.constant 0 : i32
    %dma_start3A_11 = tpu.memref_slice %arg2[%dma_start3A_10, %mul3A_7] : memref<32x1000000xf32, #tpu.memory_space<hbm>> -> memref<32x512xf32, #tpu.memory_space<hbm>>
    %dma_start3A_12 = arith.constant 0 : i32
    %dma_start3A_13 = arith.constant 0 : i32
    %dma_start3A_14 = tpu.memref_slice %arg4[%dma_start3A_12, %dma_start3A_13] : memref<32x513xf32, #tpu.memory_space<vmem>> -> memref<32x512xf32, #tpu.memory_space<vmem>>
    %dma_start3A_15 = arith.constant 0 : i32
    %dma_start3A_16 = tpu.memref_slice %arg2[%dma_start3A_15, %mul3A_7] : memref<32x1000000xf32, #tpu.memory_space<hbm>> -> memref<32x512xf32, #tpu.memory_space<hbm>>
    tpu.enqueue_dma source(%dma_start3A_16 : memref<32x512xf32, #tpu.memory_space<hbm>>) target(%dma_start3A_14 : memref<32x512xf32, #tpu.memory_space<vmem>>) target_semaphore(%arg10 : memref<!tpu.dma_semaphore, #tpu.memory_space<semaphore_mem>>)
    %scan3A = arith.constant 0 : i32
    %scan3A_17 = arith.constant 0 : i32
    %scan3A_18 = arith.constant 30 : i32
    %scan3A_19 = arith.addi %scan3A_17, %scan3A_18 : i32
    %scan3A_20 = arith.constant 1 : i32
    scf.for %scan3A_60 = %scan3A_17 to %scan3A_19 step %scan3A_20  : i32 {
      %mul3A_61 = arith.constant 2 : i32
      %mul3A_62 = arith.muli %mul3A_61, %scan3A_60 : i32
      %add3A_63 = arith.addi %mul3A_2, %mul3A_62 : i32
      %add3A_64 = arith.constant 1 : i32
      %add3A_65 = arith.addi %add3A_63, %add3A_64 : i32
      %mul3A_66 = arith.constant 512 : i32
      %mul3A_67 = arith.muli %add3A_65, %mul3A_66 : i32
      %dma_start3A_68 = arith.constant 0 : i32
      %dma_start3A_69 = arith.constant 0 : i32
      %dma_start3A_70 = tpu.memref_slice %arg5[%dma_start3A_68, %dma_start3A_69] : memref<32x513xf32, #tpu.memory_space<vmem>> -> memref<32x512xf32, #tpu.memory_space<vmem>>
      %dma_start3A_71 = arith.constant 0 : i32
      %dma_start3A_72 = tpu.memref_slice %arg2[%dma_start3A_71, %mul3A_67] : memref<32x1000000xf32, #tpu.memory_space<hbm>> -> memref<32x512xf32, #tpu.memory_space<hbm>>
      %dma_start3A_73 = arith.constant 0 : i32
      %dma_start3A_74 = arith.constant 0 : i32
      %dma_start3A_75 = tpu.memref_slice %arg5[%dma_start3A_73, %dma_start3A_74] : memref<32x513xf32, #tpu.memory_space<vmem>> -> memref<32x512xf32, #tpu.memory_space<vmem>>
      %dma_start3A_76 = arith.constant 0 : i32
      %dma_start3A_77 = tpu.memref_slice %arg2[%dma_start3A_76, %mul3A_67] : memref<32x1000000xf32, #tpu.memory_space<hbm>> -> memref<32x512xf32, #tpu.memory_space<hbm>>
      tpu.enqueue_dma source(%dma_start3A_77 : memref<32x512xf32, #tpu.memory_space<hbm>>) target(%dma_start3A_75 : memref<32x512xf32, #tpu.memory_space<vmem>>) target_semaphore(%arg10 : memref<!tpu.dma_semaphore, #tpu.memory_space<semaphore_mem>>)
      %mul3A_78 = arith.constant 512 : i32
      %mul3A_79 = arith.muli %add3A_63, %mul3A_78 : i32
      %dma_wait3A_80 = arith.constant 0 : i32
      %dma_wait3A_81 = arith.constant 0 : i32
      %dma_wait3A_82 = tpu.memref_slice %arg4[%dma_wait3A_80, %dma_wait3A_81] : memref<32x513xf32, #tpu.memory_space<vmem>> -> memref<32x512xf32, #tpu.memory_space<vmem>>
      %dma_wait3A_83 = arith.constant 0 : i32
      %dma_wait3A_84 = tpu.memref_slice %arg2[%dma_wait3A_83, %mul3A_79] : memref<32x1000000xf32, #tpu.memory_space<hbm>> -> memref<32x512xf32, #tpu.memory_space<hbm>>
      %dma_wait3A_85 = arith.constant 0 : i32
      %dma_wait3A_86 = arith.constant 0 : i32
      %dma_wait3A_87 = tpu.memref_slice %arg4[%dma_wait3A_85, %dma_wait3A_86] : memref<32x513xf32, #tpu.memory_space<vmem>> -> memref<32x512xf32, #tpu.memory_space<vmem>>
      %dma_wait3A_88 = arith.constant 0 : i32
      %dma_wait3A_89 = tpu.memref_slice %arg2[%dma_wait3A_88, %mul3A_79] : memref<32x1000000xf32, #tpu.memory_space<hbm>> -> memref<32x512xf32, #tpu.memory_space<hbm>>
      tpu.wait_dma2 semaphore(%arg10 : memref<!tpu.dma_semaphore, #tpu.memory_space<semaphore_mem>>) src(%dma_wait3A_89 : memref<32x512xf32, #tpu.memory_space<hbm>>) dst(%dma_wait3A_87 : memref<32x512xf32, #tpu.memory_space<vmem>>)
      %parallel_loop3A_90 = arith.constant 0 : i32
      %parallel_loop3A_91 = arith.constant 512 : i32
      %parallel_loop3A_92 = arith.constant 8 : i32
      scf.for %parallel_loop3A_125 = %parallel_loop3A_90 to %parallel_loop3A_91 step %parallel_loop3A_92  : i32 {
        %parallel_loop3A_126 = vector.broadcast %parallel_loop3A_125 : i32 to vector<16xi32>
        %parallel_loop3A_127 = arith.constant 32 : i32
        %parallel_loop3A_128 = arith.muli %parallel_loop3A_125, %parallel_loop3A_127 : i32
        %parallel_loop3A_129 = arith.constant 0 : i32
        %parallel_loop3A_130 = vector.broadcast %parallel_loop3A_129 : i32 to vector<16xi32>
        %parallel_loop3A_131 = arith.addi %parallel_loop3A_126, %parallel_loop3A_130 : vector<16xi32>
        %parallel_loop3A_132 = tpu.vector_load_idx %arg4[%iota3A, %parallel_loop3A_131] : memref<32x513xf32, #tpu.memory_space<vmem>>[vector<16xi32>, vector<16xi32>], vector<16xf32>,
        %parallel_loop3A_133 = arith.constant 0 : i32
        %parallel_loop3A_134 = arith.addi %parallel_loop3A_128, %parallel_loop3A_133 : i32
        %parallel_loop3A_135 = arith.index_cast %parallel_loop3A_134 : i32 to index
        %parallel_loop3A_136 = tpu.vector_load %arg6[%parallel_loop3A_135] {strides = array<i32>} : memref<16384xf32, #tpu.memory_space<vmem>>, vector<16xf32>,
        tpu.vector_store %arg6[%parallel_loop3A_135], %parallel_loop3A_132 {strides = array<i32>} : memref<16384xf32, #tpu.memory_space<vmem>>, vector<16xf32>,
        %parallel_loop3A_137 = tpu.vector_load_idx %arg4[%add3A_5, %parallel_loop3A_131] : memref<32x513xf32, #tpu.memory_space<vmem>>[vector<16xi32>, vector<16xi32>], vector<16xf32>,
        %parallel_loop3A_138 = arith.constant 0 : i32
        %parallel_loop3A_139 = arith.addi %parallel_loop3A_128, %parallel_loop3A_138 : i32
        %parallel_loop3A_140 = arith.constant 16 : i32
        %parallel_loop3A_141 = arith.addi %parallel_loop3A_139, %parallel_loop3A_140 : i32
        %parallel_loop3A_142 = arith.index_cast %parallel_loop3A_141 : i32 to index
        %parallel_loop3A_143 = tpu.vector_load %arg6[%parallel_loop3A_142] {strides = array<i32>} : memref<16384xf32, #tpu.memory_space<vmem>>, vector<16xf32>,
        tpu.vector_store %arg6[%parallel_loop3A_142], %parallel_loop3A_137 {strides = array<i32>} : memref<16384xf32, #tpu.memory_space<vmem>>, vector<16xf32>,
        %parallel_loop3A_144 = arith.constant 1 : i32
        %parallel_loop3A_145 = vector.broadcast %parallel_loop3A_144 : i32 to vector<16xi32>
        %parallel_loop3A_146 = arith.addi %parallel_loop3A_126, %parallel_loop3A_145 : vector<16xi32>
        %parallel_loop3A_147 = tpu.vector_load_idx %arg4[%iota3A, %parallel_loop3A_146] : memref<32x513xf32, #tpu.memory_space<vmem>>[vector<16xi32>, vector<16xi32>], vector<16xf32>,
        %parallel_loop3A_148 = arith.constant 32 : i32
        %parallel_loop3A_149 = arith.addi %parallel_loop3A_128, %parallel_loop3A_148 : i32
        %parallel_loop3A_150 = arith.index_cast %parallel_loop3A_149 : i32 to index
        %parallel_loop3A_151 = tpu.vector_load %arg6[%parallel_loop3A_150] {strides = array<i32>} : memref<16384xf32, #tpu.memory_space<vmem>>, vector<16xf32>,
        tpu.vector_store %arg6[%parallel_loop3A_150], %parallel_loop3A_147 {strides = array<i32>} : memref<16384xf32, #tpu.memory_space<vmem>>, vector<16xf32>,
        %parallel_loop3A_152 = tpu.vector_load_idx %arg4[%add3A_5, %parallel_loop3A_146] : memref<32x513xf32, #tpu.memory_space<vmem>>[vector<16xi32>, vector<16xi32>], vector<16xf32>,
        %parallel_loop3A_153 = arith.constant 32 : i32
        %parallel_loop3A_154 = arith.addi %parallel_loop3A_128, %parallel_loop3A_153 : i32
        %parallel_loop3A_155 = arith.constant 16 : i32
        %parallel_loop3A_156 = arith.addi %parallel_loop3A_154, %parallel_loop3A_155 : i32
        %parallel_loop3A_157 = arith.index_cast %parallel_loop3A_156 : i32 to index
        %parallel_loop3A_158 = tpu.vector_load %arg6[%parallel_loop3A_157] {strides = array<i32>} : memref<16384xf32, #tpu.memory_space<vmem>>, vector<16xf32>,
        tpu.vector_store %arg6[%parallel_loop3A_157], %parallel_loop3A_152 {strides = array<i32>} : memref<16384xf32, #tpu.memory_space<vmem>>, vector<16xf32>,
        %parallel_loop3A_159 = arith.constant 2 : i32
        %parallel_loop3A_160 = vector.broadcast %parallel_loop3A_159 : i32 to vector<16xi32>
        %parallel_loop3A_161 = arith.addi %parallel_loop3A_126, %parallel_loop3A_160 : vector<16xi32>
        %parallel_loop3A_162 = tpu.vector_load_idx %arg4[%iota3A, %parallel_loop3A_161] : memref<32x513xf32, #tpu.memory_space<vmem>>[vector<16xi32>, vector<16xi32>], vector<16xf32>,
        %parallel_loop3A_163 = arith.constant 64 : i32
        %parallel_loop3A_164 = arith.addi %parallel_loop3A_128, %parallel_loop3A_163 : i32
        %parallel_loop3A_165 = arith.index_cast %parallel_loop3A_164 : i32 to index
        %parallel_loop3A_166 = tpu.vector_load %arg6[%parallel_loop3A_165] {strides = array<i32>} : memref<16384xf32, #tpu.memory_space<vmem>>, vector<16xf32>,
        tpu.vector_store %arg6[%parallel_loop3A_165], %parallel_loop3A_162 {strides = array<i32>} : memref<16384xf32, #tpu.memory_space<vmem>>, vector<16xf32>,
        %parallel_loop3A_167 = tpu.vector_load_idx %arg4[%add3A_5, %parallel_loop3A_161] : memref<32x513xf32, #tpu.memory_space<vmem>>[vector<16xi32>, vector<16xi32>], vector<16xf32>,
        %parallel_loop3A_168 = arith.constant 64 : i32
        %parallel_loop3A_169 = arith.addi %parallel_loop3A_128, %parallel_loop3A_168 : i32
        %parallel_loop3A_170 = arith.constant 16 : i32
        %parallel_loop3A_171 = arith.addi %parallel_loop3A_169, %parallel_loop3A_170 : i32
        %parallel_loop3A_172 = arith.index_cast %parallel_loop3A_171 : i32 to index
        %parallel_loop3A_173 = tpu.vector_load %arg6[%parallel_loop3A_172] {strides = array<i32>} : memref<16384xf32, #tpu.memory_space<vmem>>, vector<16xf32>,
        tpu.vector_store %arg6[%parallel_loop3A_172], %parallel_loop3A_167 {strides = array<i32>} : memref<16384xf32, #tpu.memory_space<vmem>>, vector<16xf32>,
        %parallel_loop3A_174 = arith.constant 3 : i32
        %parallel_loop3A_175 = vector.broadcast %parallel_loop3A_174 : i32 to vector<16xi32>
        %parallel_loop3A_176 = arith.addi %parallel_loop3A_126, %parallel_loop3A_175 : vector<16xi32>
        %parallel_loop3A_177 = tpu.vector_load_idx %arg4[%iota3A, %parallel_loop3A_176] : memref<32x513xf32, #tpu.memory_space<vmem>>[vector<16xi32>, vector<16xi32>], vector<16xf32>,
        %parallel_loop3A_178 = arith.constant 96 : i32
        %parallel_loop3A_179 = arith.addi %parallel_loop3A_128, %parallel_loop3A_178 : i32
        %parallel_loop3A_180 = arith.index_cast %parallel_loop3A_179 : i32 to index
        %parallel_loop3A_181 = tpu.vector_load %arg6[%parallel_loop3A_180] {strides = array<i32>} : memref<16384xf32, #tpu.memory_space<vmem>>, vector<16xf32>,
        tpu.vector_store %arg6[%parallel_loop3A_180], %parallel_loop3A_177 {strides = array<i32>} : memref<16384xf32, #tpu.memory_space<vmem>>, vector<16xf32>,
        %parallel_loop3A_182 = tpu.vector_load_idx %arg4[%add3A_5, %parallel_loop3A_176] : memref<32x513xf32, #tpu.memory_space<vmem>>[vector<16xi32>, vector<16xi32>], vector<16xf32>,
        %parallel_loop3A_183 = arith.constant 96 : i32
        %parallel_loop3A_184 = arith.addi %parallel_loop3A_128, %parallel_loop3A_183 : i32
        %parallel_loop3A_185 = arith.constant 16 : i32
        %parallel_loop3A_186 = arith.addi %parallel_loop3A_184, %parallel_loop3A_185 : i32
        %parallel_loop3A_187 = arith.index_cast %parallel_loop3A_186 : i32 to index
        %parallel_loop3A_188 = tpu.vector_load %arg6[%parallel_loop3A_187] {strides = array<i32>} : memref<16384xf32, #tpu.memory_space<vmem>>, vector<16xf32>,
        tpu.vector_store %arg6[%parallel_loop3A_187], %parallel_loop3A_182 {strides = array<i32>} : memref<16384xf32, #tpu.memory_space<vmem>>, vector<16xf32>,
        %parallel_loop3A_189 = arith.constant 4 : i32
        %parallel_loop3A_190 = vector.broadcast %parallel_loop3A_189 : i32 to vector<16xi32>
        %parallel_loop3A_191 = arith.addi %parallel_loop3A_126, %parallel_loop3A_190 : vector<16xi32>
        %parallel_loop3A_192 = tpu.vector_load_idx %arg4[%iota3A, %parallel_loop3A_191] : memref<32x513xf32, #tpu.memory_space<vmem>>[vector<16xi32>, vector<16xi32>], vector<16xf32>,
        %parallel_loop3A_193 = arith.constant 128 : i32
        %parallel_loop3A_194 = arith.addi %parallel_loop3A_128, %parallel_loop3A_193 : i32
        %parallel_loop3A_195 = arith.index_cast %parallel_loop3A_194 : i32 to index
        %parallel_loop3A_196 = tpu.vector_load %arg6[%parallel_loop3A_195] {strides = array<i32>} : memref<16384xf32, #tpu.memory_space<vmem>>, vector<16xf32>,
        tpu.vector_store %arg6[%parallel_loop3A_195], %parallel_loop3A_192 {strides = array<i32>} : memref<16384xf32, #tpu.memory_space<vmem>>, vector<16xf32>,
        %parallel_loop3A_197 = tpu.vector_load_idx %arg4[%add3A_5, %parallel_loop3A_191] : memref<32x513xf32, #tpu.memory_space<vmem>>[vector<16xi32>, vector<16xi32>], vector<16xf32>,
        %parallel_loop3A_198 = arith.constant 128 : i32
        %parallel_loop3A_199 = arith.addi %parallel_loop3A_128, %parallel_loop3A_198 : i32
        %parallel_loop3A_200 = arith.constant 16 : i32
        %parallel_loop3A_201 = arith.addi %parallel_loop3A_199, %parallel_loop3A_200 : i32
        %parallel_loop3A_202 = arith.index_cast %parallel_loop3A_201 : i32 to index
        %parallel_loop3A_203 = tpu.vector_load %arg6[%parallel_loop3A_202] {strides = array<i32>} : memref<16384xf32, #tpu.memory_space<vmem>>, vector<16xf32>,
        tpu.vector_store %arg6[%parallel_loop3A_202], %parallel_loop3A_197 {strides = array<i32>} : memref<16384xf32, #tpu.memory_space<vmem>>, vector<16xf32>,
        %parallel_loop3A_204 = arith.constant 5 : i32
        %parallel_loop3A_205 = vector.broadcast %parallel_loop3A_204 : i32 to vector<16xi32>
        %parallel_loop3A_206 = arith.addi %parallel_loop3A_126, %parallel_loop3A_205 : vector<16xi32>
        %parallel_loop3A_207 = tpu.vector_load_idx %arg4[%iota3A, %parallel_loop3A_206] : memref<32x513xf32, #tpu.memory_space<vmem>>[vector<16xi32>, vector<16xi32>], vector<16xf32>,
        %parallel_loop3A_208 = arith.constant 160 : i32
        %parallel_loop3A_209 = arith.addi %parallel_loop3A_128, %parallel_loop3A_208 : i32
        %parallel_loop3A_210 = arith.index_cast %parallel_loop3A_209 : i32 to index
        %parallel_loop3A_211 = tpu.vector_load %arg6[%parallel_loop3A_210] {strides = array<i32>} : memref<16384xf32, #tpu.memory_space<vmem>>, vector<16xf32>,
        tpu.vector_store %arg6[%parallel_loop3A_210], %parallel_loop3A_207 {strides = array<i32>} : memref<16384xf32, #tpu.memory_space<vmem>>, vector<16xf32>,
        %parallel_loop3A_212 = tpu.vector_load_idx %arg4[%add3A_5, %parallel_loop3A_206] : memref<32x513xf32, #tpu.memory_space<vmem>>[vector<16xi32>, vector<16xi32>], vector<16xf32>,
        %parallel_loop3A_213 = arith.constant 160 : i32
        %parallel_loop3A_214 = arith.addi %parallel_loop3A_128, %parallel_loop3A_213 : i32
        %parallel_loop3A_215 = arith.constant 16 : i32
        %parallel_loop3A_216 = arith.addi %parallel_loop3A_214, %parallel_loop3A_215 : i32
        %parallel_loop3A_217 = arith.index_cast %parallel_loop3A_216 : i32 to index
        %parallel_loop3A_218 = tpu.vector_load %arg6[%parallel_loop3A_217] {strides = array<i32>} : memref<16384xf32, #tpu.memory_space<vmem>>, vector<16xf32>,
        tpu.vector_store %arg6[%parallel_loop3A_217], %parallel_loop3A_212 {strides = array<i32>} : memref<16384xf32, #tpu.memory_space<vmem>>, vector<16xf32>,
        %parallel_loop3A_219 = arith.constant 6 : i32
        %parallel_loop3A_220 = vector.broadcast %parallel_loop3A_219 : i32 to vector<16xi32>
        %parallel_loop3A_221 = arith.addi %parallel_loop3A_126, %parallel_loop3A_220 : vector<16xi32>
        %parallel_loop3A_222 = tpu.vector_load_idx %arg4[%iota3A, %parallel_loop3A_221] : memref<32x513xf32, #tpu.memory_space<vmem>>[vector<16xi32>, vector<16xi32>], vector<16xf32>,
        %parallel_loop3A_223 = arith.constant 192 : i32
        %parallel_loop3A_224 = arith.addi %parallel_loop3A_128, %parallel_loop3A_223 : i32
        %parallel_loop3A_225 = arith.index_cast %parallel_loop3A_224 : i32 to index
        %parallel_loop3A_226 = tpu.vector_load %arg6[%parallel_loop3A_225] {strides = array<i32>} : memref<16384xf32, #tpu.memory_space<vmem>>, vector<16xf32>,
        tpu.vector_store %arg6[%parallel_loop3A_225], %parallel_loop3A_222 {strides = array<i32>} : memref<16384xf32, #tpu.memory_space<vmem>>, vector<16xf32>,
        %parallel_loop3A_227 = tpu.vector_load_idx %arg4[%add3A_5, %parallel_loop3A_221] : memref<32x513xf32, #tpu.memory_space<vmem>>[vector<16xi32>, vector<16xi32>], vector<16xf32>,
        %parallel_loop3A_228 = arith.constant 192 : i32
        %parallel_loop3A_229 = arith.addi %parallel_loop3A_128, %parallel_loop3A_228 : i32
        %parallel_loop3A_230 = arith.constant 16 : i32
        %parallel_loop3A_231 = arith.addi %parallel_loop3A_229, %parallel_loop3A_230 : i32
        %parallel_loop3A_232 = arith.index_cast %parallel_loop3A_231 : i32 to index
        %parallel_loop3A_233 = tpu.vector_load %arg6[%parallel_loop3A_232] {strides = array<i32>} : memref<16384xf32, #tpu.memory_space<vmem>>, vector<16xf32>,
        tpu.vector_store %arg6[%parallel_loop3A_232], %parallel_loop3A_227 {strides = array<i32>} : memref<16384xf32, #tpu.memory_space<vmem>>, vector<16xf32>,
        %parallel_loop3A_234 = arith.constant 7 : i32
        %parallel_loop3A_235 = vector.broadcast %parallel_loop3A_234 : i32 to vector<16xi32>
        %parallel_loop3A_236 = arith.addi %parallel_loop3A_126, %parallel_loop3A_235 : vector<16xi32>
        %parallel_loop3A_237 = tpu.vector_load_idx %arg4[%iota3A, %parallel_loop3A_236] : memref<32x513xf32, #tpu.memory_space<vmem>>[vector<16xi32>, vector<16xi32>], vector<16xf32>,
        %parallel_loop3A_238 = arith.constant 224 : i32
        %parallel_loop3A_239 = arith.addi %parallel_loop3A_128, %parallel_loop3A_238 : i32
        %parallel_loop3A_240 = arith.index_cast %parallel_loop3A_239 : i32 to index
        %parallel_loop3A_241 = tpu.vector_load %arg6[%parallel_loop3A_240] {strides = array<i32>} : memref<16384xf32, #tpu.memory_space<vmem>>, vector<16xf32>,
        tpu.vector_store %arg6[%parallel_loop3A_240], %parallel_loop3A_237 {strides = array<i32>} : memref<16384xf32, #tpu.memory_space<vmem>>, vector<16xf32>,
        %parallel_loop3A_242 = tpu.vector_load_idx %arg4[%add3A_5, %parallel_loop3A_236] : memref<32x513xf32, #tpu.memory_space<vmem>>[vector<16xi32>, vector<16xi32>], vector<16xf32>,
        %parallel_loop3A_243 = arith.constant 224 : i32
        %parallel_loop3A_244 = arith.addi %parallel_loop3A_128, %parallel_loop3A_243 : i32
        %parallel_loop3A_245 = arith.constant 16 : i32
        %parallel_loop3A_246 = arith.addi %parallel_loop3A_244, %parallel_loop3A_245 : i32
        %parallel_loop3A_247 = arith.index_cast %parallel_loop3A_246 : i32 to index
        %parallel_loop3A_248 = tpu.vector_load %arg6[%parallel_loop3A_247] {strides = array<i32>} : memref<16384xf32, #tpu.memory_space<vmem>>, vector<16xf32>,
        tpu.vector_store %arg6[%parallel_loop3A_247], %parallel_loop3A_242 {strides = array<i32>} : memref<16384xf32, #tpu.memory_space<vmem>>, vector<16xf32>,
      } {sc.loop_unroll_factor = 4 : i64, sc.parallel_access}
      %mul3A_93 = arith.constant 512 : i32
      %mul3A_94 = arith.muli %add3A_63, %mul3A_93 : i32
      %mul3A_95 = arith.constant 32 : i32
      %mul3A_96 = arith.muli %mul3A_94, %mul3A_95 : i32
      "tpu.region"() ({
        %run_scoped3A = tpu.sem_alloc : memref<!tpu.dma_semaphore, #tpu.memory_space<semaphore_mem>>
        %dma_start3A_125 = tpu.memref_slice %arg3[%mul3A_96] : memref<32000000xf32, #tpu.memory_space<hbm>> -> memref<16384xf32, #tpu.memory_space<hbm>>
        %dma_start3A_126 = tpu.memref_slice %arg3[%mul3A_96] : memref<32000000xf32, #tpu.memory_space<hbm>> -> memref<16384xf32, #tpu.memory_space<hbm>>
        tpu.enqueue_dma source(%arg6 : memref<16384xf32, #tpu.memory_space<vmem>>) target(%dma_start3A_126 : memref<16384xf32, #tpu.memory_space<hbm>>) target_semaphore(%run_scoped3A : memref<!tpu.dma_semaphore, #tpu.memory_space<semaphore_mem>>)
        %dma_wait3A_127 = tpu.memref_slice %arg3[%mul3A_96] : memref<32000000xf32, #tpu.memory_space<hbm>> -> memref<16384xf32, #tpu.memory_space<hbm>>
        %dma_wait3A_128 = tpu.memref_slice %arg3[%mul3A_96] : memref<32000000xf32, #tpu.memory_space<hbm>> -> memref<16384xf32, #tpu.memory_space<hbm>>
        tpu.wait_dma2 semaphore(%run_scoped3A : memref<!tpu.dma_semaphore, #tpu.memory_space<semaphore_mem>>) src(%arg6 : memref<16384xf32, #tpu.memory_space<vmem>>) dst(%dma_wait3A_128 : memref<16384xf32, #tpu.memory_space<hbm>>)
        tpu.yield
      }) : () -> ()
      %lt3A_97 = arith.constant 29 : i32
      %lt3A_98 = arith.cmpi slt, %scan3A_60, %lt3A_97 : i32
      %convert_element_type3A_99 = arith.extui %lt3A_98 : i1 to i32
      %cond3A_100 = arith.constant 0 : i32
      %cond3A_101 = arith.cmpi ne, %convert_element_type3A_99, %cond3A_100 : i32
      scf.if %cond3A_101 {
        %add3A_125 = arith.constant 2 : i32
        %add3A_126 = arith.addi %add3A_63, %add3A_125 : i32
        %mul3A_127 = arith.constant 512 : i32
        %mul3A_128 = arith.muli %add3A_126, %mul3A_127 : i32
        %dma_start3A_129 = arith.constant 0 : i32
        %dma_start3A_130 = arith.constant 0 : i32
        %dma_start3A_131 = tpu.memref_slice %arg4[%dma_start3A_129, %dma_start3A_130] : memref<32x513xf32, #tpu.memory_space<vmem>> -> memref<32x512xf32, #tpu.memory_space<vmem>>
        %dma_start3A_132 = arith.constant 0 : i32
        %dma_start3A_133 = tpu.memref_slice %arg2[%dma_start3A_132, %mul3A_128] : memref<32x1000000xf32, #tpu.memory_space<hbm>> -> memref<32x512xf32, #tpu.memory_space<hbm>>
        %dma_start3A_134 = arith.constant 0 : i32
        %dma_start3A_135 = arith.constant 0 : i32
        %dma_start3A_136 = tpu.memref_slice %arg4[%dma_start3A_134, %dma_start3A_135] : memref<32x513xf32, #tpu.memory_space<vmem>> -> memref<32x512xf32, #tpu.memory_space<vmem>>
        %dma_start3A_137 = arith.constant 0 : i32
        %dma_start3A_138 = tpu.memref_slice %arg2[%dma_start3A_137, %mul3A_128] : memref<32x1000000xf32, #tpu.memory_space<hbm>> -> memref<32x512xf32, #tpu.memory_space<hbm>>
        tpu.enqueue_dma source(%dma_start3A_138 : memref<32x512xf32, #tpu.memory_space<hbm>>) target(%dma_start3A_136 : memref<32x512xf32, #tpu.memory_space<vmem>>) target_semaphore(%arg10 : memref<!tpu.dma_semaphore, #tpu.memory_space<semaphore_mem>>)
      } else {
      }
      %add3A_102 = arith.constant 1 : i32
      %add3A_103 = arith.addi %add3A_63, %add3A_102 : i32
      %mul3A_104 = arith.constant 512 : i32
      %mul3A_105 = arith.muli %add3A_103, %mul3A_104 : i32
      %dma_wait3A_106 = arith.constant 0 : i32
      %dma_wait3A_107 = arith.constant 0 : i32
      %dma_wait3A_108 = tpu.memref_slice %arg5[%dma_wait3A_106, %dma_wait3A_107] : memref<32x513xf32, #tpu.memory_space<vmem>> -> memref<32x512xf32, #tpu.memory_space<vmem>>
      %dma_wait3A_109 = arith.constant 0 : i32
      %dma_wait3A_110 = tpu.memref_slice %arg2[%dma_wait3A_109, %mul3A_105] : memref<32x1000000xf32, #tpu.memory_space<hbm>> -> memref<32x512xf32, #tpu.memory_space<hbm>>
      %dma_wait3A_111 = arith.constant 0 : i32
      %dma_wait3A_112 = arith.constant 0 : i32
      %dma_wait3A_113 = tpu.memref_slice %arg5[%dma_wait3A_111, %dma_wait3A_112] : memref<32x513xf32, #tpu.memory_space<vmem>> -> memref<32x512xf32, #tpu.memory_space<vmem>>
      %dma_wait3A_114 = arith.constant 0 : i32
      %dma_wait3A_115 = tpu.memref_slice %arg2[%dma_wait3A_114, %mul3A_105] : memref<32x1000000xf32, #tpu.memory_space<hbm>> -> memref<32x512xf32, #tpu.memory_space<hbm>>
      tpu.wait_dma2 semaphore(%arg10 : memref<!tpu.dma_semaphore, #tpu.memory_space<semaphore_mem>>) src(%dma_wait3A_115 : memref<32x512xf32, #tpu.memory_space<hbm>>) dst(%dma_wait3A_113 : memref<32x512xf32, #tpu.memory_space<vmem>>)
      %parallel_loop3A_116 = arith.constant 0 : i32
      %parallel_loop3A_117 = arith.constant 512 : i32
      %parallel_loop3A_118 = arith.constant 8 : i32
      scf.for %parallel_loop3A_125 = %parallel_loop3A_116 to %parallel_loop3A_117 step %parallel_loop3A_118  : i32 {
        %parallel_loop3A_126 = vector.broadcast %parallel_loop3A_125 : i32 to vector<16xi32>
        %parallel_loop3A_127 = arith.constant 32 : i32
        %parallel_loop3A_128 = arith.muli %parallel_loop3A_125, %parallel_loop3A_127 : i32
        %parallel_loop3A_129 = arith.constant 0 : i32
        %parallel_loop3A_130 = vector.broadcast %parallel_loop3A_129 : i32 to vector<16xi32>
        %parallel_loop3A_131 = arith.addi %parallel_loop3A_126, %parallel_loop3A_130 : vector<16xi32>
        %parallel_loop3A_132 = tpu.vector_load_idx %arg5[%iota3A, %parallel_loop3A_131] : memref<32x513xf32, #tpu.memory_space<vmem>>[vector<16xi32>, vector<16xi32>], vector<16xf32>,
        %parallel_loop3A_133 = arith.constant 0 : i32
        %parallel_loop3A_134 = arith.addi %parallel_loop3A_128, %parallel_loop3A_133 : i32
        %parallel_loop3A_135 = arith.index_cast %parallel_loop3A_134 : i32 to index
        %parallel_loop3A_136 = tpu.vector_load %arg7[%parallel_loop3A_135] {strides = array<i32>} : memref<16384xf32, #tpu.memory_space<vmem>>, vector<16xf32>,
        tpu.vector_store %arg7[%parallel_loop3A_135], %parallel_loop3A_132 {strides = array<i32>} : memref<16384xf32, #tpu.memory_space<vmem>>, vector<16xf32>,
        %parallel_loop3A_137 = tpu.vector_load_idx %arg5[%add3A_5, %parallel_loop3A_131] : memref<32x513xf32, #tpu.memory_space<vmem>>[vector<16xi32>, vector<16xi32>], vector<16xf32>,
        %parallel_loop3A_138 = arith.constant 0 : i32
        %parallel_loop3A_139 = arith.addi %parallel_loop3A_128, %parallel_loop3A_138 : i32
        %parallel_loop3A_140 = arith.constant 16 : i32
        %parallel_loop3A_141 = arith.addi %parallel_loop3A_139, %parallel_loop3A_140 : i32
        %parallel_loop3A_142 = arith.index_cast %parallel_loop3A_141 : i32 to index
        %parallel_loop3A_143 = tpu.vector_load %arg7[%parallel_loop3A_142] {strides = array<i32>} : memref<16384xf32, #tpu.memory_space<vmem>>, vector<16xf32>,
        tpu.vector_store %arg7[%parallel_loop3A_142], %parallel_loop3A_137 {strides = array<i32>} : memref<16384xf32, #tpu.memory_space<vmem>>, vector<16xf32>,
        %parallel_loop3A_144 = arith.constant 1 : i32
        %parallel_loop3A_145 = vector.broadcast %parallel_loop3A_144 : i32 to vector<16xi32>
        %parallel_loop3A_146 = arith.addi %parallel_loop3A_126, %parallel_loop3A_145 : vector<16xi32>
        %parallel_loop3A_147 = tpu.vector_load_idx %arg5[%iota3A, %parallel_loop3A_146] : memref<32x513xf32, #tpu.memory_space<vmem>>[vector<16xi32>, vector<16xi32>], vector<16xf32>,
        %parallel_loop3A_148 = arith.constant 32 : i32
        %parallel_loop3A_149 = arith.addi %parallel_loop3A_128, %parallel_loop3A_148 : i32
        %parallel_loop3A_150 = arith.index_cast %parallel_loop3A_149 : i32 to index
        %parallel_loop3A_151 = tpu.vector_load %arg7[%parallel_loop3A_150] {strides = array<i32>} : memref<16384xf32, #tpu.memory_space<vmem>>, vector<16xf32>,
        tpu.vector_store %arg7[%parallel_loop3A_150], %parallel_loop3A_147 {strides = array<i32>} : memref<16384xf32, #tpu.memory_space<vmem>>, vector<16xf32>,
        %parallel_loop3A_152 = tpu.vector_load_idx %arg5[%add3A_5, %parallel_loop3A_146] : memref<32x513xf32, #tpu.memory_space<vmem>>[vector<16xi32>, vector<16xi32>], vector<16xf32>,
        %parallel_loop3A_153 = arith.constant 32 : i32
        %parallel_loop3A_154 = arith.addi %parallel_loop3A_128, %parallel_loop3A_153 : i32
        %parallel_loop3A_155 = arith.constant 16 : i32
        %parallel_loop3A_156 = arith.addi %parallel_loop3A_154, %parallel_loop3A_155 : i32
        %parallel_loop3A_157 = arith.index_cast %parallel_loop3A_156 : i32 to index
        %parallel_loop3A_158 = tpu.vector_load %arg7[%parallel_loop3A_157] {strides = array<i32>} : memref<16384xf32, #tpu.memory_space<vmem>>, vector<16xf32>,
        tpu.vector_store %arg7[%parallel_loop3A_157], %parallel_loop3A_152 {strides = array<i32>} : memref<16384xf32, #tpu.memory_space<vmem>>, vector<16xf32>,
        %parallel_loop3A_159 = arith.constant 2 : i32
        %parallel_loop3A_160 = vector.broadcast %parallel_loop3A_159 : i32 to vector<16xi32>
        %parallel_loop3A_161 = arith.addi %parallel_loop3A_126, %parallel_loop3A_160 : vector<16xi32>
        %parallel_loop3A_162 = tpu.vector_load_idx %arg5[%iota3A, %parallel_loop3A_161] : memref<32x513xf32, #tpu.memory_space<vmem>>[vector<16xi32>, vector<16xi32>], vector<16xf32>,
        %parallel_loop3A_163 = arith.constant 64 : i32
        %parallel_loop3A_164 = arith.addi %parallel_loop3A_128, %parallel_loop3A_163 : i32
        %parallel_loop3A_165 = arith.index_cast %parallel_loop3A_164 : i32 to index
        %parallel_loop3A_166 = tpu.vector_load %arg7[%parallel_loop3A_165] {strides = array<i32>} : memref<16384xf32, #tpu.memory_space<vmem>>, vector<16xf32>,
        tpu.vector_store %arg7[%parallel_loop3A_165], %parallel_loop3A_162 {strides = array<i32>} : memref<16384xf32, #tpu.memory_space<vmem>>, vector<16xf32>,
        %parallel_loop3A_167 = tpu.vector_load_idx %arg5[%add3A_5, %parallel_loop3A_161] : memref<32x513xf32, #tpu.memory_space<vmem>>[vector<16xi32>, vector<16xi32>], vector<16xf32>,
        %parallel_loop3A_168 = arith.constant 64 : i32
        %parallel_loop3A_169 = arith.addi %parallel_loop3A_128, %parallel_loop3A_168 : i32
        %parallel_loop3A_170 = arith.constant 16 : i32
        %parallel_loop3A_171 = arith.addi %parallel_loop3A_169, %parallel_loop3A_170 : i32
        %parallel_loop3A_172 = arith.index_cast %parallel_loop3A_171 : i32 to index
        %parallel_loop3A_173 = tpu.vector_load %arg7[%parallel_loop3A_172] {strides = array<i32>} : memref<16384xf32, #tpu.memory_space<vmem>>, vector<16xf32>,
        tpu.vector_store %arg7[%parallel_loop3A_172], %parallel_loop3A_167 {strides = array<i32>} : memref<16384xf32, #tpu.memory_space<vmem>>, vector<16xf32>,
        %parallel_loop3A_174 = arith.constant 3 : i32
        %parallel_loop3A_175 = vector.broadcast %parallel_loop3A_174 : i32 to vector<16xi32>
        %parallel_loop3A_176 = arith.addi %parallel_loop3A_126, %parallel_loop3A_175 : vector<16xi32>
        %parallel_loop3A_177 = tpu.vector_load_idx %arg5[%iota3A, %parallel_loop3A_176] : memref<32x513xf32, #tpu.memory_space<vmem>>[vector<16xi32>, vector<16xi32>], vector<16xf32>,
        %parallel_loop3A_178 = arith.constant 96 : i32
        %parallel_loop3A_179 = arith.addi %parallel_loop3A_128, %parallel_loop3A_178 : i32
        %parallel_loop3A_180 = arith.index_cast %parallel_loop3A_179 : i32 to index
        %parallel_loop3A_181 = tpu.vector_load %arg7[%parallel_loop3A_180] {strides = array<i32>} : memref<16384xf32, #tpu.memory_space<vmem>>, vector<16xf32>,
        tpu.vector_store %arg7[%parallel_loop3A_180], %parallel_loop3A_177 {strides = array<i32>} : memref<16384xf32, #tpu.memory_space<vmem>>, vector<16xf32>,
        %parallel_loop3A_182 = tpu.vector_load_idx %arg5[%add3A_5, %parallel_loop3A_176] : memref<32x513xf32, #tpu.memory_space<vmem>>[vector<16xi32>, vector<16xi32>], vector<16xf32>,
        %parallel_loop3A_183 = arith.constant 96 : i32
        %parallel_loop3A_184 = arith.addi %parallel_loop3A_128, %parallel_loop3A_183 : i32
        %parallel_loop3A_185 = arith.constant 16 : i32
        %parallel_loop3A_186 = arith.addi %parallel_loop3A_184, %parallel_loop3A_185 : i32
        %parallel_loop3A_187 = arith.index_cast %parallel_loop3A_186 : i32 to index
        %parallel_loop3A_188 = tpu.vector_load %arg7[%parallel_loop3A_187] {strides = array<i32>} : memref<16384xf32, #tpu.memory_space<vmem>>, vector<16xf32>,
        tpu.vector_store %arg7[%parallel_loop3A_187], %parallel_loop3A_182 {strides = array<i32>} : memref<16384xf32, #tpu.memory_space<vmem>>, vector<16xf32>,
        %parallel_loop3A_189 = arith.constant 4 : i32
        %parallel_loop3A_190 = vector.broadcast %parallel_loop3A_189 : i32 to vector<16xi32>
        %parallel_loop3A_191 = arith.addi %parallel_loop3A_126, %parallel_loop3A_190 : vector<16xi32>
        %parallel_loop3A_192 = tpu.vector_load_idx %arg5[%iota3A, %parallel_loop3A_191] : memref<32x513xf32, #tpu.memory_space<vmem>>[vector<16xi32>, vector<16xi32>], vector<16xf32>,
        %parallel_loop3A_193 = arith.constant 128 : i32
        %parallel_loop3A_194 = arith.addi %parallel_loop3A_128, %parallel_loop3A_193 : i32
        %parallel_loop3A_195 = arith.index_cast %parallel_loop3A_194 : i32 to index
        %parallel_loop3A_196 = tpu.vector_load %arg7[%parallel_loop3A_195] {strides = array<i32>} : memref<16384xf32, #tpu.memory_space<vmem>>, vector<16xf32>,
        tpu.vector_store %arg7[%parallel_loop3A_195], %parallel_loop3A_192 {strides = array<i32>} : memref<16384xf32, #tpu.memory_space<vmem>>, vector<16xf32>,
        %parallel_loop3A_197 = tpu.vector_load_idx %arg5[%add3A_5, %parallel_loop3A_191] : memref<32x513xf32, #tpu.memory_space<vmem>>[vector<16xi32>, vector<16xi32>], vector<16xf32>,
        %parallel_loop3A_198 = arith.constant 128 : i32
        %parallel_loop3A_199 = arith.addi %parallel_loop3A_128, %parallel_loop3A_198 : i32
        %parallel_loop3A_200 = arith.constant 16 : i32
        %parallel_loop3A_201 = arith.addi %parallel_loop3A_199, %parallel_loop3A_200 : i32
        %parallel_loop3A_202 = arith.index_cast %parallel_loop3A_201 : i32 to index
        %parallel_loop3A_203 = tpu.vector_load %arg7[%parallel_loop3A_202] {strides = array<i32>} : memref<16384xf32, #tpu.memory_space<vmem>>, vector<16xf32>,
        tpu.vector_store %arg7[%parallel_loop3A_202], %parallel_loop3A_197 {strides = array<i32>} : memref<16384xf32, #tpu.memory_space<vmem>>, vector<16xf32>,
        %parallel_loop3A_204 = arith.constant 5 : i32
        %parallel_loop3A_205 = vector.broadcast %parallel_loop3A_204 : i32 to vector<16xi32>
        %parallel_loop3A_206 = arith.addi %parallel_loop3A_126, %parallel_loop3A_205 : vector<16xi32>
        %parallel_loop3A_207 = tpu.vector_load_idx %arg5[%iota3A, %parallel_loop3A_206] : memref<32x513xf32, #tpu.memory_space<vmem>>[vector<16xi32>, vector<16xi32>], vector<16xf32>,
        %parallel_loop3A_208 = arith.constant 160 : i32
        %parallel_loop3A_209 = arith.addi %parallel_loop3A_128, %parallel_loop3A_208 : i32
        %parallel_loop3A_210 = arith.index_cast %parallel_loop3A_209 : i32 to index
        %parallel_loop3A_211 = tpu.vector_load %arg7[%parallel_loop3A_210] {strides = array<i32>} : memref<16384xf32, #tpu.memory_space<vmem>>, vector<16xf32>,
        tpu.vector_store %arg7[%parallel_loop3A_210], %parallel_loop3A_207 {strides = array<i32>} : memref<16384xf32, #tpu.memory_space<vmem>>, vector<16xf32>,
        %parallel_loop3A_212 = tpu.vector_load_idx %arg5[%add3A_5, %parallel_loop3A_206] : memref<32x513xf32, #tpu.memory_space<vmem>>[vector<16xi32>, vector<16xi32>], vector<16xf32>,
        %parallel_loop3A_213 = arith.constant 160 : i32
        %parallel_loop3A_214 = arith.addi %parallel_loop3A_128, %parallel_loop3A_213 : i32
        %parallel_loop3A_215 = arith.constant 16 : i32
        %parallel_loop3A_216 = arith.addi %parallel_loop3A_214, %parallel_loop3A_215 : i32
        %parallel_loop3A_217 = arith.index_cast %parallel_loop3A_216 : i32 to index
        %parallel_loop3A_218 = tpu.vector_load %arg7[%parallel_loop3A_217] {strides = array<i32>} : memref<16384xf32, #tpu.memory_space<vmem>>, vector<16xf32>,
        tpu.vector_store %arg7[%parallel_loop3A_217], %parallel_loop3A_212 {strides = array<i32>} : memref<16384xf32, #tpu.memory_space<vmem>>, vector<16xf32>,
        %parallel_loop3A_219 = arith.constant 6 : i32
        %parallel_loop3A_220 = vector.broadcast %parallel_loop3A_219 : i32 to vector<16xi32>
        %parallel_loop3A_221 = arith.addi %parallel_loop3A_126, %parallel_loop3A_220 : vector<16xi32>
        %parallel_loop3A_222 = tpu.vector_load_idx %arg5[%iota3A, %parallel_loop3A_221] : memref<32x513xf32, #tpu.memory_space<vmem>>[vector<16xi32>, vector<16xi32>], vector<16xf32>,
        %parallel_loop3A_223 = arith.constant 192 : i32
        %parallel_loop3A_224 = arith.addi %parallel_loop3A_128, %parallel_loop3A_223 : i32
        %parallel_loop3A_225 = arith.index_cast %parallel_loop3A_224 : i32 to index
        %parallel_loop3A_226 = tpu.vector_load %arg7[%parallel_loop3A_225] {strides = array<i32>} : memref<16384xf32, #tpu.memory_space<vmem>>, vector<16xf32>,
        tpu.vector_store %arg7[%parallel_loop3A_225], %parallel_loop3A_222 {strides = array<i32>} : memref<16384xf32, #tpu.memory_space<vmem>>, vector<16xf32>,
        %parallel_loop3A_227 = tpu.vector_load_idx %arg5[%add3A_5, %parallel_loop3A_221] : memref<32x513xf32, #tpu.memory_space<vmem>>[vector<16xi32>, vector<16xi32>], vector<16xf32>,
        %parallel_loop3A_228 = arith.constant 192 : i32
        %parallel_loop3A_229 = arith.addi %parallel_loop3A_128, %parallel_loop3A_228 : i32
        %parallel_loop3A_230 = arith.constant 16 : i32
        %parallel_loop3A_231 = arith.addi %parallel_loop3A_229, %parallel_loop3A_230 : i32
        %parallel_loop3A_232 = arith.index_cast %parallel_loop3A_231 : i32 to index
        %parallel_loop3A_233 = tpu.vector_load %arg7[%parallel_loop3A_232] {strides = array<i32>} : memref<16384xf32, #tpu.memory_space<vmem>>, vector<16xf32>,
        tpu.vector_store %arg7[%parallel_loop3A_232], %parallel_loop3A_227 {strides = array<i32>} : memref<16384xf32, #tpu.memory_space<vmem>>, vector<16xf32>,
        %parallel_loop3A_234 = arith.constant 7 : i32
        %parallel_loop3A_235 = vector.broadcast %parallel_loop3A_234 : i32 to vector<16xi32>
        %parallel_loop3A_236 = arith.addi %parallel_loop3A_126, %parallel_loop3A_235 : vector<16xi32>
        %parallel_loop3A_237 = tpu.vector_load_idx %arg5[%iota3A, %parallel_loop3A_236] : memref<32x513xf32, #tpu.memory_space<vmem>>[vector<16xi32>, vector<16xi32>], vector<16xf32>,
        %parallel_loop3A_238 = arith.constant 224 : i32
        %parallel_loop3A_239 = arith.addi %parallel_loop3A_128, %parallel_loop3A_238 : i32
        %parallel_loop3A_240 = arith.index_cast %parallel_loop3A_239 : i32 to index
        %parallel_loop3A_241 = tpu.vector_load %arg7[%parallel_loop3A_240] {strides = array<i32>} : memref<16384xf32, #tpu.memory_space<vmem>>, vector<16xf32>,
        tpu.vector_store %arg7[%parallel_loop3A_240], %parallel_loop3A_237 {strides = array<i32>} : memref<16384xf32, #tpu.memory_space<vmem>>, vector<16xf32>,
        %parallel_loop3A_242 = tpu.vector_load_idx %arg5[%add3A_5, %parallel_loop3A_236] : memref<32x513xf32, #tpu.memory_space<vmem>>[vector<16xi32>, vector<16xi32>], vector<16xf32>,
        %parallel_loop3A_243 = arith.constant 224 : i32
        %parallel_loop3A_244 = arith.addi %parallel_loop3A_128, %parallel_loop3A_243 : i32
        %parallel_loop3A_245 = arith.constant 16 : i32
        %parallel_loop3A_246 = arith.addi %parallel_loop3A_244, %parallel_loop3A_245 : i32
        %parallel_loop3A_247 = arith.index_cast %parallel_loop3A_246 : i32 to index
        %parallel_loop3A_248 = tpu.vector_load %arg7[%parallel_loop3A_247] {strides = array<i32>} : memref<16384xf32, #tpu.memory_space<vmem>>, vector<16xf32>,
        tpu.vector_store %arg7[%parallel_loop3A_247], %parallel_loop3A_242 {strides = array<i32>} : memref<16384xf32, #tpu.memory_space<vmem>>, vector<16xf32>,
      } {sc.loop_unroll_factor = 4 : i64, sc.parallel_access}
      %add3A_119 = arith.constant 1 : i32
      %add3A_120 = arith.addi %add3A_63, %add3A_119 : i32
      %mul3A_121 = arith.constant 512 : i32
      %mul3A_122 = arith.muli %add3A_120, %mul3A_121 : i32
      %mul3A_123 = arith.constant 32 : i32
      %mul3A_124 = arith.muli %mul3A_122, %mul3A_123 : i32
      "tpu.region"() ({
        %run_scoped3A = tpu.sem_alloc : memref<!tpu.dma_semaphore, #tpu.memory_space<semaphore_mem>>
        %dma_start3A_125 = tpu.memref_slice %arg3[%mul3A_124] : memref<32000000xf32, #tpu.memory_space<hbm>> -> memref<16384xf32, #tpu.memory_space<hbm>>
        %dma_start3A_126 = tpu.memref_slice %arg3[%mul3A_124] : memref<32000000xf32, #tpu.memory_space<hbm>> -> memref<16384xf32, #tpu.memory_space<hbm>>
        tpu.enqueue_dma source(%arg7 : memref<16384xf32, #tpu.memory_space<vmem>>) target(%dma_start3A_126 : memref<16384xf32, #tpu.memory_space<hbm>>) target_semaphore(%run_scoped3A : memref<!tpu.dma_semaphore, #tpu.memory_space<semaphore_mem>>)
        %dma_wait3A_127 = tpu.memref_slice %arg3[%mul3A_124] : memref<32000000xf32, #tpu.memory_space<hbm>> -> memref<16384xf32, #tpu.memory_space<hbm>>
        %dma_wait3A_128 = tpu.memref_slice %arg3[%mul3A_124] : memref<32000000xf32, #tpu.memory_space<hbm>> -> memref<16384xf32, #tpu.memory_space<hbm>>
        tpu.wait_dma2 semaphore(%run_scoped3A : memref<!tpu.dma_semaphore, #tpu.memory_space<semaphore_mem>>) src(%arg7 : memref<16384xf32, #tpu.memory_space<vmem>>) dst(%dma_wait3A_128 : memref<16384xf32, #tpu.memory_space<hbm>>)
        tpu.yield
      }) : () -> ()
    }
    %scan3A_21 = arith.constant 30 : i32
    %add3A_22 = arith.constant 61 : i32
    %add3A_23 = arith.addi %mul3A_2, %add3A_22 : i32
    %sub3A = arith.constant 1 : i32
    %sub3A_24 = arith.subi %add3A_23, %sub3A : i32
    %mul3A_25 = arith.constant 512 : i32
    %mul3A_26 = arith.muli %sub3A_24, %mul3A_25 : i32
    %dma_start3A_27 = arith.constant 0 : i32
    %dma_start3A_28 = arith.constant 0 : i32
    %dma_start3A_29 = tpu.memref_slice %arg4[%dma_start3A_27, %dma_start3A_28] : memref<32x513xf32, #tpu.memory_space<vmem>> -> memref<32x512xf32, #tpu.memory_space<vmem>>
    %dma_start3A_30 = arith.constant 0 : i32
    %dma_start3A_31 = tpu.memref_slice %arg2[%dma_start3A_30, %mul3A_26] : memref<32x1000000xf32, #tpu.memory_space<hbm>> -> memref<32x512xf32, #tpu.memory_space<hbm>>
    %dma_start3A_32 = arith.constant 0 : i32
    %dma_start3A_33 = arith.constant 0 : i32
    %dma_start3A_34 = tpu.memref_slice %arg4[%dma_start3A_32, %dma_start3A_33] : memref<32x513xf32, #tpu.memory_space<vmem>> -> memref<32x512xf32, #tpu.memory_space<vmem>>
    %dma_start3A_35 = arith.constant 0 : i32
    %dma_start3A_36 = tpu.memref_slice %arg2[%dma_start3A_35, %mul3A_26] : memref<32x1000000xf32, #tpu.memory_space<hbm>> -> memref<32x512xf32, #tpu.memory_space<hbm>>
    tpu.enqueue_dma source(%dma_start3A_36 : memref<32x512xf32, #tpu.memory_space<hbm>>) target(%dma_start3A_34 : memref<32x512xf32, #tpu.memory_space<vmem>>) target_semaphore(%arg10 : memref<!tpu.dma_semaphore, #tpu.memory_space<semaphore_mem>>)
    %mul3A_37 = arith.constant 512 : i32
    %mul3A_38 = arith.muli %sub3A_24, %mul3A_37 : i32
    %dma_wait3A = arith.constant 0 : i32
    %dma_wait3A_39 = arith.constant 0 : i32
    %dma_wait3A_40 = tpu.memref_slice %arg4[%dma_wait3A, %dma_wait3A_39] : memref<32x513xf32, #tpu.memory_space<vmem>> -> memref<32x512xf32, #tpu.memory_space<vmem>>
    %dma_wait3A_41 = arith.constant 0 : i32
    %dma_wait3A_42 = tpu.memref_slice %arg2[%dma_wait3A_41, %mul3A_38] : memref<32x1000000xf32, #tpu.memory_space<hbm>> -> memref<32x512xf32, #tpu.memory_space<hbm>>
    %dma_wait3A_43 = arith.constant 0 : i32
    %dma_wait3A_44 = arith.constant 0 : i32
    %dma_wait3A_45 = tpu.memref_slice %arg4[%dma_wait3A_43, %dma_wait3A_44] : memref<32x513xf32, #tpu.memory_space<vmem>> -> memref<32x512xf32, #tpu.memory_space<vmem>>
    %dma_wait3A_46 = arith.constant 0 : i32
    %dma_wait3A_47 = tpu.memref_slice %arg2[%dma_wait3A_46, %mul3A_38] : memref<32x1000000xf32, #tpu.memory_space<hbm>> -> memref<32x512xf32, #tpu.memory_space<hbm>>
    tpu.wait_dma2 semaphore(%arg10 : memref<!tpu.dma_semaphore, #tpu.memory_space<semaphore_mem>>) src(%dma_wait3A_47 : memref<32x512xf32, #tpu.memory_space<hbm>>) dst(%dma_wait3A_45 : memref<32x512xf32, #tpu.memory_space<vmem>>)
    %parallel_loop3A = arith.constant 0 : i32
    %parallel_loop3A_48 = arith.constant 512 : i32
    %parallel_loop3A_49 = arith.constant 8 : i32
    scf.for %parallel_loop3A_60 = %parallel_loop3A to %parallel_loop3A_48 step %parallel_loop3A_49  : i32 {
      %parallel_loop3A_61 = vector.broadcast %parallel_loop3A_60 : i32 to vector<16xi32>
      %parallel_loop3A_62 = arith.constant 32 : i32
      %parallel_loop3A_63 = arith.muli %parallel_loop3A_60, %parallel_loop3A_62 : i32
      %parallel_loop3A_64 = arith.constant 0 : i32
      %parallel_loop3A_65 = vector.broadcast %parallel_loop3A_64 : i32 to vector<16xi32>
      %parallel_loop3A_66 = arith.addi %parallel_loop3A_61, %parallel_loop3A_65 : vector<16xi32>
      %parallel_loop3A_67 = tpu.vector_load_idx %arg4[%iota3A, %parallel_loop3A_66] : memref<32x513xf32, #tpu.memory_space<vmem>>[vector<16xi32>, vector<16xi32>], vector<16xf32>,
      %parallel_loop3A_68 = arith.constant 0 : i32
      %parallel_loop3A_69 = arith.addi %parallel_loop3A_63, %parallel_loop3A_68 : i32
      %parallel_loop3A_70 = arith.index_cast %parallel_loop3A_69 : i32 to index
      %parallel_loop3A_71 = tpu.vector_load %arg6[%parallel_loop3A_70] {strides = array<i32>} : memref<16384xf32, #tpu.memory_space<vmem>>, vector<16xf32>,
      tpu.vector_store %arg6[%parallel_loop3A_70], %parallel_loop3A_67 {strides = array<i32>} : memref<16384xf32, #tpu.memory_space<vmem>>, vector<16xf32>,
      %parallel_loop3A_72 = tpu.vector_load_idx %arg4[%add3A_5, %parallel_loop3A_66] : memref<32x513xf32, #tpu.memory_space<vmem>>[vector<16xi32>, vector<16xi32>], vector<16xf32>,
      %parallel_loop3A_73 = arith.constant 0 : i32
      %parallel_loop3A_74 = arith.addi %parallel_loop3A_63, %parallel_loop3A_73 : i32
      %parallel_loop3A_75 = arith.constant 16 : i32
      %parallel_loop3A_76 = arith.addi %parallel_loop3A_74, %parallel_loop3A_75 : i32
      %parallel_loop3A_77 = arith.index_cast %parallel_loop3A_76 : i32 to index
      %parallel_loop3A_78 = tpu.vector_load %arg6[%parallel_loop3A_77] {strides = array<i32>} : memref<16384xf32, #tpu.memory_space<vmem>>, vector<16xf32>,
      tpu.vector_store %arg6[%parallel_loop3A_77], %parallel_loop3A_72 {strides = array<i32>} : memref<16384xf32, #tpu.memory_space<vmem>>, vector<16xf32>,
      %parallel_loop3A_79 = arith.constant 1 : i32
      %parallel_loop3A_80 = vector.broadcast %parallel_loop3A_79 : i32 to vector<16xi32>
      %parallel_loop3A_81 = arith.addi %parallel_loop3A_61, %parallel_loop3A_80 : vector<16xi32>
      %parallel_loop3A_82 = tpu.vector_load_idx %arg4[%iota3A, %parallel_loop3A_81] : memref<32x513xf32, #tpu.memory_space<vmem>>[vector<16xi32>, vector<16xi32>], vector<16xf32>,
      %parallel_loop3A_83 = arith.constant 32 : i32
      %parallel_loop3A_84 = arith.addi %parallel_loop3A_63, %parallel_loop3A_83 : i32
      %parallel_loop3A_85 = arith.index_cast %parallel_loop3A_84 : i32 to index
      %parallel_loop3A_86 = tpu.vector_load %arg6[%parallel_loop3A_85] {strides = array<i32>} : memref<16384xf32, #tpu.memory_space<vmem>>, vector<16xf32>,
      tpu.vector_store %arg6[%parallel_loop3A_85], %parallel_loop3A_82 {strides = array<i32>} : memref<16384xf32, #tpu.memory_space<vmem>>, vector<16xf32>,
      %parallel_loop3A_87 = tpu.vector_load_idx %arg4[%add3A_5, %parallel_loop3A_81] : memref<32x513xf32, #tpu.memory_space<vmem>>[vector<16xi32>, vector<16xi32>], vector<16xf32>,
      %parallel_loop3A_88 = arith.constant 32 : i32
      %parallel_loop3A_89 = arith.addi %parallel_loop3A_63, %parallel_loop3A_88 : i32
      %parallel_loop3A_90 = arith.constant 16 : i32
      %parallel_loop3A_91 = arith.addi %parallel_loop3A_89, %parallel_loop3A_90 : i32
      %parallel_loop3A_92 = arith.index_cast %parallel_loop3A_91 : i32 to index
      %parallel_loop3A_93 = tpu.vector_load %arg6[%parallel_loop3A_92] {strides = array<i32>} : memref<16384xf32, #tpu.memory_space<vmem>>, vector<16xf32>,
      tpu.vector_store %arg6[%parallel_loop3A_92], %parallel_loop3A_87 {strides = array<i32>} : memref<16384xf32, #tpu.memory_space<vmem>>, vector<16xf32>,
      %parallel_loop3A_94 = arith.constant 2 : i32
      %parallel_loop3A_95 = vector.broadcast %parallel_loop3A_94 : i32 to vector<16xi32>
      %parallel_loop3A_96 = arith.addi %parallel_loop3A_61, %parallel_loop3A_95 : vector<16xi32>
      %parallel_loop3A_97 = tpu.vector_load_idx %arg4[%iota3A, %parallel_loop3A_96] : memref<32x513xf32, #tpu.memory_space<vmem>>[vector<16xi32>, vector<16xi32>], vector<16xf32>,
      %parallel_loop3A_98 = arith.constant 64 : i32
      %parallel_loop3A_99 = arith.addi %parallel_loop3A_63, %parallel_loop3A_98 : i32
      %parallel_loop3A_100 = arith.index_cast %parallel_loop3A_99 : i32 to index
      %parallel_loop3A_101 = tpu.vector_load %arg6[%parallel_loop3A_100] {strides = array<i32>} : memref<16384xf32, #tpu.memory_space<vmem>>, vector<16xf32>,
      tpu.vector_store %arg6[%parallel_loop3A_100], %parallel_loop3A_97 {strides = array<i32>} : memref<16384xf32, #tpu.memory_space<vmem>>, vector<16xf32>,
      %parallel_loop3A_102 = tpu.vector_load_idx %arg4[%add3A_5, %parallel_loop3A_96] : memref<32x513xf32, #tpu.memory_space<vmem>>[vector<16xi32>, vector<16xi32>], vector<16xf32>,
      %parallel_loop3A_103 = arith.constant 64 : i32
      %parallel_loop3A_104 = arith.addi %parallel_loop3A_63, %parallel_loop3A_103 : i32
      %parallel_loop3A_105 = arith.constant 16 : i32
      %parallel_loop3A_106 = arith.addi %parallel_loop3A_104, %parallel_loop3A_105 : i32
      %parallel_loop3A_107 = arith.index_cast %parallel_loop3A_106 : i32 to index
      %parallel_loop3A_108 = tpu.vector_load %arg6[%parallel_loop3A_107] {strides = array<i32>} : memref<16384xf32, #tpu.memory_space<vmem>>, vector<16xf32>,
      tpu.vector_store %arg6[%parallel_loop3A_107], %parallel_loop3A_102 {strides = array<i32>} : memref<16384xf32, #tpu.memory_space<vmem>>, vector<16xf32>,
      %parallel_loop3A_109 = arith.constant 3 : i32
      %parallel_loop3A_110 = vector.broadcast %parallel_loop3A_109 : i32 to vector<16xi32>
      %parallel_loop3A_111 = arith.addi %parallel_loop3A_61, %parallel_loop3A_110 : vector<16xi32>
      %parallel_loop3A_112 = tpu.vector_load_idx %arg4[%iota3A, %parallel_loop3A_111] : memref<32x513xf32, #tpu.memory_space<vmem>>[vector<16xi32>, vector<16xi32>], vector<16xf32>,
      %parallel_loop3A_113 = arith.constant 96 : i32
      %parallel_loop3A_114 = arith.addi %parallel_loop3A_63, %parallel_loop3A_113 : i32
      %parallel_loop3A_115 = arith.index_cast %parallel_loop3A_114 : i32 to index
      %parallel_loop3A_116 = tpu.vector_load %arg6[%parallel_loop3A_115] {strides = array<i32>} : memref<16384xf32, #tpu.memory_space<vmem>>, vector<16xf32>,
      tpu.vector_store %arg6[%parallel_loop3A_115], %parallel_loop3A_112 {strides = array<i32>} : memref<16384xf32, #tpu.memory_space<vmem>>, vector<16xf32>,
      %parallel_loop3A_117 = tpu.vector_load_idx %arg4[%add3A_5, %parallel_loop3A_111] : memref<32x513xf32, #tpu.memory_space<vmem>>[vector<16xi32>, vector<16xi32>], vector<16xf32>,
      %parallel_loop3A_118 = arith.constant 96 : i32
      %parallel_loop3A_119 = arith.addi %parallel_loop3A_63, %parallel_loop3A_118 : i32
      %parallel_loop3A_120 = arith.constant 16 : i32
      %parallel_loop3A_121 = arith.addi %parallel_loop3A_119, %parallel_loop3A_120 : i32
      %parallel_loop3A_122 = arith.index_cast %parallel_loop3A_121 : i32 to index
      %parallel_loop3A_123 = tpu.vector_load %arg6[%parallel_loop3A_122] {strides = array<i32>} : memref<16384xf32, #tpu.memory_space<vmem>>, vector<16xf32>,
      tpu.vector_store %arg6[%parallel_loop3A_122], %parallel_loop3A_117 {strides = array<i32>} : memref<16384xf32, #tpu.memory_space<vmem>>, vector<16xf32>,
      %parallel_loop3A_124 = arith.constant 4 : i32
      %parallel_loop3A_125 = vector.broadcast %parallel_loop3A_124 : i32 to vector<16xi32>
      %parallel_loop3A_126 = arith.addi %parallel_loop3A_61, %parallel_loop3A_125 : vector<16xi32>
      %parallel_loop3A_127 = tpu.vector_load_idx %arg4[%iota3A, %parallel_loop3A_126] : memref<32x513xf32, #tpu.memory_space<vmem>>[vector<16xi32>, vector<16xi32>], vector<16xf32>,
      %parallel_loop3A_128 = arith.constant 128 : i32
      %parallel_loop3A_129 = arith.addi %parallel_loop3A_63, %parallel_loop3A_128 : i32
      %parallel_loop3A_130 = arith.index_cast %parallel_loop3A_129 : i32 to index
      %parallel_loop3A_131 = tpu.vector_load %arg6[%parallel_loop3A_130] {strides = array<i32>} : memref<16384xf32, #tpu.memory_space<vmem>>, vector<16xf32>,
      tpu.vector_store %arg6[%parallel_loop3A_130], %parallel_loop3A_127 {strides = array<i32>} : memref<16384xf32, #tpu.memory_space<vmem>>, vector<16xf32>,
      %parallel_loop3A_132 = tpu.vector_load_idx %arg4[%add3A_5, %parallel_loop3A_126] : memref<32x513xf32, #tpu.memory_space<vmem>>[vector<16xi32>, vector<16xi32>], vector<16xf32>,
      %parallel_loop3A_133 = arith.constant 128 : i32
      %parallel_loop3A_134 = arith.addi %parallel_loop3A_63, %parallel_loop3A_133 : i32
      %parallel_loop3A_135 = arith.constant 16 : i32
      %parallel_loop3A_136 = arith.addi %parallel_loop3A_134, %parallel_loop3A_135 : i32
      %parallel_loop3A_137 = arith.index_cast %parallel_loop3A_136 : i32 to index
      %parallel_loop3A_138 = tpu.vector_load %arg6[%parallel_loop3A_137] {strides = array<i32>} : memref<16384xf32, #tpu.memory_space<vmem>>, vector<16xf32>,
      tpu.vector_store %arg6[%parallel_loop3A_137], %parallel_loop3A_132 {strides = array<i32>} : memref<16384xf32, #tpu.memory_space<vmem>>, vector<16xf32>,
      %parallel_loop3A_139 = arith.constant 5 : i32
      %parallel_loop3A_140 = vector.broadcast %parallel_loop3A_139 : i32 to vector<16xi32>
      %parallel_loop3A_141 = arith.addi %parallel_loop3A_61, %parallel_loop3A_140 : vector<16xi32>
      %parallel_loop3A_142 = tpu.vector_load_idx %arg4[%iota3A, %parallel_loop3A_141] : memref<32x513xf32, #tpu.memory_space<vmem>>[vector<16xi32>, vector<16xi32>], vector<16xf32>,
      %parallel_loop3A_143 = arith.constant 160 : i32
      %parallel_loop3A_144 = arith.addi %parallel_loop3A_63, %parallel_loop3A_143 : i32
      %parallel_loop3A_145 = arith.index_cast %parallel_loop3A_144 : i32 to index
      %parallel_loop3A_146 = tpu.vector_load %arg6[%parallel_loop3A_145] {strides = array<i32>} : memref<16384xf32, #tpu.memory_space<vmem>>, vector<16xf32>,
      tpu.vector_store %arg6[%parallel_loop3A_145], %parallel_loop3A_142 {strides = array<i32>} : memref<16384xf32, #tpu.memory_space<vmem>>, vector<16xf32>,
      %parallel_loop3A_147 = tpu.vector_load_idx %arg4[%add3A_5, %parallel_loop3A_141] : memref<32x513xf32, #tpu.memory_space<vmem>>[vector<16xi32>, vector<16xi32>], vector<16xf32>,
      %parallel_loop3A_148 = arith.constant 160 : i32
      %parallel_loop3A_149 = arith.addi %parallel_loop3A_63, %parallel_loop3A_148 : i32
      %parallel_loop3A_150 = arith.constant 16 : i32
      %parallel_loop3A_151 = arith.addi %parallel_loop3A_149, %parallel_loop3A_150 : i32
      %parallel_loop3A_152 = arith.index_cast %parallel_loop3A_151 : i32 to index
      %parallel_loop3A_153 = tpu.vector_load %arg6[%parallel_loop3A_152] {strides = array<i32>} : memref<16384xf32, #tpu.memory_space<vmem>>, vector<16xf32>,
      tpu.vector_store %arg6[%parallel_loop3A_152], %parallel_loop3A_147 {strides = array<i32>} : memref<16384xf32, #tpu.memory_space<vmem>>, vector<16xf32>,
      %parallel_loop3A_154 = arith.constant 6 : i32
      %parallel_loop3A_155 = vector.broadcast %parallel_loop3A_154 : i32 to vector<16xi32>
      %parallel_loop3A_156 = arith.addi %parallel_loop3A_61, %parallel_loop3A_155 : vector<16xi32>
      %parallel_loop3A_157 = tpu.vector_load_idx %arg4[%iota3A, %parallel_loop3A_156] : memref<32x513xf32, #tpu.memory_space<vmem>>[vector<16xi32>, vector<16xi32>], vector<16xf32>,
      %parallel_loop3A_158 = arith.constant 192 : i32
      %parallel_loop3A_159 = arith.addi %parallel_loop3A_63, %parallel_loop3A_158 : i32
      %parallel_loop3A_160 = arith.index_cast %parallel_loop3A_159 : i32 to index
      %parallel_loop3A_161 = tpu.vector_load %arg6[%parallel_loop3A_160] {strides = array<i32>} : memref<16384xf32, #tpu.memory_space<vmem>>, vector<16xf32>,
      tpu.vector_store %arg6[%parallel_loop3A_160], %parallel_loop3A_157 {strides = array<i32>} : memref<16384xf32, #tpu.memory_space<vmem>>, vector<16xf32>,
      %parallel_loop3A_162 = tpu.vector_load_idx %arg4[%add3A_5, %parallel_loop3A_156] : memref<32x513xf32, #tpu.memory_space<vmem>>[vector<16xi32>, vector<16xi32>], vector<16xf32>,
      %parallel_loop3A_163 = arith.constant 192 : i32
      %parallel_loop3A_164 = arith.addi %parallel_loop3A_63, %parallel_loop3A_163 : i32
      %parallel_loop3A_165 = arith.constant 16 : i32
      %parallel_loop3A_166 = arith.addi %parallel_loop3A_164, %parallel_loop3A_165 : i32
      %parallel_loop3A_167 = arith.index_cast %parallel_loop3A_166 : i32 to index
      %parallel_loop3A_168 = tpu.vector_load %arg6[%parallel_loop3A_167] {strides = array<i32>} : memref<16384xf32, #tpu.memory_space<vmem>>, vector<16xf32>,
      tpu.vector_store %arg6[%parallel_loop3A_167], %parallel_loop3A_162 {strides = array<i32>} : memref<16384xf32, #tpu.memory_space<vmem>>, vector<16xf32>,
      %parallel_loop3A_169 = arith.constant 7 : i32
      %parallel_loop3A_170 = vector.broadcast %parallel_loop3A_169 : i32 to vector<16xi32>
      %parallel_loop3A_171 = arith.addi %parallel_loop3A_61, %parallel_loop3A_170 : vector<16xi32>
      %parallel_loop3A_172 = tpu.vector_load_idx %arg4[%iota3A, %parallel_loop3A_171] : memref<32x513xf32, #tpu.memory_space<vmem>>[vector<16xi32>, vector<16xi32>], vector<16xf32>,
      %parallel_loop3A_173 = arith.constant 224 : i32
      %parallel_loop3A_174 = arith.addi %parallel_loop3A_63, %parallel_loop3A_173 : i32
      %parallel_loop3A_175 = arith.index_cast %parallel_loop3A_174 : i32 to index
      %parallel_loop3A_176 = tpu.vector_load %arg6[%parallel_loop3A_175] {strides = array<i32>} : memref<16384xf32, #tpu.memory_space<vmem>>, vector<16xf32>,
      tpu.vector_store %arg6[%parallel_loop3A_175], %parallel_loop3A_172 {strides = array<i32>} : memref<16384xf32, #tpu.memory_space<vmem>>, vector<16xf32>,
      %parallel_loop3A_177 = tpu.vector_load_idx %arg4[%add3A_5, %parallel_loop3A_171] : memref<32x513xf32, #tpu.memory_space<vmem>>[vector<16xi32>, vector<16xi32>], vector<16xf32>,
      %parallel_loop3A_178 = arith.constant 224 : i32
      %parallel_loop3A_179 = arith.addi %parallel_loop3A_63, %parallel_loop3A_178 : i32
      %parallel_loop3A_180 = arith.constant 16 : i32
      %parallel_loop3A_181 = arith.addi %parallel_loop3A_179, %parallel_loop3A_180 : i32
      %parallel_loop3A_182 = arith.index_cast %parallel_loop3A_181 : i32 to index
      %parallel_loop3A_183 = tpu.vector_load %arg6[%parallel_loop3A_182] {strides = array<i32>} : memref<16384xf32, #tpu.memory_space<vmem>>, vector<16xf32>,
      tpu.vector_store %arg6[%parallel_loop3A_182], %parallel_loop3A_177 {strides = array<i32>} : memref<16384xf32, #tpu.memory_space<vmem>>, vector<16xf32>,
    } {sc.loop_unroll_factor = 4 : i64, sc.parallel_access}
    %mul3A_50 = arith.constant 512 : i32
    %mul3A_51 = arith.muli %sub3A_24, %mul3A_50 : i32
    %mul3A_52 = arith.constant 32 : i32
    %mul3A_53 = arith.muli %mul3A_51, %mul3A_52 : i32
    "tpu.region"() ({
      %run_scoped3A = tpu.sem_alloc : memref<!tpu.dma_semaphore, #tpu.memory_space<semaphore_mem>>
      %dma_start3A_60 = tpu.memref_slice %arg3[%mul3A_53] : memref<32000000xf32, #tpu.memory_space<hbm>> -> memref<16384xf32, #tpu.memory_space<hbm>>
      %dma_start3A_61 = tpu.memref_slice %arg3[%mul3A_53] : memref<32000000xf32, #tpu.memory_space<hbm>> -> memref<16384xf32, #tpu.memory_space<hbm>>
      tpu.enqueue_dma source(%arg6 : memref<16384xf32, #tpu.memory_space<vmem>>) target(%dma_start3A_61 : memref<16384xf32, #tpu.memory_space<hbm>>) target_semaphore(%run_scoped3A : memref<!tpu.dma_semaphore, #tpu.memory_space<semaphore_mem>>)
      %dma_wait3A_62 = tpu.memref_slice %arg3[%mul3A_53] : memref<32000000xf32, #tpu.memory_space<hbm>> -> memref<16384xf32, #tpu.memory_space<hbm>>
      %dma_wait3A_63 = tpu.memref_slice %arg3[%mul3A_53] : memref<32000000xf32, #tpu.memory_space<hbm>> -> memref<16384xf32, #tpu.memory_space<hbm>>
      tpu.wait_dma2 semaphore(%run_scoped3A : memref<!tpu.dma_semaphore, #tpu.memory_space<semaphore_mem>>) src(%arg6 : memref<16384xf32, #tpu.memory_space<vmem>>) dst(%dma_wait3A_63 : memref<16384xf32, #tpu.memory_space<hbm>>)
      tpu.yield
    }) : () -> ()
    %lt3A = arith.constant 1 : i32
    %lt3A_54 = arith.cmpi slt, %add3A, %lt3A : i32
    %convert_element_type3A = arith.extui %lt3A_54 : i1 to i32
    %cond3A = arith.constant 0 : i32
    %cond3A_55 = arith.cmpi ne, %convert_element_type3A, %cond3A : i32
    scf.if %cond3A_55 {
      %add3A_60 = arith.constant 1952 : i32
      %add3A_61 = arith.addi %add3A_60, %add3A : i32
      %mul3A_62 = arith.constant 512 : i32
      %mul3A_63 = arith.muli %add3A_61, %mul3A_62 : i32
      %dma_start3A_64 = arith.constant 0 : i32
      %dma_start3A_65 = arith.constant 0 : i32
      %dma_start3A_66 = tpu.memref_slice %arg5[%dma_start3A_64, %dma_start3A_65] : memref<32x513xf32, #tpu.memory_space<vmem>> -> memref<32x512xf32, #tpu.memory_space<vmem>>
      %dma_start3A_67 = arith.constant 0 : i32
      %dma_start3A_68 = tpu.memref_slice %arg2[%dma_start3A_67, %mul3A_63] : memref<32x1000000xf32, #tpu.memory_space<hbm>> -> memref<32x512xf32, #tpu.memory_space<hbm>>
      %dma_start3A_69 = arith.constant 0 : i32
      %dma_start3A_70 = arith.constant 0 : i32
      %dma_start3A_71 = tpu.memref_slice %arg5[%dma_start3A_69, %dma_start3A_70] : memref<32x513xf32, #tpu.memory_space<vmem>> -> memref<32x512xf32, #tpu.memory_space<vmem>>
      %dma_start3A_72 = arith.constant 0 : i32
      %dma_start3A_73 = tpu.memref_slice %arg2[%dma_start3A_72, %mul3A_63] : memref<32x1000000xf32, #tpu.memory_space<hbm>> -> memref<32x512xf32, #tpu.memory_space<hbm>>
      tpu.enqueue_dma source(%dma_start3A_73 : memref<32x512xf32, #tpu.memory_space<hbm>>) target(%dma_start3A_71 : memref<32x512xf32, #tpu.memory_space<vmem>>) target_semaphore(%arg10 : memref<!tpu.dma_semaphore, #tpu.memory_space<semaphore_mem>>)
      %mul3A_74 = arith.constant 512 : i32
      %mul3A_75 = arith.muli %add3A_61, %mul3A_74 : i32
      %dma_wait3A_76 = arith.constant 0 : i32
      %dma_wait3A_77 = arith.constant 0 : i32
      %dma_wait3A_78 = tpu.memref_slice %arg5[%dma_wait3A_76, %dma_wait3A_77] : memref<32x513xf32, #tpu.memory_space<vmem>> -> memref<32x512xf32, #tpu.memory_space<vmem>>
      %dma_wait3A_79 = arith.constant 0 : i32
      %dma_wait3A_80 = tpu.memref_slice %arg2[%dma_wait3A_79, %mul3A_75] : memref<32x1000000xf32, #tpu.memory_space<hbm>> -> memref<32x512xf32, #tpu.memory_space<hbm>>
      %dma_wait3A_81 = arith.constant 0 : i32
      %dma_wait3A_82 = arith.constant 0 : i32
      %dma_wait3A_83 = tpu.memref_slice %arg5[%dma_wait3A_81, %dma_wait3A_82] : memref<32x513xf32, #tpu.memory_space<vmem>> -> memref<32x512xf32, #tpu.memory_space<vmem>>
      %dma_wait3A_84 = arith.constant 0 : i32
      %dma_wait3A_85 = tpu.memref_slice %arg2[%dma_wait3A_84, %mul3A_75] : memref<32x1000000xf32, #tpu.memory_space<hbm>> -> memref<32x512xf32, #tpu.memory_space<hbm>>
      tpu.wait_dma2 semaphore(%arg10 : memref<!tpu.dma_semaphore, #tpu.memory_space<semaphore_mem>>) src(%dma_wait3A_85 : memref<32x512xf32, #tpu.memory_space<hbm>>) dst(%dma_wait3A_83 : memref<32x512xf32, #tpu.memory_space<vmem>>)
      %parallel_loop3A_86 = arith.constant 0 : i32
      %parallel_loop3A_87 = arith.constant 512 : i32
      %parallel_loop3A_88 = arith.constant 8 : i32
      scf.for %parallel_loop3A_93 = %parallel_loop3A_86 to %parallel_loop3A_87 step %parallel_loop3A_88  : i32 {
        %parallel_loop3A_94 = vector.broadcast %parallel_loop3A_93 : i32 to vector<16xi32>
        %parallel_loop3A_95 = arith.constant 32 : i32
        %parallel_loop3A_96 = arith.muli %parallel_loop3A_93, %parallel_loop3A_95 : i32
        %parallel_loop3A_97 = arith.constant 0 : i32
        %parallel_loop3A_98 = vector.broadcast %parallel_loop3A_97 : i32 to vector<16xi32>
        %parallel_loop3A_99 = arith.addi %parallel_loop3A_94, %parallel_loop3A_98 : vector<16xi32>
        %parallel_loop3A_100 = tpu.vector_load_idx %arg5[%iota3A, %parallel_loop3A_99] : memref<32x513xf32, #tpu.memory_space<vmem>>[vector<16xi32>, vector<16xi32>], vector<16xf32>,
        %parallel_loop3A_101 = arith.constant 0 : i32
        %parallel_loop3A_102 = arith.addi %parallel_loop3A_96, %parallel_loop3A_101 : i32
        %parallel_loop3A_103 = arith.index_cast %parallel_loop3A_102 : i32 to index
        %parallel_loop3A_104 = tpu.vector_load %arg7[%parallel_loop3A_103] {strides = array<i32>} : memref<16384xf32, #tpu.memory_space<vmem>>, vector<16xf32>,
        tpu.vector_store %arg7[%parallel_loop3A_103], %parallel_loop3A_100 {strides = array<i32>} : memref<16384xf32, #tpu.memory_space<vmem>>, vector<16xf32>,
        %parallel_loop3A_105 = tpu.vector_load_idx %arg5[%add3A_5, %parallel_loop3A_99] : memref<32x513xf32, #tpu.memory_space<vmem>>[vector<16xi32>, vector<16xi32>], vector<16xf32>,
        %parallel_loop3A_106 = arith.constant 0 : i32
        %parallel_loop3A_107 = arith.addi %parallel_loop3A_96, %parallel_loop3A_106 : i32
        %parallel_loop3A_108 = arith.constant 16 : i32
        %parallel_loop3A_109 = arith.addi %parallel_loop3A_107, %parallel_loop3A_108 : i32
        %parallel_loop3A_110 = arith.index_cast %parallel_loop3A_109 : i32 to index
        %parallel_loop3A_111 = tpu.vector_load %arg7[%parallel_loop3A_110] {strides = array<i32>} : memref<16384xf32, #tpu.memory_space<vmem>>, vector<16xf32>,
        tpu.vector_store %arg7[%parallel_loop3A_110], %parallel_loop3A_105 {strides = array<i32>} : memref<16384xf32, #tpu.memory_space<vmem>>, vector<16xf32>,
        %parallel_loop3A_112 = arith.constant 1 : i32
        %parallel_loop3A_113 = vector.broadcast %parallel_loop3A_112 : i32 to vector<16xi32>
        %parallel_loop3A_114 = arith.addi %parallel_loop3A_94, %parallel_loop3A_113 : vector<16xi32>
        %parallel_loop3A_115 = tpu.vector_load_idx %arg5[%iota3A, %parallel_loop3A_114] : memref<32x513xf32, #tpu.memory_space<vmem>>[vector<16xi32>, vector<16xi32>], vector<16xf32>,
        %parallel_loop3A_116 = arith.constant 32 : i32
        %parallel_loop3A_117 = arith.addi %parallel_loop3A_96, %parallel_loop3A_116 : i32
        %parallel_loop3A_118 = arith.index_cast %parallel_loop3A_117 : i32 to index
        %parallel_loop3A_119 = tpu.vector_load %arg7[%parallel_loop3A_118] {strides = array<i32>} : memref<16384xf32, #tpu.memory_space<vmem>>, vector<16xf32>,
        tpu.vector_store %arg7[%parallel_loop3A_118], %parallel_loop3A_115 {strides = array<i32>} : memref<16384xf32, #tpu.memory_space<vmem>>, vector<16xf32>,
        %parallel_loop3A_120 = tpu.vector_load_idx %arg5[%add3A_5, %parallel_loop3A_114] : memref<32x513xf32, #tpu.memory_space<vmem>>[vector<16xi32>, vector<16xi32>], vector<16xf32>,
        %parallel_loop3A_121 = arith.constant 32 : i32
        %parallel_loop3A_122 = arith.addi %parallel_loop3A_96, %parallel_loop3A_121 : i32
        %parallel_loop3A_123 = arith.constant 16 : i32
        %parallel_loop3A_124 = arith.addi %parallel_loop3A_122, %parallel_loop3A_123 : i32
        %parallel_loop3A_125 = arith.index_cast %parallel_loop3A_124 : i32 to index
        %parallel_loop3A_126 = tpu.vector_load %arg7[%parallel_loop3A_125] {strides = array<i32>} : memref<16384xf32, #tpu.memory_space<vmem>>, vector<16xf32>,
        tpu.vector_store %arg7[%parallel_loop3A_125], %parallel_loop3A_120 {strides = array<i32>} : memref<16384xf32, #tpu.memory_space<vmem>>, vector<16xf32>,
        %parallel_loop3A_127 = arith.constant 2 : i32
        %parallel_loop3A_128 = vector.broadcast %parallel_loop3A_127 : i32 to vector<16xi32>
        %parallel_loop3A_129 = arith.addi %parallel_loop3A_94, %parallel_loop3A_128 : vector<16xi32>
        %parallel_loop3A_130 = tpu.vector_load_idx %arg5[%iota3A, %parallel_loop3A_129] : memref<32x513xf32, #tpu.memory_space<vmem>>[vector<16xi32>, vector<16xi32>], vector<16xf32>,
        %parallel_loop3A_131 = arith.constant 64 : i32
        %parallel_loop3A_132 = arith.addi %parallel_loop3A_96, %parallel_loop3A_131 : i32
        %parallel_loop3A_133 = arith.index_cast %parallel_loop3A_132 : i32 to index
        %parallel_loop3A_134 = tpu.vector_load %arg7[%parallel_loop3A_133] {strides = array<i32>} : memref<16384xf32, #tpu.memory_space<vmem>>, vector<16xf32>,
        tpu.vector_store %arg7[%parallel_loop3A_133], %parallel_loop3A_130 {strides = array<i32>} : memref<16384xf32, #tpu.memory_space<vmem>>, vector<16xf32>,
        %parallel_loop3A_135 = tpu.vector_load_idx %arg5[%add3A_5, %parallel_loop3A_129] : memref<32x513xf32, #tpu.memory_space<vmem>>[vector<16xi32>, vector<16xi32>], vector<16xf32>,
        %parallel_loop3A_136 = arith.constant 64 : i32
        %parallel_loop3A_137 = arith.addi %parallel_loop3A_96, %parallel_loop3A_136 : i32
        %parallel_loop3A_138 = arith.constant 16 : i32
        %parallel_loop3A_139 = arith.addi %parallel_loop3A_137, %parallel_loop3A_138 : i32
        %parallel_loop3A_140 = arith.index_cast %parallel_loop3A_139 : i32 to index
        %parallel_loop3A_141 = tpu.vector_load %arg7[%parallel_loop3A_140] {strides = array<i32>} : memref<16384xf32, #tpu.memory_space<vmem>>, vector<16xf32>,
        tpu.vector_store %arg7[%parallel_loop3A_140], %parallel_loop3A_135 {strides = array<i32>} : memref<16384xf32, #tpu.memory_space<vmem>>, vector<16xf32>,
        %parallel_loop3A_142 = arith.constant 3 : i32
        %parallel_loop3A_143 = vector.broadcast %parallel_loop3A_142 : i32 to vector<16xi32>
        %parallel_loop3A_144 = arith.addi %parallel_loop3A_94, %parallel_loop3A_143 : vector<16xi32>
        %parallel_loop3A_145 = tpu.vector_load_idx %arg5[%iota3A, %parallel_loop3A_144] : memref<32x513xf32, #tpu.memory_space<vmem>>[vector<16xi32>, vector<16xi32>], vector<16xf32>,
        %parallel_loop3A_146 = arith.constant 96 : i32
        %parallel_loop3A_147 = arith.addi %parallel_loop3A_96, %parallel_loop3A_146 : i32
        %parallel_loop3A_148 = arith.index_cast %parallel_loop3A_147 : i32 to index
        %parallel_loop3A_149 = tpu.vector_load %arg7[%parallel_loop3A_148] {strides = array<i32>} : memref<16384xf32, #tpu.memory_space<vmem>>, vector<16xf32>,
        tpu.vector_store %arg7[%parallel_loop3A_148], %parallel_loop3A_145 {strides = array<i32>} : memref<16384xf32, #tpu.memory_space<vmem>>, vector<16xf32>,
        %parallel_loop3A_150 = tpu.vector_load_idx %arg5[%add3A_5, %parallel_loop3A_144] : memref<32x513xf32, #tpu.memory_space<vmem>>[vector<16xi32>, vector<16xi32>], vector<16xf32>,
        %parallel_loop3A_151 = arith.constant 96 : i32
        %parallel_loop3A_152 = arith.addi %parallel_loop3A_96, %parallel_loop3A_151 : i32
        %parallel_loop3A_153 = arith.constant 16 : i32
        %parallel_loop3A_154 = arith.addi %parallel_loop3A_152, %parallel_loop3A_153 : i32
        %parallel_loop3A_155 = arith.index_cast %parallel_loop3A_154 : i32 to index
        %parallel_loop3A_156 = tpu.vector_load %arg7[%parallel_loop3A_155] {strides = array<i32>} : memref<16384xf32, #tpu.memory_space<vmem>>, vector<16xf32>,
        tpu.vector_store %arg7[%parallel_loop3A_155], %parallel_loop3A_150 {strides = array<i32>} : memref<16384xf32, #tpu.memory_space<vmem>>, vector<16xf32>,
        %parallel_loop3A_157 = arith.constant 4 : i32
        %parallel_loop3A_158 = vector.broadcast %parallel_loop3A_157 : i32 to vector<16xi32>
        %parallel_loop3A_159 = arith.addi %parallel_loop3A_94, %parallel_loop3A_158 : vector<16xi32>
        %parallel_loop3A_160 = tpu.vector_load_idx %arg5[%iota3A, %parallel_loop3A_159] : memref<32x513xf32, #tpu.memory_space<vmem>>[vector<16xi32>, vector<16xi32>], vector<16xf32>,
        %parallel_loop3A_161 = arith.constant 128 : i32
        %parallel_loop3A_162 = arith.addi %parallel_loop3A_96, %parallel_loop3A_161 : i32
        %parallel_loop3A_163 = arith.index_cast %parallel_loop3A_162 : i32 to index
        %parallel_loop3A_164 = tpu.vector_load %arg7[%parallel_loop3A_163] {strides = array<i32>} : memref<16384xf32, #tpu.memory_space<vmem>>, vector<16xf32>,
        tpu.vector_store %arg7[%parallel_loop3A_163], %parallel_loop3A_160 {strides = array<i32>} : memref<16384xf32, #tpu.memory_space<vmem>>, vector<16xf32>,
        %parallel_loop3A_165 = tpu.vector_load_idx %arg5[%add3A_5, %parallel_loop3A_159] : memref<32x513xf32, #tpu.memory_space<vmem>>[vector<16xi32>, vector<16xi32>], vector<16xf32>,
        %parallel_loop3A_166 = arith.constant 128 : i32
        %parallel_loop3A_167 = arith.addi %parallel_loop3A_96, %parallel_loop3A_166 : i32
        %parallel_loop3A_168 = arith.constant 16 : i32
        %parallel_loop3A_169 = arith.addi %parallel_loop3A_167, %parallel_loop3A_168 : i32
        %parallel_loop3A_170 = arith.index_cast %parallel_loop3A_169 : i32 to index
        %parallel_loop3A_171 = tpu.vector_load %arg7[%parallel_loop3A_170] {strides = array<i32>} : memref<16384xf32, #tpu.memory_space<vmem>>, vector<16xf32>,
        tpu.vector_store %arg7[%parallel_loop3A_170], %parallel_loop3A_165 {strides = array<i32>} : memref<16384xf32, #tpu.memory_space<vmem>>, vector<16xf32>,
        %parallel_loop3A_172 = arith.constant 5 : i32
        %parallel_loop3A_173 = vector.broadcast %parallel_loop3A_172 : i32 to vector<16xi32>
        %parallel_loop3A_174 = arith.addi %parallel_loop3A_94, %parallel_loop3A_173 : vector<16xi32>
        %parallel_loop3A_175 = tpu.vector_load_idx %arg5[%iota3A, %parallel_loop3A_174] : memref<32x513xf32, #tpu.memory_space<vmem>>[vector<16xi32>, vector<16xi32>], vector<16xf32>,
        %parallel_loop3A_176 = arith.constant 160 : i32
        %parallel_loop3A_177 = arith.addi %parallel_loop3A_96, %parallel_loop3A_176 : i32
        %parallel_loop3A_178 = arith.index_cast %parallel_loop3A_177 : i32 to index
        %parallel_loop3A_179 = tpu.vector_load %arg7[%parallel_loop3A_178] {strides = array<i32>} : memref<16384xf32, #tpu.memory_space<vmem>>, vector<16xf32>,
        tpu.vector_store %arg7[%parallel_loop3A_178], %parallel_loop3A_175 {strides = array<i32>} : memref<16384xf32, #tpu.memory_space<vmem>>, vector<16xf32>,
        %parallel_loop3A_180 = tpu.vector_load_idx %arg5[%add3A_5, %parallel_loop3A_174] : memref<32x513xf32, #tpu.memory_space<vmem>>[vector<16xi32>, vector<16xi32>], vector<16xf32>,
        %parallel_loop3A_181 = arith.constant 160 : i32
        %parallel_loop3A_182 = arith.addi %parallel_loop3A_96, %parallel_loop3A_181 : i32
        %parallel_loop3A_183 = arith.constant 16 : i32
        %parallel_loop3A_184 = arith.addi %parallel_loop3A_182, %parallel_loop3A_183 : i32
        %parallel_loop3A_185 = arith.index_cast %parallel_loop3A_184 : i32 to index
        %parallel_loop3A_186 = tpu.vector_load %arg7[%parallel_loop3A_185] {strides = array<i32>} : memref<16384xf32, #tpu.memory_space<vmem>>, vector<16xf32>,
        tpu.vector_store %arg7[%parallel_loop3A_185], %parallel_loop3A_180 {strides = array<i32>} : memref<16384xf32, #tpu.memory_space<vmem>>, vector<16xf32>,
        %parallel_loop3A_187 = arith.constant 6 : i32
        %parallel_loop3A_188 = vector.broadcast %parallel_loop3A_187 : i32 to vector<16xi32>
        %parallel_loop3A_189 = arith.addi %parallel_loop3A_94, %parallel_loop3A_188 : vector<16xi32>
        %parallel_loop3A_190 = tpu.vector_load_idx %arg5[%iota3A, %parallel_loop3A_189] : memref<32x513xf32, #tpu.memory_space<vmem>>[vector<16xi32>, vector<16xi32>], vector<16xf32>,
        %parallel_loop3A_191 = arith.constant 192 : i32
        %parallel_loop3A_192 = arith.addi %parallel_loop3A_96, %parallel_loop3A_191 : i32
        %parallel_loop3A_193 = arith.index_cast %parallel_loop3A_192 : i32 to index
        %parallel_loop3A_194 = tpu.vector_load %arg7[%parallel_loop3A_193] {strides = array<i32>} : memref<16384xf32, #tpu.memory_space<vmem>>, vector<16xf32>,
        tpu.vector_store %arg7[%parallel_loop3A_193], %parallel_loop3A_190 {strides = array<i32>} : memref<16384xf32, #tpu.memory_space<vmem>>, vector<16xf32>,
        %parallel_loop3A_195 = tpu.vector_load_idx %arg5[%add3A_5, %parallel_loop3A_189] : memref<32x513xf32, #tpu.memory_space<vmem>>[vector<16xi32>, vector<16xi32>], vector<16xf32>,
        %parallel_loop3A_196 = arith.constant 192 : i32
        %parallel_loop3A_197 = arith.addi %parallel_loop3A_96, %parallel_loop3A_196 : i32
        %parallel_loop3A_198 = arith.constant 16 : i32
        %parallel_loop3A_199 = arith.addi %parallel_loop3A_197, %parallel_loop3A_198 : i32
        %parallel_loop3A_200 = arith.index_cast %parallel_loop3A_199 : i32 to index
        %parallel_loop3A_201 = tpu.vector_load %arg7[%parallel_loop3A_200] {strides = array<i32>} : memref<16384xf32, #tpu.memory_space<vmem>>, vector<16xf32>,
        tpu.vector_store %arg7[%parallel_loop3A_200], %parallel_loop3A_195 {strides = array<i32>} : memref<16384xf32, #tpu.memory_space<vmem>>, vector<16xf32>,
        %parallel_loop3A_202 = arith.constant 7 : i32
        %parallel_loop3A_203 = vector.broadcast %parallel_loop3A_202 : i32 to vector<16xi32>
        %parallel_loop3A_204 = arith.addi %parallel_loop3A_94, %parallel_loop3A_203 : vector<16xi32>
        %parallel_loop3A_205 = tpu.vector_load_idx %arg5[%iota3A, %parallel_loop3A_204] : memref<32x513xf32, #tpu.memory_space<vmem>>[vector<16xi32>, vector<16xi32>], vector<16xf32>,
        %parallel_loop3A_206 = arith.constant 224 : i32
        %parallel_loop3A_207 = arith.addi %parallel_loop3A_96, %parallel_loop3A_206 : i32
        %parallel_loop3A_208 = arith.index_cast %parallel_loop3A_207 : i32 to index
        %parallel_loop3A_209 = tpu.vector_load %arg7[%parallel_loop3A_208] {strides = array<i32>} : memref<16384xf32, #tpu.memory_space<vmem>>, vector<16xf32>,
        tpu.vector_store %arg7[%parallel_loop3A_208], %parallel_loop3A_205 {strides = array<i32>} : memref<16384xf32, #tpu.memory_space<vmem>>, vector<16xf32>,
        %parallel_loop3A_210 = tpu.vector_load_idx %arg5[%add3A_5, %parallel_loop3A_204] : memref<32x513xf32, #tpu.memory_space<vmem>>[vector<16xi32>, vector<16xi32>], vector<16xf32>,
        %parallel_loop3A_211 = arith.constant 224 : i32
        %parallel_loop3A_212 = arith.addi %parallel_loop3A_96, %parallel_loop3A_211 : i32
        %parallel_loop3A_213 = arith.constant 16 : i32
        %parallel_loop3A_214 = arith.addi %parallel_loop3A_212, %parallel_loop3A_213 : i32
        %parallel_loop3A_215 = arith.index_cast %parallel_loop3A_214 : i32 to index
        %parallel_loop3A_216 = tpu.vector_load %arg7[%parallel_loop3A_215] {strides = array<i32>} : memref<16384xf32, #tpu.memory_space<vmem>>, vector<16xf32>,
        tpu.vector_store %arg7[%parallel_loop3A_215], %parallel_loop3A_210 {strides = array<i32>} : memref<16384xf32, #tpu.memory_space<vmem>>, vector<16xf32>,
      } {sc.loop_unroll_factor = 4 : i64, sc.parallel_access}
      %mul3A_89 = arith.constant 512 : i32
      %mul3A_90 = arith.muli %add3A_61, %mul3A_89 : i32
      %mul3A_91 = arith.constant 32 : i32
      %mul3A_92 = arith.muli %mul3A_90, %mul3A_91 : i32
      "tpu.region"() ({
        %run_scoped3A = tpu.sem_alloc : memref<!tpu.dma_semaphore, #tpu.memory_space<semaphore_mem>>
        %dma_start3A_93 = tpu.memref_slice %arg3[%mul3A_92] : memref<32000000xf32, #tpu.memory_space<hbm>> -> memref<16384xf32, #tpu.memory_space<hbm>>
        %dma_start3A_94 = tpu.memref_slice %arg3[%mul3A_92] : memref<32000000xf32, #tpu.memory_space<hbm>> -> memref<16384xf32, #tpu.memory_space<hbm>>
        tpu.enqueue_dma source(%arg7 : memref<16384xf32, #tpu.memory_space<vmem>>) target(%dma_start3A_94 : memref<16384xf32, #tpu.memory_space<hbm>>) target_semaphore(%run_scoped3A : memref<!tpu.dma_semaphore, #tpu.memory_space<semaphore_mem>>)
        %dma_wait3A_95 = tpu.memref_slice %arg3[%mul3A_92] : memref<32000000xf32, #tpu.memory_space<hbm>> -> memref<16384xf32, #tpu.memory_space<hbm>>
        %dma_wait3A_96 = tpu.memref_slice %arg3[%mul3A_92] : memref<32000000xf32, #tpu.memory_space<hbm>> -> memref<16384xf32, #tpu.memory_space<hbm>>
        tpu.wait_dma2 semaphore(%run_scoped3A : memref<!tpu.dma_semaphore, #tpu.memory_space<semaphore_mem>>) src(%arg7 : memref<16384xf32, #tpu.memory_space<vmem>>) dst(%dma_wait3A_96 : memref<16384xf32, #tpu.memory_space<hbm>>)
        tpu.yield
      }) : () -> ()
    } else {
    }
    %eq3A = arith.constant 31 : i32
    %eq3A_56 = arith.cmpi eq, %add3A, %eq3A : i32
    %convert_element_type3A_57 = arith.extui %eq3A_56 : i1 to i32
    %cond3A_58 = arith.constant 0 : i32
    %cond3A_59 = arith.cmpi ne, %convert_element_type3A_57, %cond3A_58 : i32
    scf.if %cond3A_59 {
      "tpu.region"() ({
        %run_scoped3A = tpu.sem_alloc : memref<!tpu.dma_semaphore, #tpu.memory_space<semaphore_mem>>
        %dma_start3A_66 = arith.constant 0 : i32
        %dma_start3A_67 = arith.constant 999936 : i32
        %dma_start3A_68 = tpu.memref_slice %arg2[%dma_start3A_66, %dma_start3A_67] : memref<32x1000000xf32, #tpu.memory_space<hbm>> -> memref<32x64xf32, #tpu.memory_space<hbm>>
        %dma_start3A_69 = arith.constant 0 : i32
        %dma_start3A_70 = arith.constant 999936 : i32
        %dma_start3A_71 = tpu.memref_slice %arg2[%dma_start3A_69, %dma_start3A_70] : memref<32x1000000xf32, #tpu.memory_space<hbm>> -> memref<32x64xf32, #tpu.memory_space<hbm>>
        tpu.enqueue_dma source(%dma_start3A_71 : memref<32x64xf32, #tpu.memory_space<hbm>>) target(%arg8 : memref<32x64xf32, #tpu.memory_space<vmem>>) target_semaphore(%run_scoped3A : memref<!tpu.dma_semaphore, #tpu.memory_space<semaphore_mem>>)
        %dma_wait3A_72 = arith.constant 0 : i32
        %dma_wait3A_73 = arith.constant 999936 : i32
        %dma_wait3A_74 = tpu.memref_slice %arg2[%dma_wait3A_72, %dma_wait3A_73] : memref<32x1000000xf32, #tpu.memory_space<hbm>> -> memref<32x64xf32, #tpu.memory_space<hbm>>
        %dma_wait3A_75 = arith.constant 0 : i32
        %dma_wait3A_76 = arith.constant 999936 : i32
        %dma_wait3A_77 = tpu.memref_slice %arg2[%dma_wait3A_75, %dma_wait3A_76] : memref<32x1000000xf32, #tpu.memory_space<hbm>> -> memref<32x64xf32, #tpu.memory_space<hbm>>
        tpu.wait_dma2 semaphore(%run_scoped3A : memref<!tpu.dma_semaphore, #tpu.memory_space<semaphore_mem>>) src(%dma_wait3A_77 : memref<32x64xf32, #tpu.memory_space<hbm>>) dst(%arg8 : memref<32x64xf32, #tpu.memory_space<vmem>>)
        tpu.yield
      }) : () -> ()
      %scan3A_60 = arith.constant 0 : i32
      %scan3A_61 = arith.constant 0 : i32
      %scan3A_62 = arith.constant 64 : i32
      %scan3A_63 = arith.addi %scan3A_61, %scan3A_62 : i32
      %scan3A_64 = arith.constant 1 : i32
      scf.for %scan3A_66 = %scan3A_61 to %scan3A_63 step %scan3A_64  : i32 {
        %broadcast_in_dim3A = vector.broadcast %scan3A_66 : i32 to vector<16xi32>
        %gather3A = tpu.vector_load_idx %arg8[%iota3A, %broadcast_in_dim3A] : memref<32x64xf32, #tpu.memory_space<vmem>>[vector<16xi32>, vector<16xi32>], vector<16xf32>,
        %mul3A_67 = arith.constant 32 : i32
        %mul3A_68 = arith.muli %scan3A_66, %mul3A_67 : i32
        %swap3A = arith.index_cast %mul3A_68 : i32 to index
        %swap3A_69 = tpu.vector_load %arg9[%swap3A] {strides = array<i32>} : memref<2048xf32, #tpu.memory_space<vmem>>, vector<16xf32>,
        tpu.vector_store %arg9[%swap3A], %gather3A {strides = array<i32>} : memref<2048xf32, #tpu.memory_space<vmem>>, vector<16xf32>,
        %gather3A_70 = tpu.vector_load_idx %arg8[%add3A_5, %broadcast_in_dim3A] : memref<32x64xf32, #tpu.memory_space<vmem>>[vector<16xi32>, vector<16xi32>], vector<16xf32>,
        %mul3A_71 = arith.constant 32 : i32
        %mul3A_72 = arith.muli %scan3A_66, %mul3A_71 : i32
        %add3A_73 = arith.constant 16 : i32
        %add3A_74 = arith.addi %mul3A_72, %add3A_73 : i32
        %swap3A_75 = arith.index_cast %add3A_74 : i32 to index
        %swap3A_76 = tpu.vector_load %arg9[%swap3A_75] {strides = array<i32>} : memref<2048xf32, #tpu.memory_space<vmem>>, vector<16xf32>,
        tpu.vector_store %arg9[%swap3A_75], %gather3A_70 {strides = array<i32>} : memref<2048xf32, #tpu.memory_space<vmem>>, vector<16xf32>,
      }
      %scan3A_65 = arith.constant 64 : i32
      "tpu.region"() ({
        %run_scoped3A = tpu.sem_alloc : memref<!tpu.dma_semaphore, #tpu.memory_space<semaphore_mem>>
        %dma_start3A_66 = arith.constant 31997952 : i32
        %dma_start3A_67 = tpu.memref_slice %arg3[%dma_start3A_66] : memref<32000000xf32, #tpu.memory_space<hbm>> -> memref<2048xf32, #tpu.memory_space<hbm>>
        %dma_start3A_68 = arith.constant 31997952 : i32
        %dma_start3A_69 = tpu.memref_slice %arg3[%dma_start3A_68] : memref<32000000xf32, #tpu.memory_space<hbm>> -> memref<2048xf32, #tpu.memory_space<hbm>>
        tpu.enqueue_dma source(%arg9 : memref<2048xf32, #tpu.memory_space<vmem>>) target(%dma_start3A_69 : memref<2048xf32, #tpu.memory_space<hbm>>) target_semaphore(%run_scoped3A : memref<!tpu.dma_semaphore, #tpu.memory_space<semaphore_mem>>)
        %dma_wait3A_70 = arith.constant 31997952 : i32
        %dma_wait3A_71 = tpu.memref_slice %arg3[%dma_wait3A_70] : memref<32000000xf32, #tpu.memory_space<hbm>> -> memref<2048xf32, #tpu.memory_space<hbm>>
        %dma_wait3A_72 = arith.constant 31997952 : i32
        %dma_wait3A_73 = tpu.memref_slice %arg3[%dma_wait3A_72] : memref<32000000xf32, #tpu.memory_space<hbm>> -> memref<2048xf32, #tpu.memory_space<hbm>>
        tpu.wait_dma2 semaphore(%run_scoped3A : memref<!tpu.dma_semaphore, #tpu.memory_space<semaphore_mem>>) src(%arg9 : memref<2048xf32, #tpu.memory_space<vmem>>) dst(%dma_wait3A_73 : memref<2048xf32, #tpu.memory_space<hbm>>)
        tpu.yield
      }) : () -> ()
    } else {
    }
    return
  }
}

#map = affine_map<(d0, d1) -> (0)>
#map1 = affine_map<(d0, d1) -> (0, 0)>
module attributes {stable_mosaic.version = 14 : i64} {
  func.func @k(%arg0: i32, %arg1: i32, %arg2: memref<819200xi32, #tpu.memory_space<hbm>>, %arg3: memref<1000000x32xf32, #tpu.memory_space<hbm>>, %arg4: memref<819200x32xf32, #tpu.memory_space<hbm>>, %arg5: memref<2x1280xi32, #tpu.memory_space<vmem>>, %arg6: memref<2x1280x32xf32, #tpu.memory_space<vmem>>, %arg7: memref<!tpu.dma_semaphore, #tpu.memory_space<semaphore_mem>>) attributes {dimension_semantics = [#tpu.dimension_semantics<core_parallel>, #tpu.dimension_semantics<subcore_parallel>], iteration_bounds = array<i64: 2, 16>, scalar_prefetch = 0 : i64, scratch_operands = 3 : i64, tpu.core_type = #tpu.core_type<sc_vector_subcore>, window_params = [{transform_indices = #map}, {transform_indices = #map1}, {transform_indices = #map1}]} {
    %mul3A = arith.constant 2 : i32
    %mul3A_0 = arith.muli %arg1, %mul3A : i32
    %add3A = arith.addi %mul3A_0, %arg0 : i32
    %mul3A_1 = arith.constant 25600 : i32
    %mul3A_2 = arith.muli %add3A, %mul3A_1 : i32
    %add3A_3 = arith.constant 0 : i32
    %add3A_4 = arith.addi %mul3A_2, %add3A_3 : i32
    %run_scoped3A = arith.constant 0 : i32
    "tpu.region"() ({
      %run_scoped3A_21 = tpu.sem_alloc : memref<!tpu.dma_semaphore, #tpu.memory_space<semaphore_mem>>
      %dma_start3A_22 = arith.constant 0 : i32
      %dma_start3A_23 = tpu.memref_slice %arg5[%run_scoped3A, %dma_start3A_22] : memref<2x1280xi32, #tpu.memory_space<vmem>> -> memref<1x1280xi32, #tpu.memory_space<vmem>>
      %dma_start3A_24 = tpu.memref_squeeze %dma_start3A_23 : memref<1x1280xi32, #tpu.memory_space<vmem>> -> memref<1280xi32, #tpu.memory_space<vmem>>
      %dma_start3A_25 = tpu.memref_slice %arg2[%add3A_4] : memref<819200xi32, #tpu.memory_space<hbm>> -> memref<1280xi32, #tpu.memory_space<hbm>>
      %dma_start3A_26 = arith.constant 0 : i32
      %dma_start3A_27 = tpu.memref_slice %arg5[%run_scoped3A, %dma_start3A_26] : memref<2x1280xi32, #tpu.memory_space<vmem>> -> memref<1x1280xi32, #tpu.memory_space<vmem>>
      %dma_start3A_28 = tpu.memref_squeeze %dma_start3A_27 : memref<1x1280xi32, #tpu.memory_space<vmem>> -> memref<1280xi32, #tpu.memory_space<vmem>>
      %dma_start3A_29 = tpu.memref_slice %arg2[%add3A_4] : memref<819200xi32, #tpu.memory_space<hbm>> -> memref<1280xi32, #tpu.memory_space<hbm>>
      tpu.enqueue_dma source(%dma_start3A_29 : memref<1280xi32, #tpu.memory_space<hbm>>) target(%dma_start3A_28 : memref<1280xi32, #tpu.memory_space<vmem>>) target_semaphore(%run_scoped3A_21 : memref<!tpu.dma_semaphore, #tpu.memory_space<semaphore_mem>>)
      %dma_wait3A = arith.constant 0 : i32
      %dma_wait3A_30 = tpu.memref_slice %arg5[%run_scoped3A, %dma_wait3A] : memref<2x1280xi32, #tpu.memory_space<vmem>> -> memref<1x1280xi32, #tpu.memory_space<vmem>>
      %dma_wait3A_31 = tpu.memref_squeeze %dma_wait3A_30 : memref<1x1280xi32, #tpu.memory_space<vmem>> -> memref<1280xi32, #tpu.memory_space<vmem>>
      %dma_wait3A_32 = tpu.memref_slice %arg2[%add3A_4] : memref<819200xi32, #tpu.memory_space<hbm>> -> memref<1280xi32, #tpu.memory_space<hbm>>
      %dma_wait3A_33 = arith.constant 0 : i32
      %dma_wait3A_34 = tpu.memref_slice %arg5[%run_scoped3A, %dma_wait3A_33] : memref<2x1280xi32, #tpu.memory_space<vmem>> -> memref<1x1280xi32, #tpu.memory_space<vmem>>
      %dma_wait3A_35 = tpu.memref_squeeze %dma_wait3A_34 : memref<1x1280xi32, #tpu.memory_space<vmem>> -> memref<1280xi32, #tpu.memory_space<vmem>>
      %dma_wait3A_36 = tpu.memref_slice %arg2[%add3A_4] : memref<819200xi32, #tpu.memory_space<hbm>> -> memref<1280xi32, #tpu.memory_space<hbm>>
      tpu.wait_dma2 semaphore(%run_scoped3A_21 : memref<!tpu.dma_semaphore, #tpu.memory_space<semaphore_mem>>) src(%dma_wait3A_36 : memref<1280xi32, #tpu.memory_space<hbm>>) dst(%dma_wait3A_35 : memref<1280xi32, #tpu.memory_space<vmem>>)
      tpu.yield
    }) : () -> ()
    %dma_start3A = arith.constant 0 : i32
    %dma_start3A_5 = arith.constant 0 : i32
    %dma_start3A_6 = arith.constant 0 : i32
    %dma_start3A_7 = arith.constant 0 : i32
    %dma_start3A_8 = tpu.memref_slice %arg6[%dma_start3A_5, %dma_start3A_6, %dma_start3A_7] : memref<2x1280x32xf32, #tpu.memory_space<vmem>> -> memref<1x1280x32xf32, #tpu.memory_space<vmem>>
    %dma_start3A_9 = tpu.memref_squeeze %dma_start3A_8 : memref<1x1280x32xf32, #tpu.memory_space<vmem>> -> memref<1280x32xf32, #tpu.memory_space<vmem>>
    %dma_start3A_10 = arith.constant 0 : i32
    %dma_start3A_11 = tpu.memref_slice %arg5[%dma_start3A, %dma_start3A_10] : memref<2x1280xi32, #tpu.memory_space<vmem>> -> memref<1x1280xi32, #tpu.memory_space<vmem>>
    %dma_start3A_12 = tpu.memref_squeeze %dma_start3A_11 : memref<1x1280xi32, #tpu.memory_space<vmem>> -> memref<1280xi32, #tpu.memory_space<vmem>>
    %dma_start3A_13 = arith.constant 0 : i32
    %dma_start3A_14 = arith.constant 0 : i32
    %dma_start3A_15 = tpu.memref_slice %arg3[%dma_start3A_13, %dma_start3A_14] : memref<1000000x32xf32, #tpu.memory_space<hbm>> -> memref<1000000x32xf32, #tpu.memory_space<hbm>>
    tpu.enqueue_indirect_dma source(%dma_start3A_15 : memref<1000000x32xf32, #tpu.memory_space<hbm>>) target(%dma_start3A_9 : memref<1280x32xf32, #tpu.memory_space<vmem>>) offsets(%dma_start3A_12 : memref<1280xi32, #tpu.memory_space<vmem>>) semaphore(%arg7 : memref<!tpu.dma_semaphore, #tpu.memory_space<semaphore_mem>>)
    %scan3A = arith.constant 0 : i32
    %scan3A_16 = arith.constant 0 : i32
    %scan3A_17 = arith.constant 10 : i32
    %scan3A_18 = arith.addi %scan3A_16, %scan3A_17 : i32
    %scan3A_19 = arith.constant 1 : i32
    scf.for %scan3A_21 = %scan3A_16 to %scan3A_18 step %scan3A_19  : i32 {
      %mul3A_22 = arith.constant 2 : i32
      %mul3A_23 = arith.muli %mul3A_22, %scan3A_21 : i32
      %add3A_24 = arith.constant 1 : i32
      %add3A_25 = arith.addi %mul3A_23, %add3A_24 : i32
      %mul3A_26 = arith.constant 1280 : i32
      %mul3A_27 = arith.muli %add3A_25, %mul3A_26 : i32
      %add3A_28 = arith.addi %mul3A_2, %mul3A_27 : i32
      %run_scoped3A_29 = arith.constant 1 : i32
      "tpu.region"() ({
        %run_scoped3A_81 = tpu.sem_alloc : memref<!tpu.dma_semaphore, #tpu.memory_space<semaphore_mem>>
        %dma_start3A_82 = arith.constant 0 : i32
        %dma_start3A_83 = tpu.memref_slice %arg5[%run_scoped3A_29, %dma_start3A_82] : memref<2x1280xi32, #tpu.memory_space<vmem>> -> memref<1x1280xi32, #tpu.memory_space<vmem>>
        %dma_start3A_84 = tpu.memref_squeeze %dma_start3A_83 : memref<1x1280xi32, #tpu.memory_space<vmem>> -> memref<1280xi32, #tpu.memory_space<vmem>>
        %dma_start3A_85 = tpu.memref_slice %arg2[%add3A_28] : memref<819200xi32, #tpu.memory_space<hbm>> -> memref<1280xi32, #tpu.memory_space<hbm>>
        %dma_start3A_86 = arith.constant 0 : i32
        %dma_start3A_87 = tpu.memref_slice %arg5[%run_scoped3A_29, %dma_start3A_86] : memref<2x1280xi32, #tpu.memory_space<vmem>> -> memref<1x1280xi32, #tpu.memory_space<vmem>>
        %dma_start3A_88 = tpu.memref_squeeze %dma_start3A_87 : memref<1x1280xi32, #tpu.memory_space<vmem>> -> memref<1280xi32, #tpu.memory_space<vmem>>
        %dma_start3A_89 = tpu.memref_slice %arg2[%add3A_28] : memref<819200xi32, #tpu.memory_space<hbm>> -> memref<1280xi32, #tpu.memory_space<hbm>>
        tpu.enqueue_dma source(%dma_start3A_89 : memref<1280xi32, #tpu.memory_space<hbm>>) target(%dma_start3A_88 : memref<1280xi32, #tpu.memory_space<vmem>>) target_semaphore(%run_scoped3A_81 : memref<!tpu.dma_semaphore, #tpu.memory_space<semaphore_mem>>)
        %dma_wait3A_90 = arith.constant 0 : i32
        %dma_wait3A_91 = tpu.memref_slice %arg5[%run_scoped3A_29, %dma_wait3A_90] : memref<2x1280xi32, #tpu.memory_space<vmem>> -> memref<1x1280xi32, #tpu.memory_space<vmem>>
        %dma_wait3A_92 = tpu.memref_squeeze %dma_wait3A_91 : memref<1x1280xi32, #tpu.memory_space<vmem>> -> memref<1280xi32, #tpu.memory_space<vmem>>
        %dma_wait3A_93 = tpu.memref_slice %arg2[%add3A_28] : memref<819200xi32, #tpu.memory_space<hbm>> -> memref<1280xi32, #tpu.memory_space<hbm>>
        %dma_wait3A_94 = arith.constant 0 : i32
        %dma_wait3A_95 = tpu.memref_slice %arg5[%run_scoped3A_29, %dma_wait3A_94] : memref<2x1280xi32, #tpu.memory_space<vmem>> -> memref<1x1280xi32, #tpu.memory_space<vmem>>
        %dma_wait3A_96 = tpu.memref_squeeze %dma_wait3A_95 : memref<1x1280xi32, #tpu.memory_space<vmem>> -> memref<1280xi32, #tpu.memory_space<vmem>>
        %dma_wait3A_97 = tpu.memref_slice %arg2[%add3A_28] : memref<819200xi32, #tpu.memory_space<hbm>> -> memref<1280xi32, #tpu.memory_space<hbm>>
        tpu.wait_dma2 semaphore(%run_scoped3A_81 : memref<!tpu.dma_semaphore, #tpu.memory_space<semaphore_mem>>) src(%dma_wait3A_97 : memref<1280xi32, #tpu.memory_space<hbm>>) dst(%dma_wait3A_96 : memref<1280xi32, #tpu.memory_space<vmem>>)
        tpu.yield
      }) : () -> ()
      %dma_start3A_30 = arith.constant 1 : i32
      %dma_start3A_31 = arith.constant 1 : i32
      %dma_start3A_32 = arith.constant 0 : i32
      %dma_start3A_33 = arith.constant 0 : i32
      %dma_start3A_34 = tpu.memref_slice %arg6[%dma_start3A_31, %dma_start3A_32, %dma_start3A_33] : memref<2x1280x32xf32, #tpu.memory_space<vmem>> -> memref<1x1280x32xf32, #tpu.memory_space<vmem>>
      %dma_start3A_35 = tpu.memref_squeeze %dma_start3A_34 : memref<1x1280x32xf32, #tpu.memory_space<vmem>> -> memref<1280x32xf32, #tpu.memory_space<vmem>>
      %dma_start3A_36 = arith.constant 0 : i32
      %dma_start3A_37 = tpu.memref_slice %arg5[%dma_start3A_30, %dma_start3A_36] : memref<2x1280xi32, #tpu.memory_space<vmem>> -> memref<1x1280xi32, #tpu.memory_space<vmem>>
      %dma_start3A_38 = tpu.memref_squeeze %dma_start3A_37 : memref<1x1280xi32, #tpu.memory_space<vmem>> -> memref<1280xi32, #tpu.memory_space<vmem>>
      %dma_start3A_39 = arith.constant 0 : i32
      %dma_start3A_40 = arith.constant 0 : i32
      %dma_start3A_41 = tpu.memref_slice %arg3[%dma_start3A_39, %dma_start3A_40] : memref<1000000x32xf32, #tpu.memory_space<hbm>> -> memref<1000000x32xf32, #tpu.memory_space<hbm>>
      tpu.enqueue_indirect_dma source(%dma_start3A_41 : memref<1000000x32xf32, #tpu.memory_space<hbm>>) target(%dma_start3A_35 : memref<1280x32xf32, #tpu.memory_space<vmem>>) offsets(%dma_start3A_38 : memref<1280xi32, #tpu.memory_space<vmem>>) semaphore(%arg7 : memref<!tpu.dma_semaphore, #tpu.memory_space<semaphore_mem>>)
      %mul3A_42 = arith.constant 2 : i32
      %mul3A_43 = arith.muli %mul3A_42, %scan3A_21 : i32
      %dma_wait3A = arith.constant 0 : i32
      %dma_wait3A_44 = arith.constant 0 : i32
      %dma_wait3A_45 = arith.constant 0 : i32
      %dma_wait3A_46 = arith.constant 0 : i32
      %dma_wait3A_47 = tpu.memref_slice %arg6[%dma_wait3A_44, %dma_wait3A_45, %dma_wait3A_46] : memref<2x1280x32xf32, #tpu.memory_space<vmem>> -> memref<1x1280x32xf32, #tpu.memory_space<vmem>>
      %dma_wait3A_48 = tpu.memref_squeeze %dma_wait3A_47 : memref<1x1280x32xf32, #tpu.memory_space<vmem>> -> memref<1280x32xf32, #tpu.memory_space<vmem>>
      %dma_wait3A_49 = arith.constant 0 : i32
      %dma_wait3A_50 = tpu.memref_slice %arg5[%dma_wait3A, %dma_wait3A_49] : memref<2x1280xi32, #tpu.memory_space<vmem>> -> memref<1x1280xi32, #tpu.memory_space<vmem>>
      %dma_wait3A_51 = tpu.memref_squeeze %dma_wait3A_50 : memref<1x1280xi32, #tpu.memory_space<vmem>> -> memref<1280xi32, #tpu.memory_space<vmem>>
      %dma_wait3A_52 = arith.constant 0 : i32
      %dma_wait3A_53 = arith.constant 0 : i32
      %dma_wait3A_54 = tpu.memref_slice %arg3[%dma_wait3A_52, %dma_wait3A_53] : memref<1000000x32xf32, #tpu.memory_space<hbm>> -> memref<1000000x32xf32, #tpu.memory_space<hbm>>
      tpu.wait_indirect_dma semaphore(%arg7 : memref<!tpu.dma_semaphore, #tpu.memory_space<semaphore_mem>>) src(%dma_wait3A_54 : memref<1000000x32xf32, #tpu.memory_space<hbm>>) dst(%dma_wait3A_48 : memref<1280x32xf32, #tpu.memory_space<vmem>>)
      %mul3A_55 = arith.constant 1280 : i32
      %mul3A_56 = arith.muli %mul3A_43, %mul3A_55 : i32
      %add3A_57 = arith.addi %mul3A_2, %mul3A_56 : i32
      %run_scoped3A_58 = arith.constant 0 : i32
      "tpu.region"() ({
        %run_scoped3A_81 = tpu.sem_alloc : memref<!tpu.dma_semaphore, #tpu.memory_space<semaphore_mem>>
        %dma_start3A_82 = arith.constant 0 : i32
        %dma_start3A_83 = arith.constant 0 : i32
        %dma_start3A_84 = tpu.memref_slice %arg6[%run_scoped3A_58, %dma_start3A_82, %dma_start3A_83] : memref<2x1280x32xf32, #tpu.memory_space<vmem>> -> memref<1x1280x32xf32, #tpu.memory_space<vmem>>
        %dma_start3A_85 = tpu.memref_squeeze %dma_start3A_84 : memref<1x1280x32xf32, #tpu.memory_space<vmem>> -> memref<1280x32xf32, #tpu.memory_space<vmem>>
        %dma_start3A_86 = arith.constant 0 : i32
        %dma_start3A_87 = tpu.memref_slice %arg4[%add3A_57, %dma_start3A_86] : memref<819200x32xf32, #tpu.memory_space<hbm>> -> memref<1280x32xf32, #tpu.memory_space<hbm>>
        %dma_start3A_88 = arith.constant 0 : i32
        %dma_start3A_89 = tpu.memref_slice %arg4[%add3A_57, %dma_start3A_88] : memref<819200x32xf32, #tpu.memory_space<hbm>> -> memref<1280x32xf32, #tpu.memory_space<hbm>>
        %dma_start3A_90 = arith.constant 0 : i32
        %dma_start3A_91 = arith.constant 0 : i32
        %dma_start3A_92 = tpu.memref_slice %arg6[%run_scoped3A_58, %dma_start3A_90, %dma_start3A_91] : memref<2x1280x32xf32, #tpu.memory_space<vmem>> -> memref<1x1280x32xf32, #tpu.memory_space<vmem>>
        %dma_start3A_93 = tpu.memref_squeeze %dma_start3A_92 : memref<1x1280x32xf32, #tpu.memory_space<vmem>> -> memref<1280x32xf32, #tpu.memory_space<vmem>>
        tpu.enqueue_dma source(%dma_start3A_93 : memref<1280x32xf32, #tpu.memory_space<vmem>>) target(%dma_start3A_89 : memref<1280x32xf32, #tpu.memory_space<hbm>>) target_semaphore(%run_scoped3A_81 : memref<!tpu.dma_semaphore, #tpu.memory_space<semaphore_mem>>)
        %dma_wait3A_94 = arith.constant 0 : i32
        %dma_wait3A_95 = arith.constant 0 : i32
        %dma_wait3A_96 = tpu.memref_slice %arg6[%run_scoped3A_58, %dma_wait3A_94, %dma_wait3A_95] : memref<2x1280x32xf32, #tpu.memory_space<vmem>> -> memref<1x1280x32xf32, #tpu.memory_space<vmem>>
        %dma_wait3A_97 = tpu.memref_squeeze %dma_wait3A_96 : memref<1x1280x32xf32, #tpu.memory_space<vmem>> -> memref<1280x32xf32, #tpu.memory_space<vmem>>
        %dma_wait3A_98 = arith.constant 0 : i32
        %dma_wait3A_99 = tpu.memref_slice %arg4[%add3A_57, %dma_wait3A_98] : memref<819200x32xf32, #tpu.memory_space<hbm>> -> memref<1280x32xf32, #tpu.memory_space<hbm>>
        %dma_wait3A_100 = arith.constant 0 : i32
        %dma_wait3A_101 = tpu.memref_slice %arg4[%add3A_57, %dma_wait3A_100] : memref<819200x32xf32, #tpu.memory_space<hbm>> -> memref<1280x32xf32, #tpu.memory_space<hbm>>
        %dma_wait3A_102 = arith.constant 0 : i32
        %dma_wait3A_103 = arith.constant 0 : i32
        %dma_wait3A_104 = tpu.memref_slice %arg6[%run_scoped3A_58, %dma_wait3A_102, %dma_wait3A_103] : memref<2x1280x32xf32, #tpu.memory_space<vmem>> -> memref<1x1280x32xf32, #tpu.memory_space<vmem>>
        %dma_wait3A_105 = tpu.memref_squeeze %dma_wait3A_104 : memref<1x1280x32xf32, #tpu.memory_space<vmem>> -> memref<1280x32xf32, #tpu.memory_space<vmem>>
        tpu.wait_dma2 semaphore(%run_scoped3A_81 : memref<!tpu.dma_semaphore, #tpu.memory_space<semaphore_mem>>) src(%dma_wait3A_105 : memref<1280x32xf32, #tpu.memory_space<vmem>>) dst(%dma_wait3A_101 : memref<1280x32xf32, #tpu.memory_space<hbm>>)
        tpu.yield
      }) : () -> ()
      %lt3A = arith.constant 9 : i32
      %lt3A_59 = arith.cmpi slt, %scan3A_21, %lt3A : i32
      %convert_element_type3A = arith.extui %lt3A_59 : i1 to i32
      %cond3A = arith.constant 0 : i32
      %cond3A_60 = arith.cmpi ne, %convert_element_type3A, %cond3A : i32
      scf.if %cond3A_60 {
        %mul3A_81 = arith.constant 2 : i32
        %mul3A_82 = arith.muli %mul3A_81, %scan3A_21 : i32
        %add3A_83 = arith.constant 2 : i32
        %add3A_84 = arith.addi %mul3A_82, %add3A_83 : i32
        %mul3A_85 = arith.constant 1280 : i32
        %mul3A_86 = arith.muli %add3A_84, %mul3A_85 : i32
        %add3A_87 = arith.addi %mul3A_2, %mul3A_86 : i32
        %run_scoped3A_88 = arith.constant 0 : i32
        "tpu.region"() ({
          %run_scoped3A_101 = tpu.sem_alloc : memref<!tpu.dma_semaphore, #tpu.memory_space<semaphore_mem>>
          %dma_start3A_102 = arith.constant 0 : i32
          %dma_start3A_103 = tpu.memref_slice %arg5[%run_scoped3A_88, %dma_start3A_102] : memref<2x1280xi32, #tpu.memory_space<vmem>> -> memref<1x1280xi32, #tpu.memory_space<vmem>>
          %dma_start3A_104 = tpu.memref_squeeze %dma_start3A_103 : memref<1x1280xi32, #tpu.memory_space<vmem>> -> memref<1280xi32, #tpu.memory_space<vmem>>
          %dma_start3A_105 = tpu.memref_slice %arg2[%add3A_87] : memref<819200xi32, #tpu.memory_space<hbm>> -> memref<1280xi32, #tpu.memory_space<hbm>>
          %dma_start3A_106 = arith.constant 0 : i32
          %dma_start3A_107 = tpu.memref_slice %arg5[%run_scoped3A_88, %dma_start3A_106] : memref<2x1280xi32, #tpu.memory_space<vmem>> -> memref<1x1280xi32, #tpu.memory_space<vmem>>
          %dma_start3A_108 = tpu.memref_squeeze %dma_start3A_107 : memref<1x1280xi32, #tpu.memory_space<vmem>> -> memref<1280xi32, #tpu.memory_space<vmem>>
          %dma_start3A_109 = tpu.memref_slice %arg2[%add3A_87] : memref<819200xi32, #tpu.memory_space<hbm>> -> memref<1280xi32, #tpu.memory_space<hbm>>
          tpu.enqueue_dma source(%dma_start3A_109 : memref<1280xi32, #tpu.memory_space<hbm>>) target(%dma_start3A_108 : memref<1280xi32, #tpu.memory_space<vmem>>) target_semaphore(%run_scoped3A_101 : memref<!tpu.dma_semaphore, #tpu.memory_space<semaphore_mem>>)
          %dma_wait3A_110 = arith.constant 0 : i32
          %dma_wait3A_111 = tpu.memref_slice %arg5[%run_scoped3A_88, %dma_wait3A_110] : memref<2x1280xi32, #tpu.memory_space<vmem>> -> memref<1x1280xi32, #tpu.memory_space<vmem>>
          %dma_wait3A_112 = tpu.memref_squeeze %dma_wait3A_111 : memref<1x1280xi32, #tpu.memory_space<vmem>> -> memref<1280xi32, #tpu.memory_space<vmem>>
          %dma_wait3A_113 = tpu.memref_slice %arg2[%add3A_87] : memref<819200xi32, #tpu.memory_space<hbm>> -> memref<1280xi32, #tpu.memory_space<hbm>>
          %dma_wait3A_114 = arith.constant 0 : i32
          %dma_wait3A_115 = tpu.memref_slice %arg5[%run_scoped3A_88, %dma_wait3A_114] : memref<2x1280xi32, #tpu.memory_space<vmem>> -> memref<1x1280xi32, #tpu.memory_space<vmem>>
          %dma_wait3A_116 = tpu.memref_squeeze %dma_wait3A_115 : memref<1x1280xi32, #tpu.memory_space<vmem>> -> memref<1280xi32, #tpu.memory_space<vmem>>
          %dma_wait3A_117 = tpu.memref_slice %arg2[%add3A_87] : memref<819200xi32, #tpu.memory_space<hbm>> -> memref<1280xi32, #tpu.memory_space<hbm>>
          tpu.wait_dma2 semaphore(%run_scoped3A_101 : memref<!tpu.dma_semaphore, #tpu.memory_space<semaphore_mem>>) src(%dma_wait3A_117 : memref<1280xi32, #tpu.memory_space<hbm>>) dst(%dma_wait3A_116 : memref<1280xi32, #tpu.memory_space<vmem>>)
          tpu.yield
        }) : () -> ()
        %dma_start3A_89 = arith.constant 0 : i32
        %dma_start3A_90 = arith.constant 0 : i32
        %dma_start3A_91 = arith.constant 0 : i32
        %dma_start3A_92 = arith.constant 0 : i32
        %dma_start3A_93 = tpu.memref_slice %arg6[%dma_start3A_90, %dma_start3A_91, %dma_start3A_92] : memref<2x1280x32xf32, #tpu.memory_space<vmem>> -> memref<1x1280x32xf32, #tpu.memory_space<vmem>>
        %dma_start3A_94 = tpu.memref_squeeze %dma_start3A_93 : memref<1x1280x32xf32, #tpu.memory_space<vmem>> -> memref<1280x32xf32, #tpu.memory_space<vmem>>
        %dma_start3A_95 = arith.constant 0 : i32
        %dma_start3A_96 = tpu.memref_slice %arg5[%dma_start3A_89, %dma_start3A_95] : memref<2x1280xi32, #tpu.memory_space<vmem>> -> memref<1x1280xi32, #tpu.memory_space<vmem>>
        %dma_start3A_97 = tpu.memref_squeeze %dma_start3A_96 : memref<1x1280xi32, #tpu.memory_space<vmem>> -> memref<1280xi32, #tpu.memory_space<vmem>>
        %dma_start3A_98 = arith.constant 0 : i32
        %dma_start3A_99 = arith.constant 0 : i32
        %dma_start3A_100 = tpu.memref_slice %arg3[%dma_start3A_98, %dma_start3A_99] : memref<1000000x32xf32, #tpu.memory_space<hbm>> -> memref<1000000x32xf32, #tpu.memory_space<hbm>>
        tpu.enqueue_indirect_dma source(%dma_start3A_100 : memref<1000000x32xf32, #tpu.memory_space<hbm>>) target(%dma_start3A_94 : memref<1280x32xf32, #tpu.memory_space<vmem>>) offsets(%dma_start3A_97 : memref<1280xi32, #tpu.memory_space<vmem>>) semaphore(%arg7 : memref<!tpu.dma_semaphore, #tpu.memory_space<semaphore_mem>>)
      } else {
      }
      %mul3A_61 = arith.constant 2 : i32
      %mul3A_62 = arith.muli %mul3A_61, %scan3A_21 : i32
      %add3A_63 = arith.constant 1 : i32
      %add3A_64 = arith.addi %mul3A_62, %add3A_63 : i32
      %dma_wait3A_65 = arith.constant 1 : i32
      %dma_wait3A_66 = arith.constant 1 : i32
      %dma_wait3A_67 = arith.constant 0 : i32
      %dma_wait3A_68 = arith.constant 0 : i32
      %dma_wait3A_69 = tpu.memref_slice %arg6[%dma_wait3A_66, %dma_wait3A_67, %dma_wait3A_68] : memref<2x1280x32xf32, #tpu.memory_space<vmem>> -> memref<1x1280x32xf32, #tpu.memory_space<vmem>>
      %dma_wait3A_70 = tpu.memref_squeeze %dma_wait3A_69 : memref<1x1280x32xf32, #tpu.memory_space<vmem>> -> memref<1280x32xf32, #tpu.memory_space<vmem>>
      %dma_wait3A_71 = arith.constant 0 : i32
      %dma_wait3A_72 = tpu.memref_slice %arg5[%dma_wait3A_65, %dma_wait3A_71] : memref<2x1280xi32, #tpu.memory_space<vmem>> -> memref<1x1280xi32, #tpu.memory_space<vmem>>
      %dma_wait3A_73 = tpu.memref_squeeze %dma_wait3A_72 : memref<1x1280xi32, #tpu.memory_space<vmem>> -> memref<1280xi32, #tpu.memory_space<vmem>>
      %dma_wait3A_74 = arith.constant 0 : i32
      %dma_wait3A_75 = arith.constant 0 : i32
      %dma_wait3A_76 = tpu.memref_slice %arg3[%dma_wait3A_74, %dma_wait3A_75] : memref<1000000x32xf32, #tpu.memory_space<hbm>> -> memref<1000000x32xf32, #tpu.memory_space<hbm>>
      tpu.wait_indirect_dma semaphore(%arg7 : memref<!tpu.dma_semaphore, #tpu.memory_space<semaphore_mem>>) src(%dma_wait3A_76 : memref<1000000x32xf32, #tpu.memory_space<hbm>>) dst(%dma_wait3A_70 : memref<1280x32xf32, #tpu.memory_space<vmem>>)
      %mul3A_77 = arith.constant 1280 : i32
      %mul3A_78 = arith.muli %add3A_64, %mul3A_77 : i32
      %add3A_79 = arith.addi %mul3A_2, %mul3A_78 : i32
      %run_scoped3A_80 = arith.constant 1 : i32
      "tpu.region"() ({
        %run_scoped3A_81 = tpu.sem_alloc : memref<!tpu.dma_semaphore, #tpu.memory_space<semaphore_mem>>
        %dma_start3A_82 = arith.constant 0 : i32
        %dma_start3A_83 = arith.constant 0 : i32
        %dma_start3A_84 = tpu.memref_slice %arg6[%run_scoped3A_80, %dma_start3A_82, %dma_start3A_83] : memref<2x1280x32xf32, #tpu.memory_space<vmem>> -> memref<1x1280x32xf32, #tpu.memory_space<vmem>>
        %dma_start3A_85 = tpu.memref_squeeze %dma_start3A_84 : memref<1x1280x32xf32, #tpu.memory_space<vmem>> -> memref<1280x32xf32, #tpu.memory_space<vmem>>
        %dma_start3A_86 = arith.constant 0 : i32
        %dma_start3A_87 = tpu.memref_slice %arg4[%add3A_79, %dma_start3A_86] : memref<819200x32xf32, #tpu.memory_space<hbm>> -> memref<1280x32xf32, #tpu.memory_space<hbm>>
        %dma_start3A_88 = arith.constant 0 : i32
        %dma_start3A_89 = tpu.memref_slice %arg4[%add3A_79, %dma_start3A_88] : memref<819200x32xf32, #tpu.memory_space<hbm>> -> memref<1280x32xf32, #tpu.memory_space<hbm>>
        %dma_start3A_90 = arith.constant 0 : i32
        %dma_start3A_91 = arith.constant 0 : i32
        %dma_start3A_92 = tpu.memref_slice %arg6[%run_scoped3A_80, %dma_start3A_90, %dma_start3A_91] : memref<2x1280x32xf32, #tpu.memory_space<vmem>> -> memref<1x1280x32xf32, #tpu.memory_space<vmem>>
        %dma_start3A_93 = tpu.memref_squeeze %dma_start3A_92 : memref<1x1280x32xf32, #tpu.memory_space<vmem>> -> memref<1280x32xf32, #tpu.memory_space<vmem>>
        tpu.enqueue_dma source(%dma_start3A_93 : memref<1280x32xf32, #tpu.memory_space<vmem>>) target(%dma_start3A_89 : memref<1280x32xf32, #tpu.memory_space<hbm>>) target_semaphore(%run_scoped3A_81 : memref<!tpu.dma_semaphore, #tpu.memory_space<semaphore_mem>>)
        %dma_wait3A_94 = arith.constant 0 : i32
        %dma_wait3A_95 = arith.constant 0 : i32
        %dma_wait3A_96 = tpu.memref_slice %arg6[%run_scoped3A_80, %dma_wait3A_94, %dma_wait3A_95] : memref<2x1280x32xf32, #tpu.memory_space<vmem>> -> memref<1x1280x32xf32, #tpu.memory_space<vmem>>
        %dma_wait3A_97 = tpu.memref_squeeze %dma_wait3A_96 : memref<1x1280x32xf32, #tpu.memory_space<vmem>> -> memref<1280x32xf32, #tpu.memory_space<vmem>>
        %dma_wait3A_98 = arith.constant 0 : i32
        %dma_wait3A_99 = tpu.memref_slice %arg4[%add3A_79, %dma_wait3A_98] : memref<819200x32xf32, #tpu.memory_space<hbm>> -> memref<1280x32xf32, #tpu.memory_space<hbm>>
        %dma_wait3A_100 = arith.constant 0 : i32
        %dma_wait3A_101 = tpu.memref_slice %arg4[%add3A_79, %dma_wait3A_100] : memref<819200x32xf32, #tpu.memory_space<hbm>> -> memref<1280x32xf32, #tpu.memory_space<hbm>>
        %dma_wait3A_102 = arith.constant 0 : i32
        %dma_wait3A_103 = arith.constant 0 : i32
        %dma_wait3A_104 = tpu.memref_slice %arg6[%run_scoped3A_80, %dma_wait3A_102, %dma_wait3A_103] : memref<2x1280x32xf32, #tpu.memory_space<vmem>> -> memref<1x1280x32xf32, #tpu.memory_space<vmem>>
        %dma_wait3A_105 = tpu.memref_squeeze %dma_wait3A_104 : memref<1x1280x32xf32, #tpu.memory_space<vmem>> -> memref<1280x32xf32, #tpu.memory_space<vmem>>
        tpu.wait_dma2 semaphore(%run_scoped3A_81 : memref<!tpu.dma_semaphore, #tpu.memory_space<semaphore_mem>>) src(%dma_wait3A_105 : memref<1280x32xf32, #tpu.memory_space<vmem>>) dst(%dma_wait3A_101 : memref<1280x32xf32, #tpu.memory_space<hbm>>)
        tpu.yield
      }) : () -> ()
    }
    %scan3A_20 = arith.constant 10 : i32
    return
  }
}

module attributes {stable_mosaic.version = 14 : i64} {
  func.func @body(%arg0: i32, %arg1: memref<6400x128xf32, #tpu.memory_space<vmem>>, %arg2: memref<200x32x128xf32, #tpu.memory_space<vmem>>) attributes {dimension_semantics = [#tpu.dimension_semantics<arbitrary>], iteration_bounds = array<i64: 32>, scalar_prefetch = 0 : i64, scratch_operands = 0 : i64, tpu.core_type = #tpu.core_type<tc>, window_params = [{transform_indices = @transform_0, window_bounds = array<i64: 6400, 128>}, {transform_indices = @transform_1, window_bounds = array<i64: 200, 32, 128>}]} {
    %get3A = arith.constant 0 : index
    %get3A_0 = arith.constant 0 : index
    %get3A_1 = vector.load %arg1[%get3A, %get3A_0] : memref<6400x128xf32, #tpu.memory_space<vmem>>, vector<6400x128xf32>
    %reshape3A = vector.shape_cast %get3A_1 : vector<6400x128xf32> to vector<128x6400xf32>
    %transpose3A = tpu.transpose %reshape3A, [1, 0] : vector<128x6400xf32> -> vector<6400x128xf32>
    %reshape3A_2 = vector.shape_cast %transpose3A : vector<6400x128xf32> to vector<200x32x128xf32>
    %swap3A = arith.constant 0 : index
    %swap3A_3 = arith.constant 0 : index
    %swap3A_4 = arith.constant 0 : index
    %swap3A_5 = vector.load %arg2[%swap3A, %swap3A_3, %swap3A_4] : memref<200x32x128xf32, #tpu.memory_space<vmem>>, vector<200x32x128xf32>
    tpu.vector_store %arg2[%swap3A, %swap3A_3, %swap3A_4], %reshape3A_2 {strides = array<i32>} : memref<200x32x128xf32, #tpu.memory_space<vmem>>, vector<200x32x128xf32>,
    return
  }
  func.func @transform_0(%arg0: i32) -> (i32, i32) {
    %c0_i32 = arith.constant 0 : i32
    %c0_i32_0 = arith.constant 0 : i32
    return %arg0, %c0_i32 : i32, i32
  }
  func.func @transform_1(%arg0: i32) -> (i32, i32, i32) {
    %c0_i32 = arith.constant 0 : i32
    %c0_i32_0 = arith.constant 0 : i32
    %c0_i32_1 = arith.constant 0 : i32
    return %c0_i32, %c0_i32_0, %arg0 : i32, i32, i32
  }
}

</mosaic_0001>

<sc_bundles>
// kernel: _run.5.cloned.1.call-start
scs
__scs_entry_jumppad:
0x0: {  	(pc) =	sbr.rel $0x88, $3  }
0x1: {  	(tag) =	ssettag $0x0;
	lr =	simm.s32 $0x1  }
0x2: {  	[smem:$0x3F9F] =	sst lr;
	_ =	strace $0xD0000000  }
0x3: {  	_ = 	snop  }
0x4: {  	_ = 	snop  }
0x5: {  	_ = 	snop  }
0x6: {  	_ = 	snop  }
0x7: {  	_ = 	snop  }
__scs_overlays_trampoline_lowered:
0x8: {  	[smem:$0x3FAE] =	sst s0  }
0x9: {  	[smem:$0x3FAF] =	sst s1  }
0xa: {  	[smem:$0x3FB0] =	sst s2  }
0xb: {  	[smem:$0x3FB1] =	sst s3  }
0xc: {  	[smem:$0x3FB2] =	sst s4  }
0xd: {  	[smem:$0x3FB3] =	sst s5  }
0xe: {  	[smem:$0x3FB4] =	sst s6  }
0xf: {  	[smem:$0x3FB5] =	sst s7  }
0x10: {  	[smem:$0x3FB6] =	sst s8  }
0x11: {  	[smem:$0x3FB7] =	sst s9;
	s0 =	simm.s32 @!p0 $0x0  }
0x12: {  	s1 =	sld [smem:$0x3F9D];
	s0 =	simm.s32 @p0 $0x1  }
0x13: {  	[smem:$0x3FB8] =	sst s0;
	s0 =	simm.s32 @!p1 $0x0  }
0x14: {  	s2 =	sld [smem:$0x3F9C];
	s0 =	simm.s32 @p1 $0x1  }
0x15: {  	[smem:$0x3FB9] =	sst s0;
	s0 =	simm.s32 @!p2 $0x0  }
0x16: {  	s3 =	sld [smem:$0x3FDB];
	s0 =	simm.s32 @p2 $0x1  }
0x17: {  	s4 =	simm.s32 $0x1BF5;
	[smem:$0x3FBB] =	sst s0  }
0x18: {  	s0 =	sld [smem:$0x3F9E];
	_ =	swait.ge [sflag:s4], $0x0  }
0x19: {  	s7 =	sld [smem:$0x3F9F]  }
0x1a: {  	s8 =	sadd.s32 $0xFFFFE003, lr  }
0x1b: {  	s9 =	sadd.s32 $0xFFFFFEF7, lr;
	s5 =	simm.s32 $0xFFFFFFFF;
	p2 =	slt.u32 s8, $0xFFFFF086  }
0x1c: {  	p1 =	slt.u32 s9, $0xF7A;
	s5 =	simm.s32 @!p2 $0x0  }
0x1d: {  	s5 =	simm.s32 @p1 $0x1;
	p0 =	seq.s32 s7, s2  }
0x1e: {  	s7 =	smul.u32 @!p0 $0xF7A, s2;
	p2 =	seq.s32 @!p0 s5, $0x0  }
0x1f: {  	s9 =	smul.u32 $0xF7A, s1;
	s8 =	simm.s32 @!p0 $0x1BF5;
	p2 =	por !p2, p0  }
0x20: {  	[sflag:s8] =	ssyncset.s32 @!p0 $0xFFFFF086;
	s6 =	sadd.s32 @!p0 s3, s7;
	s7 =	simm.s32 @!p0 $0x108  }
0x21: {  	s3 =	sadd.s32 s3, s9;
	s6 =	sadd.s32 @!p0 $0x88, s6;
	s7 =	simm.s32 @p2 $0x1082  }
0x22: {  	[simem:s7], [sflag:s8] =	dma.local @!p0 [hbm:s6], $0xF7A  }
0x23: {  	s9 =	sor.u32 $0xD0000000, s2;
	s6 =	simm.s32 $0x108;
	_ =	swait.ge @!p0 [sflag:s8], $0x0  }
0x24: {  	s3 =	sadd.s32 $0x88, s3;
	s6 =	simm.s32 @!p1 $0x1082;
	[sflag:s4] =	ssyncset.s32 $0xFFFFF086  }
0x25: {  	[simem:s6], [sflag:s4] =	dma.local [hbm:s3], $0xF7A  }
0x26: {  	[smem:$0x3F9F] =	sst s1;
	(tag) =	ssettag s2;
	_ =	strace s9  }
0x27: {  	s1 =	sld [smem:$0x3FAF]  }
0x28: {  	s2 =	sld [smem:$0x3FB0]  }
0x29: {  	s4 =	sld [smem:$0x3FB2]  }
0x2a: {  	p0 =	seq.s32 s5, $0x0;
	s5 =	sld [smem:$0x3FB3]  }
0x2b: {  	s6 =	sld [smem:$0x3FB4]  }
0x2c: {  	s7 =	sld [smem:$0x3FB5]  }
0x2d: {  	s3 =	simm.s32 $0x108;
	s8 =	sld [smem:$0x3FB6]  }
0x2e: {  	s3 =	simm.s32 @!p0 $0x1082;
	s9 =	sld [smem:$0x3FB7]  }
0x2f: {  	lr =	sadd.s32 s0, s3;
	s0 =	sld [smem:$0x3FAE]  }
0x30: {  	s3 =	sld [smem:$0x3FB1]  }
0x31: {  	[smem:$0x3FBA] =	sst s10  }
0x32: {  	s10 =	sld [smem:$0x3FB8];
	_ =	sdelay $0x3  }
0x33: {  	p0 =	seq.s32 s10, $0x1;
	s10 =	sld [smem:$0x3FBA];
	_ =	sdelay $0x3  }
0x34: {  	[smem:$0x3FBA] =	sst s10  }
0x35: {  	s10 =	sld [smem:$0x3FB9];
	_ =	sdelay $0x3  }
0x36: {  	p1 =	seq.s32 s10, $0x1;
	s10 =	sld [smem:$0x3FBA];
	_ =	sdelay $0x3  }
0x37: {  	[smem:$0x3FBA] =	sst s10  }
0x38: {  	s10 =	sld [smem:$0x3FBB]  }
0x39: {  	_ = 	snop;
	(pc) =	sbr.ind lr, $3  }
0x3a: {  	_ = 	snop  }
0x3b: {  	_ = 	snop  }
0x3c: {  	p2 =	seq.s32 s10, $0x1;
	s10 =	sld [smem:$0x3FBA]  }
0x3d: {  	_ =	shalt  }
0x3e: {  	_ =	shalt  }
0x3f: {  	_ =	shalt  }
0x40: {  	_ =	shalt  }
0x41: {  	_ =	shalt  }
0x42: {  	_ =	shalt  }
0x43: {  	_ =	shalt  }
0x44: {  	_ =	shalt  }
0x45: {  	_ =	shalt  }
0x46: {  	_ =	shalt  }
0x47: {  	_ =	shalt  }
0x48: {  	_ =	shalt  }
0x49: {  	_ =	shalt  }
0x4a: {  	_ =	shalt  }
0x4b: {  	_ =	shalt  }
0x4c: {  	_ =	shalt  }
0x4d: {  	_ =	shalt  }
0x4e: {  	_ =	shalt  }
0x4f: {  	_ =	shalt  }
0x50: {  	_ =	shalt  }
0x51: {  	_ =	shalt  }
0x52: {  	_ =	shalt  }
0x53: {  	_ =	shalt  }
0x54: {  	_ =	shalt  }
0x55: {  	_ =	shalt  }
0x56: {  	_ =	shalt  }
0x57: {  	_ =	shalt  }
0x58: {  	_ =	shalt  }
0x59: {  	_ =	shalt  }
0x5a: {  	_ =	shalt  }
0x5b: {  	_ =	shalt  }
0x5c: {  	_ =	shalt  }
0x5d: {  	_ =	shalt  }
0x5e: {  	_ =	shalt  }
0x5f: {  	_ =	shalt  }
0x60: {  	_ =	shalt  }
0x61: {  	_ =	shalt  }
0x62: {  	_ =	shalt  }
0x63: {  	_ =	shalt  }
0x64: {  	_ =	shalt  }
0x65: {  	_ =	shalt  }
0x66: {  	_ =	shalt  }
0x67: {  	_ =	shalt  }
0x68: {  	_ =	shalt  }
0x69: {  	_ =	shalt  }
0x6a: {  	_ =	shalt  }
0x6b: {  	_ =	shalt  }
0x6c: {  	_ =	shalt  }
0x6d: {  	_ =	shalt  }
0x6e: {  	_ =	shalt  }
0x6f: {  	_ =	shalt  }
0x70: {  	_ =	shalt  }
0x71: {  	_ =	shalt  }
0x72: {  	_ =	shalt  }
0x73: {  	_ =	shalt  }
0x74: {  	_ =	shalt  }
0x75: {  	_ =	shalt  }
0x76: {  	_ =	shalt  }
0x77: {  	_ =	shalt  }
0x78: {  	_ =	shalt  }
0x79: {  	_ =	shalt  }
0x7a: {  	_ =	shalt  }
0x7b: {  	_ =	shalt  }
0x7c: {  	_ =	shalt  }
0x7d: {  	_ =	shalt  }
0x7e: {  	_ =	shalt  }
0x7f: {  	_ =	shalt  }
0x80: {  	_ =	shalt  }
0x81: {  	_ =	shalt  }
0x82: {  	_ =	shalt  }
0x83: {  	_ =	shalt  }
0x84: {  	_ =	shalt  }
0x85: {  	_ =	shalt  }
0x86: {  	_ =	shalt  }
0x87: {  	_ =	shalt  }
.Lfunc_end0:
.L_simem_size_0:
called_computation_lowered:
.L_overlay_start_0:
0x88: {  	s2 =	sld [smem:$0x3FD9]  }
0x89: {  	s3 =	sld [smem:$0x3FFE];
	_ =	sdelay $0x1  }
0x8a: {  	s1 =	srdreg.scid  }
0x8b: {  	s0 =	sand.u32 $0x1, s1  }
0x8c: {  	s17 =	sshll.u32 s0, $0xA;
	s2 =	sadd.s32 s3, s2  }
0x8d: {  	s2 =	sadd.s32 s2, s17  }
0x8e: {  	[smem:$0x3FC6] =	sst s2  }
0x8f: {  	_ = 	snop  }
0x90: {  	s2 =	sld [smem:$0x3FC8];
	(tm) =	ssettm $0x1  }
0x91: {  	s18 =	sld [smem:$0x3FFB];
	_ =	sdelay $0x3  }
0x92: {  	_ =	strace s18  }
0x93: {  	s3 =	sld [smem:$0x3FFC];
	_ =	sdelay $0x3  }
0x94: {  	_ =	strace s3  }
0x95: {  	s3 =	sld [smem:$0x3FFD];
	_ =	sdelay $0x3  }
0x96: {  	_ =	strace s3  }
0x97: {  	_ =	strace $0x8FFFFFFF  }
0x98: {  	s19 =	sld [smem:$0x3FDB];
	_ =	sdelay $0x1  }
0x99: {  	s4 =	simm.s32 $_scs_section_size  }
0x9a: {  	s5 =	simm.s32 $_size__tile_overlayer_lowered;
	s6 =	simm.s32 $_tile_overlayer_lowered  }
0x9b: {  	s22 =	simm.s32 $0x1BFF;
	s21 =	sshll.u32 s6, $0x1;
	s3 =	sadd.s32 s4, s19  }
0x9c: {  	s7 =	simm.s32 $0x0;
	s20 =	sshll.u32 s5, $0x1;
	s5 =	sadd.s32 s21, s3  }
0x9d: {  	[timem:s7], [sflag:s22] =	dma.local [hbm:s5], s20  }
0x9e: {  	_ =	swait.ge [sflag:s22], s20  }
0x9f: {  	s4 =	ssub.s32 $0x0, s20;
	[sflag:s22] =	ssyncset.done $0x0  }
0xa0: {  	[sflag:s22] =	ssyncadd.s32 s4;
	_ =	sdelay $0x1  }
0xa1: {  	s23 =	simm.s32 $0x1B8B  }
0xa2: {  	_ =	swait.ge [sflag:s23], $0x1  }
0xa3: {  	[sflag:s23] =	ssyncset.done $0x0  }
0xa4: {  	s25 =	simm.s32 $0x1B8E;
	s24 =	sld [smem:$0x3FFE];
	[sflag:s23] =	ssyncadd.s32 $0xFFFFFFFF  }
0xa5: {  	s26 =	simm.s32 $execute0_lowered;
	[smem:$0x3FD2] =	sst s25  }
0xa6: {  	s5 =	sshll.u32 s26, $0x1;
	_ =	strace $0x80000046;
	[dreg:$0x1] =	wrdreg $0xFFFFFFFF  }
0xa7: {  	s28 =	simm.s32 $_size_execute0_lowered;
	s3 =	sadd.s32 s3, s5;
	[dreg:$0x0] =	wrdreg $0x0  }
0xa8: {  	s5 =	sshll.u32 s28, $0x1;
	[dreg:$0x2] =	wrdreg s3  }
0xa9: {  	[dreg:$0x3] =	wrdreg s5  }
0xaa: {  	[dreg:$0x4] =	wrdreg $0xC0  }
0xab: {  	_ =	task [dreg:s7], $0x5FFFF  }
0xac: {  	[dreg:$0x1] =	wrdreg $0xFFFFFFFF  }
0xad: {  	[dreg:$0x0] =	wrdreg $0x60  }
0xae: {  	[dreg:$0x2] =	wrdreg s2  }
0xaf: {  	[dreg:$0x3] =	wrdreg s24  }
0xb0: {  	[dreg:$0x4] =	wrdreg $0x9  }
0xb1: {  	_ =	task.clear_ibuf [dreg:s7], $0x5FFFF;
	_ =	strace $0x90000046  }
0xb2: {  	s29 =	simm.s32 $0x9;
	_ =	strace $0x80000048  }
0xb3: {  	_ =	swait.ge [sflag:s29], $0x1  }
0xb4: {  	[sflag:s29] =	ssyncadd.s32 $0xFFFFFFFF  }
0xb5: {  	_ =	strace $0x90000048  }
0xb6: {  	_ =	sfence  }
0xb7: {  	s30 =	sld [smem:$0x0];
	_ =	sdelay $0x2  }
0xb8: {  	s31 =	sshll.u32 s1, $0xD;
	s1 =	sshrl.u32 s1, $0x2  }
0xb9: {  	s3 =	sand.u32 $0x4000, s31;
	s1 =	sadd.s32 s1, s30  }
0xba: {  	s0 =	sor.u32 s3, s0;
	s1 =	sshll.u32 s1, $0x11  }
0xbb: {  	s0 =	sor.u32 s1, s0  }
0xbc: {  	s0 =	sadd.s32 $0x8F2B, s0  }
0xbd: {  	[sflag:s0] =	ssyncadd.remote.s32 $0x1  }
0xbe: {  	_ =	sfence.sel $0xFFFF  }
0xbf: {  	[dreg:$0x0] =	wrdreg $0xFFFFFFFF;
	(pc) =	sbr.abs _section_cstart, $3  }
0xc0: {  	[dreg:$0x1] =	wrdreg $0xFFFFFFFF  }
0xc1: {  	_ =	task.clear_ibuf [dreg:s7], $0x2FFFF;
	_ =	strace $0x9FFFFFFF  }
0xc2: {  	(tm) =	ssettm $0x7FFFFFFF  }
0xc3: {  	_ =	shalt  }
tec
execute0_lowered:
.L_overlay_start_1:
0x0: {  	(tag) =	ssettag $0x1  }
0x1: {  	s1 =	rddreg [dreg:$0x0];
	s0 =	srdreg.scid;
	v0 =	vimm.s32 $0x1780  }
0x2: {  	s3 =	stileid.u32;
	vm0 =	vcmask $0x300;
	s2 =	rddreg [dreg:$0x1];
	vm1 =	vcmask $0x704;
	v1 =	vimm.s32 $0x3F80;
	s18 =	simm.s32 $0x1400  }
0x3: {  	vm2 =	vcmask $0xB08;
	s19 =	simm.s32 $0x2800;
	s20 =	simm.s32 $0x3C00;
	s21 =	simm.s32 $0x5000;
	v0 =	vsel vm0, $0x0, v0;
	v1 =	vsel vm0, $0x2800, v1  }
0x4: {  	vm4 =	vcmask $0xF0C;
	s22 =	simm.s32 $0x6400;
	s23 =	simm.s32 $0x7800;
	s28 =	simm.s32 $0x2;
	v0 =	vsel vm1, $0x80, v0;
	v1 =	vsel vm1, $0x2880, v1  }
0x5: {  	vm5 =	vcmask $0x1310;
	s29 =	simm.s32 $0xE000;
	s30 =	simm.s32 $0x0;
	s6 =	sand.u32 $0x1, s0;
	v0 =	vsel vm2, $0x100, v0;
	v1 =	vsel vm2, $0x2900, v1  }
0x6: {  	vm6 =	vcmask $0x1714;
	s24 =	sshll.u32 s3, $0x1;
	s3 =	simm.s32 $0x0;
	s26 =	sadd.s32 $0x3D1200, s2;
	v0 =	vsel vm4, $0x180, v0;
	v1 =	vsel vm4, $0x2980, v1  }
0x7: {  	vm7 =	vcmask $0x1B18;
	s5 =	sadd.s32 $0xA00, s2;
	s31 =	sadd.s32 $0xF4200, s1;
	s2 =	sadd.s32 $0x3D0A00, s2;
	v0 =	vsel vm5, $0x200, v0;
	v1 =	vsel vm5, $0x2A00, v1  }
0x8: {  	vm8 =	vcmask $0x1F1C;
	s13 =	sadd.s32 $0xF4000, s1;
	s0 =	sor.u32 s6, s24;
	[smem:$0x7FF] =	sst s3;
	v0 =	vsel vm6, $0x280, v0;
	v1 =	vsel vm6, $0x2A80, v1  }
0x9: {  	vm9 =	vcmask $0x2320;
	s6 =	ssub.s32 $0x2, s6;
	_ =	strace $0x80000047;
	[dreg:$0x3] =	wrdreg s26;
	v0 =	vsel vm7, $0x300, v0;
	v1 =	vsel vm7, $0x2B00, v1  }
0xa: {  	vm10 =	vcmask $0x2724;
	s24 =	simm.s32 $0x8C00;
	s4 =	smul.u32 $0x3D, s0;
	[dreg:$0x4] =	wrdreg s31;
	v0 =	vsel vm8, $0x380, v0;
	v1 =	vsel vm8, $0x2B80, v1  }
0xb: {  	vm11 =	vcmask $0x2B28;
	s7 =	sshrl.u32 s6, $0x1;
	s8 =	smul.u32 $0x7A00, s0;
	[dreg:$0x5] =	wrdreg s2;
	v0 =	vsel vm9, $0x1400, v0;
	v1 =	vsel vm9, $0x3C00, v1  }
0xc: {  	vm12 =	vcmask $0x2F2C;
	p0 =	seq.s32 s0, $0x1F;
	p1 =	sne.s32 s0, $0x0;
	s26 =	simm.s32 $0xA000;
	v0 =	vsel vm10, $0x1480, v0;
	v1 =	vsel vm10, $0x3C80, v1  }
.Ltmp0:
0xd: {  	vm13 =	vcmask $0x3330;
	s2 =	simm.s32 $0x12000;
	s10 =	ssub.s32 s6, s7;
	v0 =	vsel vm11, $0x1500, v0;
	v1 =	vsel vm11, $0x3D00, v1;
	(pc) =	sbr.rel .LBB2_1-.Ltmp0, $4  }
0xe: {  	vm14 =	vcmask $0x3734;
	s6 =	sadd.s32 $0x400, s1;
	s9 =	sadd.s32 $0x3C, s4;
	s7 =	sadd.s32 s1, s8;
	v0 =	vsel vm12, $0x1580, v0;
	v1 =	vsel vm12, $0x3D80, v1  }
0xf: {  	vm15 =	vcmask $0x3B38;
	s15 =	smax.u32 s10, $0x1;
	s11 =	sshll.u32 s9, $0x9;
	s14 =	sadd.s32 $0x1E8500, s7;
	v0 =	vsel vm13, $0x1600, v0;
	v1 =	vsel vm13, $0x3E00, v1  }
0x10: {  	v2 =	vlaneseq.u32;
	s25 =	sshll.u32 s9, $0xB;
	s16 =	sadd.s32 $0xF4280, s7;
	s17 =	sadd.s32 $0x2DC780, s7;
	v0 =	vsel vm14, $0x1680, v0;
	v1 =	vsel vm14, $0x3E80, v1  }
0x11: {  	v2 =	vmul.u32 $0x80, v2;
	s9 =	sadd.s32 s1, s11;
	s12 =	sadd.s32 s5, s25;
	s25 =	simm.s32 $0x1;
	v0 =	vsel vm15, $0x1700, v0;
	v1 =	vsel vm15, $0x3F00, v1  }
.LBB2_17:
0x12: {  	s30 =	sadd.s32 $0x1, s30  }
0x13: {  	p2 =	sne.s32 s30, s15  }
.Ltmp1:
0x14: {  	_ = 	snop;
	(pc) =	sbr.rel @!p2 .LBB2_18-.Ltmp1, $1  }
0x15: {  	_ =	sdelay $0x3  }
.LBB2_1:
0x16: {  	[tilespmem:s3], [sflag:$0x1] =	stream.linear.gather [hbm4b:s7+s3], $0x1000, $0x38;
	[tilespmem:$0x13800] =	vst v63  }
0x17: {  	_ = 	snop  }
0x18: {  	[tilespmem:s18], [sflag:$0x1] =	stream.linear.gather [hbm4b:s16+s3], $0x1000, $0x38;
	[tilespmem:$0x13800] =	vst v63  }
0x19: {  	_ = 	snop  }
0x1a: {  	[tilespmem:s19], [sflag:$0x1] =	stream.linear.gather [hbm4b:s14+s3], $0x1000, $0x38;
	[tilespmem:$0x13800] =	vst v63  }
0x1b: {  	s31 =	simm.s32 $0x0  }
0x1c: {  	[tilespmem:s20], [sflag:$0x1] =	stream.linear.gather [hbm4b:s17+s3], $0x1000, $0x38;
	[tilespmem:$0x13800] =	vst v63  }
.LBB2_2:
0x1d: {  	s0 =	sshll.u32 s31, $0x1  }
0x1e: {  	s8 =	sadd.s32 s4, s0  }
0x1f: {  	s0 =	sadd.s32 $0x1, s8  }
0x20: {  	s10 =	sshll.u32 s0, $0x9  }
0x21: {  	s11 =	simm.s32 $0x0;
	s18 =	simm.s32 $0x18;
	s10 =	sand.u32 $0x1FFFFE00, s10  }
0x22: {  	v3 =	vmov s11;
	v4 =	vmov s18;
	s18 =	simm.s32 $0x8;
	s10 =	sadd.s32 s1, s10  }
0x23: {  	v5 =	vshll.u32 v3, $0x3;
	[tilespmem:s21], [sflag:$0x1] =	stream.linear.gather [hbm4b:s10+s11], $0x1000, $0x38;
	[tilespmem:$0x13800] =	vst v63  }
0x24: {  	v6 =	vmov s18;
	v7 =	vshll.u32 v4, $0x3;
	v34 =	vand.u32 $0x78, v4;
	s19 =	sadd.s32 $0xF4280, s10  }
0x25: {  	v29 =	vand.u32 $0x60, v3;
	v5 =	vand.u32 $0xC00, v5;
	v7 =	vand.u32 $0xC00, v7;
	[tilespmem:s22], [sflag:$0x1] =	stream.linear.gather [hbm4b:s19+s11], $0x1000, $0x38;
	[tilespmem:$0x13800] =	vst v63  }
0x26: {  	v8 =	vshll.u32 v6, $0x3;
	v32 =	vand.u32 $0x68, v6;
	v23 =	vadd.s32 v0, v7;
	s18 =	sadd.s32 $0x1E8500, s10;
	s19 =	simm.s32 $0x10  }
0x27: {  	v4 =	vand.u32 $0xC00, v8;
	v28 =	vadd.s32 v0, v5;
	v9 =	vmov s19;
	[tilespmem:s23], [sflag:$0x1] =	stream.linear.gather [hbm4b:s18+s11], $0x1000, $0x38;
	[tilespmem:$0x13800] =	vst v63  }
0x28: {  	v10 =	vor.u32 v34, v23;
	v30 =	vadd.s32 v0, v4;
	s10 =	sadd.s32 $0x2DC780, s10;
	v8 =	vshll.u32 v9, $0x3  }
0x29: {  	v33 =	vand.u32 $0x70, v9;
	v9 =	vor.u32 v29, v28;
	v6 =	vand.u32 $0xC00, v8;
	[tilespmem:s24], [sflag:$0x1] =	stream.linear.gather [hbm4b:s10+s11], $0x1000, $0x38;
	[tilespmem:$0x13800] =	vst v63  }
0x2a: {  	v8 =	vor.u32 v32, v30;
	v31 =	vadd.s32 v0, v6;
	_ =	swait.ge [sflag:s25], $0x4000  }
0x2b: {  	v3 =	vor.u32 v33, v31;
	[sflag:s25] =	ssyncset.done $0x0  }
0x2c: {  	[sflag:s25] =	ssyncadd.s32 $0xFFFFC000  }
0x2d: {  	v22 =	vadd.s32 v1, v7;
	v10 =	vld.idx.msk [tilespmem:v10+s3+$0x0], $0xffff  }
0x2e: {  	v20 =	vadd.s32 v1, v5;
	v7 =	vor.u32 v34, v22;
	v19 =	vadd.s32 v1, v6;
	v6 =	vld.idx.msk [tilespmem:v9+s3+$0x0], $0xffff  }
0x2f: {  	v21 =	vadd.s32 v1, v4;
	v8 =	vld.idx.msk [tilespmem:v8+s3+$0x0], $0xffff;
	v9 =	vor.u32 v29, v20  }
0x30: {  	v4 =	vor.u32 v32, v21;
	v3 =	vld.idx.msk [tilespmem:v3+s3+$0x0], $0xffff  }
0x31: {  	s11 =	simm.s32 $0xA200;
	v5 =	vor.u32 v33, v19  }
0x32: {  	[tilespmem:s11+$0x100] =	vst v10  }
0x33: {  	v10 =	vor.u32 $0x1, v34;
	[tilespmem:s11+$0xFFFFFE00] =	vst v6;
	v7 =	vld.idx.msk [tilespmem:v7+s3+$0x0], $0xffff  }
0x34: {  	v12 =	vor.u32 $0x1, v29;
	[tilespmem:s11+$0xFFFFFF00] =	vst v8;
	v8 =	vor.u32 v10, v23;
	v9 =	vld.idx.msk [tilespmem:v9+s3+$0x0], $0xffff  }
0x35: {  	v14 =	vor.u32 v12, v28;
	v4 =	vld.idx.msk [tilespmem:v4+s3+$0x0], $0xffff;
	[tilespmem:s11+$0x0] =	vst v3;
	v3 =	vor.u32 $0x1, v32  }
0x36: {  	v11 =	vor.u32 $0x1, v33;
	v5 =	vld.idx.msk [tilespmem:v5+s3+$0x0], $0xffff;
	v6 =	vor.u32 v3, v30  }
0x37: {  	v13 =	vor.u32 v11, v31  }
0x38: {  	[tilespmem:s11+$0x110] =	vst v7  }
0x39: {  	[tilespmem:s11+$0xFFFFFE10] =	vst v9;
	v7 =	vld.idx.msk [tilespmem:v8+s3+$0x0], $0xffff  }
0x3a: {  	[tilespmem:s11+$0xFFFFFF10] =	vst v4;
	v4 =	vor.u32 v10, v22;
	v8 =	vld.idx.msk [tilespmem:v14+s3+$0x0], $0xffff  }
0x3b: {  	v10 =	vor.u32 v12, v20;
	v6 =	vld.idx.msk [tilespmem:v6+s3+$0x0], $0xffff;
	[tilespmem:s11+$0x10] =	vst v5  }
0x3c: {  	v3 =	vor.u32 v3, v21;
	v5 =	vld.idx.msk [tilespmem:v13+s3+$0x0], $0xffff  }
0x3d: {  	v9 =	vor.u32 v11, v19  }
0x3e: {  	[tilespmem:s11+$0x120] =	vst v7  }
0x3f: {  	[tilespmem:s11+$0xFFFFFE20] =	vst v8;
	v4 =	vld.idx.msk [tilespmem:v4+s3+$0x0], $0xffff  }
0x40: {  	v7 =	vor.u32 $0x2, v34;
	[tilespmem:s11+$0xFFFFFF20] =	vst v6;
	v10 =	vld.idx.msk [tilespmem:v10+s3+$0x0], $0xffff  }
0x41: {  	v6 =	vor.u32 v7, v23;
	v3 =	vld.idx.msk [tilespmem:v3+s3+$0x0], $0xffff;
	[tilespmem:s11+$0x20] =	vst v5;
	v5 =	vor.u32 $0x2, v32  }
0x42: {  	v12 =	vor.u32 $0x2, v29;
	v8 =	vld.idx.msk [tilespmem:v9+s3+$0x0], $0xffff;
	v9 =	vor.u32 v5, v30  }
0x43: {  	v11 =	vor.u32 $0x2, v33;
	v14 =	vor.u32 v12, v28  }
0x44: {  	v13 =	vor.u32 v11, v31  }
0x45: {  	[tilespmem:s11+$0x130] =	vst v4  }
0x46: {  	v4 =	vld.idx.msk [tilespmem:v6+s3+$0x0], $0xffff;
	[tilespmem:s11+$0xFFFFFF30] =	vst v3  }
0x47: {  	[tilespmem:s11+$0xFFFFFE30] =	vst v10;
	v3 =	vor.u32 v7, v22;
	v6 =	vld.idx.msk [tilespmem:v9+s3+$0x0], $0xffff  }
0x48: {  	v5 =	vor.u32 v5, v21;
	[tilespmem:s11+$0x30] =	vst v8;
	v8 =	vld.idx.msk [tilespmem:v14+s3+$0x0], $0xffff  }
0x49: {  	v10 =	vor.u32 v12, v20;
	v7 =	vld.idx.msk [tilespmem:v13+s3+$0x0], $0xffff  }
0x4a: {  	v9 =	vor.u32 v11, v19  }
0x4b: {  	[tilespmem:s11+$0x140] =	vst v4  }
0x4c: {  	v3 =	vld.idx.msk [tilespmem:v3+s3+$0x0], $0xffff;
	[tilespmem:s11+$0xFFFFFF40] =	vst v6  }
0x4d: {  	v4 =	vor.u32 $0x3, v34;
	[tilespmem:s11+$0xFFFFFE40] =	vst v8;
	v5 =	vld.idx.msk [tilespmem:v5+s3+$0x0], $0xffff  }
0x4e: {  	v6 =	vor.u32 v4, v23;
	[tilespmem:s11+$0x40] =	vst v7;
	v7 =	vor.u32 $0x3, v32;
	v10 =	vld.idx.msk [tilespmem:v10+s3+$0x0], $0xffff  }
0x4f: {  	v12 =	vor.u32 $0x3, v29;
	v8 =	vld.idx.msk [tilespmem:v9+s3+$0x0], $0xffff;
	v9 =	vor.u32 v7, v30  }
0x50: {  	v11 =	vor.u32 $0x3, v33;
	v14 =	vor.u32 v12, v28  }
0x51: {  	v13 =	vor.u32 v11, v31  }
0x52: {  	[tilespmem:s11+$0x150] =	vst v3  }
0x53: {  	v6 =	vld.idx.msk [tilespmem:v6+s3+$0x0], $0xffff;
	[tilespmem:s11+$0xFFFFFF50] =	vst v5  }
0x54: {  	s19 =	simm.s32 $0x20;
	[tilespmem:s11+$0xFFFFFE50] =	vst v10;
	v9 =	vld.idx.msk [tilespmem:v9+s3+$0x0], $0xffff  }
0x55: {  	v15 =	vmov s19;
	s18 =	simm.s32 $0x28;
	v12 =	vor.u32 v12, v20;
	v5 =	vor.u32 v4, v22;
	[tilespmem:s11+$0x50] =	vst v8;
	v14 =	vld.idx.msk [tilespmem:v14+s3+$0x0], $0xffff  }
0x56: {  	v4 =	vshll.u32 v15, $0x3;
	v8 =	vmov s18;
	v10 =	vld.idx.msk [tilespmem:v13+s3+$0x0], $0xffff;
	v13 =	vor.u32 v7, v21  }
0x57: {  	v3 =	vand.u32 $0x60, v15;
	v27 =	vand.u32 $0xC00, v4;
	v7 =	vshll.u32 v8, $0x3  }
0x58: {  	v15 =	vor.u32 v11, v19;
	v4 =	vadd.s32 v0, v27;
	v16 =	vand.u32 $0xC00, v7;
	[tilespmem:s11+$0x160] =	vst v6  }
0x59: {  	v17 =	vor.u32 v3, v4;
	v7 =	vadd.s32 v0, v16;
	v6 =	vand.u32 $0x68, v8;
	[tilespmem:s11+$0xFFFFFF60] =	vst v9  }
0x5a: {  	v24 =	vor.u32 $0x4, v34;
	v35 =	vor.u32 $0x4, v29;
	s19 =	simm.s32 $0x30;
	v5 =	vld.idx.msk [tilespmem:v5+s3+$0x0], $0xffff;
	v18 =	vor.u32 v6, v7;
	[tilespmem:s11+$0xFFFFFE60] =	vst v14  }
0x5b: {  	v8 =	vmov s19;
	v9 =	vor.u32 v24, v23;
	v13 =	vld.idx.msk [tilespmem:v13+s3+$0x0], $0xffff;
	[tilespmem:s11+$0x60] =	vst v10;
	v10 =	vor.u32 $0x4, v32  }
0x5c: {  	v39 =	vor.u32 v35, v28;
	v11 =	vshll.u32 v8, $0x3;
	v25 =	vld.idx.msk [tilespmem:v12+s3+$0x0], $0xffff;
	v14 =	vor.u32 v10, v30  }
0x5d: {  	s18 =	simm.s32 $0x38;
	v26 =	vand.u32 $0xC00, v11;
	v11 =	vand.u32 $0x70, v8;
	v8 =	vld.idx.msk [tilespmem:v15+s3+$0x0], $0xffff;
	v15 =	vor.u32 $0x4, v33  }
0x5e: {  	v37 =	vmov s18;
	v38 =	vld.idx.msk [tilespmem:v17+s3+$0x0], $0xffff;
	v36 =	vor.u32 v15, v31  }
0x5f: {  	v12 =	vadd.s32 v0, v26;
	[tilespmem:s11+$0x170] =	vst v5;
	v5 =	vshll.u32 v37, $0x3;
	v43 =	vld.idx.msk [tilespmem:v18+s3+$0x0], $0xffff  }
0x60: {  	v40 =	vor.u32 v11, v12;
	v9 =	vld.idx.msk [tilespmem:v9+s3+$0x0], $0xffff;
	v42 =	vand.u32 $0xC00, v5;
	[tilespmem:s11+$0xFFFFFF70] =	vst v13  }
0x61: {  	v18 =	vand.u32 $0x78, v37;
	v13 =	vor.u32 v24, v22;
	[tilespmem:s11+$0xFFFFFE70] =	vst v25;
	v17 =	vadd.s32 v0, v42;
	v14 =	vld.idx.msk [tilespmem:v14+s3+$0x0], $0xffff  }
0x62: {  	v35 =	vor.u32 v35, v20;
	s19 =	simm.s32 $0x40;
	[tilespmem:s11+$0x70] =	vst v8;
	v39 =	vld.idx.msk [tilespmem:v39+s3+$0x0], $0xffff;
	v37 =	vor.u32 v18, v17  }
0x63: {  	s18 =	simm.s32 $0x48;
	v16 =	vadd.s32 v1, v16;
	v41 =	vmov s19;
	v44 =	vor.u32 v10, v21;
	v36 =	vld.idx.msk [tilespmem:v36+s3+$0x0], $0xffff  }
0x64: {  	v54 =	vmov s18;
	v59 =	vor.u32 v6, v16;
	v8 =	vshll.u32 v41, $0x3  }
0x65: {  	v10 =	vshll.u32 v54, $0x3;
	v45 =	vor.u32 v15, v19;
	v24 =	vand.u32 $0xC00, v8;
	v40 =	vld.idx.msk [tilespmem:v40+s3+$0x0], $0xffff;
	[tilespmem:s11+$0x180] =	vst v9  }
0x66: {  	v5 =	vand.u32 $0x60, v41;
	v25 =	vand.u32 $0xC00, v10;
	v8 =	vadd.s32 v0, v24;
	v55 =	vld.idx.msk [tilespmem:v13+s3+$0x0], $0xffff;
	[tilespmem:s11+$0xFFFFFF80] =	vst v14  }
0x67: {  	v10 =	vand.u32 $0x68, v54;
	v46 =	vor.u32 v5, v8;
	v9 =	vadd.s32 v0, v25;
	[tilespmem:s11+$0xFFFFFE80] =	vst v39;
	v37 =	vld.idx.msk [tilespmem:v37+s3+$0x0], $0xffff  }
0x68: {  	v48 =	vor.u32 $0x5, v34;
	v47 =	vor.u32 v10, v9;
	[tilespmem:s11+$0x80] =	vst v36;
	v36 =	vld.idx.msk [tilespmem:v44+s3+$0x0], $0xffff  }
0x69: {  	v56 =	vor.u32 v48, v23;
	s10 =	simm.s32 $0xA600;
	v14 =	vadd.s32 v1, v26;
	v35 =	vld.idx.msk [tilespmem:v35+s3+$0x0], $0xffff  }
0x6a: {  	[tilespmem:s10+$0xFFFFFF00] =	vst v43;
	v13 =	vadd.s32 v1, v27;
	v60 =	vor.u32 v11, v14;
	v58 =	vld.idx.msk [tilespmem:v45+s3+$0x0], $0xffff  }
0x6b: {  	v15 =	vadd.s32 v1, v42;
	v61 =	vor.u32 v3, v13;
	v45 =	vld.idx.msk [tilespmem:v59+s3+$0x0], $0xffff  }
0x6c: {  	v49 =	vor.u32 $0x5, v32;
	[tilespmem:s10+$0xFFFFFE00] =	vst v38;
	v57 =	vor.u32 v18, v15;
	v26 =	vld.idx.msk [tilespmem:v46+s3+$0x0], $0xffff  }
0x6d: {  	v62 =	vor.u32 v49, v30;
	v41 =	vor.u32 $0x5, v33;
	v27 =	vld.idx.msk [tilespmem:v47+s3+$0x0], $0xffff;
	[tilespmem:s11+$0x190] =	vst v55  }
0x6e: {  	v38 =	vor.u32 $0x1, v6;
	v63 =	vor.u32 v41, v31;
	[tilespmem:s10+$0x0] =	vst v40;
	v42 =	vld.idx.msk [tilespmem:v56+s3+$0x0], $0xffff  }
0x6f: {  	v51 =	vor.u32 v38, v7;
	[tilespmem:s10+$0x100] =	vst v37;
	v46 =	vld.idx.msk [tilespmem:v60+s3+$0x0], $0xffff  }
0x70: {  	v48 =	vor.u32 v48, v22;
	v52 =	vor.u32 $0x1, v11;
	v47 =	vld.idx.msk [tilespmem:v61+s3+$0x0], $0xffff;
	[tilespmem:s11+$0xFFFFFF90] =	vst v36  }
0x71: {  	v53 =	vor.u32 v52, v12;
	v40 =	vor.u32 $0x1, v18;
	[tilespmem:s11+$0xFFFFFE90] =	vst v35;
	v39 =	vld.idx.msk [tilespmem:v57+s3+$0x0], $0xffff  }
0x72: {  	v54 =	vor.u32 $0x5, v29;
	v50 =	vor.u32 v40, v17;
	v37 =	vld.idx.msk [tilespmem:v62+s3+$0x0], $0xffff;
	[tilespmem:s11+$0x90] =	vst v58  }
0x73: {  	v59 =	vor.u32 v54, v28;
	v57 =	vor.u32 $0x1, v3;
	[tilespmem:s10+$0xFFFFFF10] =	vst v45;
	v43 =	vld.idx.msk [tilespmem:v63+s3+$0x0], $0xffff  }
0x74: {  	v58 =	vor.u32 v57, v4;
	v63 =	vld.idx.msk [tilespmem:v51+s3+$0x0], $0xffff;
	[tilespmem:s11+$0x1A0] =	vst v42  }
0x75: {  	v61 =	vor.u32 v49, v21;
	[tilespmem:s10+$0x10] =	vst v46;
	v42 =	vld.idx.msk [tilespmem:v48+s3+$0x0], $0xffff  }
0x76: {  	v38 =	vor.u32 v38, v16;
	v62 =	vor.u32 $0x6, v34;
	[tilespmem:s10+$0x110] =	vst v39;
	v55 =	vld.idx.msk [tilespmem:v53+s3+$0x0], $0xffff  }
0x77: {  	v51 =	vor.u32 v62, v23;
	[tilespmem:s10+$0xFFFFFE10] =	vst v47;
	v60 =	vld.idx.msk [tilespmem:v50+s3+$0x0], $0xffff  }
0x78: {  	v40 =	vor.u32 v40, v15;
	v39 =	vld.idx.msk [tilespmem:v59+s3+$0x0], $0xffff;
	[tilespmem:s11+$0xFFFFFFA0] =	vst v37  }
0x79: {  	v41 =	vor.u32 v41, v19;
	v44 =	vld.idx.msk [tilespmem:v58+s3+$0x0], $0xffff;
	[tilespmem:s10+$0xFFFFFF20] =	vst v63  }
0x7a: {  	v56 =	vor.u32 v52, v14;
	v37 =	vld.idx.msk [tilespmem:v61+s3+$0x0], $0xffff;
	[tilespmem:s11+$0xA0] =	vst v43  }
0x7b: {  	v36 =	vor.u32 v57, v13;
	v57 =	vor.u32 v54, v20;
	v38 =	vld.idx.msk [tilespmem:v38+s3+$0x0], $0xffff;
	[tilespmem:s11+$0x1B0] =	vst v42  }
0x7c: {  	[tilespmem:s10+$0x120] =	vst v60;
	v42 =	vld.idx.msk [tilespmem:v51+s3+$0x0], $0xffff  }
0x7d: {  	v46 =	vor.u32 $0x2, v18;
	v58 =	vor.u32 v62, v22;
	[tilespmem:s10+$0x20] =	vst v55;
	v40 =	vld.idx.msk [tilespmem:v40+s3+$0x0], $0xffff  }
0x7e: {  	v59 =	vor.u32 v46, v17;
	v62 =	vld.idx.msk [tilespmem:v41+s3+$0x0], $0xffff;
	[tilespmem:s10+$0xFFFFFE20] =	vst v44;
	v44 =	vor.u32 $0x2, v6  }
0x7f: {  	v50 =	vor.u32 $0x2, v11;
	[tilespmem:s11+$0xFFFFFEA0] =	vst v39;
	v35 =	vld.idx.msk [tilespmem:v56+s3+$0x0], $0xffff;
	v60 =	vor.u32 v44, v7  }
0x80: {  	v61 =	vor.u32 v50, v12;
	v45 =	vld.idx.msk [tilespmem:v57+s3+$0x0], $0xffff;
	v56 =	vor.u32 $0x6, v32;
	[tilespmem:s11+$0xFFFFFFB0] =	vst v37  }
0x81: {  	v43 =	vor.u32 $0x2, v3;
	v36 =	vld.idx.msk [tilespmem:v36+s3+$0x0], $0xffff;
	v57 =	vor.u32 v56, v30;
	[tilespmem:s11+$0x1C0] =	vst v42  }
0x82: {  	v63 =	vor.u32 v43, v4;
	v42 =	vor.u32 $0x6, v33;
	[tilespmem:s10+$0x130] =	vst v40;
	v47 =	vld.idx.msk [tilespmem:v58+s3+$0x0], $0xffff  }
0x83: {  	v34 =	vor.u32 $0x7, v34;
	[tilespmem:s10+$0xFFFFFF30] =	vst v38;
	v58 =	vld.idx.msk [tilespmem:v59+s3+$0x0], $0xffff;
	v59 =	vor.u32 v42, v31  }
0x84: {  	v23 =	vor.u32 v34, v23;
	[tilespmem:s10+$0x30] =	vst v35;
	v49 =	vld.idx.msk [tilespmem:v60+s3+$0x0], $0xffff  }
0x85: {  	v44 =	vor.u32 v44, v16;
	[tilespmem:s11+$0xB0] =	vst v62;
	v35 =	vld.idx.msk [tilespmem:v61+s3+$0x0], $0xffff  }
0x86: {  	[tilespmem:s10+$0xFFFFFE30] =	vst v36;
	v61 =	vor.u32 v50, v14;
	v40 =	vld.idx.msk [tilespmem:v57+s3+$0x0], $0xffff  }
0x87: {  	v62 =	vor.u32 v43, v13;
	v43 =	vor.u32 $0x6, v29;
	[tilespmem:s11+$0xFFFFFEB0] =	vst v45;
	v60 =	vor.u32 v46, v15;
	v41 =	vld.idx.msk [tilespmem:v63+s3+$0x0], $0xffff  }
0x88: {  	v63 =	vor.u32 v43, v28;
	[tilespmem:s11+$0x1D0] =	vst v47;
	v46 =	vld.idx.msk [tilespmem:v59+s3+$0x0], $0xffff  }
0x89: {  	[tilespmem:s10+$0xFFFFFF40] =	vst v49;
	v23 =	vld.idx.msk [tilespmem:v23+s3+$0x0], $0xffff  }
0x8a: {  	v56 =	vor.u32 v56, v21;
	[tilespmem:s10+$0x40] =	vst v35;
	v44 =	vld.idx.msk [tilespmem:v44+s3+$0x0], $0xffff  }
0x8b: {  	v22 =	vor.u32 v34, v22;
	[tilespmem:s10+$0x140] =	vst v58;
	v37 =	vld.idx.msk [tilespmem:v61+s3+$0x0], $0xffff;
	v59 =	vor.u32 $0x3, v11  }
0x8c: {  	v35 =	vor.u32 $0x3, v18;
	[tilespmem:s11+$0xFFFFFFC0] =	vst v40;
	v36 =	vld.idx.msk [tilespmem:v60+s3+$0x0], $0xffff;
	v61 =	vor.u32 v59, v12  }
0x8d: {  	s19 =	simm.s32 $0x50;
	[tilespmem:s10+$0xFFFFFE40] =	vst v41;
	v57 =	vor.u32 v35, v17;
	v38 =	vld.idx.msk [tilespmem:v63+s3+$0x0], $0xffff  }
0x8e: {  	v54 =	vor.u32 v42, v19;
	v41 =	vor.u32 $0x3, v6;
	v39 =	vld.idx.msk [tilespmem:v62+s3+$0x0], $0xffff;
	v60 =	vmov s19;
	[tilespmem:s11+$0x1E0] =	vst v23  }
0x8f: {  	v53 =	vld.idx.msk [tilespmem:v56+s3+$0x0], $0xffff;
	v58 =	vor.u32 v41, v7;
	v62 =	vshll.u32 v60, $0x3;
	[tilespmem:s10+$0xFFFFFF50] =	vst v44  }
0x90: {  	v51 =	vor.u32 $0x3, v3;
	v43 =	vor.u32 v43, v20;
	v34 =	vand.u32 $0xC00, v62;
	[tilespmem:s10+$0x50] =	vst v37;
	v55 =	vld.idx.msk [tilespmem:v22+s3+$0x0], $0xffff  }
0x91: {  	v63 =	vor.u32 v51, v4;
	v23 =	vand.u32 $0x70, v60;
	[tilespmem:s10+$0x150] =	vst v36;
	v22 =	vadd.s32 v0, v34;
	v37 =	vld.idx.msk [tilespmem:v61+s3+$0x0], $0xffff  }
0x92: {  	[tilespmem:s11+$0xC0] =	vst v46;
	v56 =	vld.idx.msk [tilespmem:v57+s3+$0x0], $0xffff;
	v45 =	vor.u32 v23, v22  }
0x93: {  	v35 =	vor.u32 v35, v15;
	[tilespmem:s10+$0xFFFFFE50] =	vst v39;
	v60 =	vld.idx.msk [tilespmem:v54+s3+$0x0], $0xffff;
	v39 =	vor.u32 $0x7, v32  }
0x94: {  	[tilespmem:s11+$0xFFFFFEC0] =	vst v38;
	v57 =	vld.idx.msk [tilespmem:v58+s3+$0x0], $0xffff;
	v62 =	vor.u32 v39, v30  }
0x95: {  	v41 =	vor.u32 v41, v16;
	v43 =	vld.idx.msk [tilespmem:v43+s3+$0x0], $0xffff  }
0x96: {  	v59 =	vor.u32 v59, v14;
	[tilespmem:s11+$0xFFFFFFD0] =	vst v53;
	v58 =	vld.idx.msk [tilespmem:v63+s3+$0x0], $0xffff  }
0x97: {  	v33 =	vor.u32 $0x7, v33;
	v61 =	vor.u32 v51, v13;
	v32 =	vld.idx.msk [tilespmem:v45+s3+$0x0], $0xffff;
	[tilespmem:s10+$0x160] =	vst v56  }
0x98: {  	v63 =	vor.u32 v33, v31;
	[tilespmem:s11+$0x1F0] =	vst v55;
	v40 =	vld.idx.msk [tilespmem:v35+s3+$0x0], $0xffff;
	v35 =	vor.u32 $0x7, v29  }
0x99: {  	v38 =	vor.u32 $0x4, v18;
	[tilespmem:s10+$0xFFFFFF60] =	vst v57;
	v42 =	vld.idx.msk [tilespmem:v62+s3+$0x0], $0xffff;
	v47 =	vor.u32 v35, v28  }
0x9a: {  	[tilespmem:s10+$0x60] =	vst v37;
	v37 =	vor.u32 $0x4, v6;
	v45 =	vor.u32 v38, v17;
	v30 =	vld.idx.msk [tilespmem:v41+s3+$0x0], $0xffff  }
0x9b: {  	v36 =	vor.u32 $0x4, v11;
	[tilespmem:s10+$0xFFFFFE60] =	vst v58;
	v44 =	vor.u32 v37, v7;
	v41 =	vld.idx.msk [tilespmem:v59+s3+$0x0], $0xffff  }
0x9c: {  	v31 =	vor.u32 $0x4, v3;
	v46 =	vor.u32 v36, v12;
	[tilespmem:s11+$0xD0] =	vst v60;
	v28 =	vld.idx.msk [tilespmem:v61+s3+$0x0], $0xffff  }
0x9d: {  	s18 =	simm.s32 $0x60;
	s19 =	simm.s32 $0x58;
	v48 =	vor.u32 v31, v4;
	[tilespmem:s11+$0xFFFFFED0] =	vst v43;
	v43 =	vld.idx.msk [tilespmem:v63+s3+$0x0], $0xffff  }
.LBB2_3:
0x9e: {  	p2 =	slt.u32 s18, $0x1E0;
	v29 =	vmov s19;
	[tilespmem:s10+$0x170] =	vst v40;
	v40 =	vld.idx.msk [tilespmem:v47+s3+$0x0], $0xffff;
	v39 =	vor.u32 v39, v21;
	v21 =	vmov v16  }
0x9f: {  	v16 =	vshll.u32 v29, $0x3;
	[tilespmem:s10+$0xFFFFFF70] =	vst v30;
	v30 =	vld.idx.msk [tilespmem:v45+s3+$0x0], $0xffff;
	v45 =	vor.u32 v33, v19;
	v19 =	vmov v14  }
0xa0: {  	v14 =	vmov s18;
	v16 =	vand.u32 $0xC00, v16;
	v44 =	vld.idx.msk [tilespmem:v44+s3+$0x0], $0xffff;
	[tilespmem:s10+$0x70] =	vst v41;
	v41 =	vor.u32 v35, v20;
	v20 =	vmovc v13  }
0xa1: {  	v38 =	vor.u32 v38, v15;
	v35 =	vand.u32 $0x78, v29;
	v33 =	vadd.s32 v0, v16;
	[tilespmem:s10+$0xFFFFFE70] =	vst v28;
	v13 =	vld.idx.msk [tilespmem:v46+s3+$0x0], $0xffff  }
0xa2: {  	s19 =	sadd.s32 $0x8, s18;
	v28 =	vand.u32 $0x60, v14;
	v46 =	vor.u32 v35, v33;
	v47 =	vld.idx.msk [tilespmem:v48+s3+$0x0], $0xffff;
	[tilespmem:s11+$0xFFFFFFE0] =	vst v42  }
0xa3: {  	v37 =	vor.u32 v37, v21;
	v14 =	vshll.u32 v14, $0x3;
	v42 =	vmov s19;
	v39 =	vld.idx.msk [tilespmem:v39+s3+$0x0], $0xffff;
	[tilespmem:s11+$0xE0] =	vst v43  }
0xa4: {  	v48 =	vor.u32 v36, v19;
	v43 =	vand.u32 $0xC00, v14;
	v14 =	vshll.u32 v42, $0x3;
	[tilespmem:s11+$0xFFFFFEE0] =	vst v40;
	v40 =	vld.idx.msk [tilespmem:v45+s3+$0x0], $0xffff  }
0xa5: {  	v29 =	vadd.s32 v0, v43;
	v14 =	vand.u32 $0xC00, v14;
	v45 =	vor.u32 v31, v20;
	[tilespmem:s10+$0x180] =	vst v30;
	v41 =	vld.idx.msk [tilespmem:v41+s3+$0x0], $0xffff  }
0xa6: {  	v31 =	vand.u32 $0x68, v42;
	v49 =	vor.u32 v28, v29;
	v30 =	vadd.s32 v0, v14;
	[tilespmem:s10+$0xFFFFFF80] =	vst v44;
	v38 =	vld.idx.msk [tilespmem:v38+s3+$0x0], $0xffff  }
0xa7: {  	v42 =	vor.u32 v31, v30;
	v44 =	vld.idx.msk [tilespmem:v46+s3+$0x0], $0xffff;
	[tilespmem:s10+$0x80] =	vst v13;
	v46 =	vor.u32 $0x5, v18  }
0xa8: {  	v36 =	vadd.s32 v1, v16;
	[tilespmem:s10+$0xFFFFFE80] =	vst v47;
	v37 =	vld.idx.msk [tilespmem:v37+s3+$0x0], $0xffff;
	v47 =	vor.u32 v46, v17  }
0xa9: {  	v16 =	vadd.s32 v1, v25;
	v50 =	vor.u32 v35, v36;
	v25 =	vmov v14;
	v48 =	vld.idx.msk [tilespmem:v48+s3+$0x0], $0xffff;
	[tilespmem:s11+$0xFFFFFFF0] =	vst v39  }
0xaa: {  	v14 =	vadd.s32 v1, v34;
	v39 =	vor.u32 v10, v16;
	v34 =	vld.idx.msk [tilespmem:v45+s3+$0x0], $0xffff;
	[tilespmem:s11+$0xF0] =	vst v40  }
0xab: {  	v13 =	vadd.s32 v1, v24;
	v24 =	vmov v43;
	v45 =	vor.u32 v23, v14;
	v40 =	vld.idx.msk [tilespmem:v49+s3+$0x0], $0xffff;
	[tilespmem:s11+$0xFFFFFEF0] =	vst v41;
	s11 =	smov.u32 s10  }
0xac: {  	v43 =	vor.u32 $0x5, v6;
	s10 =	sadd.s32 $0x400, s10;
	v41 =	vld.idx.msk [tilespmem:v42+s3+$0x0], $0xffff;
	v42 =	vor.u32 v5, v13;
	[tilespmem:s11+$0x190] =	vst v38  }
0xad: {  	v38 =	vor.u32 v43, v7;
	[tilespmem:s10+$0x100] =	vst v44;
	v44 =	vor.u32 $0x5, v11;
	v47 =	vld.idx.msk [tilespmem:v47+s3+$0x0], $0xffff  }
0xae: {  	[tilespmem:s10+$0xFFFFFF00] =	vst v27;
	v49 =	vld.idx.msk [tilespmem:v50+s3+$0x0], $0xffff;
	v50 =	vor.u32 v44, v12  }
0xaf: {  	v46 =	vor.u32 v46, v15;
	v39 =	vld.idx.msk [tilespmem:v39+s3+$0x0], $0xffff;
	[tilespmem:s10+$0x0] =	vst v32;
	v32 =	vor.u32 $0x1, v35  }
0xb0: {  	v51 =	vor.u32 $0x1, v10;
	[tilespmem:s10+$0xFFFFFE00] =	vst v26;
	v45 =	vld.idx.msk [tilespmem:v45+s3+$0x0], $0xffff;
	v52 =	vor.u32 v32, v33  }
0xb1: {  	v54 =	vor.u32 $0x1, v23;
	v53 =	vor.u32 v51, v9;
	v26 =	vmov v40;
	v42 =	vld.idx.msk [tilespmem:v42+s3+$0x0], $0xffff;
	[tilespmem:s11+$0xFFFFFF90] =	vst v37  }
0xb2: {  	v40 =	vor.u32 v54, v22;
	v37 =	vor.u32 $0x1, v5;
	v27 =	vmov v41;
	v38 =	vld.idx.msk [tilespmem:v38+s3+$0x0], $0xffff;
	[tilespmem:s11+$0x90] =	vst v48  }
0xb3: {  	v41 =	vor.u32 v37, v8;
	v48 =	vor.u32 $0x5, v3;
	v50 =	vld.idx.msk [tilespmem:v50+s3+$0x0], $0xffff;
	[tilespmem:s11+$0x1A0] =	vst v47  }
0xb4: {  	v47 =	vor.u32 v48, v4;
	[tilespmem:s10+$0x110] =	vst v49;
	v46 =	vld.idx.msk [tilespmem:v46+s3+$0x0], $0xffff  }
0xb5: {  	v43 =	vor.u32 v43, v21;
	v49 =	vor.u32 $0x6, v18;
	[tilespmem:s10+$0xFFFFFF10] =	vst v39;
	v39 =	vld.idx.msk [tilespmem:v52+s3+$0x0], $0xffff  }
0xb6: {  	v52 =	vld.idx.msk [tilespmem:v53+s3+$0x0], $0xffff;
	[tilespmem:s10+$0x10] =	vst v45;
	v45 =	vor.u32 v49, v17  }
0xb7: {  	v32 =	vor.u32 v32, v36;
	[tilespmem:s10+$0xFFFFFE10] =	vst v42;
	v40 =	vld.idx.msk [tilespmem:v40+s3+$0x0], $0xffff  }
0xb8: {  	v42 =	vor.u32 v51, v16;
	v41 =	vld.idx.msk [tilespmem:v41+s3+$0x0], $0xffff;
	[tilespmem:s11+$0xFFFFFE90] =	vst v34  }
0xb9: {  	v34 =	vor.u32 v54, v14;
	v47 =	vld.idx.msk [tilespmem:v47+s3+$0x0], $0xffff;
	[tilespmem:s11+$0xFFFFFFA0] =	vst v38  }
0xba: {  	v37 =	vor.u32 v37, v13;
	v38 =	vld.idx.msk [tilespmem:v43+s3+$0x0], $0xffff;
	[tilespmem:s11+$0x1B0] =	vst v46  }
0xbb: {  	[tilespmem:s10+$0x120] =	vst v39;
	v39 =	vor.u32 v44, v19;
	v43 =	vld.idx.msk [tilespmem:v45+s3+$0x0], $0xffff  }
0xbc: {  	v44 =	vor.u32 v48, v20;
	[tilespmem:s10+$0xFFFFFF20] =	vst v52;
	v32 =	vld.idx.msk [tilespmem:v32+s3+$0x0], $0xffff  }
0xbd: {  	v45 =	vor.u32 v49, v15;
	v42 =	vld.idx.msk [tilespmem:v42+s3+$0x0], $0xffff;
	[tilespmem:s10+$0x20] =	vst v40;
	v40 =	vor.u32 $0x2, v35  }
0xbe: {  	[tilespmem:s10+$0xFFFFFE20] =	vst v41;
	v41 =	vor.u32 $0x2, v10;
	v34 =	vld.idx.msk [tilespmem:v34+s3+$0x0], $0xffff;
	v46 =	vor.u32 v40, v33  }
0xbf: {  	v49 =	vor.u32 $0x2, v23;
	v37 =	vld.idx.msk [tilespmem:v37+s3+$0x0], $0xffff;
	v48 =	vor.u32 v41, v9;
	[tilespmem:s11+$0xA0] =	vst v50  }
0xc0: {  	v51 =	vor.u32 v49, v22;
	v50 =	vor.u32 $0x2, v5;
	[tilespmem:s11+$0xFFFFFEA0] =	vst v47;
	v39 =	vld.idx.msk [tilespmem:v39+s3+$0x0], $0xffff  }
0xc1: {  	v52 =	vor.u32 $0x6, v6;
	v47 =	vor.u32 v50, v8;
	v44 =	vld.idx.msk [tilespmem:v44+s3+$0x0], $0xffff;
	[tilespmem:s11+$0x1C0] =	vst v43  }
0xc2: {  	v43 =	vor.u32 $0x6, v11;
	[tilespmem:s10+$0x130] =	vst v32;
	v32 =	vor.u32 v52, v7;
	v45 =	vld.idx.msk [tilespmem:v45+s3+$0x0], $0xffff  }
0xc3: {  	v53 =	vor.u32 $0x7, v18;
	v18 =	vmov v35;
	[tilespmem:s10+$0xFFFFFF30] =	vst v42;
	v42 =	vld.idx.msk [tilespmem:v46+s3+$0x0], $0xffff;
	v46 =	vor.u32 v43, v12  }
0xc4: {  	v35 =	vld.idx.msk [tilespmem:v48+s3+$0x0], $0xffff;
	[tilespmem:s10+$0x30] =	vst v34;
	v34 =	vor.u32 v53, v17;
	v17 =	vmov v33  }
0xc5: {  	[tilespmem:s10+$0xFFFFFE30] =	vst v37;
	v33 =	vld.idx.msk [tilespmem:v51+s3+$0x0], $0xffff;
	v37 =	vor.u32 v40, v36  }
0xc6: {  	v41 =	vor.u32 v41, v16;
	v40 =	vld.idx.msk [tilespmem:v47+s3+$0x0], $0xffff;
	[tilespmem:s11+$0xFFFFFFB0] =	vst v38  }
0xc7: {  	v38 =	vor.u32 v49, v14;
	v32 =	vld.idx.msk [tilespmem:v32+s3+$0x0], $0xffff;
	[tilespmem:s11+$0xB0] =	vst v39  }
0xc8: {  	v47 =	vor.u32 $0x6, v3;
	v39 =	vor.u32 v50, v13;
	v46 =	vld.idx.msk [tilespmem:v46+s3+$0x0], $0xffff;
	[tilespmem:s11+$0x1D0] =	vst v45  }
0xc9: {  	[tilespmem:s10+$0x140] =	vst v42;
	v42 =	vor.u32 v47, v4;
	v34 =	vld.idx.msk [tilespmem:v34+s3+$0x0], $0xffff  }
0xca: {  	[tilespmem:s10+$0xFFFFFF40] =	vst v35;
	v35 =	vld.idx.msk [tilespmem:v37+s3+$0x0], $0xffff;
	v37 =	vor.u32 v52, v21  }
0xcb: {  	v45 =	vor.u32 v53, v15;
	v15 =	vmov v36;
	v41 =	vld.idx.msk [tilespmem:v41+s3+$0x0], $0xffff;
	[tilespmem:s10+$0x40] =	vst v33;
	v33 =	vor.u32 $0x3, v18  }
0xcc: {  	v36 =	vor.u32 $0x3, v10;
	[tilespmem:s10+$0xFFFFFE40] =	vst v40;
	v38 =	vld.idx.msk [tilespmem:v38+s3+$0x0], $0xffff;
	v40 =	vor.u32 v33, v17  }
0xcd: {  	s19 =	sadd.s32 $0x10, s18;
	v49 =	vor.u32 $0x3, v23;
	v48 =	vor.u32 v36, v9;
	v39 =	vld.idx.msk [tilespmem:v39+s3+$0x0], $0xffff;
	[tilespmem:s11+$0xFFFFFEB0] =	vst v44  }
0xce: {  	v50 =	vor.u32 $0x3, v5;
	v51 =	vor.u32 v49, v22;
	v44 =	vmov s19;
	v42 =	vld.idx.msk [tilespmem:v42+s3+$0x0], $0xffff;
	[tilespmem:s11+$0xFFFFFFC0] =	vst v32  }
0xcf: {  	v52 =	vor.u32 v50, v8;
	v32 =	vshll.u32 v44, $0x3;
	v53 =	vld.idx.msk [tilespmem:v37+s3+$0x0], $0xffff;
	[tilespmem:s11+$0x1E0] =	vst v34  }
0xd0: {  	v34 =	vand.u32 $0xC00, v32;
	v32 =	vor.u32 v43, v19;
	[tilespmem:s10+$0x150] =	vst v35;
	v35 =	vld.idx.msk [tilespmem:v45+s3+$0x0], $0xffff  }
0xd1: {  	v43 =	vand.u32 $0x70, v44;
	v54 =	vadd.s32 v0, v34;
	[tilespmem:s10+$0xFFFFFF50] =	vst v41;
	v37 =	vld.idx.msk [tilespmem:v40+s3+$0x0], $0xffff;
	v40 =	vor.u32 v47, v20  }
0xd2: {  	v41 =	vor.u32 v43, v54;
	v44 =	vld.idx.msk [tilespmem:v48+s3+$0x0], $0xffff;
	[tilespmem:s10+$0x50] =	vst v38  }
0xd3: {  	v45 =	vor.u32 v33, v15;
	[tilespmem:s10+$0xFFFFFE50] =	vst v39;
	v38 =	vld.idx.msk [tilespmem:v51+s3+$0x0], $0xffff  }
0xd4: {  	v36 =	vor.u32 v36, v16;
	v48 =	vld.idx.msk [tilespmem:v52+s3+$0x0], $0xffff;
	[tilespmem:s11+$0xC0] =	vst v46  }
0xd5: {  	v46 =	vor.u32 v49, v14;
	[tilespmem:s11+$0xFFFFFEC0] =	vst v42;
	v49 =	vld.idx.msk [tilespmem:v32+s3+$0x0], $0xffff  }
0xd6: {  	v39 =	vor.u32 $0x7, v6;
	v6 =	vmovc v10;
	v10 =	vmov v31;
	v42 =	vor.u32 v50, v13;
	v50 =	vld.idx.msk [tilespmem:v40+s3+$0x0], $0xffff;
	[tilespmem:s11+$0x1F0] =	vst v35  }
0xd7: {  	v33 =	vor.u32 $0x7, v11;
	v51 =	vor.u32 v39, v7;
	v7 =	vmovc v9;
	v9 =	vmov v30;
	v32 =	vld.idx.msk [tilespmem:v41+s3+$0x0], $0xffff;
	[tilespmem:s10+$0x160] =	vst v37  }
0xd8: {  	v52 =	vor.u32 v33, v12;
	v35 =	vor.u32 $0x7, v3;
	v3 =	vmovc v5;
	v5 =	vmov v28;
	[tilespmem:s10+$0xFFFFFF60] =	vst v44;
	v40 =	vld.idx.msk [tilespmem:v45+s3+$0x0], $0xffff  }
.Ltmp2:
0xd9: {  	v47 =	vor.u32 v35, v4;
	v4 =	vmovc v8;
	v8 =	vmov v29;
	v30 =	vld.idx.msk [tilespmem:v36+s3+$0x0], $0xffff;
	[tilespmem:s10+$0x60] =	vst v38;
	v38 =	vor.u32 $0x4, v18;
	(pc) =	sbr.rel @p2 .LBB2_3-.Ltmp2, $4  }
0xda: {  	v11 =	vmovc v23;
	v23 =	vmov v43;
	v37 =	vor.u32 $0x4, v6;
	[tilespmem:s10+$0xFFFFFE60] =	vst v48;
	v41 =	vld.idx.msk [tilespmem:v46+s3+$0x0], $0xffff;
	v45 =	vor.u32 v38, v17  }
0xdb: {  	v12 =	vmovc v22;
	v22 =	vmov v54;
	v44 =	vor.u32 v37, v7;
	v36 =	vor.u32 $0x4, v11;
	v28 =	vld.idx.msk [tilespmem:v42+s3+$0x0], $0xffff;
	[tilespmem:s11+$0xFFFFFFD0] =	vst v53  }
0xdc: {  	v31 =	vor.u32 $0x4, v3;
	v46 =	vor.u32 v36, v12;
	v42 =	vld.idx.msk [tilespmem:v51+s3+$0x0], $0xffff;
	[tilespmem:s11+$0xD0] =	vst v49  }
0xdd: {  	s19 =	sadd.s32 $0x18, s18;
	s18 =	sadd.s32 $0x20, s18;
	v48 =	vor.u32 v31, v4;
	[tilespmem:s11+$0xFFFFFED0] =	vst v50;
	v43 =	vld.idx.msk [tilespmem:v52+s3+$0x0], $0xffff  }
0xde: {  	v29 =	vmov s19  }
0xdf: {  	v49 =	vshll.u32 v29, $0x3  }
0xe0: {  	[tilespmem:s10+$0x170] =	vst v40;
	v53 =	vand.u32 $0xC00, v49  }
0xe1: {  	[tilespmem:s10+$0xFFFFFF70] =	vst v30;
	v30 =	vand.u32 $0x78, v29;
	v29 =	vadd.s32 v0, v53  }
0xe2: {  	s18 =	sadd.s32 $0x400, s10;
	[tilespmem:s10+$0x70] =	vst v41;
	v55 =	vor.u32 v30, v29  }
0xe3: {  	v47 =	vld.idx.msk [tilespmem:v47+s3+$0x0], $0xffff;
	[tilespmem:s18+$0xFFFFFF00] =	vst v27  }
0xe4: {  	v21 =	vor.u32 v39, v21;
	v54 =	vld.idx.msk [tilespmem:v45+s3+$0x0], $0xffff;
	[tilespmem:s18+$0x0] =	vst v32  }
0xe5: {  	v44 =	vld.idx.msk [tilespmem:v44+s3+$0x0], $0xffff;
	[tilespmem:s18+$0xFFFFFE00] =	vst v26  }
0xe6: {  	v33 =	vor.u32 v33, v19;
	[tilespmem:s10+$0xFFFFFE70] =	vst v28;
	v56 =	vld.idx.msk [tilespmem:v46+s3+$0x0], $0xffff  }
0xe7: {  	v35 =	vor.u32 v35, v20;
	[tilespmem:s11+$0xFFFFFFE0] =	vst v42;
	v28 =	vadd.s32 v1, v53;
	v59 =	vld.idx.msk [tilespmem:v55+s3+$0x0], $0xffff  }
0xe8: {  	v19 =	vadd.s32 v1, v25;
	v57 =	vld.idx.msk [tilespmem:v48+s3+$0x0], $0xffff;
	[tilespmem:s11+$0xE0] =	vst v43;
	v25 =	vor.u32 v30, v28  }
0xe9: {  	v60 =	vor.u32 v10, v19;
	v58 =	vld.idx.msk [tilespmem:v21+s3+$0x0], $0xffff;
	[tilespmem:s11+$0xFFFFFEE0] =	vst v47;
	v21 =	vadd.s32 v1, v34  }
0xea: {  	v20 =	vadd.s32 v1, v24;
	[tilespmem:s10+$0x180] =	vst v54;
	v24 =	vor.u32 v23, v21  }
0xeb: {  	v61 =	vor.u32 v5, v20;
	v33 =	vld.idx.msk [tilespmem:v33+s3+$0x0], $0xffff;
	[tilespmem:s10+$0xFFFFFF80] =	vst v44  }
0xec: {  	v38 =	vor.u32 v38, v15;
	v35 =	vld.idx.msk [tilespmem:v35+s3+$0x0], $0xffff;
	[tilespmem:s18+$0x100] =	vst v59  }
0xed: {  	v37 =	vor.u32 v37, v16;
	v27 =	vor.u32 $0x1, v30;
	[tilespmem:s10+$0x80] =	vst v56;
	v25 =	vld.idx.msk [tilespmem:v25+s3+$0x0], $0xffff  }
0xee: {  	v63 =	vor.u32 $0x1, v10;
	v45 =	vor.u32 v27, v29;
	v62 =	vld.idx.msk [tilespmem:v60+s3+$0x0], $0xffff;
	[tilespmem:s10+$0xFFFFFE80] =	vst v57  }
0xef: {  	v26 =	vor.u32 v63, v9;
	v46 =	vor.u32 $0x1, v23;
	[tilespmem:s11+$0xFFFFFFF0] =	vst v58;
	v24 =	vld.idx.msk [tilespmem:v24+s3+$0x0], $0xffff  }
0xf0: {  	v48 =	vor.u32 $0x1, v5;
	v49 =	vor.u32 v46, v22;
	v47 =	vld.idx.msk [tilespmem:v61+s3+$0x0], $0xffff;
	[tilespmem:s11+$0xF0] =	vst v33  }
0xf1: {  	v50 =	vor.u32 v48, v8;
	v38 =	vld.idx.msk [tilespmem:v38+s3+$0x0], $0xffff;
	[tilespmem:s11+$0xFFFFFEF0] =	vst v35  }
0xf2: {  	v36 =	vor.u32 v36, v14;
	v51 =	vor.u32 $0x5, v18;
	v37 =	vld.idx.msk [tilespmem:v37+s3+$0x0], $0xffff;
	[tilespmem:s18+$0x110] =	vst v25  }
0xf3: {  	[tilespmem:s18+$0xFFFFFF10] =	vst v62;
	v25 =	vor.u32 v51, v17;
	v52 =	vld.idx.msk [tilespmem:v45+s3+$0x0], $0xffff  }
0xf4: {  	v26 =	vld.idx.msk [tilespmem:v26+s3+$0x0], $0xffff;
	[tilespmem:s18+$0x10] =	vst v24;
	v24 =	vor.u32 v27, v28  }
0xf5: {  	v32 =	vor.u32 v63, v19;
	[tilespmem:s18+$0xFFFFFE10] =	vst v47;
	v27 =	vld.idx.msk [tilespmem:v49+s3+$0x0], $0xffff  }
0xf6: {  	v53 =	vor.u32 v46, v21;
	[tilespmem:s10+$0x190] =	vst v38;
	v33 =	vld.idx.msk [tilespmem:v50+s3+$0x0], $0xffff  }
0xf7: {  	v34 =	vor.u32 v48, v20;
	v36 =	vld.idx.msk [tilespmem:v36+s3+$0x0], $0xffff;
	[tilespmem:s10+$0xFFFFFF90] =	vst v37  }
0xf8: {  	v31 =	vor.u32 v31, v13;
	v37 =	vor.u32 $0x5, v6;
	v25 =	vld.idx.msk [tilespmem:v25+s3+$0x0], $0xffff;
	[tilespmem:s18+$0x120] =	vst v52  }
0xf9: {  	v54 =	vor.u32 v37, v7;
	[tilespmem:s18+$0xFFFFFF20] =	vst v26;
	v26 =	vor.u32 $0x2, v30;
	v24 =	vld.idx.msk [tilespmem:v24+s3+$0x0], $0xffff  }
0xfa: {  	v32 =	vld.idx.msk [tilespmem:v32+s3+$0x0], $0xffff;
	v55 =	vor.u32 v26, v29;
	[tilespmem:s18+$0x20] =	vst v27;
	v27 =	vor.u32 $0x2, v10  }
0xfb: {  	v58 =	vor.u32 $0x2, v23;
	[tilespmem:s18+$0xFFFFFE20] =	vst v33;
	v56 =	vld.idx.msk [tilespmem:v53+s3+$0x0], $0xffff;
	v57 =	vor.u32 v27, v9  }
0xfc: {  	v60 =	vor.u32 v58, v22;
	[tilespmem:s10+$0x90] =	vst v36;
	v59 =	vor.u32 $0x2, v5;
	v34 =	vld.idx.msk [tilespmem:v34+s3+$0x0], $0xffff  }
0xfd: {  	v63 =	vor.u32 $0x5, v3;
	v31 =	vld.idx.msk [tilespmem:v31+s3+$0x0], $0xffff;
	[tilespmem:s10+$0x1A0] =	vst v25;
	v25 =	vor.u32 v59, v8  }
0xfe: {  	v61 =	vor.u32 $0x5, v11;
	v49 =	vor.u32 v63, v4;
	v38 =	vld.idx.msk [tilespmem:v54+s3+$0x0], $0xffff;
	[tilespmem:s18+$0x130] =	vst v24  }
0xff: {  	[tilespmem:s18+$0xFFFFFF30] =	vst v32;
	v24 =	vor.u32 v61, v12;
	v62 =	vld.idx.msk [tilespmem:v55+s3+$0x0], $0xffff  }
0x100: {  	v26 =	vor.u32 v26, v28;
	v35 =	vld.idx.msk [tilespmem:v57+s3+$0x0], $0xffff;
	[tilespmem:s18+$0x30] =	vst v56  }
0x101: {  	[tilespmem:s18+$0xFFFFFE30] =	vst v34;
	v27 =	vor.u32 v27, v19;
	v33 =	vld.idx.msk [tilespmem:v60+s3+$0x0], $0xffff  }
0x102: {  	[tilespmem:s10+$0xFFFFFE90] =	vst v31;
	v31 =	vor.u32 v58, v21;
	v25 =	vld.idx.msk [tilespmem:v25+s3+$0x0], $0xffff  }
0x103: {  	v36 =	vor.u32 v59, v20;
	[tilespmem:s10+$0xFFFFFFA0] =	vst v38;
	v38 =	vld.idx.msk [tilespmem:v49+s3+$0x0], $0xffff  }
0x104: {  	v43 =	vor.u32 v51, v15;
	v24 =	vld.idx.msk [tilespmem:v24+s3+$0x0], $0xffff;
	[tilespmem:s18+$0x140] =	vst v62  }
0x105: {  	v37 =	vor.u32 v37, v16;
	v52 =	vor.u32 $0x3, v30;
	[tilespmem:s18+$0xFFFFFF40] =	vst v35;
	v26 =	vld.idx.msk [tilespmem:v26+s3+$0x0], $0xffff  }
0x106: {  	v53 =	vor.u32 $0x3, v10;
	v54 =	vor.u32 v52, v29;
	v27 =	vld.idx.msk [tilespmem:v27+s3+$0x0], $0xffff;
	[tilespmem:s18+$0x40] =	vst v33  }
0x107: {  	v55 =	vor.u32 $0x3, v23;
	[tilespmem:s18+$0xFFFFFE40] =	vst v25;
	v25 =	vld.idx.msk [tilespmem:v31+s3+$0x0], $0xffff;
	v31 =	vor.u32 v53, v9  }
0x108: {  	v56 =	vor.u32 $0x3, v5;
	[tilespmem:s10+$0xFFFFFEA0] =	vst v38;
	v57 =	vor.u32 v55, v22;
	v36 =	vld.idx.msk [tilespmem:v36+s3+$0x0], $0xffff  }
0x109: {  	v50 =	vor.u32 $0x6, v18;
	v48 =	vld.idx.msk [tilespmem:v43+s3+$0x0], $0xffff;
	[tilespmem:s10+$0xA0] =	vst v24;
	v24 =	vor.u32 v56, v8  }
0x10a: {  	v51 =	vor.u32 v50, v17;
	v37 =	vld.idx.msk [tilespmem:v37+s3+$0x0], $0xffff;
	[tilespmem:s18+$0x150] =	vst v26  }
0x10b: {  	[tilespmem:s18+$0xFFFFFF50] =	vst v27;
	v26 =	vor.u32 v61, v14;
	v27 =	vld.idx.msk [tilespmem:v54+s3+$0x0], $0xffff  }
0x10c: {  	v31 =	vld.idx.msk [tilespmem:v31+s3+$0x0], $0xffff;
	[tilespmem:s18+$0x50] =	vst v25;
	v25 =	vor.u32 v52, v28  }
0x10d: {  	v33 =	vor.u32 v53, v19;
	[tilespmem:s18+$0xFFFFFE50] =	vst v36;
	v58 =	vld.idx.msk [tilespmem:v57+s3+$0x0], $0xffff  }
0x10e: {  	v59 =	vor.u32 v55, v21;
	[tilespmem:s10+$0x1B0] =	vst v48;
	v24 =	vld.idx.msk [tilespmem:v24+s3+$0x0], $0xffff  }
0x10f: {  	v60 =	vor.u32 v56, v20;
	[tilespmem:s10+$0xFFFFFFB0] =	vst v37;
	v32 =	vld.idx.msk [tilespmem:v51+s3+$0x0], $0xffff  }
0x110: {  	v61 =	vor.u32 v50, v15;
	v26 =	vld.idx.msk [tilespmem:v26+s3+$0x0], $0xffff;
	[tilespmem:s18+$0x160] =	vst v27  }
0x111: {  	v27 =	vor.u32 v63, v13;
	[tilespmem:s18+$0xFFFFFF60] =	vst v31;
	v31 =	vor.u32 $0x4, v30;
	v25 =	vld.idx.msk [tilespmem:v25+s3+$0x0], $0xffff  }
0x112: {  	v62 =	vor.u32 $0x4, v10;
	v33 =	vld.idx.msk [tilespmem:v33+s3+$0x0], $0xffff;
	[tilespmem:s18+$0x60] =	vst v58;
	v63 =	vor.u32 v31, v29  }
0x113: {  	v46 =	vor.u32 $0x4, v23;
	v45 =	vor.u32 v62, v9;
	[tilespmem:s18+$0xFFFFFE60] =	vst v24;
	v24 =	vld.idx.msk [tilespmem:v59+s3+$0x0], $0xffff  }
0x114: {  	v47 =	vor.u32 $0x4, v5;
	v48 =	vor.u32 v46, v22;
	[tilespmem:s10+$0x1C0] =	vst v32;
	v32 =	vld.idx.msk [tilespmem:v60+s3+$0x0], $0xffff  }
0x115: {  	v49 =	vor.u32 $0x6, v6;
	v38 =	vld.idx.msk [tilespmem:v61+s3+$0x0], $0xffff;
	[tilespmem:s10+$0xB0] =	vst v26;
	v26 =	vor.u32 v47, v8  }
0x116: {  	v18 =	vor.u32 $0x7, v18;
	v50 =	vor.u32 v49, v7;
	v27 =	vld.idx.msk [tilespmem:v27+s3+$0x0], $0xffff;
	[tilespmem:s18+$0x170] =	vst v25  }
0x117: {  	v17 =	vor.u32 v18, v17;
	[tilespmem:s18+$0xFFFFFF70] =	vst v33;
	v25 =	vld.idx.msk [tilespmem:v63+s3+$0x0], $0xffff  }
0x118: {  	v33 =	vld.idx.msk [tilespmem:v45+s3+$0x0], $0xffff;
	[tilespmem:s18+$0x70] =	vst v24;
	v24 =	vor.u32 v31, v28  }
0x119: {  	v51 =	vor.u32 v62, v19;
	[tilespmem:s18+$0xFFFFFE70] =	vst v32;
	v31 =	vld.idx.msk [tilespmem:v48+s3+$0x0], $0xffff  }
0x11a: {  	v52 =	vor.u32 v46, v21;
	[tilespmem:s10+$0x1D0] =	vst v38;
	v26 =	vld.idx.msk [tilespmem:v26+s3+$0x0], $0xffff  }
0x11b: {  	v53 =	vor.u32 $0x6, v11;
	v54 =	vld.idx.msk [tilespmem:v50+s3+$0x0], $0xffff;
	[tilespmem:s10+$0xFFFFFEB0] =	vst v27;
	v27 =	vor.u32 v47, v20  }
0x11c: {  	v55 =	vor.u32 v53, v12;
	v56 =	vor.u32 $0x6, v3;
	v17 =	vld.idx.msk [tilespmem:v17+s3+$0x0], $0xffff;
	[tilespmem:s18+$0x180] =	vst v25  }
0x11d: {  	v57 =	vor.u32 $0x5, v30;
	v25 =	vor.u32 v56, v4;
	[tilespmem:s18+$0xFFFFFF80] =	vst v33;
	v24 =	vld.idx.msk [tilespmem:v24+s3+$0x0], $0xffff  }
0x11e: {  	v58 =	vor.u32 v57, v29;
	v59 =	vor.u32 $0x5, v10;
	[tilespmem:s18+$0x80] =	vst v31;
	v31 =	vld.idx.msk [tilespmem:v51+s3+$0x0], $0xffff  }
0x11f: {  	v61 =	vor.u32 $0x5, v23;
	v60 =	vor.u32 v59, v9;
	[tilespmem:s18+$0xFFFFFE80] =	vst v26;
	v26 =	vld.idx.msk [tilespmem:v52+s3+$0x0], $0xffff  }
0x120: {  	v62 =	vor.u32 v61, v22;
	[tilespmem:s10+$0xFFFFFFC0] =	vst v54;
	v63 =	vor.u32 $0x5, v5;
	v27 =	vld.idx.msk [tilespmem:v27+s3+$0x0], $0xffff  }
0x121: {  	v37 =	vld.idx.msk [tilespmem:v55+s3+$0x0], $0xffff;
	[tilespmem:s10+$0x1E0] =	vst v17;
	v17 =	vor.u32 v63, v8  }
0x122: {  	v15 =	vor.u32 v18, v15;
	v18 =	vld.idx.msk [tilespmem:v25+s3+$0x0], $0xffff;
	[tilespmem:s18+$0x190] =	vst v24  }
0x123: {  	v24 =	vor.u32 v49, v16;
	[tilespmem:s18+$0xFFFFFF90] =	vst v31;
	v25 =	vld.idx.msk [tilespmem:v58+s3+$0x0], $0xffff  }
0x124: {  	v31 =	vor.u32 v57, v28;
	v44 =	vld.idx.msk [tilespmem:v60+s3+$0x0], $0xffff;
	[tilespmem:s18+$0x90] =	vst v26  }
0x125: {  	v45 =	vor.u32 v59, v19;
	v26 =	vld.idx.msk [tilespmem:v62+s3+$0x0], $0xffff;
	[tilespmem:s18+$0xFFFFFE90] =	vst v27  }
0x126: {  	[tilespmem:s10+$0xC0] =	vst v37;
	v27 =	vor.u32 v61, v21;
	v17 =	vld.idx.msk [tilespmem:v17+s3+$0x0], $0xffff  }
0x127: {  	v15 =	vld.idx.msk [tilespmem:v15+s3+$0x0], $0xffff;
	[tilespmem:s10+$0xFFFFFEC0] =	vst v18;
	v18 =	vor.u32 v63, v20  }
0x128: {  	v46 =	vor.u32 v53, v14;
	v24 =	vld.idx.msk [tilespmem:v24+s3+$0x0], $0xffff;
	[tilespmem:s18+$0x1A0] =	vst v25  }
0x129: {  	v47 =	vor.u32 $0x6, v30;
	v25 =	vor.u32 v56, v13;
	[tilespmem:s18+$0xFFFFFFA0] =	vst v44;
	v31 =	vld.idx.msk [tilespmem:v31+s3+$0x0], $0xffff  }
0x12a: {  	v48 =	vor.u32 v47, v29;
	v33 =	vld.idx.msk [tilespmem:v45+s3+$0x0], $0xffff;
	[tilespmem:s18+$0xA0] =	vst v26;
	v26 =	vor.u32 $0x6, v10  }
0x12b: {  	v49 =	vor.u32 $0x6, v23;
	[tilespmem:s18+$0xFFFFFEA0] =	vst v17;
	v17 =	vld.idx.msk [tilespmem:v27+s3+$0x0], $0xffff;
	v27 =	vor.u32 v26, v9  }
0x12c: {  	v50 =	vor.u32 $0x6, v5;
	[tilespmem:s10+$0x1F0] =	vst v15;
	v15 =	vld.idx.msk [tilespmem:v18+s3+$0x0], $0xffff;
	v18 =	vor.u32 v49, v22  }
0x12d: {  	v6 =	vor.u32 $0x7, v6;
	v34 =	vld.idx.msk [tilespmem:v46+s3+$0x0], $0xffff;
	[tilespmem:s10+$0xFFFFFFD0] =	vst v24;
	v24 =	vor.u32 v50, v8  }
0x12e: {  	v11 =	vor.u32 $0x7, v11;
	v7 =	vor.u32 v6, v7;
	v25 =	vld.idx.msk [tilespmem:v25+s3+$0x0], $0xffff;
	[tilespmem:s18+$0x1B0] =	vst v31  }
0x12f: {  	v12 =	vor.u32 v11, v12;
	[tilespmem:s18+$0xFFFFFFB0] =	vst v33;
	v31 =	vld.idx.msk [tilespmem:v48+s3+$0x0], $0xffff  }
0x130: {  	v51 =	vor.u32 v47, v28;
	v27 =	vld.idx.msk [tilespmem:v27+s3+$0x0], $0xffff;
	[tilespmem:s18+$0xB0] =	vst v17  }
0x131: {  	v17 =	vld.idx.msk [tilespmem:v18+s3+$0x0], $0xffff;
	v18 =	vor.u32 v26, v19;
	[tilespmem:s18+$0xFFFFFEB0] =	vst v15  }
0x132: {  	[tilespmem:s10+$0xD0] =	vst v34;
	v15 =	vld.idx.msk [tilespmem:v24+s3+$0x0], $0xffff;
	v24 =	vor.u32 v49, v21  }
0x133: {  	v3 =	vor.u32 $0x7, v3;
	v7 =	vld.idx.msk [tilespmem:v7+s3+$0x0], $0xffff;
	[tilespmem:s10+$0xFFFFFED0] =	vst v25;
	v25 =	vor.u32 v50, v20  }
0x134: {  	v4 =	vor.u32 v3, v4;
	v12 =	vld.idx.msk [tilespmem:v12+s3+$0x0], $0xffff;
	[tilespmem:s18+$0x1C0] =	vst v31  }
0x135: {  	v6 =	vor.u32 v6, v16;
	v26 =	vor.u32 $0x7, v30;
	[tilespmem:s18+$0xFFFFFFC0] =	vst v27;
	v16 =	vld.idx.msk [tilespmem:v51+s3+$0x0], $0xffff  }
0x136: {  	v10 =	vor.u32 $0x7, v10;
	v27 =	vor.u32 v26, v29;
	v18 =	vld.idx.msk [tilespmem:v18+s3+$0x0], $0xffff;
	[tilespmem:s18+$0xC0] =	vst v17  }
0x137: {  	v9 =	vor.u32 v10, v9;
	v17 =	vor.u32 $0x7, v23;
	[tilespmem:s18+$0xFFFFFEC0] =	vst v15;
	v15 =	vld.idx.msk [tilespmem:v24+s3+$0x0], $0xffff  }
0x138: {  	v5 =	vor.u32 $0x7, v5;
	[tilespmem:s10+$0xFFFFFFE0] =	vst v7;
	v22 =	vor.u32 v17, v22;
	v7 =	vld.idx.msk [tilespmem:v25+s3+$0x0], $0xffff  }
0x139: {  	[tilespmem:s10+$0xE0] =	vst v12;
	v8 =	vor.u32 v5, v8;
	v4 =	vld.idx.msk [tilespmem:v4+s3+$0x0], $0xffff  }
0x13a: {  	v11 =	vor.u32 v11, v14;
	v6 =	vld.idx.msk [tilespmem:v6+s3+$0x0], $0xffff;
	[tilespmem:s18+$0x1D0] =	vst v16  }
0x13b: {  	v3 =	vor.u32 v3, v13;
	[tilespmem:s18+$0xFFFFFFD0] =	vst v18;
	v12 =	vld.idx.msk [tilespmem:v27+s3+$0x0], $0xffff  }
0x13c: {  	v13 =	vor.u32 v26, v28;
	v9 =	vld.idx.msk [tilespmem:v9+s3+$0x0], $0xffff;
	[tilespmem:s18+$0xD0] =	vst v15  }
0x13d: {  	v10 =	vor.u32 v10, v19;
	[tilespmem:s18+$0xFFFFFED0] =	vst v7;
	v7 =	vld.idx.msk [tilespmem:v22+s3+$0x0], $0xffff  }
0x13e: {  	[tilespmem:s10+$0xFFFFFEE0] =	vst v4;
	v4 =	vld.idx.msk [tilespmem:v8+s3+$0x0], $0xffff;
	v8 =	vor.u32 v17, v21  }
0x13f: {  	v11 =	vld.idx.msk [tilespmem:v11+s3+$0x0], $0xffff;
	v5 =	vor.u32 v5, v20;
	[tilespmem:s10+$0xFFFFFFF0] =	vst v6  }
0x140: {  	v3 =	vld.idx.msk [tilespmem:v3+s3+$0x0], $0xffff;
	[tilespmem:s18+$0x1E0] =	vst v12  }
0x141: {  	[tilespmem:s18+$0xFFFFFFE0] =	vst v9;
	v6 =	vld.idx.msk [tilespmem:v13+s3+$0x0], $0xffff  }
0x142: {  	v9 =	vld.idx.msk [tilespmem:v10+s3+$0x0], $0xffff;
	[tilespmem:s18+$0xE0] =	vst v7  }
0x143: {  	[tilespmem:s18+$0xFFFFFEE0] =	vst v4;
	v4 =	vld.idx.msk [tilespmem:v8+s3+$0x0], $0xffff  }
0x144: {  	[tilespmem:s10+$0xF0] =	vst v11;
	v5 =	vld.idx.msk [tilespmem:v5+s3+$0x0], $0xffff  }
0x145: {  	[tilespmem:s10+$0xFFFFFEF0] =	vst v3  }
0x146: {  	[tilespmem:s18+$0x1F0] =	vst v6  }
0x147: {  	[tilespmem:s18+$0xFFFFFFF0] =	vst v9  }
0x148: {  	p2 =	seq.s32 s31, $0x1D;
	s11 =	sshll.u32 s8, $0xB;
	[tilespmem:s18+$0xF0] =	vst v4  }
0x149: {  	s8 =	sshll.u32 @!p2 s8, $0x9;
	s10 =	sadd.s32 s5, s11;
	[tilespmem:s18+$0xFFFFFEF0] =	vst v5  }
0x14a: {  	[hbm4b:s10+s3] =	stream.linear.scatter [tilespmem:s26], [sflag:$0x2], $0x4000, $0x38;
	[tilespmem:$0x13800] =	vst v63  }
0x14b: {  	s8 =	sadd.s32 @!p2 s8, s6;
	_ =	swait.ge [sflag:s28], $0x4000  }
0x14c: {  	s11 =	simm.s32 $0x0;
	s18 =	simm.s32 $0x18;
	[sflag:s28] =	ssyncset.done $0x0  }
0x14d: {  	v3 =	vmov s11;
	s10 =	simm.s32 @!p2 $0x0;
	v4 =	vmov s18;
	s18 =	simm.s32 $0x8;
	[sflag:s28] =	ssyncadd.s32 $0xFFFFC000  }
0x14e: {  	v5 =	vshll.u32 v3, $0x3;
	[tilespmem:s10], [sflag:$0x1] =	stream.linear.gather @!p2 [hbm4b:s8+s10], $0x1000, $0x38;
	[tilespmem:$0x13800] =	vst v63  }
0x14f: {  	s19 =	sadd.s32 @!p2 $0xF4280, s8;
	s11 =	simm.s32 @!p2 $0x1400;
	v29 =	vand.u32 $0x60, v3;
	v5 =	vand.u32 $0xC00, v5;
	v6 =	vmov s18  }
0x150: {  	v7 =	vshll.u32 v4, $0x3;
	v34 =	vand.u32 $0x78, v4;
	v28 =	vadd.s32 v0, v5;
	[tilespmem:s11], [sflag:$0x1] =	stream.linear.gather @!p2 [hbm4b:s19+s10], $0x1000, $0x38;
	[tilespmem:$0x13800] =	vst v63  }
0x151: {  	s18 =	simm.s32 @!p2 $0x2800;
	v8 =	vshll.u32 v6, $0x3;
	v7 =	vand.u32 $0xC00, v7;
	v32 =	vand.u32 $0x68, v6;
	s11 =	sadd.s32 @!p2 $0x1E8500, s8;
	s19 =	simm.s32 $0x10  }
0x152: {  	v23 =	vadd.s32 v0, v7;
	v4 =	vand.u32 $0xC00, v8;
	v9 =	vmov s19;
	[tilespmem:s18], [sflag:$0x1] =	stream.linear.gather @!p2 [hbm4b:s11+s10], $0x1000, $0x38;
	[tilespmem:$0x13800] =	vst v63  }
0x153: {  	v10 =	vor.u32 v34, v23;
	v30 =	vadd.s32 v0, v4;
	s8 =	sadd.s32 @!p2 $0x2DC780, s8;
	s11 =	simm.s32 @!p2 $0x3C00;
	v8 =	vshll.u32 v9, $0x3  }
0x154: {  	v33 =	vand.u32 $0x70, v9;
	v9 =	vor.u32 v29, v28;
	v6 =	vand.u32 $0xC00, v8;
	[tilespmem:s11], [sflag:$0x1] =	stream.linear.gather @!p2 [hbm4b:s8+s10], $0x1000, $0x38;
	[tilespmem:$0x13800] =	vst v63  }
0x155: {  	v8 =	vor.u32 v32, v30;
	v31 =	vadd.s32 v0, v6;
	_ =	swait.ge [sflag:s25], $0x4000  }
0x156: {  	v3 =	vor.u32 v33, v31;
	[sflag:s25] =	ssyncset.done $0x0  }
0x157: {  	[sflag:s25] =	ssyncadd.s32 $0xFFFFC000  }
0x158: {  	v22 =	vadd.s32 v1, v7;
	v10 =	vld.idx.msk [tilespmem:v10+s21+$0x0], $0xffff  }
0x159: {  	v20 =	vadd.s32 v1, v5;
	v7 =	vor.u32 v34, v22;
	v19 =	vadd.s32 v1, v6;
	v6 =	vld.idx.msk [tilespmem:v9+s21+$0x0], $0xffff  }
0x15a: {  	v21 =	vadd.s32 v1, v4;
	v8 =	vld.idx.msk [tilespmem:v8+s21+$0x0], $0xffff;
	v9 =	vor.u32 v29, v20  }
0x15b: {  	v4 =	vor.u32 v32, v21;
	v3 =	vld.idx.msk [tilespmem:v3+s21+$0x0], $0xffff  }
0x15c: {  	s10 =	simm.s32 $0xE200;
	v5 =	vor.u32 v33, v19  }
0x15d: {  	[tilespmem:s10+$0x100] =	vst v10  }
0x15e: {  	v10 =	vor.u32 $0x1, v34;
	[tilespmem:s10+$0xFFFFFE00] =	vst v6;
	v7 =	vld.idx.msk [tilespmem:v7+s21+$0x0], $0xffff  }
0x15f: {  	v12 =	vor.u32 $0x1, v29;
	[tilespmem:s10+$0xFFFFFF00] =	vst v8;
	v8 =	vor.u32 v10, v23;
	v9 =	vld.idx.msk [tilespmem:v9+s21+$0x0], $0xffff  }
0x160: {  	v14 =	vor.u32 v12, v28;
	v4 =	vld.idx.msk [tilespmem:v4+s21+$0x0], $0xffff;
	[tilespmem:s10+$0x0] =	vst v3;
	v3 =	vor.u32 $0x1, v32  }
0x161: {  	v11 =	vor.u32 $0x1, v33;
	v5 =	vld.idx.msk [tilespmem:v5+s21+$0x0], $0xffff;
	v6 =	vor.u32 v3, v30  }
0x162: {  	v13 =	vor.u32 v11, v31  }
0x163: {  	[tilespmem:s10+$0x110] =	vst v7  }
0x164: {  	[tilespmem:s10+$0xFFFFFE10] =	vst v9;
	v7 =	vld.idx.msk [tilespmem:v8+s21+$0x0], $0xffff  }
0x165: {  	[tilespmem:s10+$0xFFFFFF10] =	vst v4;
	v4 =	vor.u32 v10, v22;
	v8 =	vld.idx.msk [tilespmem:v14+s21+$0x0], $0xffff  }
0x166: {  	v10 =	vor.u32 v12, v20;
	v6 =	vld.idx.msk [tilespmem:v6+s21+$0x0], $0xffff;
	[tilespmem:s10+$0x10] =	vst v5  }
0x167: {  	v3 =	vor.u32 v3, v21;
	v5 =	vld.idx.msk [tilespmem:v13+s21+$0x0], $0xffff  }
0x168: {  	v9 =	vor.u32 v11, v19  }
0x169: {  	[tilespmem:s10+$0x120] =	vst v7  }
0x16a: {  	[tilespmem:s10+$0xFFFFFE20] =	vst v8;
	v4 =	vld.idx.msk [tilespmem:v4+s21+$0x0], $0xffff  }
0x16b: {  	v7 =	vor.u32 $0x2, v34;
	[tilespmem:s10+$0xFFFFFF20] =	vst v6;
	v10 =	vld.idx.msk [tilespmem:v10+s21+$0x0], $0xffff  }
0x16c: {  	v6 =	vor.u32 v7, v23;
	v3 =	vld.idx.msk [tilespmem:v3+s21+$0x0], $0xffff;
	[tilespmem:s10+$0x20] =	vst v5;
	v5 =	vor.u32 $0x2, v32  }
0x16d: {  	v12 =	vor.u32 $0x2, v29;
	v8 =	vld.idx.msk [tilespmem:v9+s21+$0x0], $0xffff;
	v9 =	vor.u32 v5, v30  }
0x16e: {  	v11 =	vor.u32 $0x2, v33;
	v14 =	vor.u32 v12, v28  }
0x16f: {  	v13 =	vor.u32 v11, v31  }
0x170: {  	[tilespmem:s10+$0x130] =	vst v4  }
0x171: {  	v4 =	vld.idx.msk [tilespmem:v6+s21+$0x0], $0xffff;
	[tilespmem:s10+$0xFFFFFF30] =	vst v3  }
0x172: {  	[tilespmem:s10+$0xFFFFFE30] =	vst v10;
	v3 =	vor.u32 v7, v22;
	v6 =	vld.idx.msk [tilespmem:v9+s21+$0x0], $0xffff  }
0x173: {  	v5 =	vor.u32 v5, v21;
	[tilespmem:s10+$0x30] =	vst v8;
	v8 =	vld.idx.msk [tilespmem:v14+s21+$0x0], $0xffff  }
0x174: {  	v10 =	vor.u32 v12, v20;
	v7 =	vld.idx.msk [tilespmem:v13+s21+$0x0], $0xffff  }
0x175: {  	v9 =	vor.u32 v11, v19  }
0x176: {  	[tilespmem:s10+$0x140] =	vst v4  }
0x177: {  	v3 =	vld.idx.msk [tilespmem:v3+s21+$0x0], $0xffff;
	[tilespmem:s10+$0xFFFFFF40] =	vst v6  }
0x178: {  	v4 =	vor.u32 $0x3, v34;
	[tilespmem:s10+$0xFFFFFE40] =	vst v8;
	v5 =	vld.idx.msk [tilespmem:v5+s21+$0x0], $0xffff  }
0x179: {  	v6 =	vor.u32 v4, v23;
	[tilespmem:s10+$0x40] =	vst v7;
	v7 =	vor.u32 $0x3, v32;
	v10 =	vld.idx.msk [tilespmem:v10+s21+$0x0], $0xffff  }
0x17a: {  	v12 =	vor.u32 $0x3, v29;
	v8 =	vld.idx.msk [tilespmem:v9+s21+$0x0], $0xffff;
	v9 =	vor.u32 v7, v30  }
0x17b: {  	v11 =	vor.u32 $0x3, v33;
	v14 =	vor.u32 v12, v28  }
0x17c: {  	v13 =	vor.u32 v11, v31  }
0x17d: {  	[tilespmem:s10+$0x150] =	vst v3  }
0x17e: {  	v6 =	vld.idx.msk [tilespmem:v6+s21+$0x0], $0xffff;
	[tilespmem:s10+$0xFFFFFF50] =	vst v5  }
0x17f: {  	[tilespmem:s10+$0xFFFFFE50] =	vst v10;
	v9 =	vld.idx.msk [tilespmem:v9+s21+$0x0], $0xffff  }
0x180: {  	s19 =	simm.s32 $0x20;
	v5 =	vor.u32 v4, v22;
	[tilespmem:s10+$0x50] =	vst v8;
	v14 =	vld.idx.msk [tilespmem:v14+s21+$0x0], $0xffff  }
0x181: {  	v52 =	vor.u32 $0x4, v29;
	v15 =	vmov s19;
	v10 =	vld.idx.msk [tilespmem:v13+s21+$0x0], $0xffff;
	v13 =	vor.u32 v7, v21  }
0x182: {  	v24 =	vor.u32 $0x4, v34;
	s11 =	simm.s32 $0x28;
	v12 =	vor.u32 v12, v20;
	v4 =	vshll.u32 v15, $0x3  }
0x183: {  	v3 =	vand.u32 $0x60, v15;
	v8 =	vmov s11;
	v27 =	vand.u32 $0xC00, v4  }
0x184: {  	v15 =	vor.u32 v11, v19;
	v7 =	vshll.u32 v8, $0x3;
	v4 =	vadd.s32 v0, v27;
	[tilespmem:s10+$0x160] =	vst v6  }
0x185: {  	v55 =	vor.u32 v52, v28;
	v16 =	vand.u32 $0xC00, v7;
	v17 =	vor.u32 v3, v4;
	v5 =	vld.idx.msk [tilespmem:v5+s21+$0x0], $0xffff;
	[tilespmem:s10+$0xFFFFFF60] =	vst v9  }
0x186: {  	s18 =	simm.s32 $0x30;
	v7 =	vadd.s32 v0, v16;
	v6 =	vand.u32 $0x68, v8;
	v9 =	vor.u32 v24, v23;
	[tilespmem:s10+$0xFFFFFE60] =	vst v14;
	v13 =	vld.idx.msk [tilespmem:v13+s21+$0x0], $0xffff  }
0x187: {  	v8 =	vmov s18;
	v18 =	vor.u32 v6, v7;
	[tilespmem:s10+$0x60] =	vst v10;
	v10 =	vor.u32 $0x4, v32;
	v25 =	vld.idx.msk [tilespmem:v12+s21+$0x0], $0xffff  }
0x188: {  	v16 =	vadd.s32 v1, v16;
	v11 =	vshll.u32 v8, $0x3;
	v14 =	vor.u32 v10, v30  }
0x189: {  	s19 =	simm.s32 $0x38;
	v26 =	vand.u32 $0xC00, v11;
	v11 =	vand.u32 $0x70, v8;
	v8 =	vld.idx.msk [tilespmem:v15+s21+$0x0], $0xffff;
	v15 =	vor.u32 $0x4, v33  }
0x18a: {  	v54 =	vmov s19;
	v38 =	vld.idx.msk [tilespmem:v17+s21+$0x0], $0xffff;
	v12 =	vadd.s32 v0, v26;
	v53 =	vor.u32 v15, v31;
	[tilespmem:s10+$0x170] =	vst v5  }
0x18b: {  	v56 =	vor.u32 v11, v12;
	v61 =	vor.u32 v15, v19;
	v5 =	vshll.u32 v54, $0x3;
	v9 =	vld.idx.msk [tilespmem:v9+s21+$0x0], $0xffff;
	[tilespmem:s10+$0xFFFFFF70] =	vst v13  }
0x18c: {  	v43 =	vld.idx.msk [tilespmem:v18+s21+$0x0], $0xffff;
	v18 =	vand.u32 $0x78, v54;
	v58 =	vand.u32 $0xC00, v5;
	v13 =	vor.u32 v24, v22;
	[tilespmem:s10+$0xFFFFFE70] =	vst v25  }
0x18d: {  	s11 =	simm.s32 $0x40;
	v17 =	vadd.s32 v0, v58;
	v14 =	vld.idx.msk [tilespmem:v14+s21+$0x0], $0xffff;
	v15 =	vadd.s32 v1, v58;
	v58 =	vor.u32 v6, v16  }
0x18e: {  	v57 =	vmov s11;
	s18 =	simm.s32 $0x48;
	[tilespmem:s10+$0x70] =	vst v8;
	v39 =	vld.idx.msk [tilespmem:v55+s21+$0x0], $0xffff;
	v37 =	vor.u32 v18, v17  }
0x18f: {  	v59 =	vmov s18;
	v60 =	vor.u32 v10, v21;
	v8 =	vshll.u32 v57, $0x3;
	v36 =	vld.idx.msk [tilespmem:v53+s21+$0x0], $0xffff  }
0x190: {  	v35 =	vor.u32 v52, v20;
	s8 =	simm.s32 $0xE600;
	v10 =	vshll.u32 v59, $0x3;
	v24 =	vand.u32 $0xC00, v8;
	v40 =	vld.idx.msk [tilespmem:v56+s21+$0x0], $0xffff;
	[tilespmem:s10+$0x180] =	vst v9  }
0x191: {  	v5 =	vand.u32 $0x60, v57;
	v25 =	vand.u32 $0xC00, v10;
	v8 =	vadd.s32 v0, v24;
	[tilespmem:s8+$0xFFFFFF00] =	vst v43;
	v63 =	vld.idx.msk [tilespmem:v13+s21+$0x0], $0xffff  }
0x192: {  	v10 =	vand.u32 $0x68, v59;
	v62 =	vor.u32 v5, v8;
	v9 =	vadd.s32 v0, v25;
	v45 =	vld.idx.msk [tilespmem:v58+s21+$0x0], $0xffff  }
0x193: {  	v53 =	vor.u32 $0x5, v34;
	[tilespmem:s10+$0xFFFFFF80] =	vst v14;
	v52 =	vor.u32 v10, v9;
	v37 =	vld.idx.msk [tilespmem:v37+s21+$0x0], $0xffff  }
0x194: {  	v54 =	vor.u32 v53, v23;
	[tilespmem:s10+$0xFFFFFE80] =	vst v39;
	v14 =	vadd.s32 v1, v26;
	v57 =	vld.idx.msk [tilespmem:v60+s21+$0x0], $0xffff  }
0x195: {  	v13 =	vadd.s32 v1, v27;
	[tilespmem:s10+$0x80] =	vst v36;
	v35 =	vld.idx.msk [tilespmem:v35+s21+$0x0], $0xffff;
	v59 =	vor.u32 v11, v14  }
0x196: {  	v60 =	vor.u32 v3, v13;
	v56 =	vld.idx.msk [tilespmem:v61+s21+$0x0], $0xffff  }
0x197: {  	[tilespmem:s8+$0xFFFFFE00] =	vst v38;
	v55 =	vor.u32 v18, v15;
	v61 =	vor.u32 $0x5, v32;
	v26 =	vld.idx.msk [tilespmem:v62+s21+$0x0], $0xffff  }
0x198: {  	v41 =	vor.u32 $0x5, v33;
	v62 =	vor.u32 v61, v30;
	v27 =	vld.idx.msk [tilespmem:v52+s21+$0x0], $0xffff;
	[tilespmem:s10+$0x190] =	vst v63  }
0x199: {  	v38 =	vor.u32 $0x1, v6;
	[tilespmem:s8+$0x0] =	vst v40;
	v63 =	vor.u32 v41, v31;
	v42 =	vld.idx.msk [tilespmem:v54+s21+$0x0], $0xffff  }
0x19a: {  	v51 =	vor.u32 v38, v7;
	[tilespmem:s8+$0xFFFFFF10] =	vst v45;
	v46 =	vld.idx.msk [tilespmem:v59+s21+$0x0], $0xffff  }
0x19b: {  	v48 =	vor.u32 v53, v22;
	v52 =	vor.u32 $0x1, v11;
	[tilespmem:s8+$0x100] =	vst v37;
	v47 =	vld.idx.msk [tilespmem:v60+s21+$0x0], $0xffff  }
0x19c: {  	[tilespmem:s10+$0xFFFFFF90] =	vst v57;
	v57 =	vor.u32 $0x1, v3;
	v53 =	vor.u32 v52, v12;
	v39 =	vld.idx.msk [tilespmem:v55+s21+$0x0], $0xffff  }
0x19d: {  	v40 =	vor.u32 $0x1, v18;
	[tilespmem:s10+$0x90] =	vst v56;
	v58 =	vor.u32 v57, v4;
	v37 =	vld.idx.msk [tilespmem:v62+s21+$0x0], $0xffff  }
0x19e: {  	v50 =	vor.u32 v40, v17;
	v54 =	vor.u32 $0x5, v29;
	[tilespmem:s10+$0xFFFFFE90] =	vst v35;
	v43 =	vld.idx.msk [tilespmem:v63+s21+$0x0], $0xffff  }
0x19f: {  	v59 =	vor.u32 v54, v28;
	v63 =	vld.idx.msk [tilespmem:v51+s21+$0x0], $0xffff;
	[tilespmem:s10+$0x1A0] =	vst v42  }
0x1a0: {  	v61 =	vor.u32 v61, v21;
	[tilespmem:s8+$0x10] =	vst v46;
	v42 =	vld.idx.msk [tilespmem:v48+s21+$0x0], $0xffff  }
0x1a1: {  	v38 =	vor.u32 v38, v16;
	[tilespmem:s8+$0xFFFFFE10] =	vst v47;
	v55 =	vld.idx.msk [tilespmem:v53+s21+$0x0], $0xffff  }
0x1a2: {  	v41 =	vor.u32 v41, v19;
	v62 =	vor.u32 $0x6, v34;
	[tilespmem:s8+$0x110] =	vst v39;
	v44 =	vld.idx.msk [tilespmem:v58+s21+$0x0], $0xffff  }
0x1a3: {  	v51 =	vor.u32 v62, v23;
	v60 =	vld.idx.msk [tilespmem:v50+s21+$0x0], $0xffff;
	[tilespmem:s10+$0xFFFFFFA0] =	vst v37  }
0x1a4: {  	v36 =	vor.u32 v57, v13;
	v39 =	vld.idx.msk [tilespmem:v59+s21+$0x0], $0xffff;
	[tilespmem:s8+$0xFFFFFF20] =	vst v63  }
0x1a5: {  	v40 =	vor.u32 v40, v15;
	v37 =	vld.idx.msk [tilespmem:v61+s21+$0x0], $0xffff;
	[tilespmem:s10+$0xA0] =	vst v43  }
0x1a6: {  	v56 =	vor.u32 v52, v14;
	v38 =	vld.idx.msk [tilespmem:v38+s21+$0x0], $0xffff;
	[tilespmem:s10+$0x1B0] =	vst v42  }
0x1a7: {  	v57 =	vor.u32 v54, v20;
	v58 =	vor.u32 v62, v22;
	v62 =	vld.idx.msk [tilespmem:v41+s21+$0x0], $0xffff;
	[tilespmem:s8+$0xFFFFFE20] =	vst v44;
	v44 =	vor.u32 $0x2, v6  }
0x1a8: {  	[tilespmem:s8+$0x120] =	vst v60;
	v42 =	vld.idx.msk [tilespmem:v51+s21+$0x0], $0xffff;
	v60 =	vor.u32 v44, v7  }
0x1a9: {  	v43 =	vor.u32 $0x2, v3;
	[tilespmem:s8+$0x20] =	vst v55;
	v36 =	vld.idx.msk [tilespmem:v36+s21+$0x0], $0xffff  }
0x1aa: {  	v46 =	vor.u32 $0x2, v18;
	v63 =	vor.u32 v43, v4;
	[tilespmem:s10+$0xFFFFFEA0] =	vst v39;
	v40 =	vld.idx.msk [tilespmem:v40+s21+$0x0], $0xffff  }
0x1ab: {  	v59 =	vor.u32 v46, v17;
	v35 =	vld.idx.msk [tilespmem:v56+s21+$0x0], $0xffff;
	[tilespmem:s8+$0xFFFFFF30] =	vst v38  }
0x1ac: {  	v50 =	vor.u32 $0x2, v11;
	v45 =	vld.idx.msk [tilespmem:v57+s21+$0x0], $0xffff;
	[tilespmem:s10+$0xB0] =	vst v62  }
0x1ad: {  	v61 =	vor.u32 v50, v12;
	v56 =	vor.u32 $0x6, v32;
	[tilespmem:s10+$0x1C0] =	vst v42;
	v49 =	vld.idx.msk [tilespmem:v60+s21+$0x0], $0xffff  }
0x1ae: {  	v57 =	vor.u32 v56, v30;
	v62 =	vor.u32 v43, v13;
	v43 =	vor.u32 $0x6, v29;
	[tilespmem:s8+$0xFFFFFE30] =	vst v36;
	v47 =	vld.idx.msk [tilespmem:v58+s21+$0x0], $0xffff  }
0x1af: {  	v42 =	vor.u32 $0x6, v33;
	[tilespmem:s8+$0x130] =	vst v40;
	v41 =	vld.idx.msk [tilespmem:v63+s21+$0x0], $0xffff;
	v63 =	vor.u32 v43, v28  }
0x1b0: {  	v34 =	vor.u32 $0x7, v34;
	v58 =	vld.idx.msk [tilespmem:v59+s21+$0x0], $0xffff;
	v59 =	vor.u32 v42, v31  }
0x1b1: {  	v23 =	vor.u32 v34, v23;
	[tilespmem:s8+$0x30] =	vst v35  }
0x1b2: {  	[tilespmem:s10+$0xFFFFFFB0] =	vst v37;
	v35 =	vld.idx.msk [tilespmem:v61+s21+$0x0], $0xffff  }
0x1b3: {  	v60 =	vor.u32 v46, v15;
	[tilespmem:s10+$0xFFFFFEB0] =	vst v45;
	v40 =	vld.idx.msk [tilespmem:v57+s21+$0x0], $0xffff  }
0x1b4: {  	v61 =	vor.u32 v50, v14;
	[tilespmem:s8+$0xFFFFFF40] =	vst v49;
	v38 =	vld.idx.msk [tilespmem:v63+s21+$0x0], $0xffff  }
0x1b5: {  	v44 =	vor.u32 v44, v16;
	[tilespmem:s10+$0x1D0] =	vst v47;
	v46 =	vld.idx.msk [tilespmem:v59+s21+$0x0], $0xffff  }
0x1b6: {  	v56 =	vor.u32 v56, v21;
	[tilespmem:s8+$0xFFFFFE40] =	vst v41;
	v23 =	vld.idx.msk [tilespmem:v23+s21+$0x0], $0xffff  }
0x1b7: {  	v43 =	vor.u32 v43, v20;
	[tilespmem:s8+$0x140] =	vst v58;
	v39 =	vld.idx.msk [tilespmem:v62+s21+$0x0], $0xffff  }
0x1b8: {  	v22 =	vor.u32 v34, v22;
	[tilespmem:s8+$0x40] =	vst v35;
	v35 =	vor.u32 $0x3, v18;
	v36 =	vld.idx.msk [tilespmem:v60+s21+$0x0], $0xffff  }
0x1b9: {  	[tilespmem:s10+$0xFFFFFFC0] =	vst v40;
	v37 =	vld.idx.msk [tilespmem:v61+s21+$0x0], $0xffff;
	v57 =	vor.u32 v35, v17;
	v59 =	vor.u32 $0x3, v11  }
0x1ba: {  	v44 =	vld.idx.msk [tilespmem:v44+s21+$0x0], $0xffff;
	v41 =	vor.u32 $0x3, v6;
	v61 =	vor.u32 v59, v12;
	[tilespmem:s10+$0xFFFFFEC0] =	vst v38  }
0x1bb: {  	s19 =	simm.s32 $0x50;
	v58 =	vor.u32 v41, v7;
	v53 =	vld.idx.msk [tilespmem:v56+s21+$0x0], $0xffff;
	[tilespmem:s10+$0x1E0] =	vst v23  }
0x1bc: {  	v51 =	vor.u32 $0x3, v3;
	v54 =	vor.u32 v42, v19;
	v60 =	vmov s19;
	[tilespmem:s8+$0xFFFFFE50] =	vst v39;
	v43 =	vld.idx.msk [tilespmem:v43+s21+$0x0], $0xffff  }
0x1bd: {  	v63 =	vor.u32 v51, v4;
	v62 =	vshll.u32 v60, $0x3;
	v39 =	vor.u32 $0x7, v32;
	[tilespmem:s8+$0x150] =	vst v36;
	v55 =	vld.idx.msk [tilespmem:v22+s21+$0x0], $0xffff  }
0x1be: {  	v34 =	vand.u32 $0xC00, v62;
	[tilespmem:s8+$0x50] =	vst v37;
	v62 =	vor.u32 v39, v30;
	v56 =	vld.idx.msk [tilespmem:v57+s21+$0x0], $0xffff  }
0x1bf: {  	v35 =	vor.u32 v35, v15;
	[tilespmem:s8+$0xFFFFFF50] =	vst v44;
	v23 =	vand.u32 $0x70, v60;
	v22 =	vadd.s32 v0, v34;
	v37 =	vld.idx.msk [tilespmem:v61+s21+$0x0], $0xffff  }
0x1c0: {  	[tilespmem:s10+$0xC0] =	vst v46;
	v45 =	vor.u32 v23, v22;
	v57 =	vld.idx.msk [tilespmem:v58+s21+$0x0], $0xffff  }
0x1c1: {  	v41 =	vor.u32 v41, v16;
	v60 =	vld.idx.msk [tilespmem:v54+s21+$0x0], $0xffff  }
0x1c2: {  	v59 =	vor.u32 v59, v14;
	[tilespmem:s10+$0xFFFFFFD0] =	vst v53;
	v58 =	vld.idx.msk [tilespmem:v63+s21+$0x0], $0xffff  }
0x1c3: {  	v33 =	vor.u32 $0x7, v33;
	v61 =	vor.u32 v51, v13;
	v42 =	vld.idx.msk [tilespmem:v62+s21+$0x0], $0xffff;
	[tilespmem:s8+$0x160] =	vst v56  }
0x1c4: {  	v63 =	vor.u32 v33, v31;
	[tilespmem:s10+$0xFFFFFED0] =	vst v43;
	v40 =	vld.idx.msk [tilespmem:v35+s21+$0x0], $0xffff;
	v35 =	vor.u32 $0x7, v29  }
0x1c5: {  	v38 =	vor.u32 $0x4, v18;
	v32 =	vld.idx.msk [tilespmem:v45+s21+$0x0], $0xffff;
	[tilespmem:s8+$0xFFFFFF60] =	vst v57;
	v47 =	vor.u32 v35, v28  }
0x1c6: {  	[tilespmem:s8+$0x60] =	vst v37;
	v37 =	vor.u32 $0x4, v6;
	v45 =	vor.u32 v38, v17;
	v30 =	vld.idx.msk [tilespmem:v41+s21+$0x0], $0xffff  }
0x1c7: {  	v36 =	vor.u32 $0x4, v11;
	[tilespmem:s8+$0xFFFFFE60] =	vst v58;
	v44 =	vor.u32 v37, v7;
	v41 =	vld.idx.msk [tilespmem:v59+s21+$0x0], $0xffff  }
0x1c8: {  	v31 =	vor.u32 $0x4, v3;
	v46 =	vor.u32 v36, v12;
	[tilespmem:s10+$0xD0] =	vst v60;
	v28 =	vld.idx.msk [tilespmem:v61+s21+$0x0], $0xffff  }
0x1c9: {  	s11 =	simm.s32 $0x60;
	s18 =	simm.s32 $0x58;
	v48 =	vor.u32 v31, v4;
	[tilespmem:s10+$0x1F0] =	vst v55;
	v43 =	vld.idx.msk [tilespmem:v63+s21+$0x0], $0xffff  }
.LBB2_5:
0x1ca: {  	p2 =	slt.u32 s11, $0x1E0;
	v29 =	vmov s18;
	[tilespmem:s8+$0x170] =	vst v40;
	v40 =	vld.idx.msk [tilespmem:v47+s21+$0x0], $0xffff;
	v39 =	vor.u32 v39, v21;
	v21 =	vmov v16  }
0x1cb: {  	v16 =	vshll.u32 v29, $0x3;
	[tilespmem:s8+$0xFFFFFF70] =	vst v30;
	v30 =	vld.idx.msk [tilespmem:v45+s21+$0x0], $0xffff;
	v45 =	vor.u32 v33, v19;
	v19 =	vmov v14  }
0x1cc: {  	v14 =	vmov s11;
	v16 =	vand.u32 $0xC00, v16;
	v44 =	vld.idx.msk [tilespmem:v44+s21+$0x0], $0xffff;
	[tilespmem:s8+$0x70] =	vst v41;
	v41 =	vor.u32 v35, v20;
	v20 =	vmovc v13  }
0x1cd: {  	v38 =	vor.u32 v38, v15;
	v35 =	vand.u32 $0x78, v29;
	v33 =	vadd.s32 v0, v16;
	[tilespmem:s8+$0xFFFFFE70] =	vst v28;
	v13 =	vld.idx.msk [tilespmem:v46+s21+$0x0], $0xffff  }
0x1ce: {  	s18 =	sadd.s32 $0x8, s11;
	v28 =	vand.u32 $0x60, v14;
	v46 =	vor.u32 v35, v33;
	v47 =	vld.idx.msk [tilespmem:v48+s21+$0x0], $0xffff;
	[tilespmem:s10+$0xFFFFFFE0] =	vst v42  }
0x1cf: {  	v37 =	vor.u32 v37, v21;
	v14 =	vshll.u32 v14, $0x3;
	v42 =	vmov s18;
	v39 =	vld.idx.msk [tilespmem:v39+s21+$0x0], $0xffff;
	[tilespmem:s10+$0xE0] =	vst v43  }
0x1d0: {  	v48 =	vor.u32 v36, v19;
	v43 =	vand.u32 $0xC00, v14;
	v14 =	vshll.u32 v42, $0x3;
	[tilespmem:s10+$0xFFFFFEE0] =	vst v40;
	v40 =	vld.idx.msk [tilespmem:v45+s21+$0x0], $0xffff  }
0x1d1: {  	v29 =	vadd.s32 v0, v43;
	v14 =	vand.u32 $0xC00, v14;
	v45 =	vor.u32 v31, v20;
	[tilespmem:s8+$0x180] =	vst v30;
	v41 =	vld.idx.msk [tilespmem:v41+s21+$0x0], $0xffff  }
0x1d2: {  	v31 =	vand.u32 $0x68, v42;
	v49 =	vor.u32 v28, v29;
	v30 =	vadd.s32 v0, v14;
	[tilespmem:s8+$0xFFFFFF80] =	vst v44;
	v38 =	vld.idx.msk [tilespmem:v38+s21+$0x0], $0xffff  }
0x1d3: {  	v42 =	vor.u32 v31, v30;
	v44 =	vld.idx.msk [tilespmem:v46+s21+$0x0], $0xffff;
	[tilespmem:s8+$0x80] =	vst v13;
	v46 =	vor.u32 $0x5, v18  }
0x1d4: {  	v36 =	vadd.s32 v1, v16;
	[tilespmem:s8+$0xFFFFFE80] =	vst v47;
	v37 =	vld.idx.msk [tilespmem:v37+s21+$0x0], $0xffff;
	v47 =	vor.u32 v46, v17  }
0x1d5: {  	v16 =	vadd.s32 v1, v25;
	v50 =	vor.u32 v35, v36;
	v25 =	vmov v14;
	v48 =	vld.idx.msk [tilespmem:v48+s21+$0x0], $0xffff;
	[tilespmem:s10+$0xFFFFFFF0] =	vst v39  }
0x1d6: {  	v14 =	vadd.s32 v1, v34;
	v39 =	vor.u32 v10, v16;
	v34 =	vld.idx.msk [tilespmem:v45+s21+$0x0], $0xffff;
	[tilespmem:s10+$0xF0] =	vst v40  }
0x1d7: {  	v13 =	vadd.s32 v1, v24;
	v24 =	vmov v43;
	v45 =	vor.u32 v23, v14;
	v40 =	vld.idx.msk [tilespmem:v49+s21+$0x0], $0xffff;
	[tilespmem:s10+$0xFFFFFEF0] =	vst v41;
	s10 =	smov.u32 s8  }
0x1d8: {  	v43 =	vor.u32 $0x5, v6;
	s8 =	sadd.s32 $0x400, s8;
	v41 =	vld.idx.msk [tilespmem:v42+s21+$0x0], $0xffff;
	v42 =	vor.u32 v5, v13;
	[tilespmem:s10+$0x190] =	vst v38  }
0x1d9: {  	v38 =	vor.u32 v43, v7;
	[tilespmem:s8+$0x100] =	vst v44;
	v44 =	vor.u32 $0x5, v11;
	v47 =	vld.idx.msk [tilespmem:v47+s21+$0x0], $0xffff  }
0x1da: {  	[tilespmem:s8+$0xFFFFFF00] =	vst v27;
	v49 =	vld.idx.msk [tilespmem:v50+s21+$0x0], $0xffff;
	v50 =	vor.u32 v44, v12  }
0x1db: {  	v46 =	vor.u32 v46, v15;
	v39 =	vld.idx.msk [tilespmem:v39+s21+$0x0], $0xffff;
	[tilespmem:s8+$0x0] =	vst v32;
	v32 =	vor.u32 $0x1, v35  }
0x1dc: {  	v51 =	vor.u32 $0x1, v10;
	[tilespmem:s8+$0xFFFFFE00] =	vst v26;
	v45 =	vld.idx.msk [tilespmem:v45+s21+$0x0], $0xffff;
	v52 =	vor.u32 v32, v33  }
0x1dd: {  	v54 =	vor.u32 $0x1, v23;
	v53 =	vor.u32 v51, v9;
	v26 =	vmov v40;
	v42 =	vld.idx.msk [tilespmem:v42+s21+$0x0], $0xffff;
	[tilespmem:s10+$0xFFFFFF90] =	vst v37  }
0x1de: {  	v40 =	vor.u32 v54, v22;
	v37 =	vor.u32 $0x1, v5;
	v27 =	vmov v41;
	v38 =	vld.idx.msk [tilespmem:v38+s21+$0x0], $0xffff;
	[tilespmem:s10+$0x90] =	vst v48  }
0x1df: {  	v41 =	vor.u32 v37, v8;
	v48 =	vor.u32 $0x5, v3;
	v50 =	vld.idx.msk [tilespmem:v50+s21+$0x0], $0xffff;
	[tilespmem:s10+$0x1A0] =	vst v47  }
0x1e0: {  	v47 =	vor.u32 v48, v4;
	[tilespmem:s8+$0x110] =	vst v49;
	v46 =	vld.idx.msk [tilespmem:v46+s21+$0x0], $0xffff  }
0x1e1: {  	v43 =	vor.u32 v43, v21;
	v49 =	vor.u32 $0x6, v18;
	[tilespmem:s8+$0xFFFFFF10] =	vst v39;
	v39 =	vld.idx.msk [tilespmem:v52+s21+$0x0], $0xffff  }
0x1e2: {  	v52 =	vld.idx.msk [tilespmem:v53+s21+$0x0], $0xffff;
	[tilespmem:s8+$0x10] =	vst v45;
	v45 =	vor.u32 v49, v17  }
0x1e3: {  	v32 =	vor.u32 v32, v36;
	[tilespmem:s8+$0xFFFFFE10] =	vst v42;
	v40 =	vld.idx.msk [tilespmem:v40+s21+$0x0], $0xffff  }
0x1e4: {  	v42 =	vor.u32 v51, v16;
	v41 =	vld.idx.msk [tilespmem:v41+s21+$0x0], $0xffff;
	[tilespmem:s10+$0xFFFFFE90] =	vst v34  }
0x1e5: {  	v34 =	vor.u32 v54, v14;
	v47 =	vld.idx.msk [tilespmem:v47+s21+$0x0], $0xffff;
	[tilespmem:s10+$0xFFFFFFA0] =	vst v38  }
0x1e6: {  	v37 =	vor.u32 v37, v13;
	v38 =	vld.idx.msk [tilespmem:v43+s21+$0x0], $0xffff;
	[tilespmem:s10+$0x1B0] =	vst v46  }
0x1e7: {  	[tilespmem:s8+$0x120] =	vst v39;
	v39 =	vor.u32 v44, v19;
	v43 =	vld.idx.msk [tilespmem:v45+s21+$0x0], $0xffff  }
0x1e8: {  	v44 =	vor.u32 v48, v20;
	[tilespmem:s8+$0xFFFFFF20] =	vst v52;
	v32 =	vld.idx.msk [tilespmem:v32+s21+$0x0], $0xffff  }
0x1e9: {  	v45 =	vor.u32 v49, v15;
	v42 =	vld.idx.msk [tilespmem:v42+s21+$0x0], $0xffff;
	[tilespmem:s8+$0x20] =	vst v40;
	v40 =	vor.u32 $0x2, v35  }
0x1ea: {  	[tilespmem:s8+$0xFFFFFE20] =	vst v41;
	v41 =	vor.u32 $0x2, v10;
	v34 =	vld.idx.msk [tilespmem:v34+s21+$0x0], $0xffff;
	v46 =	vor.u32 v40, v33  }
0x1eb: {  	v49 =	vor.u32 $0x2, v23;
	v37 =	vld.idx.msk [tilespmem:v37+s21+$0x0], $0xffff;
	v48 =	vor.u32 v41, v9;
	[tilespmem:s10+$0xA0] =	vst v50  }
0x1ec: {  	v51 =	vor.u32 v49, v22;
	v50 =	vor.u32 $0x2, v5;
	[tilespmem:s10+$0xFFFFFEA0] =	vst v47;
	v39 =	vld.idx.msk [tilespmem:v39+s21+$0x0], $0xffff  }
0x1ed: {  	v52 =	vor.u32 $0x6, v6;
	v47 =	vor.u32 v50, v8;
	v44 =	vld.idx.msk [tilespmem:v44+s21+$0x0], $0xffff;
	[tilespmem:s10+$0x1C0] =	vst v43  }
0x1ee: {  	v43 =	vor.u32 $0x6, v11;
	[tilespmem:s8+$0x130] =	vst v32;
	v32 =	vor.u32 v52, v7;
	v45 =	vld.idx.msk [tilespmem:v45+s21+$0x0], $0xffff  }
0x1ef: {  	v53 =	vor.u32 $0x7, v18;
	v18 =	vmov v35;
	[tilespmem:s8+$0xFFFFFF30] =	vst v42;
	v42 =	vld.idx.msk [tilespmem:v46+s21+$0x0], $0xffff;
	v46 =	vor.u32 v43, v12  }
0x1f0: {  	v35 =	vld.idx.msk [tilespmem:v48+s21+$0x0], $0xffff;
	[tilespmem:s8+$0x30] =	vst v34;
	v34 =	vor.u32 v53, v17;
	v17 =	vmov v33  }
0x1f1: {  	[tilespmem:s8+$0xFFFFFE30] =	vst v37;
	v33 =	vld.idx.msk [tilespmem:v51+s21+$0x0], $0xffff;
	v37 =	vor.u32 v40, v36  }
0x1f2: {  	v41 =	vor.u32 v41, v16;
	v40 =	vld.idx.msk [tilespmem:v47+s21+$0x0], $0xffff;
	[tilespmem:s10+$0xFFFFFFB0] =	vst v38  }
0x1f3: {  	v38 =	vor.u32 v49, v14;
	v32 =	vld.idx.msk [tilespmem:v32+s21+$0x0], $0xffff;
	[tilespmem:s10+$0xB0] =	vst v39  }
0x1f4: {  	v47 =	vor.u32 $0x6, v3;
	v39 =	vor.u32 v50, v13;
	v46 =	vld.idx.msk [tilespmem:v46+s21+$0x0], $0xffff;
	[tilespmem:s10+$0x1D0] =	vst v45  }
0x1f5: {  	[tilespmem:s8+$0x140] =	vst v42;
	v42 =	vor.u32 v47, v4;
	v34 =	vld.idx.msk [tilespmem:v34+s21+$0x0], $0xffff  }
0x1f6: {  	[tilespmem:s8+$0xFFFFFF40] =	vst v35;
	v35 =	vld.idx.msk [tilespmem:v37+s21+$0x0], $0xffff;
	v37 =	vor.u32 v52, v21  }
0x1f7: {  	v45 =	vor.u32 v53, v15;
	v15 =	vmov v36;
	v41 =	vld.idx.msk [tilespmem:v41+s21+$0x0], $0xffff;
	[tilespmem:s8+$0x40] =	vst v33;
	v33 =	vor.u32 $0x3, v18  }
0x1f8: {  	v36 =	vor.u32 $0x3, v10;
	[tilespmem:s8+$0xFFFFFE40] =	vst v40;
	v38 =	vld.idx.msk [tilespmem:v38+s21+$0x0], $0xffff;
	v40 =	vor.u32 v33, v17  }
0x1f9: {  	s18 =	sadd.s32 $0x10, s11;
	v49 =	vor.u32 $0x3, v23;
	v48 =	vor.u32 v36, v9;
	v39 =	vld.idx.msk [tilespmem:v39+s21+$0x0], $0xffff;
	[tilespmem:s10+$0xFFFFFEB0] =	vst v44  }
0x1fa: {  	v50 =	vor.u32 $0x3, v5;
	v51 =	vor.u32 v49, v22;
	v44 =	vmov s18;
	v42 =	vld.idx.msk [tilespmem:v42+s21+$0x0], $0xffff;
	[tilespmem:s10+$0xFFFFFFC0] =	vst v32  }
0x1fb: {  	v52 =	vor.u32 v50, v8;
	v32 =	vshll.u32 v44, $0x3;
	v53 =	vld.idx.msk [tilespmem:v37+s21+$0x0], $0xffff;
	[tilespmem:s10+$0x1E0] =	vst v34  }
0x1fc: {  	v34 =	vand.u32 $0xC00, v32;
	v32 =	vor.u32 v43, v19;
	[tilespmem:s8+$0x150] =	vst v35;
	v35 =	vld.idx.msk [tilespmem:v45+s21+$0x0], $0xffff  }
0x1fd: {  	v43 =	vand.u32 $0x70, v44;
	v54 =	vadd.s32 v0, v34;
	[tilespmem:s8+$0xFFFFFF50] =	vst v41;
	v37 =	vld.idx.msk [tilespmem:v40+s21+$0x0], $0xffff;
	v40 =	vor.u32 v47, v20  }
0x1fe: {  	v41 =	vor.u32 v43, v54;
	v44 =	vld.idx.msk [tilespmem:v48+s21+$0x0], $0xffff;
	[tilespmem:s8+$0x50] =	vst v38  }
0x1ff: {  	v45 =	vor.u32 v33, v15;
	[tilespmem:s8+$0xFFFFFE50] =	vst v39;
	v38 =	vld.idx.msk [tilespmem:v51+s21+$0x0], $0xffff  }
0x200: {  	v36 =	vor.u32 v36, v16;
	v48 =	vld.idx.msk [tilespmem:v52+s21+$0x0], $0xffff;
	[tilespmem:s10+$0xC0] =	vst v46  }
0x201: {  	v46 =	vor.u32 v49, v14;
	[tilespmem:s10+$0xFFFFFEC0] =	vst v42;
	v49 =	vld.idx.msk [tilespmem:v32+s21+$0x0], $0xffff  }
0x202: {  	v39 =	vor.u32 $0x7, v6;
	v6 =	vmovc v10;
	v10 =	vmov v31;
	v42 =	vor.u32 v50, v13;
	v50 =	vld.idx.msk [tilespmem:v40+s21+$0x0], $0xffff;
	[tilespmem:s10+$0x1F0] =	vst v35  }
0x203: {  	v33 =	vor.u32 $0x7, v11;
	v51 =	vor.u32 v39, v7;
	v7 =	vmovc v9;
	v9 =	vmov v30;
	v32 =	vld.idx.msk [tilespmem:v41+s21+$0x0], $0xffff;
	[tilespmem:s8+$0x160] =	vst v37  }
0x204: {  	v52 =	vor.u32 v33, v12;
	v35 =	vor.u32 $0x7, v3;
	v3 =	vmovc v5;
	v5 =	vmov v28;
	[tilespmem:s8+$0xFFFFFF60] =	vst v44;
	v40 =	vld.idx.msk [tilespmem:v45+s21+$0x0], $0xffff  }
.Ltmp3:
0x205: {  	v47 =	vor.u32 v35, v4;
	v4 =	vmovc v8;
	v8 =	vmov v29;
	v30 =	vld.idx.msk [tilespmem:v36+s21+$0x0], $0xffff;
	[tilespmem:s8+$0x60] =	vst v38;
	v38 =	vor.u32 $0x4, v18;
	(pc) =	sbr.rel @p2 .LBB2_5-.Ltmp3, $4  }
0x206: {  	v11 =	vmovc v23;
	v23 =	vmov v43;
	v37 =	vor.u32 $0x4, v6;
	[tilespmem:s8+$0xFFFFFE60] =	vst v48;
	v41 =	vld.idx.msk [tilespmem:v46+s21+$0x0], $0xffff;
	v45 =	vor.u32 v38, v17  }
0x207: {  	v12 =	vmovc v22;
	v22 =	vmov v54;
	v44 =	vor.u32 v37, v7;
	v36 =	vor.u32 $0x4, v11;
	v28 =	vld.idx.msk [tilespmem:v42+s21+$0x0], $0xffff;
	[tilespmem:s10+$0xFFFFFFD0] =	vst v53  }
0x208: {  	v31 =	vor.u32 $0x4, v3;
	v46 =	vor.u32 v36, v12;
	v42 =	vld.idx.msk [tilespmem:v51+s21+$0x0], $0xffff;
	[tilespmem:s10+$0xD0] =	vst v49  }
0x209: {  	s18 =	sadd.s32 $0x18, s11;
	s11 =	sadd.s32 $0x20, s11;
	v48 =	vor.u32 v31, v4;
	[tilespmem:s10+$0xFFFFFED0] =	vst v50;
	v43 =	vld.idx.msk [tilespmem:v52+s21+$0x0], $0xffff  }
0x20a: {  	[tilespmem:s8+$0x170] =	vst v40  }
0x20b: {  	[tilespmem:s8+$0xFFFFFF70] =	vst v30  }
0x20c: {  	v29 =	vmov s18;
	s11 =	sadd.s32 $0x400, s8;
	[tilespmem:s8+$0x70] =	vst v41  }
0x20d: {  	v49 =	vshll.u32 v29, $0x3;
	[tilespmem:s11+$0xFFFFFF00] =	vst v27  }
0x20e: {  	v47 =	vld.idx.msk [tilespmem:v47+s21+$0x0], $0xffff;
	v21 =	vor.u32 v39, v21;
	v33 =	vor.u32 v33, v19;
	[tilespmem:s11+$0x0] =	vst v32;
	v49 =	vand.u32 $0xC00, v49  }
0x20f: {  	v35 =	vor.u32 v35, v20;
	v30 =	vand.u32 $0x78, v29;
	v50 =	vld.idx.msk [tilespmem:v45+s21+$0x0], $0xffff;
	[tilespmem:s11+$0xFFFFFE00] =	vst v26;
	v29 =	vadd.s32 v0, v49  }
0x210: {  	v19 =	vadd.s32 v1, v25;
	v44 =	vld.idx.msk [tilespmem:v44+s21+$0x0], $0xffff;
	[tilespmem:s8+$0xFFFFFE70] =	vst v28;
	v51 =	vor.u32 v30, v29  }
0x211: {  	v20 =	vadd.s32 v1, v24;
	v57 =	vor.u32 v10, v19;
	v52 =	vld.idx.msk [tilespmem:v46+s21+$0x0], $0xffff;
	[tilespmem:s10+$0xFFFFFFE0] =	vst v42  }
0x212: {  	v59 =	vor.u32 v5, v20;
	v53 =	vld.idx.msk [tilespmem:v48+s21+$0x0], $0xffff;
	[tilespmem:s10+$0xE0] =	vst v43  }
0x213: {  	v54 =	vld.idx.msk [tilespmem:v21+s21+$0x0], $0xffff;
	[tilespmem:s10+$0xFFFFFEE0] =	vst v47  }
0x214: {  	v37 =	vor.u32 v37, v16;
	v21 =	vadd.s32 v1, v34;
	v33 =	vld.idx.msk [tilespmem:v33+s21+$0x0], $0xffff;
	[tilespmem:s8+$0x180] =	vst v50  }
0x215: {  	v28 =	vadd.s32 v1, v49;
	[tilespmem:s8+$0xFFFFFF80] =	vst v44;
	v58 =	vor.u32 v23, v21;
	v55 =	vld.idx.msk [tilespmem:v51+s21+$0x0], $0xffff  }
0x216: {  	v62 =	vor.u32 $0x1, v10;
	v56 =	vor.u32 v30, v28;
	v61 =	vld.idx.msk [tilespmem:v57+s21+$0x0], $0xffff;
	[tilespmem:s8+$0x80] =	vst v52  }
0x217: {  	v45 =	vor.u32 v62, v9;
	v48 =	vor.u32 $0x1, v5;
	v47 =	vld.idx.msk [tilespmem:v59+s21+$0x0], $0xffff;
	[tilespmem:s8+$0xFFFFFE80] =	vst v53  }
0x218: {  	v35 =	vld.idx.msk [tilespmem:v35+s21+$0x0], $0xffff;
	v50 =	vor.u32 v48, v8;
	[tilespmem:s10+$0xFFFFFFF0] =	vst v54  }
0x219: {  	v38 =	vor.u32 v38, v15;
	v37 =	vld.idx.msk [tilespmem:v37+s21+$0x0], $0xffff;
	[tilespmem:s10+$0xF0] =	vst v33  }
0x21a: {  	v36 =	vor.u32 v36, v14;
	v46 =	vor.u32 $0x1, v23;
	v24 =	vld.idx.msk [tilespmem:v58+s21+$0x0], $0xffff;
	[tilespmem:s11+$0x100] =	vst v55  }
0x21b: {  	v60 =	vor.u32 $0x1, v30;
	v49 =	vor.u32 v46, v22;
	[tilespmem:s11+$0xFFFFFF10] =	vst v61;
	v25 =	vld.idx.msk [tilespmem:v56+s21+$0x0], $0xffff  }
0x21c: {  	v63 =	vor.u32 v60, v29;
	[tilespmem:s11+$0xFFFFFE10] =	vst v47;
	v26 =	vld.idx.msk [tilespmem:v45+s21+$0x0], $0xffff  }
0x21d: {  	v32 =	vor.u32 v62, v19;
	[tilespmem:s10+$0xFFFFFEF0] =	vst v35;
	v33 =	vld.idx.msk [tilespmem:v50+s21+$0x0], $0xffff  }
0x21e: {  	v34 =	vor.u32 v48, v20;
	v38 =	vld.idx.msk [tilespmem:v38+s21+$0x0], $0xffff;
	[tilespmem:s8+$0xFFFFFF90] =	vst v37  }
0x21f: {  	v31 =	vor.u32 v31, v13;
	v36 =	vld.idx.msk [tilespmem:v36+s21+$0x0], $0xffff;
	v51 =	vor.u32 $0x5, v18;
	[tilespmem:s11+$0x10] =	vst v24  }
0x220: {  	v52 =	vor.u32 v51, v17;
	v55 =	vld.idx.msk [tilespmem:v49+s21+$0x0], $0xffff;
	[tilespmem:s11+$0x110] =	vst v25  }
0x221: {  	v56 =	vor.u32 v46, v21;
	[tilespmem:s11+$0xFFFFFF20] =	vst v26;
	v53 =	vld.idx.msk [tilespmem:v63+s21+$0x0], $0xffff  }
0x222: {  	v54 =	vor.u32 v60, v28;
	v37 =	vor.u32 $0x5, v6;
	[tilespmem:s11+$0xFFFFFE20] =	vst v33;
	v32 =	vld.idx.msk [tilespmem:v32+s21+$0x0], $0xffff  }
0x223: {  	v59 =	vor.u32 $0x2, v10;
	[tilespmem:s8+$0x190] =	vst v38;
	v57 =	vor.u32 v37, v7;
	v34 =	vld.idx.msk [tilespmem:v34+s21+$0x0], $0xffff  }
0x224: {  	v62 =	vor.u32 v59, v9;
	v31 =	vld.idx.msk [tilespmem:v31+s21+$0x0], $0xffff;
	v45 =	vor.u32 $0x2, v5;
	[tilespmem:s8+$0x90] =	vst v36  }
0x225: {  	v47 =	vor.u32 v45, v8;
	v25 =	vld.idx.msk [tilespmem:v52+s21+$0x0], $0xffff;
	[tilespmem:s11+$0x20] =	vst v55  }
0x226: {  	v43 =	vor.u32 v51, v15;
	v63 =	vor.u32 $0x2, v23;
	v61 =	vld.idx.msk [tilespmem:v56+s21+$0x0], $0xffff;
	[tilespmem:s11+$0x120] =	vst v53  }
0x227: {  	v58 =	vor.u32 $0x2, v30;
	v46 =	vor.u32 v63, v22;
	[tilespmem:s11+$0xFFFFFF30] =	vst v32;
	v24 =	vld.idx.msk [tilespmem:v54+s21+$0x0], $0xffff  }
0x228: {  	v60 =	vor.u32 v58, v29;
	v38 =	vld.idx.msk [tilespmem:v57+s21+$0x0], $0xffff;
	[tilespmem:s11+$0xFFFFFE30] =	vst v34;
	v34 =	vor.u32 $0x5, v3  }
0x229: {  	[tilespmem:s8+$0xFFFFFE90] =	vst v31;
	v35 =	vld.idx.msk [tilespmem:v62+s21+$0x0], $0xffff;
	v52 =	vor.u32 v34, v4  }
0x22a: {  	v27 =	vor.u32 v59, v19;
	[tilespmem:s8+$0x1A0] =	vst v25;
	v25 =	vld.idx.msk [tilespmem:v47+s21+$0x0], $0xffff  }
0x22b: {  	v42 =	vor.u32 $0x5, v11;
	v36 =	vor.u32 v45, v20;
	v51 =	vld.idx.msk [tilespmem:v43+s21+$0x0], $0xffff;
	[tilespmem:s11+$0x30] =	vst v61  }
0x22c: {  	v48 =	vor.u32 v42, v12;
	v33 =	vld.idx.msk [tilespmem:v46+s21+$0x0], $0xffff;
	[tilespmem:s11+$0x130] =	vst v24  }
0x22d: {  	v50 =	vor.u32 v63, v21;
	[tilespmem:s8+$0xFFFFFFA0] =	vst v38;
	v49 =	vld.idx.msk [tilespmem:v60+s21+$0x0], $0xffff  }
0x22e: {  	v26 =	vor.u32 v58, v28;
	v53 =	vor.u32 $0x6, v18;
	[tilespmem:s11+$0xFFFFFF40] =	vst v35;
	v38 =	vld.idx.msk [tilespmem:v52+s21+$0x0], $0xffff  }
0x22f: {  	v56 =	vor.u32 $0x3, v10;
	v54 =	vor.u32 v53, v17;
	v27 =	vld.idx.msk [tilespmem:v27+s21+$0x0], $0xffff;
	[tilespmem:s11+$0xFFFFFE40] =	vst v25  }
0x230: {  	v59 =	vor.u32 v56, v9;
	v61 =	vor.u32 $0x3, v5;
	[tilespmem:s8+$0x1B0] =	vst v51;
	v36 =	vld.idx.msk [tilespmem:v36+s21+$0x0], $0xffff  }
0x231: {  	v63 =	vor.u32 v61, v8;
	v24 =	vld.idx.msk [tilespmem:v48+s21+$0x0], $0xffff;
	[tilespmem:s11+$0x40] =	vst v33  }
0x232: {  	v37 =	vor.u32 v37, v16;
	v60 =	vor.u32 $0x3, v23;
	v58 =	vld.idx.msk [tilespmem:v50+s21+$0x0], $0xffff;
	[tilespmem:s11+$0x140] =	vst v49  }
0x233: {  	v55 =	vor.u32 $0x3, v30;
	v62 =	vor.u32 v60, v22;
	[tilespmem:s8+$0xFFFFFEA0] =	vst v38;
	v26 =	vld.idx.msk [tilespmem:v26+s21+$0x0], $0xffff  }
0x234: {  	v57 =	vor.u32 v55, v29;
	v32 =	vld.idx.msk [tilespmem:v54+s21+$0x0], $0xffff;
	[tilespmem:s11+$0xFFFFFF50] =	vst v27  }
0x235: {  	v51 =	vor.u32 v53, v15;
	v31 =	vld.idx.msk [tilespmem:v59+s21+$0x0], $0xffff;
	[tilespmem:s11+$0xFFFFFE50] =	vst v36  }
0x236: {  	v33 =	vor.u32 v56, v19;
	[tilespmem:s8+$0xA0] =	vst v24;
	v24 =	vld.idx.msk [tilespmem:v63+s21+$0x0], $0xffff  }
0x237: {  	v37 =	vld.idx.msk [tilespmem:v37+s21+$0x0], $0xffff;
	v50 =	vor.u32 v61, v20;
	[tilespmem:s11+$0x50] =	vst v58  }
0x238: {  	v45 =	vor.u32 v42, v14;
	v48 =	vld.idx.msk [tilespmem:v62+s21+$0x0], $0xffff;
	[tilespmem:s11+$0x150] =	vst v26  }
0x239: {  	[tilespmem:s8+$0x1C0] =	vst v32;
	v49 =	vor.u32 v60, v21;
	v46 =	vld.idx.msk [tilespmem:v57+s21+$0x0], $0xffff  }
0x23a: {  	v47 =	vor.u32 v55, v28;
	v38 =	vld.idx.msk [tilespmem:v51+s21+$0x0], $0xffff;
	[tilespmem:s11+$0xFFFFFF60] =	vst v31  }
0x23b: {  	v52 =	vor.u32 v34, v13;
	v63 =	vor.u32 $0x7, v18;
	v33 =	vld.idx.msk [tilespmem:v33+s21+$0x0], $0xffff;
	[tilespmem:s11+$0xFFFFFE60] =	vst v24  }
0x23c: {  	v54 =	vor.u32 $0x4, v10;
	v44 =	vor.u32 v63, v17;
	v32 =	vld.idx.msk [tilespmem:v50+s21+$0x0], $0xffff  }
0x23d: {  	v59 =	vor.u32 $0x4, v5;
	v26 =	vld.idx.msk [tilespmem:v45+s21+$0x0], $0xffff;
	v57 =	vor.u32 v54, v9;
	[tilespmem:s11+$0x60] =	vst v48  }
0x23e: {  	v61 =	vor.u32 v59, v8;
	v58 =	vor.u32 $0x4, v23;
	v56 =	vld.idx.msk [tilespmem:v49+s21+$0x0], $0xffff;
	[tilespmem:s11+$0x160] =	vst v46  }
0x23f: {  	v53 =	vor.u32 $0x4, v30;
	v60 =	vor.u32 v58, v22;
	[tilespmem:s8+$0x1D0] =	vst v38;
	v25 =	vld.idx.msk [tilespmem:v47+s21+$0x0], $0xffff  }
0x240: {  	v41 =	vor.u32 $0x6, v6;
	v55 =	vor.u32 v53, v29;
	v27 =	vld.idx.msk [tilespmem:v52+s21+$0x0], $0xffff;
	[tilespmem:s11+$0xFFFFFF70] =	vst v33  }
0x241: {  	v62 =	vor.u32 v41, v7;
	v38 =	vor.u32 $0x6, v3;
	v17 =	vld.idx.msk [tilespmem:v44+s21+$0x0], $0xffff;
	[tilespmem:s11+$0xFFFFFE70] =	vst v32  }
0x242: {  	v52 =	vor.u32 v38, v4;
	[tilespmem:s8+$0xB0] =	vst v26;
	v33 =	vld.idx.msk [tilespmem:v57+s21+$0x0], $0xffff  }
0x243: {  	v26 =	vld.idx.msk [tilespmem:v61+s21+$0x0], $0xffff;
	v47 =	vor.u32 v54, v19;
	[tilespmem:s11+$0x70] =	vst v56  }
0x244: {  	v50 =	vor.u32 v59, v20;
	v46 =	vld.idx.msk [tilespmem:v60+s21+$0x0], $0xffff;
	[tilespmem:s11+$0x170] =	vst v25  }
0x245: {  	[tilespmem:s8+$0xFFFFFFB0] =	vst v37;
	v48 =	vor.u32 v58, v21;
	v25 =	vld.idx.msk [tilespmem:v55+s21+$0x0], $0xffff  }
0x246: {  	v35 =	vor.u32 $0x6, v11;
	[tilespmem:s8+$0xFFFFFEB0] =	vst v27;
	v45 =	vor.u32 v53, v28;
	v49 =	vld.idx.msk [tilespmem:v62+s21+$0x0], $0xffff  }
0x247: {  	v51 =	vor.u32 v35, v12;
	v43 =	vld.idx.msk [tilespmem:v52+s21+$0x0], $0xffff;
	[tilespmem:s11+$0xFFFFFF80] =	vst v33  }
0x248: {  	v63 =	vor.u32 v63, v15;
	v56 =	vor.u32 $0x5, v10;
	[tilespmem:s11+$0xFFFFFE80] =	vst v26;
	v54 =	vld.idx.msk [tilespmem:v47+s21+$0x0], $0xffff  }
0x249: {  	v61 =	vor.u32 $0x5, v5;
	v58 =	vor.u32 v56, v9;
	v27 =	vld.idx.msk [tilespmem:v50+s21+$0x0], $0xffff;
	[tilespmem:s11+$0x80] =	vst v46  }
0x24a: {  	v59 =	vor.u32 $0x5, v23;
	v62 =	vor.u32 v61, v8;
	v57 =	vld.idx.msk [tilespmem:v48+s21+$0x0], $0xffff;
	[tilespmem:s11+$0x180] =	vst v25  }
0x24b: {  	v53 =	vor.u32 $0x5, v30;
	[tilespmem:s8+$0x1E0] =	vst v17;
	v60 =	vor.u32 v59, v22;
	v24 =	vld.idx.msk [tilespmem:v45+s21+$0x0], $0xffff  }
0x24c: {  	v37 =	vld.idx.msk [tilespmem:v51+s21+$0x0], $0xffff;
	[tilespmem:s8+$0xFFFFFFC0] =	vst v49;
	v55 =	vor.u32 v53, v29  }
0x24d: {  	v15 =	vld.idx.msk [tilespmem:v63+s21+$0x0], $0xffff;
	v51 =	vor.u32 v35, v14;
	[tilespmem:s11+$0xFFFFFF90] =	vst v54  }
0x24e: {  	v52 =	vor.u32 v38, v13;
	[tilespmem:s11+$0xFFFFFE90] =	vst v27;
	v47 =	vld.idx.msk [tilespmem:v58+s21+$0x0], $0xffff  }
0x24f: {  	v48 =	vor.u32 v56, v19;
	v17 =	vld.idx.msk [tilespmem:v62+s21+$0x0], $0xffff;
	[tilespmem:s11+$0x90] =	vst v57  }
0x250: {  	v50 =	vor.u32 v61, v20;
	v26 =	vld.idx.msk [tilespmem:v60+s21+$0x0], $0xffff;
	[tilespmem:s11+$0x190] =	vst v24  }
0x251: {  	v49 =	vor.u32 v59, v21;
	[tilespmem:s8+$0xC0] =	vst v37;
	v45 =	vld.idx.msk [tilespmem:v55+s21+$0x0], $0xffff  }
0x252: {  	v39 =	vor.u32 $0x7, v11;
	[tilespmem:s8+$0xFFFFFEC0] =	vst v43;
	v34 =	vld.idx.msk [tilespmem:v51+s21+$0x0], $0xffff;
	v46 =	vor.u32 v53, v28  }
0x253: {  	v40 =	vor.u32 v39, v12;
	v25 =	vld.idx.msk [tilespmem:v52+s21+$0x0], $0xffff;
	[tilespmem:s11+$0xFFFFFFA0] =	vst v47  }
0x254: {  	v44 =	vor.u32 v41, v16;
	[tilespmem:s11+$0xFFFFFEA0] =	vst v17;
	v33 =	vld.idx.msk [tilespmem:v48+s21+$0x0], $0xffff;
	v55 =	vor.u32 $0x6, v10  }
0x255: {  	v61 =	vor.u32 $0x6, v5;
	v59 =	vld.idx.msk [tilespmem:v50+s21+$0x0], $0xffff;
	[tilespmem:s11+$0xA0] =	vst v26;
	v57 =	vor.u32 v55, v9  }
0x256: {  	v63 =	vor.u32 v61, v8;
	v58 =	vor.u32 $0x6, v23;
	v56 =	vld.idx.msk [tilespmem:v49+s21+$0x0], $0xffff;
	[tilespmem:s11+$0x1A0] =	vst v45  }
0x257: {  	v53 =	vor.u32 $0x6, v30;
	[tilespmem:s8+$0xD0] =	vst v34;
	v60 =	vor.u32 v58, v22;
	v31 =	vld.idx.msk [tilespmem:v46+s21+$0x0], $0xffff  }
0x258: {  	[tilespmem:s8+$0x1F0] =	vst v15;
	v54 =	vor.u32 v53, v29;
	v12 =	vld.idx.msk [tilespmem:v40+s21+$0x0], $0xffff  }
0x259: {  	v24 =	vld.idx.msk [tilespmem:v44+s21+$0x0], $0xffff;
	[tilespmem:s11+$0xFFFFFFB0] =	vst v33  }
0x25a: {  	v11 =	vor.u32 v39, v14;
	[tilespmem:s11+$0xFFFFFEB0] =	vst v59;
	v27 =	vld.idx.msk [tilespmem:v57+s21+$0x0], $0xffff  }
0x25b: {  	v42 =	vor.u32 v55, v19;
	v15 =	vld.idx.msk [tilespmem:v63+s21+$0x0], $0xffff;
	[tilespmem:s11+$0xB0] =	vst v56  }
0x25c: {  	v44 =	vor.u32 v61, v20;
	v17 =	vld.idx.msk [tilespmem:v60+s21+$0x0], $0xffff;
	[tilespmem:s11+$0x1B0] =	vst v31  }
0x25d: {  	v43 =	vor.u32 v58, v21;
	[tilespmem:s8+$0xFFFFFED0] =	vst v25;
	v31 =	vld.idx.msk [tilespmem:v54+s21+$0x0], $0xffff  }
0x25e: {  	v41 =	vor.u32 v53, v28;
	v62 =	vor.u32 $0x7, v6;
	[tilespmem:s8+$0xE0] =	vst v12  }
0x25f: {  	v3 =	vor.u32 $0x7, v3;
	v38 =	vor.u32 v62, v7;
	v11 =	vld.idx.msk [tilespmem:v11+s21+$0x0], $0xffff;
	[tilespmem:s11+$0xFFFFFFC0] =	vst v27  }
0x260: {  	v49 =	vor.u32 $0x7, v10;
	v45 =	vor.u32 v3, v4;
	[tilespmem:s11+$0xFFFFFEC0] =	vst v15;
	v18 =	vld.idx.msk [tilespmem:v42+s21+$0x0], $0xffff  }
0x261: {  	v51 =	vor.u32 v49, v9;
	v53 =	vld.idx.msk [tilespmem:v44+s21+$0x0], $0xffff;
	v54 =	vor.u32 $0x7, v5;
	[tilespmem:s11+$0xC0] =	vst v17  }
0x262: {  	v52 =	vor.u32 $0x7, v23;
	v56 =	vor.u32 v54, v8;
	v50 =	vld.idx.msk [tilespmem:v43+s21+$0x0], $0xffff;
	[tilespmem:s11+$0x1C0] =	vst v31  }
0x263: {  	v47 =	vor.u32 $0x7, v30;
	v55 =	vor.u32 v52, v22;
	[tilespmem:s8+$0xFFFFFFD0] =	vst v24;
	v46 =	vld.idx.msk [tilespmem:v41+s21+$0x0], $0xffff  }
0x264: {  	v48 =	vor.u32 v47, v29;
	[tilespmem:s8+$0xF0] =	vst v11;
	v7 =	vld.idx.msk [tilespmem:v38+s21+$0x0], $0xffff  }
0x265: {  	v6 =	vor.u32 v62, v16;
	v4 =	vld.idx.msk [tilespmem:v45+s21+$0x0], $0xffff;
	[tilespmem:s11+$0xFFFFFFD0] =	vst v18  }
0x266: {  	v3 =	vor.u32 v3, v13;
	[tilespmem:s11+$0xFFFFFED0] =	vst v53;
	v9 =	vld.idx.msk [tilespmem:v51+s21+$0x0], $0xffff  }
0x267: {  	v10 =	vor.u32 v49, v19;
	v60 =	vld.idx.msk [tilespmem:v56+s21+$0x0], $0xffff;
	[tilespmem:s11+$0xD0] =	vst v50  }
0x268: {  	v5 =	vor.u32 v54, v20;
	v59 =	vld.idx.msk [tilespmem:v55+s21+$0x0], $0xffff;
	[tilespmem:s11+$0x1D0] =	vst v46  }
0x269: {  	v61 =	vor.u32 v52, v21;
	[tilespmem:s8+$0xFFFFFFE0] =	vst v7;
	v57 =	vld.idx.msk [tilespmem:v48+s21+$0x0], $0xffff  }
0x26a: {  	v58 =	vor.u32 v47, v28;
	v6 =	vld.idx.msk [tilespmem:v6+s21+$0x0], $0xffff;
	[tilespmem:s8+$0xFFFFFEE0] =	vst v4  }
0x26b: {  	v3 =	vld.idx.msk [tilespmem:v3+s21+$0x0], $0xffff;
	[tilespmem:s11+$0xFFFFFFE0] =	vst v9  }
0x26c: {  	[tilespmem:s11+$0xFFFFFEE0] =	vst v60;
	v9 =	vld.idx.msk [tilespmem:v10+s21+$0x0], $0xffff  }
0x26d: {  	v5 =	vld.idx.msk [tilespmem:v5+s21+$0x0], $0xffff;
	[tilespmem:s11+$0xE0] =	vst v59  }
0x26e: {  	v63 =	vld.idx.msk [tilespmem:v61+s21+$0x0], $0xffff;
	[tilespmem:s11+$0x1E0] =	vst v57  }
0x26f: {  	[tilespmem:s8+$0xFFFFFFF0] =	vst v6;
	v62 =	vld.idx.msk [tilespmem:v58+s21+$0x0], $0xffff  }
0x270: {  	[tilespmem:s8+$0xFFFFFEF0] =	vst v3  }
0x271: {  	[tilespmem:s11+$0xFFFFFFF0] =	vst v9  }
0x272: {  	s0 =	sshll.u32 s0, $0xB;
	s31 =	sadd.s32 $0x1, s31;
	[tilespmem:s11+$0xFFFFFEF0] =	vst v5  }
0x273: {  	s0 =	sand.u32 $0x1FFFF800, s0;
	p2 =	sne.s32 s31, $0x1E;
	[tilespmem:s11+$0xF0] =	vst v63  }
.Ltmp4:
0x274: {  	s0 =	sadd.s32 s5, s0;
	[tilespmem:s11+$0x1F0] =	vst v62;
	(pc) =	sbr.rel @p2 .LBB2_2-.Ltmp4, $4  }
0x275: {  	[hbm4b:s0+s3] =	stream.linear.scatter [tilespmem:s29], [sflag:$0x2], $0x4000, $0x38;
	[tilespmem:$0x13800] =	vst v63  }
0x276: {  	_ =	swait.ge [sflag:s28], $0x4000  }
0x277: {  	[sflag:s28] =	ssyncset.done $0x0  }
0x278: {  	[sflag:s28] =	ssyncadd.s32 $0xFFFFC000  }
0x279: {  	s0 =	simm.s32 $0x0  }
0x27a: {  	s8 =	simm.s32 $0x18;
	s11 =	simm.s32 $0x8;
	s31 =	simm.s32 $0x10  }
0x27b: {  	[tilespmem:s0], [sflag:$0x1] =	stream.linear.gather [hbm4b:s9+s0], $0x1000, $0x38;
	v3 =	vmov s0;
	v4 =	vmov s8;
	[tilespmem:$0x13800] =	vst v63  }
0x27c: {  	s10 =	sadd.s32 $0xF4280, s9;
	s18 =	simm.s32 $0x1400;
	v6 =	vmov s11;
	v9 =	vmov s31;
	v5 =	vshll.u32 v3, $0x3  }
0x27d: {  	v7 =	vshll.u32 v4, $0x3;
	v8 =	vshll.u32 v6, $0x3;
	v34 =	vand.u32 $0x78, v4;
	[tilespmem:s18], [sflag:$0x1] =	stream.linear.gather [hbm4b:s10+s0], $0x1000, $0x38;
	[tilespmem:$0x13800] =	vst v63  }
0x27e: {  	s19 =	simm.s32 $0x2800;
	s11 =	sadd.s32 $0x1E8500, s9;
	v32 =	vand.u32 $0x68, v6;
	v33 =	vand.u32 $0x70, v9;
	v7 =	vand.u32 $0xC00, v7  }
0x27f: {  	v4 =	vand.u32 $0xC00, v8;
	v8 =	vshll.u32 v9, $0x3;
	v23 =	vadd.s32 v0, v7;
	[tilespmem:s19], [sflag:$0x1] =	stream.linear.gather [hbm4b:s11+s0], $0x1000, $0x38;
	[tilespmem:$0x13800] =	vst v63  }
0x280: {  	v30 =	vadd.s32 v0, v4;
	v6 =	vand.u32 $0xC00, v8;
	s11 =	sadd.s32 $0x2DC780, s9;
	v10 =	vor.u32 v34, v23  }
0x281: {  	v5 =	vand.u32 $0xC00, v5;
	v8 =	vor.u32 v32, v30;
	v31 =	vadd.s32 v0, v6;
	[tilespmem:s20], [sflag:$0x1] =	stream.linear.gather [hbm4b:s11+s0], $0x1000, $0x38;
	[tilespmem:$0x13800] =	vst v63  }
0x282: {  	v29 =	vand.u32 $0x60, v3;
	v28 =	vadd.s32 v0, v5;
	v3 =	vor.u32 v33, v31;
	_ =	swait.ge [sflag:s25], $0x4000  }
0x283: {  	v9 =	vor.u32 v29, v28;
	[sflag:s25] =	ssyncset.done $0x0  }
0x284: {  	[sflag:s25] =	ssyncadd.s32 $0xFFFFC000  }
0x285: {  	v22 =	vadd.s32 v1, v7;
	v10 =	vld.idx.msk [tilespmem:v10+s3+$0x0], $0xffff  }
0x286: {  	v21 =	vadd.s32 v1, v4;
	v7 =	vor.u32 v34, v22;
	v8 =	vld.idx.msk [tilespmem:v8+s3+$0x0], $0xffff  }
0x287: {  	v4 =	vor.u32 v32, v21;
	v19 =	vadd.s32 v1, v6;
	v3 =	vld.idx.msk [tilespmem:v3+s3+$0x0], $0xffff  }
0x288: {  	v20 =	vadd.s32 v1, v5;
	v5 =	vor.u32 v33, v19;
	v6 =	vld.idx.msk [tilespmem:v9+s3+$0x0], $0xffff  }
0x289: {  	s8 =	simm.s32 $0xA200;
	v9 =	vor.u32 v29, v20  }
0x28a: {  	[tilespmem:s8+$0x100] =	vst v10  }
0x28b: {  	v10 =	vor.u32 $0x1, v34;
	[tilespmem:s8+$0xFFFFFF00] =	vst v8;
	v7 =	vld.idx.msk [tilespmem:v7+s3+$0x0], $0xffff  }
0x28c: {  	[tilespmem:s8+$0x0] =	vst v3;
	v3 =	vor.u32 $0x1, v32;
	v8 =	vor.u32 v10, v23;
	v4 =	vld.idx.msk [tilespmem:v4+s3+$0x0], $0xffff  }
0x28d: {  	v11 =	vor.u32 $0x1, v33;
	[tilespmem:s8+$0xFFFFFE00] =	vst v6;
	v5 =	vld.idx.msk [tilespmem:v5+s3+$0x0], $0xffff;
	v6 =	vor.u32 v3, v30  }
0x28e: {  	v12 =	vor.u32 $0x1, v29;
	v13 =	vor.u32 v11, v31;
	v9 =	vld.idx.msk [tilespmem:v9+s3+$0x0], $0xffff  }
0x28f: {  	v14 =	vor.u32 v12, v28  }
0x290: {  	[tilespmem:s8+$0x110] =	vst v7  }
0x291: {  	[tilespmem:s8+$0xFFFFFF10] =	vst v4;
	v7 =	vld.idx.msk [tilespmem:v8+s3+$0x0], $0xffff  }
0x292: {  	v4 =	vor.u32 v10, v22;
	[tilespmem:s8+$0x10] =	vst v5;
	v6 =	vld.idx.msk [tilespmem:v6+s3+$0x0], $0xffff  }
0x293: {  	v3 =	vor.u32 v3, v21;
	[tilespmem:s8+$0xFFFFFE10] =	vst v9;
	v5 =	vld.idx.msk [tilespmem:v13+s3+$0x0], $0xffff  }
0x294: {  	v9 =	vor.u32 v11, v19;
	v8 =	vld.idx.msk [tilespmem:v14+s3+$0x0], $0xffff  }
0x295: {  	v10 =	vor.u32 v12, v20  }
0x296: {  	[tilespmem:s8+$0x120] =	vst v7  }
0x297: {  	v7 =	vor.u32 $0x2, v34;
	[tilespmem:s8+$0xFFFFFF20] =	vst v6;
	v4 =	vld.idx.msk [tilespmem:v4+s3+$0x0], $0xffff  }
0x298: {  	[tilespmem:s8+$0x20] =	vst v5;
	v5 =	vor.u32 $0x2, v32;
	v6 =	vor.u32 v7, v23;
	v3 =	vld.idx.msk [tilespmem:v3+s3+$0x0], $0xffff  }
0x299: {  	v11 =	vor.u32 $0x2, v33;
	[tilespmem:s8+$0xFFFFFE20] =	vst v8;
	v8 =	vld.idx.msk [tilespmem:v9+s3+$0x0], $0xffff;
	v9 =	vor.u32 v5, v30  }
0x29a: {  	v12 =	vor.u32 $0x2, v29;
	v13 =	vor.u32 v11, v31;
	v10 =	vld.idx.msk [tilespmem:v10+s3+$0x0], $0xffff  }
0x29b: {  	v14 =	vor.u32 v12, v28  }
0x29c: {  	[tilespmem:s8+$0x130] =	vst v4  }
0x29d: {  	[tilespmem:s8+$0xFFFFFF30] =	vst v3;
	v4 =	vld.idx.msk [tilespmem:v6+s3+$0x0], $0xffff  }
0x29e: {  	v3 =	vor.u32 v7, v22;
	[tilespmem:s8+$0x30] =	vst v8;
	v6 =	vld.idx.msk [tilespmem:v9+s3+$0x0], $0xffff  }
0x29f: {  	v5 =	vor.u32 v5, v21;
	[tilespmem:s8+$0xFFFFFE30] =	vst v10;
	v7 =	vld.idx.msk [tilespmem:v13+s3+$0x0], $0xffff  }
0x2a0: {  	v8 =	vld.idx.msk [tilespmem:v14+s3+$0x0], $0xffff;
	v9 =	vor.u32 v11, v19  }
0x2a1: {  	v10 =	vor.u32 v12, v20  }
0x2a2: {  	[tilespmem:s8+$0x140] =	vst v4  }
0x2a3: {  	v4 =	vor.u32 $0x3, v34;
	[tilespmem:s8+$0xFFFFFF40] =	vst v6;
	v3 =	vld.idx.msk [tilespmem:v3+s3+$0x0], $0xffff  }
0x2a4: {  	[tilespmem:s8+$0x40] =	vst v7;
	v7 =	vor.u32 $0x3, v32;
	v6 =	vor.u32 v4, v23;
	v5 =	vld.idx.msk [tilespmem:v5+s3+$0x0], $0xffff  }
0x2a5: {  	v11 =	vor.u32 $0x3, v33;
	[tilespmem:s8+$0xFFFFFE40] =	vst v8;
	v8 =	vld.idx.msk [tilespmem:v9+s3+$0x0], $0xffff;
	v9 =	vor.u32 v7, v30  }
0x2a6: {  	v12 =	vor.u32 $0x3, v29;
	v13 =	vor.u32 v11, v31;
	v10 =	vld.idx.msk [tilespmem:v10+s3+$0x0], $0xffff  }
0x2a7: {  	v14 =	vor.u32 v12, v28  }
0x2a8: {  	[tilespmem:s8+$0x150] =	vst v3  }
0x2a9: {  	[tilespmem:s8+$0xFFFFFF50] =	vst v5;
	v6 =	vld.idx.msk [tilespmem:v6+s3+$0x0], $0xffff  }
0x2aa: {  	[tilespmem:s8+$0x50] =	vst v8;
	v9 =	vld.idx.msk [tilespmem:v9+s3+$0x0], $0xffff  }
0x2ab: {  	s31 =	simm.s32 $0x20;
	v5 =	vor.u32 v4, v22;
	[tilespmem:s8+$0xFFFFFE50] =	vst v10;
	v10 =	vld.idx.msk [tilespmem:v13+s3+$0x0], $0xffff  }
0x2ac: {  	v15 =	vmov s31;
	v24 =	vor.u32 $0x4, v34;
	v13 =	vor.u32 v7, v21;
	v14 =	vld.idx.msk [tilespmem:v14+s3+$0x0], $0xffff  }
0x2ad: {  	v35 =	vor.u32 $0x4, v29;
	v12 =	vor.u32 v12, v20;
	v4 =	vshll.u32 v15, $0x3  }
0x2ae: {  	s10 =	simm.s32 $0x28;
	v3 =	vand.u32 $0x60, v15;
	v15 =	vor.u32 v11, v19;
	v27 =	vand.u32 $0xC00, v4;
	[tilespmem:s8+$0x160] =	vst v6  }
0x2af: {  	v39 =	vor.u32 v35, v28;
	v8 =	vmov s10;
	v4 =	vadd.s32 v0, v27;
	[tilespmem:s8+$0xFFFFFF60] =	vst v9  }
0x2b0: {  	s11 =	simm.s32 $0x30;
	v7 =	vshll.u32 v8, $0x3;
	v17 =	vor.u32 v3, v4;
	v6 =	vand.u32 $0x68, v8;
	[tilespmem:s8+$0x60] =	vst v10;
	v5 =	vld.idx.msk [tilespmem:v5+s3+$0x0], $0xffff  }
0x2b1: {  	v8 =	vmov s11;
	v9 =	vor.u32 v24, v23;
	v10 =	vor.u32 $0x4, v32;
	[tilespmem:s8+$0xFFFFFE60] =	vst v14;
	v13 =	vld.idx.msk [tilespmem:v13+s3+$0x0], $0xffff  }
0x2b2: {  	v16 =	vand.u32 $0xC00, v7;
	v11 =	vshll.u32 v8, $0x3;
	v14 =	vor.u32 v10, v30;
	v25 =	vld.idx.msk [tilespmem:v12+s3+$0x0], $0xffff  }
0x2b3: {  	v26 =	vand.u32 $0xC00, v11;
	v11 =	vand.u32 $0x70, v8;
	v8 =	vld.idx.msk [tilespmem:v15+s3+$0x0], $0xffff;
	v15 =	vor.u32 $0x4, v33  }
0x2b4: {  	v7 =	vadd.s32 v0, v16;
	v36 =	vor.u32 v15, v31  }
0x2b5: {  	v18 =	vor.u32 v6, v7;
	v38 =	vld.idx.msk [tilespmem:v17+s3+$0x0], $0xffff;
	[tilespmem:s8+$0x170] =	vst v5  }
0x2b6: {  	s31 =	simm.s32 $0x38;
	v12 =	vadd.s32 v0, v26;
	[tilespmem:s8+$0xFFFFFF70] =	vst v13;
	v9 =	vld.idx.msk [tilespmem:v9+s3+$0x0], $0xffff  }
0x2b7: {  	v37 =	vmov s31;
	v35 =	vor.u32 v35, v20;
	s10 =	simm.s32 $0x40;
	v40 =	vor.u32 v11, v12;
	[tilespmem:s8+$0xFFFFFE70] =	vst v25;
	v14 =	vld.idx.msk [tilespmem:v14+s3+$0x0], $0xffff  }
0x2b8: {  	v41 =	vmov s10;
	v5 =	vshll.u32 v37, $0x3;
	v13 =	vor.u32 v24, v22;
	[tilespmem:s8+$0x70] =	vst v8;
	v39 =	vld.idx.msk [tilespmem:v39+s3+$0x0], $0xffff  }
0x2b9: {  	v16 =	vadd.s32 v1, v16;
	s11 =	simm.s32 $0x48;
	v44 =	vor.u32 v10, v21;
	v42 =	vand.u32 $0xC00, v5;
	v36 =	vld.idx.msk [tilespmem:v36+s3+$0x0], $0xffff  }
0x2ba: {  	v54 =	vmov s11;
	v43 =	vld.idx.msk [tilespmem:v18+s3+$0x0], $0xffff;
	v18 =	vand.u32 $0x78, v37;
	v17 =	vadd.s32 v0, v42  }
0x2bb: {  	v59 =	vor.u32 v6, v16;
	v8 =	vshll.u32 v41, $0x3;
	v37 =	vor.u32 v18, v17;
	[tilespmem:s8+$0x180] =	vst v9  }
0x2bc: {  	v10 =	vshll.u32 v54, $0x3;
	v45 =	vor.u32 v15, v19;
	v24 =	vand.u32 $0xC00, v8;
	v40 =	vld.idx.msk [tilespmem:v40+s3+$0x0], $0xffff;
	[tilespmem:s8+$0xFFFFFF80] =	vst v14  }
0x2bd: {  	v25 =	vand.u32 $0xC00, v10;
	v5 =	vand.u32 $0x60, v41;
	v8 =	vadd.s32 v0, v24;
	[tilespmem:s8+$0xFFFFFE80] =	vst v39;
	v55 =	vld.idx.msk [tilespmem:v13+s3+$0x0], $0xffff  }
0x2be: {  	v10 =	vand.u32 $0x68, v54;
	v46 =	vor.u32 v5, v8;
	v9 =	vadd.s32 v0, v25;
	[tilespmem:s8+$0x80] =	vst v36;
	v36 =	vld.idx.msk [tilespmem:v44+s3+$0x0], $0xffff  }
0x2bf: {  	v14 =	vadd.s32 v1, v26;
	v47 =	vor.u32 v10, v9;
	v35 =	vld.idx.msk [tilespmem:v35+s3+$0x0], $0xffff  }
0x2c0: {  	v48 =	vor.u32 $0x5, v34;
	s0 =	simm.s32 $0xA600;
	v60 =	vor.u32 v11, v14;
	v37 =	vld.idx.msk [tilespmem:v37+s3+$0x0], $0xffff  }
0x2c1: {  	v56 =	vor.u32 v48, v23;
	[tilespmem:s0+$0xFFFFFF00] =	vst v43;
	v13 =	vadd.s32 v1, v27;
	v58 =	vld.idx.msk [tilespmem:v45+s3+$0x0], $0xffff  }
0x2c2: {  	v49 =	vor.u32 $0x5, v32;
	v61 =	vor.u32 v3, v13;
	v45 =	vld.idx.msk [tilespmem:v59+s3+$0x0], $0xffff  }
0x2c3: {  	v62 =	vor.u32 v49, v30;
	[tilespmem:s0+$0xFFFFFE00] =	vst v38;
	v15 =	vadd.s32 v1, v42;
	v26 =	vld.idx.msk [tilespmem:v46+s3+$0x0], $0xffff  }
0x2c4: {  	v41 =	vor.u32 $0x5, v33;
	v57 =	vor.u32 v18, v15;
	[tilespmem:s0+$0x0] =	vst v40;
	v27 =	vld.idx.msk [tilespmem:v47+s3+$0x0], $0xffff  }
0x2c5: {  	v38 =	vor.u32 $0x1, v6;
	v63 =	vor.u32 v41, v31;
	[tilespmem:s8+$0x190] =	vst v55;
	v46 =	vld.idx.msk [tilespmem:v60+s3+$0x0], $0xffff  }
0x2c6: {  	v52 =	vor.u32 $0x1, v11;
	v51 =	vor.u32 v38, v7;
	[tilespmem:s8+$0xFFFFFF90] =	vst v36;
	v42 =	vld.idx.msk [tilespmem:v56+s3+$0x0], $0xffff  }
0x2c7: {  	v53 =	vor.u32 v52, v12;
	[tilespmem:s8+$0xFFFFFE90] =	vst v35;
	v47 =	vld.idx.msk [tilespmem:v61+s3+$0x0], $0xffff  }
0x2c8: {  	v48 =	vor.u32 v48, v22;
	v54 =	vor.u32 $0x5, v29;
	[tilespmem:s0+$0x100] =	vst v37;
	v37 =	vld.idx.msk [tilespmem:v62+s3+$0x0], $0xffff  }
0x2c9: {  	v40 =	vor.u32 $0x1, v18;
	v59 =	vor.u32 v54, v28;
	[tilespmem:s8+$0x90] =	vst v58;
	v39 =	vld.idx.msk [tilespmem:v57+s3+$0x0], $0xffff  }
0x2ca: {  	v50 =	vor.u32 v40, v17;
	[tilespmem:s0+$0xFFFFFF10] =	vst v45;
	v43 =	vld.idx.msk [tilespmem:v63+s3+$0x0], $0xffff  }
0x2cb: {  	v61 =	vor.u32 v49, v21;
	v57 =	vor.u32 $0x1, v3;
	v63 =	vld.idx.msk [tilespmem:v51+s3+$0x0], $0xffff;
	[tilespmem:s0+$0x10] =	vst v46  }
0x2cc: {  	v58 =	vor.u32 v57, v4;
	[tilespmem:s8+$0x1A0] =	vst v42;
	v55 =	vld.idx.msk [tilespmem:v53+s3+$0x0], $0xffff  }
0x2cd: {  	v38 =	vor.u32 v38, v16;
	[tilespmem:s0+$0xFFFFFE10] =	vst v47;
	v42 =	vld.idx.msk [tilespmem:v48+s3+$0x0], $0xffff  }
0x2ce: {  	v62 =	vor.u32 $0x6, v34;
	v56 =	vor.u32 v52, v14;
	[tilespmem:s0+$0x110] =	vst v39;
	v39 =	vld.idx.msk [tilespmem:v59+s3+$0x0], $0xffff  }
0x2cf: {  	v51 =	vor.u32 v62, v23;
	[tilespmem:s8+$0xFFFFFFA0] =	vst v37;
	v60 =	vld.idx.msk [tilespmem:v50+s3+$0x0], $0xffff  }
0x2d0: {  	v40 =	vor.u32 v40, v15;
	v37 =	vld.idx.msk [tilespmem:v61+s3+$0x0], $0xffff;
	[tilespmem:s0+$0xFFFFFF20] =	vst v63  }
0x2d1: {  	v41 =	vor.u32 v41, v19;
	[tilespmem:s8+$0xA0] =	vst v43;
	v44 =	vld.idx.msk [tilespmem:v58+s3+$0x0], $0xffff  }
0x2d2: {  	v36 =	vor.u32 v57, v13;
	v57 =	vor.u32 v54, v20;
	v38 =	vld.idx.msk [tilespmem:v38+s3+$0x0], $0xffff;
	[tilespmem:s0+$0x20] =	vst v55  }
0x2d3: {  	v50 =	vor.u32 $0x2, v11;
	[tilespmem:s8+$0x1B0] =	vst v42;
	v35 =	vld.idx.msk [tilespmem:v56+s3+$0x0], $0xffff  }
0x2d4: {  	v61 =	vor.u32 v50, v12;
	[tilespmem:s0+$0x120] =	vst v60;
	v42 =	vld.idx.msk [tilespmem:v51+s3+$0x0], $0xffff  }
0x2d5: {  	v46 =	vor.u32 $0x2, v18;
	v58 =	vor.u32 v62, v22;
	[tilespmem:s8+$0xFFFFFEA0] =	vst v39;
	v40 =	vld.idx.msk [tilespmem:v40+s3+$0x0], $0xffff  }
0x2d6: {  	v59 =	vor.u32 v46, v17;
	v62 =	vld.idx.msk [tilespmem:v41+s3+$0x0], $0xffff;
	[tilespmem:s0+$0xFFFFFE20] =	vst v44;
	v44 =	vor.u32 $0x2, v6  }
0x2d7: {  	v56 =	vor.u32 $0x6, v32;
	[tilespmem:s8+$0xFFFFFFB0] =	vst v37;
	v45 =	vld.idx.msk [tilespmem:v57+s3+$0x0], $0xffff;
	v60 =	vor.u32 v44, v7  }
0x2d8: {  	v43 =	vor.u32 $0x2, v3;
	v57 =	vor.u32 v56, v30;
	v36 =	vld.idx.msk [tilespmem:v36+s3+$0x0], $0xffff;
	[tilespmem:s0+$0x30] =	vst v35  }
0x2d9: {  	v63 =	vor.u32 v43, v4;
	[tilespmem:s8+$0x1C0] =	vst v42;
	v35 =	vld.idx.msk [tilespmem:v61+s3+$0x0], $0xffff  }
0x2da: {  	v42 =	vor.u32 $0x6, v33;
	v61 =	vor.u32 v50, v14;
	[tilespmem:s0+$0x130] =	vst v40;
	v47 =	vld.idx.msk [tilespmem:v58+s3+$0x0], $0xffff  }
0x2db: {  	v34 =	vor.u32 $0x7, v34;
	[tilespmem:s0+$0xFFFFFF30] =	vst v38;
	v58 =	vld.idx.msk [tilespmem:v59+s3+$0x0], $0xffff;
	v59 =	vor.u32 v42, v31  }
0x2dc: {  	v23 =	vor.u32 v34, v23;
	[tilespmem:s8+$0xB0] =	vst v62;
	v49 =	vld.idx.msk [tilespmem:v60+s3+$0x0], $0xffff  }
0x2dd: {  	v44 =	vor.u32 v44, v16;
	[tilespmem:s0+$0xFFFFFE30] =	vst v36;
	v40 =	vld.idx.msk [tilespmem:v57+s3+$0x0], $0xffff  }
0x2de: {  	v62 =	vor.u32 v43, v13;
	v43 =	vor.u32 $0x6, v29;
	v60 =	vor.u32 v46, v15;
	v41 =	vld.idx.msk [tilespmem:v63+s3+$0x0], $0xffff;
	[tilespmem:s0+$0x40] =	vst v35  }
0x2df: {  	[tilespmem:s8+$0xFFFFFEB0] =	vst v45;
	v63 =	vor.u32 v43, v28;
	v37 =	vld.idx.msk [tilespmem:v61+s3+$0x0], $0xffff  }
0x2e0: {  	[tilespmem:s8+$0x1D0] =	vst v47;
	v46 =	vld.idx.msk [tilespmem:v59+s3+$0x0], $0xffff  }
0x2e1: {  	v56 =	vor.u32 v56, v21;
	[tilespmem:s0+$0xFFFFFF40] =	vst v49;
	v23 =	vld.idx.msk [tilespmem:v23+s3+$0x0], $0xffff  }
0x2e2: {  	v22 =	vor.u32 v34, v22;
	[tilespmem:s0+$0x140] =	vst v58;
	v44 =	vld.idx.msk [tilespmem:v44+s3+$0x0], $0xffff;
	v59 =	vor.u32 $0x3, v11  }
0x2e3: {  	v35 =	vor.u32 $0x3, v18;
	[tilespmem:s8+$0xFFFFFFC0] =	vst v40;
	v36 =	vld.idx.msk [tilespmem:v60+s3+$0x0], $0xffff;
	v61 =	vor.u32 v59, v12  }
0x2e4: {  	s31 =	simm.s32 $0x50;
	v57 =	vor.u32 v35, v17;
	[tilespmem:s0+$0xFFFFFE40] =	vst v41;
	v38 =	vld.idx.msk [tilespmem:v63+s3+$0x0], $0xffff  }
0x2e5: {  	v54 =	vor.u32 v42, v19;
	v41 =	vor.u32 $0x3, v6;
	v39 =	vld.idx.msk [tilespmem:v62+s3+$0x0], $0xffff;
	v60 =	vmov s31;
	[tilespmem:s0+$0x50] =	vst v37  }
0x2e6: {  	v53 =	vld.idx.msk [tilespmem:v56+s3+$0x0], $0xffff;
	v58 =	vor.u32 v41, v7;
	v62 =	vshll.u32 v60, $0x3;
	[tilespmem:s8+$0x1E0] =	vst v23  }
0x2e7: {  	v51 =	vor.u32 $0x3, v3;
	v43 =	vor.u32 v43, v20;
	v34 =	vand.u32 $0xC00, v62;
	[tilespmem:s0+$0xFFFFFF50] =	vst v44;
	v55 =	vld.idx.msk [tilespmem:v22+s3+$0x0], $0xffff  }
0x2e8: {  	v63 =	vor.u32 v51, v4;
	v23 =	vand.u32 $0x70, v60;
	[tilespmem:s0+$0x150] =	vst v36;
	v22 =	vadd.s32 v0, v34;
	v37 =	vld.idx.msk [tilespmem:v61+s3+$0x0], $0xffff  }
0x2e9: {  	[tilespmem:s8+$0xC0] =	vst v46;
	v56 =	vld.idx.msk [tilespmem:v57+s3+$0x0], $0xffff;
	v45 =	vor.u32 v23, v22  }
0x2ea: {  	v35 =	vor.u32 v35, v15;
	[tilespmem:s0+$0xFFFFFE50] =	vst v39;
	v60 =	vld.idx.msk [tilespmem:v54+s3+$0x0], $0xffff;
	v39 =	vor.u32 $0x7, v32  }
0x2eb: {  	[tilespmem:s8+$0xFFFFFEC0] =	vst v38;
	v57 =	vld.idx.msk [tilespmem:v58+s3+$0x0], $0xffff;
	v62 =	vor.u32 v39, v30  }
0x2ec: {  	v41 =	vor.u32 v41, v16;
	v43 =	vld.idx.msk [tilespmem:v43+s3+$0x0], $0xffff  }
0x2ed: {  	v59 =	vor.u32 v59, v14;
	[tilespmem:s8+$0xFFFFFFD0] =	vst v53;
	v58 =	vld.idx.msk [tilespmem:v63+s3+$0x0], $0xffff  }
0x2ee: {  	v33 =	vor.u32 $0x7, v33;
	v61 =	vor.u32 v51, v13;
	v32 =	vld.idx.msk [tilespmem:v45+s3+$0x0], $0xffff;
	[tilespmem:s0+$0x160] =	vst v56  }
0x2ef: {  	v63 =	vor.u32 v33, v31;
	[tilespmem:s8+$0x1F0] =	vst v55;
	v40 =	vld.idx.msk [tilespmem:v35+s3+$0x0], $0xffff;
	v35 =	vor.u32 $0x7, v29  }
0x2f0: {  	v38 =	vor.u32 $0x4, v18;
	[tilespmem:s0+$0xFFFFFF60] =	vst v57;
	v42 =	vld.idx.msk [tilespmem:v62+s3+$0x0], $0xffff;
	v47 =	vor.u32 v35, v28  }
0x2f1: {  	[tilespmem:s0+$0x60] =	vst v37;
	v37 =	vor.u32 $0x4, v6;
	v45 =	vor.u32 v38, v17;
	v30 =	vld.idx.msk [tilespmem:v41+s3+$0x0], $0xffff  }
0x2f2: {  	v36 =	vor.u32 $0x4, v11;
	[tilespmem:s0+$0xFFFFFE60] =	vst v58;
	v44 =	vor.u32 v37, v7;
	v41 =	vld.idx.msk [tilespmem:v59+s3+$0x0], $0xffff  }
0x2f3: {  	v31 =	vor.u32 $0x4, v3;
	v46 =	vor.u32 v36, v12;
	[tilespmem:s8+$0xD0] =	vst v60;
	v28 =	vld.idx.msk [tilespmem:v61+s3+$0x0], $0xffff  }
0x2f4: {  	s10 =	simm.s32 $0x60;
	s11 =	simm.s32 $0x58;
	v48 =	vor.u32 v31, v4;
	[tilespmem:s8+$0xFFFFFED0] =	vst v43;
	v43 =	vld.idx.msk [tilespmem:v63+s3+$0x0], $0xffff  }
.LBB2_8:
0x2f5: {  	p2 =	slt.u32 s10, $0x1E0;
	v29 =	vmov s11;
	[tilespmem:s0+$0x170] =	vst v40;
	v40 =	vld.idx.msk [tilespmem:v47+s3+$0x0], $0xffff;
	v39 =	vor.u32 v39, v21;
	v21 =	vmov v16  }
0x2f6: {  	v16 =	vshll.u32 v29, $0x3;
	[tilespmem:s0+$0xFFFFFF70] =	vst v30;
	v30 =	vld.idx.msk [tilespmem:v45+s3+$0x0], $0xffff;
	v45 =	vor.u32 v33, v19;
	v19 =	vmov v14  }
0x2f7: {  	v14 =	vmov s10;
	v16 =	vand.u32 $0xC00, v16;
	v44 =	vld.idx.msk [tilespmem:v44+s3+$0x0], $0xffff;
	[tilespmem:s0+$0x70] =	vst v41;
	v41 =	vor.u32 v35, v20;
	v20 =	vmovc v13  }
0x2f8: {  	v38 =	vor.u32 v38, v15;
	v35 =	vand.u32 $0x78, v29;
	v33 =	vadd.s32 v0, v16;
	[tilespmem:s0+$0xFFFFFE70] =	vst v28;
	v13 =	vld.idx.msk [tilespmem:v46+s3+$0x0], $0xffff  }
0x2f9: {  	s11 =	sadd.s32 $0x8, s10;
	v28 =	vand.u32 $0x60, v14;
	v46 =	vor.u32 v35, v33;
	v47 =	vld.idx.msk [tilespmem:v48+s3+$0x0], $0xffff;
	[tilespmem:s8+$0xFFFFFFE0] =	vst v42  }
0x2fa: {  	v37 =	vor.u32 v37, v21;
	v14 =	vshll.u32 v14, $0x3;
	v42 =	vmov s11;
	v39 =	vld.idx.msk [tilespmem:v39+s3+$0x0], $0xffff;
	[tilespmem:s8+$0xE0] =	vst v43  }
0x2fb: {  	v48 =	vor.u32 v36, v19;
	v43 =	vand.u32 $0xC00, v14;
	v14 =	vshll.u32 v42, $0x3;
	[tilespmem:s8+$0xFFFFFEE0] =	vst v40;
	v40 =	vld.idx.msk [tilespmem:v45+s3+$0x0], $0xffff  }
0x2fc: {  	v29 =	vadd.s32 v0, v43;
	v14 =	vand.u32 $0xC00, v14;
	v45 =	vor.u32 v31, v20;
	[tilespmem:s0+$0x180] =	vst v30;
	v41 =	vld.idx.msk [tilespmem:v41+s3+$0x0], $0xffff  }
0x2fd: {  	v31 =	vand.u32 $0x68, v42;
	v49 =	vor.u32 v28, v29;
	v30 =	vadd.s32 v0, v14;
	[tilespmem:s0+$0xFFFFFF80] =	vst v44;
	v38 =	vld.idx.msk [tilespmem:v38+s3+$0x0], $0xffff  }
0x2fe: {  	v42 =	vor.u32 v31, v30;
	v44 =	vld.idx.msk [tilespmem:v46+s3+$0x0], $0xffff;
	[tilespmem:s0+$0x80] =	vst v13;
	v46 =	vor.u32 $0x5, v18  }
0x2ff: {  	v36 =	vadd.s32 v1, v16;
	[tilespmem:s0+$0xFFFFFE80] =	vst v47;
	v37 =	vld.idx.msk [tilespmem:v37+s3+$0x0], $0xffff;
	v47 =	vor.u32 v46, v17  }
0x300: {  	v16 =	vadd.s32 v1, v25;
	v50 =	vor.u32 v35, v36;
	v25 =	vmov v14;
	v48 =	vld.idx.msk [tilespmem:v48+s3+$0x0], $0xffff;
	[tilespmem:s8+$0xFFFFFFF0] =	vst v39  }
0x301: {  	v14 =	vadd.s32 v1, v34;
	v39 =	vor.u32 v10, v16;
	v34 =	vld.idx.msk [tilespmem:v45+s3+$0x0], $0xffff;
	[tilespmem:s8+$0xF0] =	vst v40  }
0x302: {  	v13 =	vadd.s32 v1, v24;
	v24 =	vmov v43;
	v45 =	vor.u32 v23, v14;
	v40 =	vld.idx.msk [tilespmem:v49+s3+$0x0], $0xffff;
	[tilespmem:s8+$0xFFFFFEF0] =	vst v41;
	s8 =	smov.u32 s0  }
0x303: {  	v43 =	vor.u32 $0x5, v6;
	s0 =	sadd.s32 $0x400, s0;
	v41 =	vld.idx.msk [tilespmem:v42+s3+$0x0], $0xffff;
	v42 =	vor.u32 v5, v13;
	[tilespmem:s8+$0x190] =	vst v38  }
0x304: {  	v38 =	vor.u32 v43, v7;
	[tilespmem:s0+$0x100] =	vst v44;
	v44 =	vor.u32 $0x5, v11;
	v47 =	vld.idx.msk [tilespmem:v47+s3+$0x0], $0xffff  }
0x305: {  	[tilespmem:s0+$0xFFFFFF00] =	vst v27;
	v49 =	vld.idx.msk [tilespmem:v50+s3+$0x0], $0xffff;
	v50 =	vor.u32 v44, v12  }
0x306: {  	v46 =	vor.u32 v46, v15;
	v39 =	vld.idx.msk [tilespmem:v39+s3+$0x0], $0xffff;
	[tilespmem:s0+$0x0] =	vst v32;
	v32 =	vor.u32 $0x1, v35  }
0x307: {  	v51 =	vor.u32 $0x1, v10;
	[tilespmem:s0+$0xFFFFFE00] =	vst v26;
	v45 =	vld.idx.msk [tilespmem:v45+s3+$0x0], $0xffff;
	v52 =	vor.u32 v32, v33  }
0x308: {  	v54 =	vor.u32 $0x1, v23;
	v53 =	vor.u32 v51, v9;
	v26 =	vmov v40;
	v42 =	vld.idx.msk [tilespmem:v42+s3+$0x0], $0xffff;
	[tilespmem:s8+$0xFFFFFF90] =	vst v37  }
0x309: {  	v40 =	vor.u32 v54, v22;
	v37 =	vor.u32 $0x1, v5;
	v27 =	vmov v41;
	v38 =	vld.idx.msk [tilespmem:v38+s3+$0x0], $0xffff;
	[tilespmem:s8+$0x90] =	vst v48  }
0x30a: {  	v41 =	vor.u32 v37, v8;
	v48 =	vor.u32 $0x5, v3;
	v50 =	vld.idx.msk [tilespmem:v50+s3+$0x0], $0xffff;
	[tilespmem:s8+$0x1A0] =	vst v47  }
0x30b: {  	v47 =	vor.u32 v48, v4;
	[tilespmem:s0+$0x110] =	vst v49;
	v46 =	vld.idx.msk [tilespmem:v46+s3+$0x0], $0xffff  }
0x30c: {  	v43 =	vor.u32 v43, v21;
	v49 =	vor.u32 $0x6, v18;
	[tilespmem:s0+$0xFFFFFF10] =	vst v39;
	v39 =	vld.idx.msk [tilespmem:v52+s3+$0x0], $0xffff  }
0x30d: {  	v52 =	vld.idx.msk [tilespmem:v53+s3+$0x0], $0xffff;
	[tilespmem:s0+$0x10] =	vst v45;
	v45 =	vor.u32 v49, v17  }
0x30e: {  	v32 =	vor.u32 v32, v36;
	[tilespmem:s0+$0xFFFFFE10] =	vst v42;
	v40 =	vld.idx.msk [tilespmem:v40+s3+$0x0], $0xffff  }
0x30f: {  	v42 =	vor.u32 v51, v16;
	v41 =	vld.idx.msk [tilespmem:v41+s3+$0x0], $0xffff;
	[tilespmem:s8+$0xFFFFFE90] =	vst v34  }
0x310: {  	v34 =	vor.u32 v54, v14;
	v47 =	vld.idx.msk [tilespmem:v47+s3+$0x0], $0xffff;
	[tilespmem:s8+$0xFFFFFFA0] =	vst v38  }
0x311: {  	v37 =	vor.u32 v37, v13;
	v38 =	vld.idx.msk [tilespmem:v43+s3+$0x0], $0xffff;
	[tilespmem:s8+$0x1B0] =	vst v46  }
0x312: {  	[tilespmem:s0+$0x120] =	vst v39;
	v39 =	vor.u32 v44, v19;
	v43 =	vld.idx.msk [tilespmem:v45+s3+$0x0], $0xffff  }
0x313: {  	v44 =	vor.u32 v48, v20;
	[tilespmem:s0+$0xFFFFFF20] =	vst v52;
	v32 =	vld.idx.msk [tilespmem:v32+s3+$0x0], $0xffff  }
0x314: {  	v45 =	vor.u32 v49, v15;
	v42 =	vld.idx.msk [tilespmem:v42+s3+$0x0], $0xffff;
	[tilespmem:s0+$0x20] =	vst v40;
	v40 =	vor.u32 $0x2, v35  }
0x315: {  	[tilespmem:s0+$0xFFFFFE20] =	vst v41;
	v41 =	vor.u32 $0x2, v10;
	v34 =	vld.idx.msk [tilespmem:v34+s3+$0x0], $0xffff;
	v46 =	vor.u32 v40, v33  }
0x316: {  	v49 =	vor.u32 $0x2, v23;
	v37 =	vld.idx.msk [tilespmem:v37+s3+$0x0], $0xffff;
	v48 =	vor.u32 v41, v9;
	[tilespmem:s8+$0xA0] =	vst v50  }
0x317: {  	v51 =	vor.u32 v49, v22;
	v50 =	vor.u32 $0x2, v5;
	[tilespmem:s8+$0xFFFFFEA0] =	vst v47;
	v39 =	vld.idx.msk [tilespmem:v39+s3+$0x0], $0xffff  }
0x318: {  	v52 =	vor.u32 $0x6, v6;
	v47 =	vor.u32 v50, v8;
	v44 =	vld.idx.msk [tilespmem:v44+s3+$0x0], $0xffff;
	[tilespmem:s8+$0x1C0] =	vst v43  }
0x319: {  	v43 =	vor.u32 $0x6, v11;
	[tilespmem:s0+$0x130] =	vst v32;
	v32 =	vor.u32 v52, v7;
	v45 =	vld.idx.msk [tilespmem:v45+s3+$0x0], $0xffff  }
0x31a: {  	v53 =	vor.u32 $0x7, v18;
	v18 =	vmov v35;
	[tilespmem:s0+$0xFFFFFF30] =	vst v42;
	v42 =	vld.idx.msk [tilespmem:v46+s3+$0x0], $0xffff;
	v46 =	vor.u32 v43, v12  }
0x31b: {  	v35 =	vld.idx.msk [tilespmem:v48+s3+$0x0], $0xffff;
	[tilespmem:s0+$0x30] =	vst v34;
	v34 =	vor.u32 v53, v17;
	v17 =	vmov v33  }
0x31c: {  	[tilespmem:s0+$0xFFFFFE30] =	vst v37;
	v33 =	vld.idx.msk [tilespmem:v51+s3+$0x0], $0xffff;
	v37 =	vor.u32 v40, v36  }
0x31d: {  	v41 =	vor.u32 v41, v16;
	v40 =	vld.idx.msk [tilespmem:v47+s3+$0x0], $0xffff;
	[tilespmem:s8+$0xFFFFFFB0] =	vst v38  }
0x31e: {  	v38 =	vor.u32 v49, v14;
	v32 =	vld.idx.msk [tilespmem:v32+s3+$0x0], $0xffff;
	[tilespmem:s8+$0xB0] =	vst v39  }
0x31f: {  	v47 =	vor.u32 $0x6, v3;
	v39 =	vor.u32 v50, v13;
	v46 =	vld.idx.msk [tilespmem:v46+s3+$0x0], $0xffff;
	[tilespmem:s8+$0x1D0] =	vst v45  }
0x320: {  	[tilespmem:s0+$0x140] =	vst v42;
	v42 =	vor.u32 v47, v4;
	v34 =	vld.idx.msk [tilespmem:v34+s3+$0x0], $0xffff  }
0x321: {  	[tilespmem:s0+$0xFFFFFF40] =	vst v35;
	v35 =	vld.idx.msk [tilespmem:v37+s3+$0x0], $0xffff;
	v37 =	vor.u32 v52, v21  }
0x322: {  	v45 =	vor.u32 v53, v15;
	v15 =	vmov v36;
	v41 =	vld.idx.msk [tilespmem:v41+s3+$0x0], $0xffff;
	[tilespmem:s0+$0x40] =	vst v33;
	v33 =	vor.u32 $0x3, v18  }
0x323: {  	v36 =	vor.u32 $0x3, v10;
	[tilespmem:s0+$0xFFFFFE40] =	vst v40;
	v38 =	vld.idx.msk [tilespmem:v38+s3+$0x0], $0xffff;
	v40 =	vor.u32 v33, v17  }
0x324: {  	s11 =	sadd.s32 $0x10, s10;
	v49 =	vor.u32 $0x3, v23;
	v48 =	vor.u32 v36, v9;
	v39 =	vld.idx.msk [tilespmem:v39+s3+$0x0], $0xffff;
	[tilespmem:s8+$0xFFFFFEB0] =	vst v44  }
0x325: {  	v50 =	vor.u32 $0x3, v5;
	v51 =	vor.u32 v49, v22;
	v44 =	vmov s11;
	v42 =	vld.idx.msk [tilespmem:v42+s3+$0x0], $0xffff;
	[tilespmem:s8+$0xFFFFFFC0] =	vst v32  }
0x326: {  	v52 =	vor.u32 v50, v8;
	v32 =	vshll.u32 v44, $0x3;
	v53 =	vld.idx.msk [tilespmem:v37+s3+$0x0], $0xffff;
	[tilespmem:s8+$0x1E0] =	vst v34  }
0x327: {  	v34 =	vand.u32 $0xC00, v32;
	v32 =	vor.u32 v43, v19;
	[tilespmem:s0+$0x150] =	vst v35;
	v35 =	vld.idx.msk [tilespmem:v45+s3+$0x0], $0xffff  }
0x328: {  	v43 =	vand.u32 $0x70, v44;
	v54 =	vadd.s32 v0, v34;
	[tilespmem:s0+$0xFFFFFF50] =	vst v41;
	v37 =	vld.idx.msk [tilespmem:v40+s3+$0x0], $0xffff;
	v40 =	vor.u32 v47, v20  }
0x329: {  	v41 =	vor.u32 v43, v54;
	v44 =	vld.idx.msk [tilespmem:v48+s3+$0x0], $0xffff;
	[tilespmem:s0+$0x50] =	vst v38  }
0x32a: {  	v45 =	vor.u32 v33, v15;
	[tilespmem:s0+$0xFFFFFE50] =	vst v39;
	v38 =	vld.idx.msk [tilespmem:v51+s3+$0x0], $0xffff  }
0x32b: {  	v36 =	vor.u32 v36, v16;
	v48 =	vld.idx.msk [tilespmem:v52+s3+$0x0], $0xffff;
	[tilespmem:s8+$0xC0] =	vst v46  }
0x32c: {  	v46 =	vor.u32 v49, v14;
	[tilespmem:s8+$0xFFFFFEC0] =	vst v42;
	v49 =	vld.idx.msk [tilespmem:v32+s3+$0x0], $0xffff  }
0x32d: {  	v39 =	vor.u32 $0x7, v6;
	v6 =	vmovc v10;
	v10 =	vmov v31;
	v42 =	vor.u32 v50, v13;
	v50 =	vld.idx.msk [tilespmem:v40+s3+$0x0], $0xffff;
	[tilespmem:s8+$0x1F0] =	vst v35  }
0x32e: {  	v33 =	vor.u32 $0x7, v11;
	v51 =	vor.u32 v39, v7;
	v7 =	vmovc v9;
	v9 =	vmov v30;
	v32 =	vld.idx.msk [tilespmem:v41+s3+$0x0], $0xffff;
	[tilespmem:s0+$0x160] =	vst v37  }
0x32f: {  	v52 =	vor.u32 v33, v12;
	v35 =	vor.u32 $0x7, v3;
	v3 =	vmovc v5;
	v5 =	vmov v28;
	[tilespmem:s0+$0xFFFFFF60] =	vst v44;
	v40 =	vld.idx.msk [tilespmem:v45+s3+$0x0], $0xffff  }
.Ltmp5:
0x330: {  	v47 =	vor.u32 v35, v4;
	v4 =	vmovc v8;
	v8 =	vmov v29;
	v30 =	vld.idx.msk [tilespmem:v36+s3+$0x0], $0xffff;
	[tilespmem:s0+$0x60] =	vst v38;
	v38 =	vor.u32 $0x4, v18;
	(pc) =	sbr.rel @p2 .LBB2_8-.Ltmp5, $4  }
0x331: {  	v11 =	vmovc v23;
	v23 =	vmov v43;
	v37 =	vor.u32 $0x4, v6;
	[tilespmem:s0+$0xFFFFFE60] =	vst v48;
	v41 =	vld.idx.msk [tilespmem:v46+s3+$0x0], $0xffff;
	v45 =	vor.u32 v38, v17  }
0x332: {  	v12 =	vmovc v22;
	v22 =	vmov v54;
	v44 =	vor.u32 v37, v7;
	v36 =	vor.u32 $0x4, v11;
	v28 =	vld.idx.msk [tilespmem:v42+s3+$0x0], $0xffff;
	[tilespmem:s8+$0xFFFFFFD0] =	vst v53  }
0x333: {  	v31 =	vor.u32 $0x4, v3;
	v46 =	vor.u32 v36, v12;
	v42 =	vld.idx.msk [tilespmem:v51+s3+$0x0], $0xffff;
	[tilespmem:s8+$0xD0] =	vst v49  }
0x334: {  	s11 =	sadd.s32 $0x18, s10;
	s10 =	sadd.s32 $0x20, s10;
	v48 =	vor.u32 v31, v4;
	[tilespmem:s8+$0xFFFFFED0] =	vst v50;
	v43 =	vld.idx.msk [tilespmem:v52+s3+$0x0], $0xffff  }
0x335: {  	[tilespmem:s0+$0x170] =	vst v40  }
0x336: {  	[tilespmem:s0+$0xFFFFFF70] =	vst v30  }
0x337: {  	v29 =	vmov s11;
	s10 =	sadd.s32 $0x400, s0;
	[tilespmem:s0+$0x70] =	vst v41  }
0x338: {  	v49 =	vshll.u32 v29, $0x3;
	[tilespmem:s10+$0xFFFFFF00] =	vst v27  }
0x339: {  	v47 =	vld.idx.msk [tilespmem:v47+s3+$0x0], $0xffff;
	v21 =	vor.u32 v39, v21;
	v33 =	vor.u32 v33, v19;
	[tilespmem:s10+$0x0] =	vst v32;
	v49 =	vand.u32 $0xC00, v49  }
0x33a: {  	v35 =	vor.u32 v35, v20;
	v30 =	vand.u32 $0x78, v29;
	v50 =	vld.idx.msk [tilespmem:v45+s3+$0x0], $0xffff;
	[tilespmem:s10+$0xFFFFFE00] =	vst v26;
	v29 =	vadd.s32 v0, v49  }
0x33b: {  	v19 =	vadd.s32 v1, v25;
	v44 =	vld.idx.msk [tilespmem:v44+s3+$0x0], $0xffff;
	[tilespmem:s0+$0xFFFFFE70] =	vst v28;
	v51 =	vor.u32 v30, v29  }
0x33c: {  	v20 =	vadd.s32 v1, v24;
	v57 =	vor.u32 v10, v19;
	v52 =	vld.idx.msk [tilespmem:v46+s3+$0x0], $0xffff;
	[tilespmem:s8+$0xFFFFFFE0] =	vst v42  }
0x33d: {  	v59 =	vor.u32 v5, v20;
	v53 =	vld.idx.msk [tilespmem:v48+s3+$0x0], $0xffff;
	[tilespmem:s8+$0xE0] =	vst v43  }
0x33e: {  	v54 =	vld.idx.msk [tilespmem:v21+s3+$0x0], $0xffff;
	[tilespmem:s8+$0xFFFFFEE0] =	vst v47  }
0x33f: {  	v37 =	vor.u32 v37, v16;
	v21 =	vadd.s32 v1, v34;
	v33 =	vld.idx.msk [tilespmem:v33+s3+$0x0], $0xffff;
	[tilespmem:s0+$0x180] =	vst v50  }
0x340: {  	v28 =	vadd.s32 v1, v49;
	[tilespmem:s0+$0xFFFFFF80] =	vst v44;
	v58 =	vor.u32 v23, v21;
	v55 =	vld.idx.msk [tilespmem:v51+s3+$0x0], $0xffff  }
0x341: {  	v62 =	vor.u32 $0x1, v10;
	v56 =	vor.u32 v30, v28;
	v61 =	vld.idx.msk [tilespmem:v57+s3+$0x0], $0xffff;
	[tilespmem:s0+$0x80] =	vst v52  }
0x342: {  	v45 =	vor.u32 v62, v9;
	v48 =	vor.u32 $0x1, v5;
	v47 =	vld.idx.msk [tilespmem:v59+s3+$0x0], $0xffff;
	[tilespmem:s0+$0xFFFFFE80] =	vst v53  }
0x343: {  	v35 =	vld.idx.msk [tilespmem:v35+s3+$0x0], $0xffff;
	v50 =	vor.u32 v48, v8;
	[tilespmem:s8+$0xFFFFFFF0] =	vst v54  }
0x344: {  	v38 =	vor.u32 v38, v15;
	v37 =	vld.idx.msk [tilespmem:v37+s3+$0x0], $0xffff;
	[tilespmem:s8+$0xF0] =	vst v33  }
0x345: {  	v36 =	vor.u32 v36, v14;
	v46 =	vor.u32 $0x1, v23;
	v24 =	vld.idx.msk [tilespmem:v58+s3+$0x0], $0xffff;
	[tilespmem:s10+$0x100] =	vst v55  }
0x346: {  	v60 =	vor.u32 $0x1, v30;
	v49 =	vor.u32 v46, v22;
	[tilespmem:s10+$0xFFFFFF10] =	vst v61;
	v25 =	vld.idx.msk [tilespmem:v56+s3+$0x0], $0xffff  }
0x347: {  	v63 =	vor.u32 v60, v29;
	[tilespmem:s10+$0xFFFFFE10] =	vst v47;
	v26 =	vld.idx.msk [tilespmem:v45+s3+$0x0], $0xffff  }
0x348: {  	v32 =	vor.u32 v62, v19;
	[tilespmem:s8+$0xFFFFFEF0] =	vst v35;
	v33 =	vld.idx.msk [tilespmem:v50+s3+$0x0], $0xffff  }
0x349: {  	v34 =	vor.u32 v48, v20;
	v38 =	vld.idx.msk [tilespmem:v38+s3+$0x0], $0xffff;
	[tilespmem:s0+$0xFFFFFF90] =	vst v37  }
0x34a: {  	v31 =	vor.u32 v31, v13;
	v36 =	vld.idx.msk [tilespmem:v36+s3+$0x0], $0xffff;
	v51 =	vor.u32 $0x5, v18;
	[tilespmem:s10+$0x10] =	vst v24  }
0x34b: {  	v52 =	vor.u32 v51, v17;
	v55 =	vld.idx.msk [tilespmem:v49+s3+$0x0], $0xffff;
	[tilespmem:s10+$0x110] =	vst v25  }
0x34c: {  	v56 =	vor.u32 v46, v21;
	[tilespmem:s10+$0xFFFFFF20] =	vst v26;
	v53 =	vld.idx.msk [tilespmem:v63+s3+$0x0], $0xffff  }
0x34d: {  	v54 =	vor.u32 v60, v28;
	v37 =	vor.u32 $0x5, v6;
	[tilespmem:s10+$0xFFFFFE20] =	vst v33;
	v32 =	vld.idx.msk [tilespmem:v32+s3+$0x0], $0xffff  }
0x34e: {  	v59 =	vor.u32 $0x2, v10;
	[tilespmem:s0+$0x190] =	vst v38;
	v57 =	vor.u32 v37, v7;
	v34 =	vld.idx.msk [tilespmem:v34+s3+$0x0], $0xffff  }
0x34f: {  	v62 =	vor.u32 v59, v9;
	v31 =	vld.idx.msk [tilespmem:v31+s3+$0x0], $0xffff;
	v45 =	vor.u32 $0x2, v5;
	[tilespmem:s0+$0x90] =	vst v36  }
0x350: {  	v47 =	vor.u32 v45, v8;
	v25 =	vld.idx.msk [tilespmem:v52+s3+$0x0], $0xffff;
	[tilespmem:s10+$0x20] =	vst v55  }
0x351: {  	v43 =	vor.u32 v51, v15;
	v63 =	vor.u32 $0x2, v23;
	v61 =	vld.idx.msk [tilespmem:v56+s3+$0x0], $0xffff;
	[tilespmem:s10+$0x120] =	vst v53  }
0x352: {  	v58 =	vor.u32 $0x2, v30;
	v46 =	vor.u32 v63, v22;
	[tilespmem:s10+$0xFFFFFF30] =	vst v32;
	v24 =	vld.idx.msk [tilespmem:v54+s3+$0x0], $0xffff  }
0x353: {  	v60 =	vor.u32 v58, v29;
	v38 =	vld.idx.msk [tilespmem:v57+s3+$0x0], $0xffff;
	[tilespmem:s10+$0xFFFFFE30] =	vst v34;
	v34 =	vor.u32 $0x5, v3  }
0x354: {  	[tilespmem:s0+$0xFFFFFE90] =	vst v31;
	v35 =	vld.idx.msk [tilespmem:v62+s3+$0x0], $0xffff;
	v52 =	vor.u32 v34, v4  }
0x355: {  	v27 =	vor.u32 v59, v19;
	[tilespmem:s0+$0x1A0] =	vst v25;
	v25 =	vld.idx.msk [tilespmem:v47+s3+$0x0], $0xffff  }
0x356: {  	v42 =	vor.u32 $0x5, v11;
	v36 =	vor.u32 v45, v20;
	v51 =	vld.idx.msk [tilespmem:v43+s3+$0x0], $0xffff;
	[tilespmem:s10+$0x30] =	vst v61  }
0x357: {  	v48 =	vor.u32 v42, v12;
	v33 =	vld.idx.msk [tilespmem:v46+s3+$0x0], $0xffff;
	[tilespmem:s10+$0x130] =	vst v24  }
0x358: {  	v50 =	vor.u32 v63, v21;
	[tilespmem:s0+$0xFFFFFFA0] =	vst v38;
	v49 =	vld.idx.msk [tilespmem:v60+s3+$0x0], $0xffff  }
0x359: {  	v26 =	vor.u32 v58, v28;
	v53 =	vor.u32 $0x6, v18;
	[tilespmem:s10+$0xFFFFFF40] =	vst v35;
	v38 =	vld.idx.msk [tilespmem:v52+s3+$0x0], $0xffff  }
0x35a: {  	v56 =	vor.u32 $0x3, v10;
	v54 =	vor.u32 v53, v17;
	v27 =	vld.idx.msk [tilespmem:v27+s3+$0x0], $0xffff;
	[tilespmem:s10+$0xFFFFFE40] =	vst v25  }
0x35b: {  	v59 =	vor.u32 v56, v9;
	v61 =	vor.u32 $0x3, v5;
	[tilespmem:s0+$0x1B0] =	vst v51;
	v36 =	vld.idx.msk [tilespmem:v36+s3+$0x0], $0xffff  }
0x35c: {  	v63 =	vor.u32 v61, v8;
	v24 =	vld.idx.msk [tilespmem:v48+s3+$0x0], $0xffff;
	[tilespmem:s10+$0x40] =	vst v33  }
0x35d: {  	v37 =	vor.u32 v37, v16;
	v60 =	vor.u32 $0x3, v23;
	v58 =	vld.idx.msk [tilespmem:v50+s3+$0x0], $0xffff;
	[tilespmem:s10+$0x140] =	vst v49  }
0x35e: {  	v55 =	vor.u32 $0x3, v30;
	v62 =	vor.u32 v60, v22;
	[tilespmem:s0+$0xFFFFFEA0] =	vst v38;
	v26 =	vld.idx.msk [tilespmem:v26+s3+$0x0], $0xffff  }
0x35f: {  	v57 =	vor.u32 v55, v29;
	v32 =	vld.idx.msk [tilespmem:v54+s3+$0x0], $0xffff;
	[tilespmem:s10+$0xFFFFFF50] =	vst v27  }
0x360: {  	v51 =	vor.u32 v53, v15;
	v31 =	vld.idx.msk [tilespmem:v59+s3+$0x0], $0xffff;
	[tilespmem:s10+$0xFFFFFE50] =	vst v36  }
0x361: {  	v33 =	vor.u32 v56, v19;
	[tilespmem:s0+$0xA0] =	vst v24;
	v24 =	vld.idx.msk [tilespmem:v63+s3+$0x0], $0xffff  }
0x362: {  	v37 =	vld.idx.msk [tilespmem:v37+s3+$0x0], $0xffff;
	v50 =	vor.u32 v61, v20;
	[tilespmem:s10+$0x50] =	vst v58  }
0x363: {  	v45 =	vor.u32 v42, v14;
	v48 =	vld.idx.msk [tilespmem:v62+s3+$0x0], $0xffff;
	[tilespmem:s10+$0x150] =	vst v26  }
0x364: {  	[tilespmem:s0+$0x1C0] =	vst v32;
	v49 =	vor.u32 v60, v21;
	v46 =	vld.idx.msk [tilespmem:v57+s3+$0x0], $0xffff  }
0x365: {  	v47 =	vor.u32 v55, v28;
	v38 =	vld.idx.msk [tilespmem:v51+s3+$0x0], $0xffff;
	[tilespmem:s10+$0xFFFFFF60] =	vst v31  }
0x366: {  	v52 =	vor.u32 v34, v13;
	v63 =	vor.u32 $0x7, v18;
	v33 =	vld.idx.msk [tilespmem:v33+s3+$0x0], $0xffff;
	[tilespmem:s10+$0xFFFFFE60] =	vst v24  }
0x367: {  	v54 =	vor.u32 $0x4, v10;
	v44 =	vor.u32 v63, v17;
	v32 =	vld.idx.msk [tilespmem:v50+s3+$0x0], $0xffff  }
0x368: {  	v59 =	vor.u32 $0x4, v5;
	v26 =	vld.idx.msk [tilespmem:v45+s3+$0x0], $0xffff;
	v57 =	vor.u32 v54, v9;
	[tilespmem:s10+$0x60] =	vst v48  }
0x369: {  	v61 =	vor.u32 v59, v8;
	v58 =	vor.u32 $0x4, v23;
	v56 =	vld.idx.msk [tilespmem:v49+s3+$0x0], $0xffff;
	[tilespmem:s10+$0x160] =	vst v46  }
0x36a: {  	v53 =	vor.u32 $0x4, v30;
	v60 =	vor.u32 v58, v22;
	[tilespmem:s0+$0x1D0] =	vst v38;
	v25 =	vld.idx.msk [tilespmem:v47+s3+$0x0], $0xffff  }
0x36b: {  	v41 =	vor.u32 $0x6, v6;
	v55 =	vor.u32 v53, v29;
	v27 =	vld.idx.msk [tilespmem:v52+s3+$0x0], $0xffff;
	[tilespmem:s10+$0xFFFFFF70] =	vst v33  }
0x36c: {  	v62 =	vor.u32 v41, v7;
	v38 =	vor.u32 $0x6, v3;
	v17 =	vld.idx.msk [tilespmem:v44+s3+$0x0], $0xffff;
	[tilespmem:s10+$0xFFFFFE70] =	vst v32  }
0x36d: {  	v52 =	vor.u32 v38, v4;
	[tilespmem:s0+$0xB0] =	vst v26;
	v33 =	vld.idx.msk [tilespmem:v57+s3+$0x0], $0xffff  }
0x36e: {  	v26 =	vld.idx.msk [tilespmem:v61+s3+$0x0], $0xffff;
	v47 =	vor.u32 v54, v19;
	[tilespmem:s10+$0x70] =	vst v56  }
0x36f: {  	v50 =	vor.u32 v59, v20;
	v46 =	vld.idx.msk [tilespmem:v60+s3+$0x0], $0xffff;
	[tilespmem:s10+$0x170] =	vst v25  }
0x370: {  	[tilespmem:s0+$0xFFFFFFB0] =	vst v37;
	v48 =	vor.u32 v58, v21;
	v25 =	vld.idx.msk [tilespmem:v55+s3+$0x0], $0xffff  }
0x371: {  	v35 =	vor.u32 $0x6, v11;
	[tilespmem:s0+$0xFFFFFEB0] =	vst v27;
	v45 =	vor.u32 v53, v28;
	v49 =	vld.idx.msk [tilespmem:v62+s3+$0x0], $0xffff  }
0x372: {  	v51 =	vor.u32 v35, v12;
	v43 =	vld.idx.msk [tilespmem:v52+s3+$0x0], $0xffff;
	[tilespmem:s10+$0xFFFFFF80] =	vst v33  }
0x373: {  	v63 =	vor.u32 v63, v15;
	v56 =	vor.u32 $0x5, v10;
	[tilespmem:s10+$0xFFFFFE80] =	vst v26;
	v54 =	vld.idx.msk [tilespmem:v47+s3+$0x0], $0xffff  }
0x374: {  	v61 =	vor.u32 $0x5, v5;
	v58 =	vor.u32 v56, v9;
	v27 =	vld.idx.msk [tilespmem:v50+s3+$0x0], $0xffff;
	[tilespmem:s10+$0x80] =	vst v46  }
0x375: {  	v59 =	vor.u32 $0x5, v23;
	v62 =	vor.u32 v61, v8;
	v57 =	vld.idx.msk [tilespmem:v48+s3+$0x0], $0xffff;
	[tilespmem:s10+$0x180] =	vst v25  }
0x376: {  	v53 =	vor.u32 $0x5, v30;
	[tilespmem:s0+$0x1E0] =	vst v17;
	v60 =	vor.u32 v59, v22;
	v24 =	vld.idx.msk [tilespmem:v45+s3+$0x0], $0xffff  }
0x377: {  	v37 =	vld.idx.msk [tilespmem:v51+s3+$0x0], $0xffff;
	[tilespmem:s0+$0xFFFFFFC0] =	vst v49;
	v55 =	vor.u32 v53, v29  }
0x378: {  	v15 =	vld.idx.msk [tilespmem:v63+s3+$0x0], $0xffff;
	v51 =	vor.u32 v35, v14;
	[tilespmem:s10+$0xFFFFFF90] =	vst v54  }
0x379: {  	v52 =	vor.u32 v38, v13;
	[tilespmem:s10+$0xFFFFFE90] =	vst v27;
	v47 =	vld.idx.msk [tilespmem:v58+s3+$0x0], $0xffff  }
0x37a: {  	v48 =	vor.u32 v56, v19;
	v17 =	vld.idx.msk [tilespmem:v62+s3+$0x0], $0xffff;
	[tilespmem:s10+$0x90] =	vst v57  }
0x37b: {  	v50 =	vor.u32 v61, v20;
	v26 =	vld.idx.msk [tilespmem:v60+s3+$0x0], $0xffff;
	[tilespmem:s10+$0x190] =	vst v24  }
0x37c: {  	v49 =	vor.u32 v59, v21;
	[tilespmem:s0+$0xC0] =	vst v37;
	v45 =	vld.idx.msk [tilespmem:v55+s3+$0x0], $0xffff  }
0x37d: {  	v39 =	vor.u32 $0x7, v11;
	[tilespmem:s0+$0xFFFFFEC0] =	vst v43;
	v34 =	vld.idx.msk [tilespmem:v51+s3+$0x0], $0xffff;
	v46 =	vor.u32 v53, v28  }
0x37e: {  	v40 =	vor.u32 v39, v12;
	v25 =	vld.idx.msk [tilespmem:v52+s3+$0x0], $0xffff;
	[tilespmem:s10+$0xFFFFFFA0] =	vst v47  }
0x37f: {  	v44 =	vor.u32 v41, v16;
	[tilespmem:s10+$0xFFFFFEA0] =	vst v17;
	v33 =	vld.idx.msk [tilespmem:v48+s3+$0x0], $0xffff;
	v55 =	vor.u32 $0x6, v10  }
0x380: {  	v61 =	vor.u32 $0x6, v5;
	v59 =	vld.idx.msk [tilespmem:v50+s3+$0x0], $0xffff;
	[tilespmem:s10+$0xA0] =	vst v26;
	v57 =	vor.u32 v55, v9  }
0x381: {  	v63 =	vor.u32 v61, v8;
	v58 =	vor.u32 $0x6, v23;
	v56 =	vld.idx.msk [tilespmem:v49+s3+$0x0], $0xffff;
	[tilespmem:s10+$0x1A0] =	vst v45  }
0x382: {  	v53 =	vor.u32 $0x6, v30;
	[tilespmem:s0+$0xD0] =	vst v34;
	v60 =	vor.u32 v58, v22;
	v31 =	vld.idx.msk [tilespmem:v46+s3+$0x0], $0xffff  }
0x383: {  	[tilespmem:s0+$0x1F0] =	vst v15;
	v54 =	vor.u32 v53, v29;
	v12 =	vld.idx.msk [tilespmem:v40+s3+$0x0], $0xffff  }
0x384: {  	v24 =	vld.idx.msk [tilespmem:v44+s3+$0x0], $0xffff;
	[tilespmem:s10+$0xFFFFFFB0] =	vst v33  }
0x385: {  	v11 =	vor.u32 v39, v14;
	[tilespmem:s10+$0xFFFFFEB0] =	vst v59;
	v27 =	vld.idx.msk [tilespmem:v57+s3+$0x0], $0xffff  }
0x386: {  	v42 =	vor.u32 v55, v19;
	v15 =	vld.idx.msk [tilespmem:v63+s3+$0x0], $0xffff;
	[tilespmem:s10+$0xB0] =	vst v56  }
0x387: {  	v44 =	vor.u32 v61, v20;
	v17 =	vld.idx.msk [tilespmem:v60+s3+$0x0], $0xffff;
	[tilespmem:s10+$0x1B0] =	vst v31  }
0x388: {  	v43 =	vor.u32 v58, v21;
	[tilespmem:s0+$0xFFFFFED0] =	vst v25;
	v31 =	vld.idx.msk [tilespmem:v54+s3+$0x0], $0xffff  }
0x389: {  	v41 =	vor.u32 v53, v28;
	v62 =	vor.u32 $0x7, v6;
	[tilespmem:s0+$0xE0] =	vst v12  }
0x38a: {  	v3 =	vor.u32 $0x7, v3;
	v38 =	vor.u32 v62, v7;
	v11 =	vld.idx.msk [tilespmem:v11+s3+$0x0], $0xffff;
	[tilespmem:s10+$0xFFFFFFC0] =	vst v27  }
0x38b: {  	v49 =	vor.u32 $0x7, v10;
	v45 =	vor.u32 v3, v4;
	[tilespmem:s10+$0xFFFFFEC0] =	vst v15;
	v18 =	vld.idx.msk [tilespmem:v42+s3+$0x0], $0xffff  }
0x38c: {  	v51 =	vor.u32 v49, v9;
	v53 =	vld.idx.msk [tilespmem:v44+s3+$0x0], $0xffff;
	v54 =	vor.u32 $0x7, v5;
	[tilespmem:s10+$0xC0] =	vst v17  }
0x38d: {  	v52 =	vor.u32 $0x7, v23;
	v56 =	vor.u32 v54, v8;
	v50 =	vld.idx.msk [tilespmem:v43+s3+$0x0], $0xffff;
	[tilespmem:s10+$0x1C0] =	vst v31  }
0x38e: {  	v47 =	vor.u32 $0x7, v30;
	v55 =	vor.u32 v52, v22;
	[tilespmem:s0+$0xFFFFFFD0] =	vst v24;
	v46 =	vld.idx.msk [tilespmem:v41+s3+$0x0], $0xffff  }
0x38f: {  	v48 =	vor.u32 v47, v29;
	[tilespmem:s0+$0xF0] =	vst v11;
	v7 =	vld.idx.msk [tilespmem:v38+s3+$0x0], $0xffff  }
0x390: {  	v6 =	vor.u32 v62, v16;
	v4 =	vld.idx.msk [tilespmem:v45+s3+$0x0], $0xffff;
	[tilespmem:s10+$0xFFFFFFD0] =	vst v18  }
0x391: {  	v3 =	vor.u32 v3, v13;
	[tilespmem:s10+$0xFFFFFED0] =	vst v53;
	v9 =	vld.idx.msk [tilespmem:v51+s3+$0x0], $0xffff  }
0x392: {  	v10 =	vor.u32 v49, v19;
	v60 =	vld.idx.msk [tilespmem:v56+s3+$0x0], $0xffff;
	[tilespmem:s10+$0xD0] =	vst v50  }
0x393: {  	v5 =	vor.u32 v54, v20;
	v59 =	vld.idx.msk [tilespmem:v55+s3+$0x0], $0xffff;
	[tilespmem:s10+$0x1D0] =	vst v46  }
0x394: {  	v61 =	vor.u32 v52, v21;
	[tilespmem:s0+$0xFFFFFFE0] =	vst v7;
	v57 =	vld.idx.msk [tilespmem:v48+s3+$0x0], $0xffff  }
0x395: {  	v58 =	vor.u32 v47, v28;
	v6 =	vld.idx.msk [tilespmem:v6+s3+$0x0], $0xffff;
	[tilespmem:s0+$0xFFFFFEE0] =	vst v4  }
0x396: {  	v3 =	vld.idx.msk [tilespmem:v3+s3+$0x0], $0xffff;
	[tilespmem:s10+$0xFFFFFFE0] =	vst v9  }
0x397: {  	[tilespmem:s10+$0xFFFFFEE0] =	vst v60;
	v9 =	vld.idx.msk [tilespmem:v10+s3+$0x0], $0xffff  }
0x398: {  	v5 =	vld.idx.msk [tilespmem:v5+s3+$0x0], $0xffff;
	[tilespmem:s10+$0xE0] =	vst v59  }
0x399: {  	v63 =	vld.idx.msk [tilespmem:v61+s3+$0x0], $0xffff;
	[tilespmem:s10+$0x1E0] =	vst v57  }
0x39a: {  	[tilespmem:s0+$0xFFFFFFF0] =	vst v6;
	v62 =	vld.idx.msk [tilespmem:v58+s3+$0x0], $0xffff  }
0x39b: {  	[tilespmem:s0+$0xFFFFFEF0] =	vst v3  }
0x39c: {  	[tilespmem:s10+$0xFFFFFFF0] =	vst v9  }
0x39d: {  	[tilespmem:s10+$0xFFFFFEF0] =	vst v5  }
0x39e: {  	[tilespmem:s10+$0xF0] =	vst v63  }
.Ltmp6:
0x39f: {  	[tilespmem:s10+$0x1F0] =	vst v62;
	(pc) =	sbr.rel @p0 .LBB2_14-.Ltmp6, $4  }
0x3a0: {  	[hbm4b:s12+s3] =	stream.linear.scatter [tilespmem:s26], [sflag:$0x2], $0x4000, $0x38;
	[tilespmem:$0x13800] =	vst v63  }
0x3a1: {  	_ =	swait.ge [sflag:s28], $0x4000  }
0x3a2: {  	[sflag:s28] =	ssyncset.done $0x0  }
0x3a3: {  	[sflag:s28] =	ssyncadd.s32 $0xFFFFC000  }
.Ltmp7:
0x3a4: {  	(pc) =	sbr.rel @p1 .LBB2_17-.Ltmp7, $1  }
0x3a5: {  	_ =	sdelay $0x3  }
0x3a6: {  	s0 =	simm.s32 $0x0  }
0x3a7: {  	s8 =	simm.s32 $0x18;
	s11 =	simm.s32 $0x8;
	s31 =	simm.s32 $0x10  }
0x3a8: {  	[tilespmem:s21], [sflag:$0x1] =	stream.linear.gather [hbm4b:s13+s0], $0x1000, $0x38;
	v3 =	vmov s0;
	v4 =	vmov s8;
	[tilespmem:$0x13800] =	vst v63  }
0x3a9: {  	s10 =	sadd.s32 $0xF4280, s13;
	v6 =	vmov s11;
	v9 =	vmov s31;
	v5 =	vshll.u32 v3, $0x3  }
0x3aa: {  	v7 =	vshll.u32 v4, $0x3;
	v8 =	vshll.u32 v6, $0x3;
	v34 =	vand.u32 $0x78, v4;
	[tilespmem:s22], [sflag:$0x1] =	stream.linear.gather [hbm4b:s10+s0], $0x1000, $0x38;
	[tilespmem:$0x13800] =	vst v63  }
0x3ab: {  	s11 =	sadd.s32 $0x1E8500, s13;
	v32 =	vand.u32 $0x68, v6;
	v33 =	vand.u32 $0x70, v9;
	v7 =	vand.u32 $0xC00, v7  }
0x3ac: {  	v4 =	vand.u32 $0xC00, v8;
	v8 =	vshll.u32 v9, $0x3;
	v23 =	vadd.s32 v0, v7;
	[tilespmem:s23], [sflag:$0x1] =	stream.linear.gather [hbm4b:s11+s0], $0x1000, $0x38;
	[tilespmem:$0x13800] =	vst v63  }
0x3ad: {  	v30 =	vadd.s32 v0, v4;
	v6 =	vand.u32 $0xC00, v8;
	s11 =	sadd.s32 $0x2DC780, s13;
	v10 =	vor.u32 v34, v23  }
0x3ae: {  	v5 =	vand.u32 $0xC00, v5;
	v8 =	vor.u32 v32, v30;
	v31 =	vadd.s32 v0, v6;
	[tilespmem:s24], [sflag:$0x1] =	stream.linear.gather [hbm4b:s11+s0], $0x1000, $0x38;
	[tilespmem:$0x13800] =	vst v63  }
0x3af: {  	v29 =	vand.u32 $0x60, v3;
	v28 =	vadd.s32 v0, v5;
	v3 =	vor.u32 v33, v31;
	_ =	swait.ge [sflag:s25], $0x4000  }
0x3b0: {  	v9 =	vor.u32 v29, v28;
	[sflag:s25] =	ssyncset.done $0x0  }
0x3b1: {  	[sflag:s25] =	ssyncadd.s32 $0xFFFFC000  }
0x3b2: {  	v22 =	vadd.s32 v1, v7;
	v10 =	vld.idx.msk [tilespmem:v10+s21+$0x0], $0xffff  }
0x3b3: {  	v21 =	vadd.s32 v1, v4;
	v7 =	vor.u32 v34, v22;
	v8 =	vld.idx.msk [tilespmem:v8+s21+$0x0], $0xffff  }
0x3b4: {  	v4 =	vor.u32 v32, v21;
	v19 =	vadd.s32 v1, v6;
	v3 =	vld.idx.msk [tilespmem:v3+s21+$0x0], $0xffff  }
0x3b5: {  	v20 =	vadd.s32 v1, v5;
	v5 =	vor.u32 v33, v19;
	v6 =	vld.idx.msk [tilespmem:v9+s21+$0x0], $0xffff  }
0x3b6: {  	s8 =	simm.s32 $0xE200;
	v9 =	vor.u32 v29, v20  }
0x3b7: {  	[tilespmem:s8+$0x100] =	vst v10  }
0x3b8: {  	v10 =	vor.u32 $0x1, v34;
	[tilespmem:s8+$0xFFFFFF00] =	vst v8;
	v7 =	vld.idx.msk [tilespmem:v7+s21+$0x0], $0xffff  }
0x3b9: {  	[tilespmem:s8+$0x0] =	vst v3;
	v3 =	vor.u32 $0x1, v32;
	v8 =	vor.u32 v10, v23;
	v4 =	vld.idx.msk [tilespmem:v4+s21+$0x0], $0xffff  }
0x3ba: {  	v11 =	vor.u32 $0x1, v33;
	[tilespmem:s8+$0xFFFFFE00] =	vst v6;
	v5 =	vld.idx.msk [tilespmem:v5+s21+$0x0], $0xffff;
	v6 =	vor.u32 v3, v30  }
0x3bb: {  	v12 =	vor.u32 $0x1, v29;
	v13 =	vor.u32 v11, v31;
	v9 =	vld.idx.msk [tilespmem:v9+s21+$0x0], $0xffff  }
0x3bc: {  	v14 =	vor.u32 v12, v28  }
0x3bd: {  	[tilespmem:s8+$0x110] =	vst v7  }
0x3be: {  	[tilespmem:s8+$0xFFFFFF10] =	vst v4;
	v7 =	vld.idx.msk [tilespmem:v8+s21+$0x0], $0xffff  }
0x3bf: {  	v4 =	vor.u32 v10, v22;
	[tilespmem:s8+$0x10] =	vst v5;
	v6 =	vld.idx.msk [tilespmem:v6+s21+$0x0], $0xffff  }
0x3c0: {  	v3 =	vor.u32 v3, v21;
	[tilespmem:s8+$0xFFFFFE10] =	vst v9;
	v5 =	vld.idx.msk [tilespmem:v13+s21+$0x0], $0xffff  }
0x3c1: {  	v9 =	vor.u32 v11, v19;
	v8 =	vld.idx.msk [tilespmem:v14+s21+$0x0], $0xffff  }
0x3c2: {  	v10 =	vor.u32 v12, v20  }
0x3c3: {  	[tilespmem:s8+$0x120] =	vst v7  }
0x3c4: {  	v7 =	vor.u32 $0x2, v34;
	[tilespmem:s8+$0xFFFFFF20] =	vst v6;
	v4 =	vld.idx.msk [tilespmem:v4+s21+$0x0], $0xffff  }
0x3c5: {  	[tilespmem:s8+$0x20] =	vst v5;
	v5 =	vor.u32 $0x2, v32;
	v6 =	vor.u32 v7, v23;
	v3 =	vld.idx.msk [tilespmem:v3+s21+$0x0], $0xffff  }
0x3c6: {  	v11 =	vor.u32 $0x2, v33;
	[tilespmem:s8+$0xFFFFFE20] =	vst v8;
	v8 =	vld.idx.msk [tilespmem:v9+s21+$0x0], $0xffff;
	v9 =	vor.u32 v5, v30  }
0x3c7: {  	v12 =	vor.u32 $0x2, v29;
	v13 =	vor.u32 v11, v31;
	v10 =	vld.idx.msk [tilespmem:v10+s21+$0x0], $0xffff  }
0x3c8: {  	v14 =	vor.u32 v12, v28  }
0x3c9: {  	[tilespmem:s8+$0x130] =	vst v4  }
0x3ca: {  	[tilespmem:s8+$0xFFFFFF30] =	vst v3;
	v4 =	vld.idx.msk [tilespmem:v6+s21+$0x0], $0xffff  }
0x3cb: {  	v3 =	vor.u32 v7, v22;
	[tilespmem:s8+$0x30] =	vst v8;
	v6 =	vld.idx.msk [tilespmem:v9+s21+$0x0], $0xffff  }
0x3cc: {  	v5 =	vor.u32 v5, v21;
	[tilespmem:s8+$0xFFFFFE30] =	vst v10;
	v7 =	vld.idx.msk [tilespmem:v13+s21+$0x0], $0xffff  }
0x3cd: {  	v8 =	vld.idx.msk [tilespmem:v14+s21+$0x0], $0xffff;
	v9 =	vor.u32 v11, v19  }
0x3ce: {  	v10 =	vor.u32 v12, v20  }
0x3cf: {  	[tilespmem:s8+$0x140] =	vst v4  }
0x3d0: {  	v4 =	vor.u32 $0x3, v34;
	[tilespmem:s8+$0xFFFFFF40] =	vst v6;
	v3 =	vld.idx.msk [tilespmem:v3+s21+$0x0], $0xffff  }
0x3d1: {  	[tilespmem:s8+$0x40] =	vst v7;
	v7 =	vor.u32 $0x3, v32;
	v6 =	vor.u32 v4, v23;
	v5 =	vld.idx.msk [tilespmem:v5+s21+$0x0], $0xffff  }
0x3d2: {  	v11 =	vor.u32 $0x3, v33;
	[tilespmem:s8+$0xFFFFFE40] =	vst v8;
	v8 =	vld.idx.msk [tilespmem:v9+s21+$0x0], $0xffff;
	v9 =	vor.u32 v7, v30  }
0x3d3: {  	v12 =	vor.u32 $0x3, v29;
	v13 =	vor.u32 v11, v31;
	v10 =	vld.idx.msk [tilespmem:v10+s21+$0x0], $0xffff  }
0x3d4: {  	v14 =	vor.u32 v12, v28  }
0x3d5: {  	[tilespmem:s8+$0x150] =	vst v3  }
0x3d6: {  	[tilespmem:s8+$0xFFFFFF50] =	vst v5;
	v6 =	vld.idx.msk [tilespmem:v6+s21+$0x0], $0xffff  }
0x3d7: {  	[tilespmem:s8+$0x50] =	vst v8;
	v9 =	vld.idx.msk [tilespmem:v9+s21+$0x0], $0xffff  }
0x3d8: {  	s31 =	simm.s32 $0x20;
	v5 =	vor.u32 v4, v22;
	[tilespmem:s8+$0xFFFFFE50] =	vst v10;
	v10 =	vld.idx.msk [tilespmem:v13+s21+$0x0], $0xffff  }
0x3d9: {  	v15 =	vmov s31;
	v24 =	vor.u32 $0x4, v34;
	v13 =	vor.u32 v7, v21;
	v14 =	vld.idx.msk [tilespmem:v14+s21+$0x0], $0xffff  }
0x3da: {  	v35 =	vor.u32 $0x4, v29;
	v12 =	vor.u32 v12, v20;
	v4 =	vshll.u32 v15, $0x3  }
0x3db: {  	s10 =	simm.s32 $0x28;
	v3 =	vand.u32 $0x60, v15;
	v15 =	vor.u32 v11, v19;
	v27 =	vand.u32 $0xC00, v4;
	[tilespmem:s8+$0x160] =	vst v6  }
0x3dc: {  	v39 =	vor.u32 v35, v28;
	v8 =	vmov s10;
	v4 =	vadd.s32 v0, v27;
	[tilespmem:s8+$0xFFFFFF60] =	vst v9  }
0x3dd: {  	s11 =	simm.s32 $0x30;
	v7 =	vshll.u32 v8, $0x3;
	v17 =	vor.u32 v3, v4;
	v6 =	vand.u32 $0x68, v8;
	[tilespmem:s8+$0x60] =	vst v10;
	v5 =	vld.idx.msk [tilespmem:v5+s21+$0x0], $0xffff  }
0x3de: {  	v8 =	vmov s11;
	v9 =	vor.u32 v24, v23;
	v10 =	vor.u32 $0x4, v32;
	[tilespmem:s8+$0xFFFFFE60] =	vst v14;
	v13 =	vld.idx.msk [tilespmem:v13+s21+$0x0], $0xffff  }
0x3df: {  	v16 =	vand.u32 $0xC00, v7;
	v11 =	vshll.u32 v8, $0x3;
	v14 =	vor.u32 v10, v30;
	v25 =	vld.idx.msk [tilespmem:v12+s21+$0x0], $0xffff  }
0x3e0: {  	v26 =	vand.u32 $0xC00, v11;
	v11 =	vand.u32 $0x70, v8;
	v8 =	vld.idx.msk [tilespmem:v15+s21+$0x0], $0xffff;
	v15 =	vor.u32 $0x4, v33  }
0x3e1: {  	v7 =	vadd.s32 v0, v16;
	v36 =	vor.u32 v15, v31  }
0x3e2: {  	v18 =	vor.u32 v6, v7;
	v38 =	vld.idx.msk [tilespmem:v17+s21+$0x0], $0xffff;
	[tilespmem:s8+$0x170] =	vst v5  }
0x3e3: {  	s31 =	simm.s32 $0x38;
	v12 =	vadd.s32 v0, v26;
	[tilespmem:s8+$0xFFFFFF70] =	vst v13;
	v9 =	vld.idx.msk [tilespmem:v9+s21+$0x0], $0xffff  }
0x3e4: {  	v37 =	vmov s31;
	v35 =	vor.u32 v35, v20;
	s10 =	simm.s32 $0x40;
	v40 =	vor.u32 v11, v12;
	[tilespmem:s8+$0xFFFFFE70] =	vst v25;
	v14 =	vld.idx.msk [tilespmem:v14+s21+$0x0], $0xffff  }
0x3e5: {  	v41 =	vmov s10;
	v5 =	vshll.u32 v37, $0x3;
	v13 =	vor.u32 v24, v22;
	[tilespmem:s8+$0x70] =	vst v8;
	v39 =	vld.idx.msk [tilespmem:v39+s21+$0x0], $0xffff  }
0x3e6: {  	v16 =	vadd.s32 v1, v16;
	s11 =	simm.s32 $0x48;
	v44 =	vor.u32 v10, v21;
	v42 =	vand.u32 $0xC00, v5;
	v36 =	vld.idx.msk [tilespmem:v36+s21+$0x0], $0xffff  }
0x3e7: {  	v54 =	vmov s11;
	v43 =	vld.idx.msk [tilespmem:v18+s21+$0x0], $0xffff;
	v18 =	vand.u32 $0x78, v37;
	v17 =	vadd.s32 v0, v42  }
0x3e8: {  	v59 =	vor.u32 v6, v16;
	v8 =	vshll.u32 v41, $0x3;
	v37 =	vor.u32 v18, v17;
	[tilespmem:s8+$0x180] =	vst v9  }
0x3e9: {  	v10 =	vshll.u32 v54, $0x3;
	v45 =	vor.u32 v15, v19;
	v24 =	vand.u32 $0xC00, v8;
	v40 =	vld.idx.msk [tilespmem:v40+s21+$0x0], $0xffff;
	[tilespmem:s8+$0xFFFFFF80] =	vst v14  }
0x3ea: {  	v25 =	vand.u32 $0xC00, v10;
	v5 =	vand.u32 $0x60, v41;
	v8 =	vadd.s32 v0, v24;
	[tilespmem:s8+$0xFFFFFE80] =	vst v39;
	v55 =	vld.idx.msk [tilespmem:v13+s21+$0x0], $0xffff  }
0x3eb: {  	v10 =	vand.u32 $0x68, v54;
	v46 =	vor.u32 v5, v8;
	v9 =	vadd.s32 v0, v25;
	[tilespmem:s8+$0x80] =	vst v36;
	v36 =	vld.idx.msk [tilespmem:v44+s21+$0x0], $0xffff  }
0x3ec: {  	v14 =	vadd.s32 v1, v26;
	v47 =	vor.u32 v10, v9;
	v35 =	vld.idx.msk [tilespmem:v35+s21+$0x0], $0xffff  }
0x3ed: {  	v48 =	vor.u32 $0x5, v34;
	s0 =	simm.s32 $0xE600;
	v60 =	vor.u32 v11, v14;
	v37 =	vld.idx.msk [tilespmem:v37+s21+$0x0], $0xffff  }
0x3ee: {  	v56 =	vor.u32 v48, v23;
	[tilespmem:s0+$0xFFFFFF00] =	vst v43;
	v13 =	vadd.s32 v1, v27;
	v58 =	vld.idx.msk [tilespmem:v45+s21+$0x0], $0xffff  }
0x3ef: {  	v49 =	vor.u32 $0x5, v32;
	v61 =	vor.u32 v3, v13;
	v45 =	vld.idx.msk [tilespmem:v59+s21+$0x0], $0xffff  }
0x3f0: {  	v62 =	vor.u32 v49, v30;
	[tilespmem:s0+$0xFFFFFE00] =	vst v38;
	v15 =	vadd.s32 v1, v42;
	v26 =	vld.idx.msk [tilespmem:v46+s21+$0x0], $0xffff  }
0x3f1: {  	v41 =	vor.u32 $0x5, v33;
	v57 =	vor.u32 v18, v15;
	[tilespmem:s0+$0x0] =	vst v40;
	v27 =	vld.idx.msk [tilespmem:v47+s21+$0x0], $0xffff  }
0x3f2: {  	v38 =	vor.u32 $0x1, v6;
	v63 =	vor.u32 v41, v31;
	[tilespmem:s8+$0x190] =	vst v55;
	v46 =	vld.idx.msk [tilespmem:v60+s21+$0x0], $0xffff  }
0x3f3: {  	v52 =	vor.u32 $0x1, v11;
	v51 =	vor.u32 v38, v7;
	[tilespmem:s8+$0xFFFFFF90] =	vst v36;
	v42 =	vld.idx.msk [tilespmem:v56+s21+$0x0], $0xffff  }
0x3f4: {  	v53 =	vor.u32 v52, v12;
	[tilespmem:s8+$0xFFFFFE90] =	vst v35;
	v47 =	vld.idx.msk [tilespmem:v61+s21+$0x0], $0xffff  }
0x3f5: {  	v48 =	vor.u32 v48, v22;
	v54 =	vor.u32 $0x5, v29;
	[tilespmem:s0+$0x100] =	vst v37;
	v37 =	vld.idx.msk [tilespmem:v62+s21+$0x0], $0xffff  }
0x3f6: {  	v40 =	vor.u32 $0x1, v18;
	v59 =	vor.u32 v54, v28;
	[tilespmem:s8+$0x90] =	vst v58;
	v39 =	vld.idx.msk [tilespmem:v57+s21+$0x0], $0xffff  }
0x3f7: {  	v50 =	vor.u32 v40, v17;
	[tilespmem:s0+$0xFFFFFF10] =	vst v45;
	v43 =	vld.idx.msk [tilespmem:v63+s21+$0x0], $0xffff  }
0x3f8: {  	v61 =	vor.u32 v49, v21;
	v57 =	vor.u32 $0x1, v3;
	v63 =	vld.idx.msk [tilespmem:v51+s21+$0x0], $0xffff;
	[tilespmem:s0+$0x10] =	vst v46  }
0x3f9: {  	v58 =	vor.u32 v57, v4;
	[tilespmem:s8+$0x1A0] =	vst v42;
	v55 =	vld.idx.msk [tilespmem:v53+s21+$0x0], $0xffff  }
0x3fa: {  	v38 =	vor.u32 v38, v16;
	[tilespmem:s0+$0xFFFFFE10] =	vst v47;
	v42 =	vld.idx.msk [tilespmem:v48+s21+$0x0], $0xffff  }
0x3fb: {  	v62 =	vor.u32 $0x6, v34;
	v56 =	vor.u32 v52, v14;
	[tilespmem:s0+$0x110] =	vst v39;
	v39 =	vld.idx.msk [tilespmem:v59+s21+$0x0], $0xffff  }
0x3fc: {  	v51 =	vor.u32 v62, v23;
	[tilespmem:s8+$0xFFFFFFA0] =	vst v37;
	v60 =	vld.idx.msk [tilespmem:v50+s21+$0x0], $0xffff  }
0x3fd: {  	v40 =	vor.u32 v40, v15;
	v37 =	vld.idx.msk [tilespmem:v61+s21+$0x0], $0xffff;
	[tilespmem:s0+$0xFFFFFF20] =	vst v63  }
0x3fe: {  	v41 =	vor.u32 v41, v19;
	[tilespmem:s8+$0xA0] =	vst v43;
	v44 =	vld.idx.msk [tilespmem:v58+s21+$0x0], $0xffff  }
0x3ff: {  	v36 =	vor.u32 v57, v13;
	v57 =	vor.u32 v54, v20;
	v38 =	vld.idx.msk [tilespmem:v38+s21+$0x0], $0xffff;
	[tilespmem:s0+$0x20] =	vst v55  }
0x400: {  	v50 =	vor.u32 $0x2, v11;
	[tilespmem:s8+$0x1B0] =	vst v42;
	v35 =	vld.idx.msk [tilespmem:v56+s21+$0x0], $0xffff  }
0x401: {  	v61 =	vor.u32 v50, v12;
	[tilespmem:s0+$0x120] =	vst v60;
	v42 =	vld.idx.msk [tilespmem:v51+s21+$0x0], $0xffff  }
0x402: {  	v46 =	vor.u32 $0x2, v18;
	v58 =	vor.u32 v62, v22;
	[tilespmem:s8+$0xFFFFFEA0] =	vst v39;
	v40 =	vld.idx.msk [tilespmem:v40+s21+$0x0], $0xffff  }
0x403: {  	v59 =	vor.u32 v46, v17;
	v62 =	vld.idx.msk [tilespmem:v41+s21+$0x0], $0xffff;
	[tilespmem:s0+$0xFFFFFE20] =	vst v44;
	v44 =	vor.u32 $0x2, v6  }
0x404: {  	v56 =	vor.u32 $0x6, v32;
	[tilespmem:s8+$0xFFFFFFB0] =	vst v37;
	v45 =	vld.idx.msk [tilespmem:v57+s21+$0x0], $0xffff;
	v60 =	vor.u32 v44, v7  }
0x405: {  	v43 =	vor.u32 $0x2, v3;
	v57 =	vor.u32 v56, v30;
	v36 =	vld.idx.msk [tilespmem:v36+s21+$0x0], $0xffff;
	[tilespmem:s0+$0x30] =	vst v35  }
0x406: {  	v63 =	vor.u32 v43, v4;
	[tilespmem:s8+$0x1C0] =	vst v42;
	v35 =	vld.idx.msk [tilespmem:v61+s21+$0x0], $0xffff  }
0x407: {  	v42 =	vor.u32 $0x6, v33;
	v61 =	vor.u32 v50, v14;
	[tilespmem:s0+$0x130] =	vst v40;
	v47 =	vld.idx.msk [tilespmem:v58+s21+$0x0], $0xffff  }
0x408: {  	v34 =	vor.u32 $0x7, v34;
	[tilespmem:s0+$0xFFFFFF30] =	vst v38;
	v58 =	vld.idx.msk [tilespmem:v59+s21+$0x0], $0xffff;
	v59 =	vor.u32 v42, v31  }
0x409: {  	v23 =	vor.u32 v34, v23;
	[tilespmem:s8+$0xB0] =	vst v62;
	v49 =	vld.idx.msk [tilespmem:v60+s21+$0x0], $0xffff  }
0x40a: {  	v44 =	vor.u32 v44, v16;
	[tilespmem:s0+$0xFFFFFE30] =	vst v36;
	v40 =	vld.idx.msk [tilespmem:v57+s21+$0x0], $0xffff  }
0x40b: {  	v62 =	vor.u32 v43, v13;
	v43 =	vor.u32 $0x6, v29;
	v60 =	vor.u32 v46, v15;
	v41 =	vld.idx.msk [tilespmem:v63+s21+$0x0], $0xffff;
	[tilespmem:s0+$0x40] =	vst v35  }
0x40c: {  	[tilespmem:s8+$0xFFFFFEB0] =	vst v45;
	v63 =	vor.u32 v43, v28;
	v37 =	vld.idx.msk [tilespmem:v61+s21+$0x0], $0xffff  }
0x40d: {  	[tilespmem:s8+$0x1D0] =	vst v47;
	v46 =	vld.idx.msk [tilespmem:v59+s21+$0x0], $0xffff  }
0x40e: {  	v56 =	vor.u32 v56, v21;
	[tilespmem:s0+$0xFFFFFF40] =	vst v49;
	v23 =	vld.idx.msk [tilespmem:v23+s21+$0x0], $0xffff  }
0x40f: {  	v22 =	vor.u32 v34, v22;
	[tilespmem:s0+$0x140] =	vst v58;
	v44 =	vld.idx.msk [tilespmem:v44+s21+$0x0], $0xffff;
	v59 =	vor.u32 $0x3, v11  }
0x410: {  	v35 =	vor.u32 $0x3, v18;
	[tilespmem:s8+$0xFFFFFFC0] =	vst v40;
	v36 =	vld.idx.msk [tilespmem:v60+s21+$0x0], $0xffff;
	v61 =	vor.u32 v59, v12  }
0x411: {  	s31 =	simm.s32 $0x50;
	v57 =	vor.u32 v35, v17;
	[tilespmem:s0+$0xFFFFFE40] =	vst v41;
	v38 =	vld.idx.msk [tilespmem:v63+s21+$0x0], $0xffff  }
0x412: {  	v54 =	vor.u32 v42, v19;
	v41 =	vor.u32 $0x3, v6;
	v39 =	vld.idx.msk [tilespmem:v62+s21+$0x0], $0xffff;
	v60 =	vmov s31;
	[tilespmem:s0+$0x50] =	vst v37  }
0x413: {  	v53 =	vld.idx.msk [tilespmem:v56+s21+$0x0], $0xffff;
	v58 =	vor.u32 v41, v7;
	v62 =	vshll.u32 v60, $0x3;
	[tilespmem:s8+$0x1E0] =	vst v23  }
0x414: {  	v51 =	vor.u32 $0x3, v3;
	v43 =	vor.u32 v43, v20;
	v34 =	vand.u32 $0xC00, v62;
	[tilespmem:s0+$0xFFFFFF50] =	vst v44;
	v55 =	vld.idx.msk [tilespmem:v22+s21+$0x0], $0xffff  }
0x415: {  	v63 =	vor.u32 v51, v4;
	v23 =	vand.u32 $0x70, v60;
	[tilespmem:s0+$0x150] =	vst v36;
	v22 =	vadd.s32 v0, v34;
	v37 =	vld.idx.msk [tilespmem:v61+s21+$0x0], $0xffff  }
0x416: {  	[tilespmem:s8+$0xC0] =	vst v46;
	v56 =	vld.idx.msk [tilespmem:v57+s21+$0x0], $0xffff;
	v45 =	vor.u32 v23, v22  }
0x417: {  	v35 =	vor.u32 v35, v15;
	[tilespmem:s0+$0xFFFFFE50] =	vst v39;
	v60 =	vld.idx.msk [tilespmem:v54+s21+$0x0], $0xffff;
	v39 =	vor.u32 $0x7, v32  }
0x418: {  	[tilespmem:s8+$0xFFFFFEC0] =	vst v38;
	v57 =	vld.idx.msk [tilespmem:v58+s21+$0x0], $0xffff;
	v62 =	vor.u32 v39, v30  }
0x419: {  	v41 =	vor.u32 v41, v16;
	v43 =	vld.idx.msk [tilespmem:v43+s21+$0x0], $0xffff  }
0x41a: {  	v59 =	vor.u32 v59, v14;
	[tilespmem:s8+$0xFFFFFFD0] =	vst v53;
	v58 =	vld.idx.msk [tilespmem:v63+s21+$0x0], $0xffff  }
0x41b: {  	v33 =	vor.u32 $0x7, v33;
	v61 =	vor.u32 v51, v13;
	v32 =	vld.idx.msk [tilespmem:v45+s21+$0x0], $0xffff;
	[tilespmem:s0+$0x160] =	vst v56  }
0x41c: {  	v63 =	vor.u32 v33, v31;
	[tilespmem:s8+$0x1F0] =	vst v55;
	v40 =	vld.idx.msk [tilespmem:v35+s21+$0x0], $0xffff;
	v35 =	vor.u32 $0x7, v29  }
0x41d: {  	v38 =	vor.u32 $0x4, v18;
	[tilespmem:s0+$0xFFFFFF60] =	vst v57;
	v42 =	vld.idx.msk [tilespmem:v62+s21+$0x0], $0xffff;
	v47 =	vor.u32 v35, v28  }
0x41e: {  	[tilespmem:s0+$0x60] =	vst v37;
	v37 =	vor.u32 $0x4, v6;
	v45 =	vor.u32 v38, v17;
	v30 =	vld.idx.msk [tilespmem:v41+s21+$0x0], $0xffff  }
0x41f: {  	v36 =	vor.u32 $0x4, v11;
	[tilespmem:s0+$0xFFFFFE60] =	vst v58;
	v44 =	vor.u32 v37, v7;
	v41 =	vld.idx.msk [tilespmem:v59+s21+$0x0], $0xffff  }
0x420: {  	v31 =	vor.u32 $0x4, v3;
	v46 =	vor.u32 v36, v12;
	[tilespmem:s8+$0xD0] =	vst v60;
	v28 =	vld.idx.msk [tilespmem:v61+s21+$0x0], $0xffff  }
0x421: {  	s10 =	simm.s32 $0x60;
	s11 =	simm.s32 $0x58;
	v48 =	vor.u32 v31, v4;
	[tilespmem:s8+$0xFFFFFED0] =	vst v43;
	v43 =	vld.idx.msk [tilespmem:v63+s21+$0x0], $0xffff  }
.LBB2_12:
0x422: {  	p2 =	slt.u32 s10, $0x1E0;
	v29 =	vmov s11;
	[tilespmem:s0+$0x170] =	vst v40;
	v40 =	vld.idx.msk [tilespmem:v47+s21+$0x0], $0xffff;
	v39 =	vor.u32 v39, v21;
	v21 =	vmov v16  }
0x423: {  	v16 =	vshll.u32 v29, $0x3;
	[tilespmem:s0+$0xFFFFFF70] =	vst v30;
	v30 =	vld.idx.msk [tilespmem:v45+s21+$0x0], $0xffff;
	v45 =	vor.u32 v33, v19;
	v19 =	vmov v14  }
0x424: {  	v14 =	vmov s10;
	v16 =	vand.u32 $0xC00, v16;
	v44 =	vld.idx.msk [tilespmem:v44+s21+$0x0], $0xffff;
	[tilespmem:s0+$0x70] =	vst v41;
	v41 =	vor.u32 v35, v20;
	v20 =	vmovc v13  }
0x425: {  	v38 =	vor.u32 v38, v15;
	v35 =	vand.u32 $0x78, v29;
	v33 =	vadd.s32 v0, v16;
	[tilespmem:s0+$0xFFFFFE70] =	vst v28;
	v13 =	vld.idx.msk [tilespmem:v46+s21+$0x0], $0xffff  }
0x426: {  	s11 =	sadd.s32 $0x8, s10;
	v28 =	vand.u32 $0x60, v14;
	v46 =	vor.u32 v35, v33;
	v47 =	vld.idx.msk [tilespmem:v48+s21+$0x0], $0xffff;
	[tilespmem:s8+$0xFFFFFFE0] =	vst v42  }
0x427: {  	v37 =	vor.u32 v37, v21;
	v14 =	vshll.u32 v14, $0x3;
	v42 =	vmov s11;
	v39 =	vld.idx.msk [tilespmem:v39+s21+$0x0], $0xffff;
	[tilespmem:s8+$0xE0] =	vst v43  }
0x428: {  	v48 =	vor.u32 v36, v19;
	v43 =	vand.u32 $0xC00, v14;
	v14 =	vshll.u32 v42, $0x3;
	[tilespmem:s8+$0xFFFFFEE0] =	vst v40;
	v40 =	vld.idx.msk [tilespmem:v45+s21+$0x0], $0xffff  }
0x429: {  	v29 =	vadd.s32 v0, v43;
	v14 =	vand.u32 $0xC00, v14;
	v45 =	vor.u32 v31, v20;
	[tilespmem:s0+$0x180] =	vst v30;
	v41 =	vld.idx.msk [tilespmem:v41+s21+$0x0], $0xffff  }
0x42a: {  	v31 =	vand.u32 $0x68, v42;
	v49 =	vor.u32 v28, v29;
	v30 =	vadd.s32 v0, v14;
	[tilespmem:s0+$0xFFFFFF80] =	vst v44;
	v38 =	vld.idx.msk [tilespmem:v38+s21+$0x0], $0xffff  }
0x42b: {  	v42 =	vor.u32 v31, v30;
	v44 =	vld.idx.msk [tilespmem:v46+s21+$0x0], $0xffff;
	[tilespmem:s0+$0x80] =	vst v13;
	v46 =	vor.u32 $0x5, v18  }
0x42c: {  	v36 =	vadd.s32 v1, v16;
	[tilespmem:s0+$0xFFFFFE80] =	vst v47;
	v37 =	vld.idx.msk [tilespmem:v37+s21+$0x0], $0xffff;
	v47 =	vor.u32 v46, v17  }
0x42d: {  	v16 =	vadd.s32 v1, v25;
	v50 =	vor.u32 v35, v36;
	v25 =	vmov v14;
	v48 =	vld.idx.msk [tilespmem:v48+s21+$0x0], $0xffff;
	[tilespmem:s8+$0xFFFFFFF0] =	vst v39  }
0x42e: {  	v14 =	vadd.s32 v1, v34;
	v39 =	vor.u32 v10, v16;
	v34 =	vld.idx.msk [tilespmem:v45+s21+$0x0], $0xffff;
	[tilespmem:s8+$0xF0] =	vst v40  }
0x42f: {  	v13 =	vadd.s32 v1, v24;
	v24 =	vmov v43;
	v45 =	vor.u32 v23, v14;
	v40 =	vld.idx.msk [tilespmem:v49+s21+$0x0], $0xffff;
	[tilespmem:s8+$0xFFFFFEF0] =	vst v41;
	s8 =	smov.u32 s0  }
0x430: {  	v43 =	vor.u32 $0x5, v6;
	s0 =	sadd.s32 $0x400, s0;
	v41 =	vld.idx.msk [tilespmem:v42+s21+$0x0], $0xffff;
	v42 =	vor.u32 v5, v13;
	[tilespmem:s8+$0x190] =	vst v38  }
0x431: {  	v38 =	vor.u32 v43, v7;
	[tilespmem:s0+$0x100] =	vst v44;
	v44 =	vor.u32 $0x5, v11;
	v47 =	vld.idx.msk [tilespmem:v47+s21+$0x0], $0xffff  }
0x432: {  	[tilespmem:s0+$0xFFFFFF00] =	vst v27;
	v49 =	vld.idx.msk [tilespmem:v50+s21+$0x0], $0xffff;
	v50 =	vor.u32 v44, v12  }
0x433: {  	v46 =	vor.u32 v46, v15;
	v39 =	vld.idx.msk [tilespmem:v39+s21+$0x0], $0xffff;
	[tilespmem:s0+$0x0] =	vst v32;
	v32 =	vor.u32 $0x1, v35  }
0x434: {  	v51 =	vor.u32 $0x1, v10;
	[tilespmem:s0+$0xFFFFFE00] =	vst v26;
	v45 =	vld.idx.msk [tilespmem:v45+s21+$0x0], $0xffff;
	v52 =	vor.u32 v32, v33  }
0x435: {  	v54 =	vor.u32 $0x1, v23;
	v53 =	vor.u32 v51, v9;
	v26 =	vmov v40;
	v42 =	vld.idx.msk [tilespmem:v42+s21+$0x0], $0xffff;
	[tilespmem:s8+$0xFFFFFF90] =	vst v37  }
0x436: {  	v40 =	vor.u32 v54, v22;
	v37 =	vor.u32 $0x1, v5;
	v27 =	vmov v41;
	v38 =	vld.idx.msk [tilespmem:v38+s21+$0x0], $0xffff;
	[tilespmem:s8+$0x90] =	vst v48  }
0x437: {  	v41 =	vor.u32 v37, v8;
	v48 =	vor.u32 $0x5, v3;
	v50 =	vld.idx.msk [tilespmem:v50+s21+$0x0], $0xffff;
	[tilespmem:s8+$0x1A0] =	vst v47  }
0x438: {  	v47 =	vor.u32 v48, v4;
	[tilespmem:s0+$0x110] =	vst v49;
	v46 =	vld.idx.msk [tilespmem:v46+s21+$0x0], $0xffff  }
0x439: {  	v43 =	vor.u32 v43, v21;
	v49 =	vor.u32 $0x6, v18;
	[tilespmem:s0+$0xFFFFFF10] =	vst v39;
	v39 =	vld.idx.msk [tilespmem:v52+s21+$0x0], $0xffff  }
0x43a: {  	v52 =	vld.idx.msk [tilespmem:v53+s21+$0x0], $0xffff;
	[tilespmem:s0+$0x10] =	vst v45;
	v45 =	vor.u32 v49, v17  }
0x43b: {  	v32 =	vor.u32 v32, v36;
	[tilespmem:s0+$0xFFFFFE10] =	vst v42;
	v40 =	vld.idx.msk [tilespmem:v40+s21+$0x0], $0xffff  }
0x43c: {  	v42 =	vor.u32 v51, v16;
	v41 =	vld.idx.msk [tilespmem:v41+s21+$0x0], $0xffff;
	[tilespmem:s8+$0xFFFFFE90] =	vst v34  }
0x43d: {  	v34 =	vor.u32 v54, v14;
	v47 =	vld.idx.msk [tilespmem:v47+s21+$0x0], $0xffff;
	[tilespmem:s8+$0xFFFFFFA0] =	vst v38  }
0x43e: {  	v37 =	vor.u32 v37, v13;
	v38 =	vld.idx.msk [tilespmem:v43+s21+$0x0], $0xffff;
	[tilespmem:s8+$0x1B0] =	vst v46  }
0x43f: {  	[tilespmem:s0+$0x120] =	vst v39;
	v39 =	vor.u32 v44, v19;
	v43 =	vld.idx.msk [tilespmem:v45+s21+$0x0], $0xffff  }
0x440: {  	v44 =	vor.u32 v48, v20;
	[tilespmem:s0+$0xFFFFFF20] =	vst v52;
	v32 =	vld.idx.msk [tilespmem:v32+s21+$0x0], $0xffff  }
0x441: {  	v45 =	vor.u32 v49, v15;
	v42 =	vld.idx.msk [tilespmem:v42+s21+$0x0], $0xffff;
	[tilespmem:s0+$0x20] =	vst v40;
	v40 =	vor.u32 $0x2, v35  }
0x442: {  	[tilespmem:s0+$0xFFFFFE20] =	vst v41;
	v41 =	vor.u32 $0x2, v10;
	v34 =	vld.idx.msk [tilespmem:v34+s21+$0x0], $0xffff;
	v46 =	vor.u32 v40, v33  }
0x443: {  	v49 =	vor.u32 $0x2, v23;
	v37 =	vld.idx.msk [tilespmem:v37+s21+$0x0], $0xffff;
	v48 =	vor.u32 v41, v9;
	[tilespmem:s8+$0xA0] =	vst v50  }
0x444: {  	v51 =	vor.u32 v49, v22;
	v50 =	vor.u32 $0x2, v5;
	[tilespmem:s8+$0xFFFFFEA0] =	vst v47;
	v39 =	vld.idx.msk [tilespmem:v39+s21+$0x0], $0xffff  }
0x445: {  	v52 =	vor.u32 $0x6, v6;
	v47 =	vor.u32 v50, v8;
	v44 =	vld.idx.msk [tilespmem:v44+s21+$0x0], $0xffff;
	[tilespmem:s8+$0x1C0] =	vst v43  }
0x446: {  	v43 =	vor.u32 $0x6, v11;
	[tilespmem:s0+$0x130] =	vst v32;
	v32 =	vor.u32 v52, v7;
	v45 =	vld.idx.msk [tilespmem:v45+s21+$0x0], $0xffff  }
0x447: {  	v53 =	vor.u32 $0x7, v18;
	v18 =	vmov v35;
	[tilespmem:s0+$0xFFFFFF30] =	vst v42;
	v42 =	vld.idx.msk [tilespmem:v46+s21+$0x0], $0xffff;
	v46 =	vor.u32 v43, v12  }
0x448: {  	v35 =	vld.idx.msk [tilespmem:v48+s21+$0x0], $0xffff;
	[tilespmem:s0+$0x30] =	vst v34;
	v34 =	vor.u32 v53, v17;
	v17 =	vmov v33  }
0x449: {  	[tilespmem:s0+$0xFFFFFE30] =	vst v37;
	v33 =	vld.idx.msk [tilespmem:v51+s21+$0x0], $0xffff;
	v37 =	vor.u32 v40, v36  }
0x44a: {  	v41 =	vor.u32 v41, v16;
	v40 =	vld.idx.msk [tilespmem:v47+s21+$0x0], $0xffff;
	[tilespmem:s8+$0xFFFFFFB0] =	vst v38  }
0x44b: {  	v38 =	vor.u32 v49, v14;
	v32 =	vld.idx.msk [tilespmem:v32+s21+$0x0], $0xffff;
	[tilespmem:s8+$0xB0] =	vst v39  }
0x44c: {  	v47 =	vor.u32 $0x6, v3;
	v39 =	vor.u32 v50, v13;
	v46 =	vld.idx.msk [tilespmem:v46+s21+$0x0], $0xffff;
	[tilespmem:s8+$0x1D0] =	vst v45  }
0x44d: {  	[tilespmem:s0+$0x140] =	vst v42;
	v42 =	vor.u32 v47, v4;
	v34 =	vld.idx.msk [tilespmem:v34+s21+$0x0], $0xffff  }
0x44e: {  	[tilespmem:s0+$0xFFFFFF40] =	vst v35;
	v35 =	vld.idx.msk [tilespmem:v37+s21+$0x0], $0xffff;
	v37 =	vor.u32 v52, v21  }
0x44f: {  	v45 =	vor.u32 v53, v15;
	v15 =	vmov v36;
	v41 =	vld.idx.msk [tilespmem:v41+s21+$0x0], $0xffff;
	[tilespmem:s0+$0x40] =	vst v33;
	v33 =	vor.u32 $0x3, v18  }
0x450: {  	v36 =	vor.u32 $0x3, v10;
	[tilespmem:s0+$0xFFFFFE40] =	vst v40;
	v38 =	vld.idx.msk [tilespmem:v38+s21+$0x0], $0xffff;
	v40 =	vor.u32 v33, v17  }
0x451: {  	s11 =	sadd.s32 $0x10, s10;
	v49 =	vor.u32 $0x3, v23;
	v48 =	vor.u32 v36, v9;
	v39 =	vld.idx.msk [tilespmem:v39+s21+$0x0], $0xffff;
	[tilespmem:s8+$0xFFFFFEB0] =	vst v44  }
0x452: {  	v50 =	vor.u32 $0x3, v5;
	v51 =	vor.u32 v49, v22;
	v44 =	vmov s11;
	v42 =	vld.idx.msk [tilespmem:v42+s21+$0x0], $0xffff;
	[tilespmem:s8+$0xFFFFFFC0] =	vst v32  }
0x453: {  	v52 =	vor.u32 v50, v8;
	v32 =	vshll.u32 v44, $0x3;
	v53 =	vld.idx.msk [tilespmem:v37+s21+$0x0], $0xffff;
	[tilespmem:s8+$0x1E0] =	vst v34  }
0x454: {  	v34 =	vand.u32 $0xC00, v32;
	v32 =	vor.u32 v43, v19;
	[tilespmem:s0+$0x150] =	vst v35;
	v35 =	vld.idx.msk [tilespmem:v45+s21+$0x0], $0xffff  }
0x455: {  	v43 =	vand.u32 $0x70, v44;
	v54 =	vadd.s32 v0, v34;
	[tilespmem:s0+$0xFFFFFF50] =	vst v41;
	v37 =	vld.idx.msk [tilespmem:v40+s21+$0x0], $0xffff;
	v40 =	vor.u32 v47, v20  }
0x456: {  	v41 =	vor.u32 v43, v54;
	v44 =	vld.idx.msk [tilespmem:v48+s21+$0x0], $0xffff;
	[tilespmem:s0+$0x50] =	vst v38  }
0x457: {  	v45 =	vor.u32 v33, v15;
	[tilespmem:s0+$0xFFFFFE50] =	vst v39;
	v38 =	vld.idx.msk [tilespmem:v51+s21+$0x0], $0xffff  }
0x458: {  	v36 =	vor.u32 v36, v16;
	v48 =	vld.idx.msk [tilespmem:v52+s21+$0x0], $0xffff;
	[tilespmem:s8+$0xC0] =	vst v46  }
0x459: {  	v46 =	vor.u32 v49, v14;
	[tilespmem:s8+$0xFFFFFEC0] =	vst v42;
	v49 =	vld.idx.msk [tilespmem:v32+s21+$0x0], $0xffff  }
0x45a: {  	v39 =	vor.u32 $0x7, v6;
	v6 =	vmovc v10;
	v10 =	vmov v31;
	v42 =	vor.u32 v50, v13;
	v50 =	vld.idx.msk [tilespmem:v40+s21+$0x0], $0xffff;
	[tilespmem:s8+$0x1F0] =	vst v35  }
0x45b: {  	v33 =	vor.u32 $0x7, v11;
	v51 =	vor.u32 v39, v7;
	v7 =	vmovc v9;
	v9 =	vmov v30;
	v32 =	vld.idx.msk [tilespmem:v41+s21+$0x0], $0xffff;
	[tilespmem:s0+$0x160] =	vst v37  }
0x45c: {  	v52 =	vor.u32 v33, v12;
	v35 =	vor.u32 $0x7, v3;
	v3 =	vmovc v5;
	v5 =	vmov v28;
	[tilespmem:s0+$0xFFFFFF60] =	vst v44;
	v40 =	vld.idx.msk [tilespmem:v45+s21+$0x0], $0xffff  }
.Ltmp8:
0x45d: {  	v47 =	vor.u32 v35, v4;
	v4 =	vmovc v8;
	v8 =	vmov v29;
	v30 =	vld.idx.msk [tilespmem:v36+s21+$0x0], $0xffff;
	[tilespmem:s0+$0x60] =	vst v38;
	v38 =	vor.u32 $0x4, v18;
	(pc) =	sbr.rel @p2 .LBB2_12-.Ltmp8, $4  }
0x45e: {  	v11 =	vmovc v23;
	v23 =	vmov v43;
	v37 =	vor.u32 $0x4, v6;
	[tilespmem:s0+$0xFFFFFE60] =	vst v48;
	v41 =	vld.idx.msk [tilespmem:v46+s21+$0x0], $0xffff;
	v45 =	vor.u32 v38, v17  }
0x45f: {  	v12 =	vmovc v22;
	v22 =	vmov v54;
	v44 =	vor.u32 v37, v7;
	v36 =	vor.u32 $0x4, v11;
	v28 =	vld.idx.msk [tilespmem:v42+s21+$0x0], $0xffff;
	[tilespmem:s8+$0xFFFFFFD0] =	vst v53  }
0x460: {  	v31 =	vor.u32 $0x4, v3;
	v46 =	vor.u32 v36, v12;
	v42 =	vld.idx.msk [tilespmem:v51+s21+$0x0], $0xffff;
	[tilespmem:s8+$0xD0] =	vst v49  }
0x461: {  	s11 =	sadd.s32 $0x18, s10;
	s10 =	sadd.s32 $0x20, s10;
	v48 =	vor.u32 v31, v4;
	[tilespmem:s8+$0xFFFFFED0] =	vst v50;
	v43 =	vld.idx.msk [tilespmem:v52+s21+$0x0], $0xffff  }
0x462: {  	[tilespmem:s0+$0x170] =	vst v40  }
0x463: {  	[tilespmem:s0+$0xFFFFFF70] =	vst v30  }
0x464: {  	v29 =	vmov s11;
	s10 =	sadd.s32 $0x400, s0;
	[tilespmem:s0+$0x70] =	vst v41  }
0x465: {  	v49 =	vshll.u32 v29, $0x3;
	[tilespmem:s10+$0xFFFFFF00] =	vst v27  }
0x466: {  	v47 =	vld.idx.msk [tilespmem:v47+s21+$0x0], $0xffff;
	v21 =	vor.u32 v39, v21;
	v33 =	vor.u32 v33, v19;
	[tilespmem:s10+$0x0] =	vst v32;
	v49 =	vand.u32 $0xC00, v49  }
0x467: {  	v35 =	vor.u32 v35, v20;
	v30 =	vand.u32 $0x78, v29;
	v50 =	vld.idx.msk [tilespmem:v45+s21+$0x0], $0xffff;
	[tilespmem:s10+$0xFFFFFE00] =	vst v26;
	v29 =	vadd.s32 v0, v49  }
0x468: {  	v19 =	vadd.s32 v1, v25;
	v44 =	vld.idx.msk [tilespmem:v44+s21+$0x0], $0xffff;
	[tilespmem:s0+$0xFFFFFE70] =	vst v28;
	v51 =	vor.u32 v30, v29  }
0x469: {  	v20 =	vadd.s32 v1, v24;
	v57 =	vor.u32 v10, v19;
	v52 =	vld.idx.msk [tilespmem:v46+s21+$0x0], $0xffff;
	[tilespmem:s8+$0xFFFFFFE0] =	vst v42  }
0x46a: {  	v59 =	vor.u32 v5, v20;
	v53 =	vld.idx.msk [tilespmem:v48+s21+$0x0], $0xffff;
	[tilespmem:s8+$0xE0] =	vst v43  }
0x46b: {  	v54 =	vld.idx.msk [tilespmem:v21+s21+$0x0], $0xffff;
	[tilespmem:s8+$0xFFFFFEE0] =	vst v47  }
0x46c: {  	v37 =	vor.u32 v37, v16;
	v21 =	vadd.s32 v1, v34;
	v33 =	vld.idx.msk [tilespmem:v33+s21+$0x0], $0xffff;
	[tilespmem:s0+$0x180] =	vst v50  }
0x46d: {  	v28 =	vadd.s32 v1, v49;
	[tilespmem:s0+$0xFFFFFF80] =	vst v44;
	v58 =	vor.u32 v23, v21;
	v55 =	vld.idx.msk [tilespmem:v51+s21+$0x0], $0xffff  }
0x46e: {  	v62 =	vor.u32 $0x1, v10;
	v56 =	vor.u32 v30, v28;
	v61 =	vld.idx.msk [tilespmem:v57+s21+$0x0], $0xffff;
	[tilespmem:s0+$0x80] =	vst v52  }
0x46f: {  	v45 =	vor.u32 v62, v9;
	v48 =	vor.u32 $0x1, v5;
	v47 =	vld.idx.msk [tilespmem:v59+s21+$0x0], $0xffff;
	[tilespmem:s0+$0xFFFFFE80] =	vst v53  }
0x470: {  	v35 =	vld.idx.msk [tilespmem:v35+s21+$0x0], $0xffff;
	v50 =	vor.u32 v48, v8;
	[tilespmem:s8+$0xFFFFFFF0] =	vst v54  }
0x471: {  	v38 =	vor.u32 v38, v15;
	v37 =	vld.idx.msk [tilespmem:v37+s21+$0x0], $0xffff;
	[tilespmem:s8+$0xF0] =	vst v33  }
0x472: {  	v36 =	vor.u32 v36, v14;
	v46 =	vor.u32 $0x1, v23;
	v24 =	vld.idx.msk [tilespmem:v58+s21+$0x0], $0xffff;
	[tilespmem:s10+$0x100] =	vst v55  }
0x473: {  	v60 =	vor.u32 $0x1, v30;
	v49 =	vor.u32 v46, v22;
	[tilespmem:s10+$0xFFFFFF10] =	vst v61;
	v25 =	vld.idx.msk [tilespmem:v56+s21+$0x0], $0xffff  }
0x474: {  	v63 =	vor.u32 v60, v29;
	[tilespmem:s10+$0xFFFFFE10] =	vst v47;
	v26 =	vld.idx.msk [tilespmem:v45+s21+$0x0], $0xffff  }
0x475: {  	v32 =	vor.u32 v62, v19;
	[tilespmem:s8+$0xFFFFFEF0] =	vst v35;
	v33 =	vld.idx.msk [tilespmem:v50+s21+$0x0], $0xffff  }
0x476: {  	v34 =	vor.u32 v48, v20;
	v38 =	vld.idx.msk [tilespmem:v38+s21+$0x0], $0xffff;
	[tilespmem:s0+$0xFFFFFF90] =	vst v37  }
0x477: {  	v31 =	vor.u32 v31, v13;
	v36 =	vld.idx.msk [tilespmem:v36+s21+$0x0], $0xffff;
	v51 =	vor.u32 $0x5, v18;
	[tilespmem:s10+$0x10] =	vst v24  }
0x478: {  	v52 =	vor.u32 v51, v17;
	v55 =	vld.idx.msk [tilespmem:v49+s21+$0x0], $0xffff;
	[tilespmem:s10+$0x110] =	vst v25  }
0x479: {  	v56 =	vor.u32 v46, v21;
	[tilespmem:s10+$0xFFFFFF20] =	vst v26;
	v53 =	vld.idx.msk [tilespmem:v63+s21+$0x0], $0xffff  }
0x47a: {  	v54 =	vor.u32 v60, v28;
	v37 =	vor.u32 $0x5, v6;
	[tilespmem:s10+$0xFFFFFE20] =	vst v33;
	v32 =	vld.idx.msk [tilespmem:v32+s21+$0x0], $0xffff  }
0x47b: {  	v59 =	vor.u32 $0x2, v10;
	[tilespmem:s0+$0x190] =	vst v38;
	v57 =	vor.u32 v37, v7;
	v34 =	vld.idx.msk [tilespmem:v34+s21+$0x0], $0xffff  }
0x47c: {  	v62 =	vor.u32 v59, v9;
	v31 =	vld.idx.msk [tilespmem:v31+s21+$0x0], $0xffff;
	v45 =	vor.u32 $0x2, v5;
	[tilespmem:s0+$0x90] =	vst v36  }
0x47d: {  	v47 =	vor.u32 v45, v8;
	v25 =	vld.idx.msk [tilespmem:v52+s21+$0x0], $0xffff;
	[tilespmem:s10+$0x20] =	vst v55  }
0x47e: {  	v43 =	vor.u32 v51, v15;
	v63 =	vor.u32 $0x2, v23;
	v61 =	vld.idx.msk [tilespmem:v56+s21+$0x0], $0xffff;
	[tilespmem:s10+$0x120] =	vst v53  }
0x47f: {  	v58 =	vor.u32 $0x2, v30;
	v46 =	vor.u32 v63, v22;
	[tilespmem:s10+$0xFFFFFF30] =	vst v32;
	v24 =	vld.idx.msk [tilespmem:v54+s21+$0x0], $0xffff  }
0x480: {  	v60 =	vor.u32 v58, v29;
	v38 =	vld.idx.msk [tilespmem:v57+s21+$0x0], $0xffff;
	[tilespmem:s10+$0xFFFFFE30] =	vst v34;
	v34 =	vor.u32 $0x5, v3  }
0x481: {  	[tilespmem:s0+$0xFFFFFE90] =	vst v31;
	v35 =	vld.idx.msk [tilespmem:v62+s21+$0x0], $0xffff;
	v52 =	vor.u32 v34, v4  }
0x482: {  	v27 =	vor.u32 v59, v19;
	[tilespmem:s0+$0x1A0] =	vst v25;
	v25 =	vld.idx.msk [tilespmem:v47+s21+$0x0], $0xffff  }
0x483: {  	v42 =	vor.u32 $0x5, v11;
	v36 =	vor.u32 v45, v20;
	v51 =	vld.idx.msk [tilespmem:v43+s21+$0x0], $0xffff;
	[tilespmem:s10+$0x30] =	vst v61  }
0x484: {  	v48 =	vor.u32 v42, v12;
	v33 =	vld.idx.msk [tilespmem:v46+s21+$0x0], $0xffff;
	[tilespmem:s10+$0x130] =	vst v24  }
0x485: {  	v50 =	vor.u32 v63, v21;
	[tilespmem:s0+$0xFFFFFFA0] =	vst v38;
	v49 =	vld.idx.msk [tilespmem:v60+s21+$0x0], $0xffff  }
0x486: {  	v26 =	vor.u32 v58, v28;
	v53 =	vor.u32 $0x6, v18;
	[tilespmem:s10+$0xFFFFFF40] =	vst v35;
	v38 =	vld.idx.msk [tilespmem:v52+s21+$0x0], $0xffff  }
0x487: {  	v56 =	vor.u32 $0x3, v10;
	v54 =	vor.u32 v53, v17;
	v27 =	vld.idx.msk [tilespmem:v27+s21+$0x0], $0xffff;
	[tilespmem:s10+$0xFFFFFE40] =	vst v25  }
0x488: {  	v59 =	vor.u32 v56, v9;
	v61 =	vor.u32 $0x3, v5;
	[tilespmem:s0+$0x1B0] =	vst v51;
	v36 =	vld.idx.msk [tilespmem:v36+s21+$0x0], $0xffff  }
0x489: {  	v63 =	vor.u32 v61, v8;
	v24 =	vld.idx.msk [tilespmem:v48+s21+$0x0], $0xffff;
	[tilespmem:s10+$0x40] =	vst v33  }
0x48a: {  	v37 =	vor.u32 v37, v16;
	v60 =	vor.u32 $0x3, v23;
	v58 =	vld.idx.msk [tilespmem:v50+s21+$0x0], $0xffff;
	[tilespmem:s10+$0x140] =	vst v49  }
0x48b: {  	v55 =	vor.u32 $0x3, v30;
	v62 =	vor.u32 v60, v22;
	[tilespmem:s0+$0xFFFFFEA0] =	vst v38;
	v26 =	vld.idx.msk [tilespmem:v26+s21+$0x0], $0xffff  }
0x48c: {  	v57 =	vor.u32 v55, v29;
	v32 =	vld.idx.msk [tilespmem:v54+s21+$0x0], $0xffff;
	[tilespmem:s10+$0xFFFFFF50] =	vst v27  }
0x48d: {  	v51 =	vor.u32 v53, v15;
	v31 =	vld.idx.msk [tilespmem:v59+s21+$0x0], $0xffff;
	[tilespmem:s10+$0xFFFFFE50] =	vst v36  }
0x48e: {  	v33 =	vor.u32 v56, v19;
	[tilespmem:s0+$0xA0] =	vst v24;
	v24 =	vld.idx.msk [tilespmem:v63+s21+$0x0], $0xffff  }
0x48f: {  	v37 =	vld.idx.msk [tilespmem:v37+s21+$0x0], $0xffff;
	v50 =	vor.u32 v61, v20;
	[tilespmem:s10+$0x50] =	vst v58  }
0x490: {  	v45 =	vor.u32 v42, v14;
	v48 =	vld.idx.msk [tilespmem:v62+s21+$0x0], $0xffff;
	[tilespmem:s10+$0x150] =	vst v26  }
0x491: {  	[tilespmem:s0+$0x1C0] =	vst v32;
	v49 =	vor.u32 v60, v21;
	v46 =	vld.idx.msk [tilespmem:v57+s21+$0x0], $0xffff  }
0x492: {  	v47 =	vor.u32 v55, v28;
	v38 =	vld.idx.msk [tilespmem:v51+s21+$0x0], $0xffff;
	[tilespmem:s10+$0xFFFFFF60] =	vst v31  }
0x493: {  	v52 =	vor.u32 v34, v13;
	v63 =	vor.u32 $0x7, v18;
	v33 =	vld.idx.msk [tilespmem:v33+s21+$0x0], $0xffff;
	[tilespmem:s10+$0xFFFFFE60] =	vst v24  }
0x494: {  	v54 =	vor.u32 $0x4, v10;
	v44 =	vor.u32 v63, v17;
	v32 =	vld.idx.msk [tilespmem:v50+s21+$0x0], $0xffff  }
0x495: {  	v59 =	vor.u32 $0x4, v5;
	v26 =	vld.idx.msk [tilespmem:v45+s21+$0x0], $0xffff;
	v57 =	vor.u32 v54, v9;
	[tilespmem:s10+$0x60] =	vst v48  }
0x496: {  	v61 =	vor.u32 v59, v8;
	v58 =	vor.u32 $0x4, v23;
	v56 =	vld.idx.msk [tilespmem:v49+s21+$0x0], $0xffff;
	[tilespmem:s10+$0x160] =	vst v46  }
0x497: {  	v53 =	vor.u32 $0x4, v30;
	v60 =	vor.u32 v58, v22;
	[tilespmem:s0+$0x1D0] =	vst v38;
	v25 =	vld.idx.msk [tilespmem:v47+s21+$0x0], $0xffff  }
0x498: {  	v41 =	vor.u32 $0x6, v6;
	v55 =	vor.u32 v53, v29;
	v27 =	vld.idx.msk [tilespmem:v52+s21+$0x0], $0xffff;
	[tilespmem:s10+$0xFFFFFF70] =	vst v33  }
0x499: {  	v62 =	vor.u32 v41, v7;
	v38 =	vor.u32 $0x6, v3;
	v17 =	vld.idx.msk [tilespmem:v44+s21+$0x0], $0xffff;
	[tilespmem:s10+$0xFFFFFE70] =	vst v32  }
0x49a: {  	v52 =	vor.u32 v38, v4;
	[tilespmem:s0+$0xB0] =	vst v26;
	v33 =	vld.idx.msk [tilespmem:v57+s21+$0x0], $0xffff  }
0x49b: {  	v26 =	vld.idx.msk [tilespmem:v61+s21+$0x0], $0xffff;
	v47 =	vor.u32 v54, v19;
	[tilespmem:s10+$0x70] =	vst v56  }
0x49c: {  	v50 =	vor.u32 v59, v20;
	v46 =	vld.idx.msk [tilespmem:v60+s21+$0x0], $0xffff;
	[tilespmem:s10+$0x170] =	vst v25  }
0x49d: {  	[tilespmem:s0+$0xFFFFFFB0] =	vst v37;
	v48 =	vor.u32 v58, v21;
	v25 =	vld.idx.msk [tilespmem:v55+s21+$0x0], $0xffff  }
0x49e: {  	v35 =	vor.u32 $0x6, v11;
	[tilespmem:s0+$0xFFFFFEB0] =	vst v27;
	v45 =	vor.u32 v53, v28;
	v49 =	vld.idx.msk [tilespmem:v62+s21+$0x0], $0xffff  }
0x49f: {  	v51 =	vor.u32 v35, v12;
	v43 =	vld.idx.msk [tilespmem:v52+s21+$0x0], $0xffff;
	[tilespmem:s10+$0xFFFFFF80] =	vst v33  }
0x4a0: {  	v63 =	vor.u32 v63, v15;
	v56 =	vor.u32 $0x5, v10;
	[tilespmem:s10+$0xFFFFFE80] =	vst v26;
	v54 =	vld.idx.msk [tilespmem:v47+s21+$0x0], $0xffff  }
0x4a1: {  	v61 =	vor.u32 $0x5, v5;
	v58 =	vor.u32 v56, v9;
	v27 =	vld.idx.msk [tilespmem:v50+s21+$0x0], $0xffff;
	[tilespmem:s10+$0x80] =	vst v46  }
0x4a2: {  	v59 =	vor.u32 $0x5, v23;
	v62 =	vor.u32 v61, v8;
	v57 =	vld.idx.msk [tilespmem:v48+s21+$0x0], $0xffff;
	[tilespmem:s10+$0x180] =	vst v25  }
0x4a3: {  	v53 =	vor.u32 $0x5, v30;
	[tilespmem:s0+$0x1E0] =	vst v17;
	v60 =	vor.u32 v59, v22;
	v24 =	vld.idx.msk [tilespmem:v45+s21+$0x0], $0xffff  }
0x4a4: {  	v37 =	vld.idx.msk [tilespmem:v51+s21+$0x0], $0xffff;
	[tilespmem:s0+$0xFFFFFFC0] =	vst v49;
	v55 =	vor.u32 v53, v29  }
0x4a5: {  	v15 =	vld.idx.msk [tilespmem:v63+s21+$0x0], $0xffff;
	v51 =	vor.u32 v35, v14;
	[tilespmem:s10+$0xFFFFFF90] =	vst v54  }
0x4a6: {  	v52 =	vor.u32 v38, v13;
	[tilespmem:s10+$0xFFFFFE90] =	vst v27;
	v47 =	vld.idx.msk [tilespmem:v58+s21+$0x0], $0xffff  }
0x4a7: {  	v48 =	vor.u32 v56, v19;
	v17 =	vld.idx.msk [tilespmem:v62+s21+$0x0], $0xffff;
	[tilespmem:s10+$0x90] =	vst v57  }
0x4a8: {  	v50 =	vor.u32 v61, v20;
	v26 =	vld.idx.msk [tilespmem:v60+s21+$0x0], $0xffff;
	[tilespmem:s10+$0x190] =	vst v24  }
0x4a9: {  	v49 =	vor.u32 v59, v21;
	[tilespmem:s0+$0xC0] =	vst v37;
	v45 =	vld.idx.msk [tilespmem:v55+s21+$0x0], $0xffff  }
0x4aa: {  	v39 =	vor.u32 $0x7, v11;
	[tilespmem:s0+$0xFFFFFEC0] =	vst v43;
	v34 =	vld.idx.msk [tilespmem:v51+s21+$0x0], $0xffff;
	v46 =	vor.u32 v53, v28  }
0x4ab: {  	v40 =	vor.u32 v39, v12;
	v25 =	vld.idx.msk [tilespmem:v52+s21+$0x0], $0xffff;
	[tilespmem:s10+$0xFFFFFFA0] =	vst v47  }
0x4ac: {  	v44 =	vor.u32 v41, v16;
	[tilespmem:s10+$0xFFFFFEA0] =	vst v17;
	v33 =	vld.idx.msk [tilespmem:v48+s21+$0x0], $0xffff;
	v55 =	vor.u32 $0x6, v10  }
0x4ad: {  	v61 =	vor.u32 $0x6, v5;
	v59 =	vld.idx.msk [tilespmem:v50+s21+$0x0], $0xffff;
	[tilespmem:s10+$0xA0] =	vst v26;
	v57 =	vor.u32 v55, v9  }
0x4ae: {  	v63 =	vor.u32 v61, v8;
	v58 =	vor.u32 $0x6, v23;
	v56 =	vld.idx.msk [tilespmem:v49+s21+$0x0], $0xffff;
	[tilespmem:s10+$0x1A0] =	vst v45  }
0x4af: {  	v53 =	vor.u32 $0x6, v30;
	[tilespmem:s0+$0xD0] =	vst v34;
	v60 =	vor.u32 v58, v22;
	v31 =	vld.idx.msk [tilespmem:v46+s21+$0x0], $0xffff  }
0x4b0: {  	[tilespmem:s0+$0x1F0] =	vst v15;
	v54 =	vor.u32 v53, v29;
	v12 =	vld.idx.msk [tilespmem:v40+s21+$0x0], $0xffff  }
0x4b1: {  	v24 =	vld.idx.msk [tilespmem:v44+s21+$0x0], $0xffff;
	[tilespmem:s10+$0xFFFFFFB0] =	vst v33  }
0x4b2: {  	v11 =	vor.u32 v39, v14;
	[tilespmem:s10+$0xFFFFFEB0] =	vst v59;
	v27 =	vld.idx.msk [tilespmem:v57+s21+$0x0], $0xffff  }
0x4b3: {  	v42 =	vor.u32 v55, v19;
	v15 =	vld.idx.msk [tilespmem:v63+s21+$0x0], $0xffff;
	[tilespmem:s10+$0xB0] =	vst v56  }
0x4b4: {  	v44 =	vor.u32 v61, v20;
	v17 =	vld.idx.msk [tilespmem:v60+s21+$0x0], $0xffff;
	[tilespmem:s10+$0x1B0] =	vst v31  }
0x4b5: {  	v43 =	vor.u32 v58, v21;
	[tilespmem:s0+$0xFFFFFED0] =	vst v25;
	v31 =	vld.idx.msk [tilespmem:v54+s21+$0x0], $0xffff  }
0x4b6: {  	v41 =	vor.u32 v53, v28;
	v62 =	vor.u32 $0x7, v6;
	[tilespmem:s0+$0xE0] =	vst v12  }
0x4b7: {  	v3 =	vor.u32 $0x7, v3;
	v38 =	vor.u32 v62, v7;
	v11 =	vld.idx.msk [tilespmem:v11+s21+$0x0], $0xffff;
	[tilespmem:s10+$0xFFFFFFC0] =	vst v27  }
0x4b8: {  	v49 =	vor.u32 $0x7, v10;
	v45 =	vor.u32 v3, v4;
	[tilespmem:s10+$0xFFFFFEC0] =	vst v15;
	v18 =	vld.idx.msk [tilespmem:v42+s21+$0x0], $0xffff  }
0x4b9: {  	v51 =	vor.u32 v49, v9;
	v53 =	vld.idx.msk [tilespmem:v44+s21+$0x0], $0xffff;
	v54 =	vor.u32 $0x7, v5;
	[tilespmem:s10+$0xC0] =	vst v17  }
0x4ba: {  	v52 =	vor.u32 $0x7, v23;
	v56 =	vor.u32 v54, v8;
	v50 =	vld.idx.msk [tilespmem:v43+s21+$0x0], $0xffff;
	[tilespmem:s10+$0x1C0] =	vst v31  }
0x4bb: {  	v47 =	vor.u32 $0x7, v30;
	v55 =	vor.u32 v52, v22;
	[tilespmem:s0+$0xFFFFFFD0] =	vst v24;
	v46 =	vld.idx.msk [tilespmem:v41+s21+$0x0], $0xffff  }
0x4bc: {  	v48 =	vor.u32 v47, v29;
	[tilespmem:s0+$0xF0] =	vst v11;
	v7 =	vld.idx.msk [tilespmem:v38+s21+$0x0], $0xffff  }
0x4bd: {  	v6 =	vor.u32 v62, v16;
	v4 =	vld.idx.msk [tilespmem:v45+s21+$0x0], $0xffff;
	[tilespmem:s10+$0xFFFFFFD0] =	vst v18  }
0x4be: {  	v3 =	vor.u32 v3, v13;
	[tilespmem:s10+$0xFFFFFED0] =	vst v53;
	v9 =	vld.idx.msk [tilespmem:v51+s21+$0x0], $0xffff  }
0x4bf: {  	v10 =	vor.u32 v49, v19;
	v60 =	vld.idx.msk [tilespmem:v56+s21+$0x0], $0xffff;
	[tilespmem:s10+$0xD0] =	vst v50  }
0x4c0: {  	v5 =	vor.u32 v54, v20;
	v59 =	vld.idx.msk [tilespmem:v55+s21+$0x0], $0xffff;
	[tilespmem:s10+$0x1D0] =	vst v46  }
0x4c1: {  	v61 =	vor.u32 v52, v21;
	[tilespmem:s0+$0xFFFFFFE0] =	vst v7;
	v57 =	vld.idx.msk [tilespmem:v48+s21+$0x0], $0xffff  }
0x4c2: {  	v58 =	vor.u32 v47, v28;
	v6 =	vld.idx.msk [tilespmem:v6+s21+$0x0], $0xffff;
	[tilespmem:s0+$0xFFFFFEE0] =	vst v4  }
0x4c3: {  	v3 =	vld.idx.msk [tilespmem:v3+s21+$0x0], $0xffff;
	[tilespmem:s10+$0xFFFFFFE0] =	vst v9  }
0x4c4: {  	[tilespmem:s10+$0xFFFFFEE0] =	vst v60;
	v9 =	vld.idx.msk [tilespmem:v10+s21+$0x0], $0xffff  }
0x4c5: {  	v5 =	vld.idx.msk [tilespmem:v5+s21+$0x0], $0xffff;
	[tilespmem:s10+$0xE0] =	vst v59  }
0x4c6: {  	v63 =	vld.idx.msk [tilespmem:v61+s21+$0x0], $0xffff;
	[tilespmem:s10+$0x1E0] =	vst v57  }
0x4c7: {  	[tilespmem:s0+$0xFFFFFFF0] =	vst v6;
	v62 =	vld.idx.msk [tilespmem:v58+s21+$0x0], $0xffff  }
0x4c8: {  	[tilespmem:s0+$0xFFFFFEF0] =	vst v3  }
0x4c9: {  	[tilespmem:s10+$0xFFFFFFF0] =	vst v9  }
0x4ca: {  	[tilespmem:s10+$0xFFFFFEF0] =	vst v5  }
0x4cb: {  	[tilespmem:s10+$0xF0] =	vst v63  }
0x4cc: {  	[tilespmem:s10+$0x1F0] =	vst v62  }
.Ltmp9:
0x4cd: {  	s0 =	rddreg [dreg:$0x5];
	(pc) =	sbr.rel .LBB2_17-.Ltmp9, $4  }
0x4ce: {  	[hbm4b:s0+s3] =	stream.linear.scatter [tilespmem:s29], [sflag:$0x2], $0x4000, $0x38;
	[tilespmem:$0x13800] =	vst v63  }
0x4cf: {  	_ =	swait.ge [sflag:s28], $0x4000  }
0x4d0: {  	[sflag:s28] =	ssyncset.done $0x0  }
0x4d1: {  	[sflag:s28] =	ssyncadd.s32 $0xFFFFC000  }
.LBB2_14:
0x4d2: {  	s0 =	simm.s32 $0x0  }
0x4d3: {  	v3 =	vmov s0  }
0x4d4: {  	v3 =	vand.u32 $0x7F, v3  }
0x4d5: {  	v4 =	vbroadcast v3, $0x0;
	_ =	sdelay $0x1  }
0x4d6: {  	s11 =	rddreg [dreg:$0x4];
	s8 =	simm.s32 $0x400;
	s10 =	simm.s32 $0x7A1400;
	v5 =	vor.u32 v2, v4  }
0x4d7: {  	[tilespmem:s2], [sflag:$0x2] =	stream.strided.gather [hbm4b:s11+s8], $0x1000, s10, s8, $0x38;
	[tilespmem:$0x13800] =	vst v63  }
0x4d8: {  	_ =	swait.ge [sflag:s28], $0x1000  }
0x4d9: {  	[sflag:s28] =	ssyncset.done $0x0  }
0x4da: {  	[sflag:s28] =	ssyncadd.s32 $0xFFFFF000  }
0x4db: {  	v3 =	vor.u32 $0x800, v2;
	v5 =	vld.idx.msk [tilespmem:v5+s2+$0x0], $0xffff  }
0x4dc: {  	v4 =	vor.u32 v3, v4;
	_ =	sdelay $0x1  }
0x4dd: {  	s31 =	simm.s32 $0x1  }
0x4de: {  	s0 =	simm.s32 $0x13010;
	v6 =	vmov s31;
	s8 =	simm.s32 $0x2  }
.LBB2_15:
0x4df: {  	p2 =	sne.s32 s8, $0x3F;
	v6 =	vand.u32 $0x7F, v6;
	[tilespmem:s0+$0xFFFFFFF0] =	vst v5  }
0x4e0: {  	v6 =	vbroadcast v6, $0x0;
	v4 =	vld.idx.msk [tilespmem:v4+s2+$0x0], $0xffff;
	_ =	sdelay $0x1  }
0x4e1: {  	v5 =	vor.u32 v2, v6;
	_ =	sdelay $0x3  }
0x4e2: {  	[tilespmem:s0+$0x0] =	vst v4  }
0x4e3: {  	v5 =	vld.idx.msk [tilespmem:v5+s2+$0x0], $0xffff  }
.Ltmp10:
0x4e4: {  	(pc) =	sbr.rel @p2 .LBB2_15-.Ltmp10, $2  }
0x4e5: {  	v4 =	vor.u32 v3, v6;
	_ =	sdelay $0x2  }
0x4e6: {  	v6 =	vmov s8;
	s8 =	sadd.s32 $0x1, s8;
	s0 =	sadd.s32 $0x20, s0  }
0x4e7: {  	_ =	sdelay $0x1  }
0x4e8: {  	v6 =	vand.u32 $0x7F, v6  }
0x4e9: {  	[tilespmem:s0+$0xFFFFFFF0] =	vst v5;
	v63 =	vbroadcast v6, $0x0  }
0x4ea: {  	v4 =	vld.idx.msk [tilespmem:v4+s2+$0x0], $0xffff  }
0x4eb: {  	v6 =	vor.u32 v2, v63;
	_ =	sdelay $0x3  }
0x4ec: {  	[tilespmem:s0+$0x0] =	vst v4  }
0x4ed: {  	v4 =	vld.idx.msk [tilespmem:v6+s2+$0x0], $0xffff  }
0x4ee: {  	v3 =	vor.u32 v3, v63;
	_ =	sdelay $0x2  }
0x4ef: {  	s11 =	sadd.s32 $0x20, s0  }
0x4f0: {  	[tilespmem:s11+$0xFFFFFFF0] =	vst v4  }
0x4f1: {  	v3 =	vld.idx.msk [tilespmem:v3+s2+$0x0], $0xffff;
	_ =	sdelay $0x4  }
.Ltmp11:
0x4f2: {  	s31 =	rddreg [dreg:$0x3];
	s8 =	simm.s32 $0x13000;
	[tilespmem:s11+$0x0] =	vst v3;
	(pc) =	sbr.rel .LBB2_17-.Ltmp11, $4  }
0x4f3: {  	[hbm4b:s31+s3] =	stream.linear.scatter [tilespmem:s8], [sflag:$0x2], $0x800, $0x38;
	[tilespmem:$0x13800] =	vst v63  }
0x4f4: {  	_ =	swait.ge [sflag:s28], $0x800  }
0x4f5: {  	[sflag:s28] =	ssyncset.done $0x0  }
0x4f6: {  	[sflag:s28] =	ssyncadd.s32 $0xFFFFF800  }
.LBB2_18:
0x4f7: {  	_ =	sfence.sel $0x180000  }
0x4f8: {  	[bflag:$0x0] =	sbarrier.arrive $0xFFFF  }
0x4f9: {  	_ =	strace $0x90000047  }
0x4fa: {  	s0 =	stileid.u32;
	[bflag:$0x2] =	sbarrier.arrive $0xFFFF  }
0x4fb: {  	p0 =	sne.s32 s0, $0x0;
	s0 =	rddreg [dreg:$0x2]  }
0x4fc: {  	s0 =	sadd.s32 @!p0 $0x100000, s0  }
0x4fd: {  	[sflag:s0] =	ssyncadd.tile.s32 @!p0 $0x1;
	_ =	shalt  }
.Lfunc_end2:
_tile_overlayer_lowered:
.L_overlay_start_2:
0x4fe: {  	(tag) =	ssettag $0x2  }
0x4ff: {  	s0 =	rddreg [dreg:$0x0];
	s2 =	stileid.u32  }
0x500: {  	s1 =	rddreg [dreg:$0x1];
	p0 =	sne.s32 s2, $0x0  }
0x501: {  	s3 =	rddreg [dreg:$0x2];
	[bflag:$0x3] =	sbarrier.arrive $0xFFFF;
	s2 =	simm.s32 @!p0 $0x1C02  }
0x502: {  	[timem:s3], [sflag:s2] =	dma.local @!p0 [hbm:s0], s1  }
0x503: {  	s0 =	simm.s32 @!p0 $0x2  }
0x504: {  	_ =	swait.ge @!p0 [sflag:s0], s1  }
0x505: {  	s1 =	ssub.s32 @!p0 $0x0, s1;
	[sflag:s0] =	ssyncset.done @!p0 $0x0  }
0x506: {  	[sflag:s0] =	ssyncadd.s32 @!p0 s1  }
0x507: {  	[bflag:$0x3] =	sbarrier.arrive $0xFFFF  }
0x508: {  	_ =	shalt  }

// kernel: _run.8.cloned.1.call-start
scs
__scs_entry_jumppad:
0x0: {  	(pc) =	sbr.rel $0x88, $3  }
0x1: {  	(tag) =	ssettag $0x0;
	lr =	simm.s32 $0x1  }
0x2: {  	[smem:$0x3F9F] =	sst lr;
	_ =	strace $0xD0000000  }
0x3: {  	_ = 	snop  }
0x4: {  	_ = 	snop  }
0x5: {  	_ = 	snop  }
0x6: {  	_ = 	snop  }
0x7: {  	_ = 	snop  }
__scs_overlays_trampoline_lowered:
0x8: {  	[smem:$0x3FAE] =	sst s0  }
0x9: {  	[smem:$0x3FAF] =	sst s1  }
0xa: {  	[smem:$0x3FB0] =	sst s2  }
0xb: {  	[smem:$0x3FB1] =	sst s3  }
0xc: {  	[smem:$0x3FB2] =	sst s4  }
0xd: {  	[smem:$0x3FB3] =	sst s5  }
0xe: {  	[smem:$0x3FB4] =	sst s6  }
0xf: {  	[smem:$0x3FB5] =	sst s7  }
0x10: {  	[smem:$0x3FB6] =	sst s8  }
0x11: {  	[smem:$0x3FB7] =	sst s9;
	s0 =	simm.s32 @!p0 $0x0  }
0x12: {  	s1 =	sld [smem:$0x3F9D];
	s0 =	simm.s32 @p0 $0x1  }
0x13: {  	[smem:$0x3FB8] =	sst s0;
	s0 =	simm.s32 @!p1 $0x0  }
0x14: {  	s2 =	sld [smem:$0x3F9C];
	s0 =	simm.s32 @p1 $0x1  }
0x15: {  	[smem:$0x3FB9] =	sst s0;
	s0 =	simm.s32 @!p2 $0x0  }
0x16: {  	s3 =	sld [smem:$0x3FDB];
	s0 =	simm.s32 @p2 $0x1  }
0x17: {  	s4 =	simm.s32 $0x1BF5;
	[smem:$0x3FBB] =	sst s0  }
0x18: {  	s0 =	sld [smem:$0x3F9E];
	_ =	swait.ge [sflag:s4], $0x0  }
0x19: {  	s7 =	sld [smem:$0x3F9F]  }
0x1a: {  	s8 =	sadd.s32 $0xFFFFE003, lr  }
0x1b: {  	s9 =	sadd.s32 $0xFFFFFEF7, lr;
	s5 =	simm.s32 $0xFFFFFFFF;
	p2 =	slt.u32 s8, $0xFFFFF086  }
0x1c: {  	p1 =	slt.u32 s9, $0xF7A;
	s5 =	simm.s32 @!p2 $0x0  }
0x1d: {  	s5 =	simm.s32 @p1 $0x1;
	p0 =	seq.s32 s7, s2  }
0x1e: {  	s7 =	smul.u32 @!p0 $0xF7A, s2;
	p2 =	seq.s32 @!p0 s5, $0x0  }
0x1f: {  	s9 =	smul.u32 $0xF7A, s1;
	s8 =	simm.s32 @!p0 $0x1BF5;
	p2 =	por !p2, p0  }
0x20: {  	[sflag:s8] =	ssyncset.s32 @!p0 $0xFFFFF086;
	s6 =	sadd.s32 @!p0 s3, s7;
	s7 =	simm.s32 @!p0 $0x108  }
0x21: {  	s3 =	sadd.s32 s3, s9;
	s6 =	sadd.s32 @!p0 $0x88, s6;
	s7 =	simm.s32 @p2 $0x1082  }
0x22: {  	[simem:s7], [sflag:s8] =	dma.local @!p0 [hbm:s6], $0xF7A  }
0x23: {  	s9 =	sor.u32 $0xD0000000, s2;
	s6 =	simm.s32 $0x108;
	_ =	swait.ge @!p0 [sflag:s8], $0x0  }
0x24: {  	s3 =	sadd.s32 $0x88, s3;
	s6 =	simm.s32 @!p1 $0x1082;
	[sflag:s4] =	ssyncset.s32 $0xFFFFF086  }
0x25: {  	[simem:s6], [sflag:s4] =	dma.local [hbm:s3], $0xF7A  }
0x26: {  	[smem:$0x3F9F] =	sst s1;
	(tag) =	ssettag s2;
	_ =	strace s9  }
0x27: {  	s1 =	sld [smem:$0x3FAF]  }
0x28: {  	s2 =	sld [smem:$0x3FB0]  }
0x29: {  	s4 =	sld [smem:$0x3FB2]  }
0x2a: {  	p0 =	seq.s32 s5, $0x0;
	s5 =	sld [smem:$0x3FB3]  }
0x2b: {  	s6 =	sld [smem:$0x3FB4]  }
0x2c: {  	s7 =	sld [smem:$0x3FB5]  }
0x2d: {  	s3 =	simm.s32 $0x108;
	s8 =	sld [smem:$0x3FB6]  }
0x2e: {  	s3 =	simm.s32 @!p0 $0x1082;
	s9 =	sld [smem:$0x3FB7]  }
0x2f: {  	lr =	sadd.s32 s0, s3;
	s0 =	sld [smem:$0x3FAE]  }
0x30: {  	s3 =	sld [smem:$0x3FB1]  }
0x31: {  	[smem:$0x3FBA] =	sst s10  }
0x32: {  	s10 =	sld [smem:$0x3FB8];
	_ =	sdelay $0x3  }
0x33: {  	p0 =	seq.s32 s10, $0x1;
	s10 =	sld [smem:$0x3FBA];
	_ =	sdelay $0x3  }
0x34: {  	[smem:$0x3FBA] =	sst s10  }
0x35: {  	s10 =	sld [smem:$0x3FB9];
	_ =	sdelay $0x3  }
0x36: {  	p1 =	seq.s32 s10, $0x1;
	s10 =	sld [smem:$0x3FBA];
	_ =	sdelay $0x3  }
0x37: {  	[smem:$0x3FBA] =	sst s10  }
0x38: {  	s10 =	sld [smem:$0x3FBB]  }
0x39: {  	_ = 	snop;
	(pc) =	sbr.ind lr, $3  }
0x3a: {  	_ = 	snop  }
0x3b: {  	_ = 	snop  }
0x3c: {  	p2 =	seq.s32 s10, $0x1;
	s10 =	sld [smem:$0x3FBA]  }
0x3d: {  	_ =	shalt  }
0x3e: {  	_ =	shalt  }
0x3f: {  	_ =	shalt  }
0x40: {  	_ =	shalt  }
0x41: {  	_ =	shalt  }
0x42: {  	_ =	shalt  }
0x43: {  	_ =	shalt  }
0x44: {  	_ =	shalt  }
0x45: {  	_ =	shalt  }
0x46: {  	_ =	shalt  }
0x47: {  	_ =	shalt  }
0x48: {  	_ =	shalt  }
0x49: {  	_ =	shalt  }
0x4a: {  	_ =	shalt  }
0x4b: {  	_ =	shalt  }
0x4c: {  	_ =	shalt  }
0x4d: {  	_ =	shalt  }
0x4e: {  	_ =	shalt  }
0x4f: {  	_ =	shalt  }
0x50: {  	_ =	shalt  }
0x51: {  	_ =	shalt  }
0x52: {  	_ =	shalt  }
0x53: {  	_ =	shalt  }
0x54: {  	_ =	shalt  }
0x55: {  	_ =	shalt  }
0x56: {  	_ =	shalt  }
0x57: {  	_ =	shalt  }
0x58: {  	_ =	shalt  }
0x59: {  	_ =	shalt  }
0x5a: {  	_ =	shalt  }
0x5b: {  	_ =	shalt  }
0x5c: {  	_ =	shalt  }
0x5d: {  	_ =	shalt  }
0x5e: {  	_ =	shalt  }
0x5f: {  	_ =	shalt  }
0x60: {  	_ =	shalt  }
0x61: {  	_ =	shalt  }
0x62: {  	_ =	shalt  }
0x63: {  	_ =	shalt  }
0x64: {  	_ =	shalt  }
0x65: {  	_ =	shalt  }
0x66: {  	_ =	shalt  }
0x67: {  	_ =	shalt  }
0x68: {  	_ =	shalt  }
0x69: {  	_ =	shalt  }
0x6a: {  	_ =	shalt  }
0x6b: {  	_ =	shalt  }
0x6c: {  	_ =	shalt  }
0x6d: {  	_ =	shalt  }
0x6e: {  	_ =	shalt  }
0x6f: {  	_ =	shalt  }
0x70: {  	_ =	shalt  }
0x71: {  	_ =	shalt  }
0x72: {  	_ =	shalt  }
0x73: {  	_ =	shalt  }
0x74: {  	_ =	shalt  }
0x75: {  	_ =	shalt  }
0x76: {  	_ =	shalt  }
0x77: {  	_ =	shalt  }
0x78: {  	_ =	shalt  }
0x79: {  	_ =	shalt  }
0x7a: {  	_ =	shalt  }
0x7b: {  	_ =	shalt  }
0x7c: {  	_ =	shalt  }
0x7d: {  	_ =	shalt  }
0x7e: {  	_ =	shalt  }
0x7f: {  	_ =	shalt  }
0x80: {  	_ =	shalt  }
0x81: {  	_ =	shalt  }
0x82: {  	_ =	shalt  }
0x83: {  	_ =	shalt  }
0x84: {  	_ =	shalt  }
0x85: {  	_ =	shalt  }
0x86: {  	_ =	shalt  }
0x87: {  	_ =	shalt  }
.Lfunc_end0:
.L_simem_size_0:
called_computation.1_lowered:
.L_overlay_start_0:
0x88: {  	s2 =	sld [smem:$0x3FD9]  }
0x89: {  	s3 =	sld [smem:$0x3FFE];
	_ =	sdelay $0x1  }
0x8a: {  	s1 =	srdreg.scid  }
0x8b: {  	s0 =	sand.u32 $0x1, s1  }
0x8c: {  	s17 =	sshll.u32 s0, $0xA;
	s2 =	sadd.s32 s3, s2  }
0x8d: {  	s2 =	sadd.s32 s2, s17  }
0x8e: {  	[smem:$0x3FC6] =	sst s2  }
0x8f: {  	_ = 	snop  }
0x90: {  	s2 =	sld [smem:$0x3FD0];
	(tm) =	ssettm $0x1  }
0x91: {  	s18 =	sld [smem:$0x3FFB];
	_ =	sdelay $0x3  }
0x92: {  	_ =	strace s18  }
0x93: {  	s3 =	sld [smem:$0x3FFC];
	_ =	sdelay $0x3  }
0x94: {  	_ =	strace s3  }
0x95: {  	s3 =	sld [smem:$0x3FFD];
	_ =	sdelay $0x3  }
0x96: {  	_ =	strace s3  }
0x97: {  	_ =	strace $0x8FFFFFFF  }
0x98: {  	s19 =	sld [smem:$0x3FDB];
	_ =	sdelay $0x1  }
0x99: {  	s4 =	simm.s32 $_scs_section_size  }
0x9a: {  	s5 =	simm.s32 $_size__tile_overlayer_lowered;
	s6 =	simm.s32 $_tile_overlayer_lowered  }
0x9b: {  	s22 =	simm.s32 $0x1BFF;
	s21 =	sshll.u32 s6, $0x1;
	s3 =	sadd.s32 s4, s19  }
0x9c: {  	s7 =	simm.s32 $0x0;
	s20 =	sshll.u32 s5, $0x1;
	s5 =	sadd.s32 s21, s3  }
0x9d: {  	[timem:s7], [sflag:s22] =	dma.local [hbm:s5], s20  }
0x9e: {  	_ =	swait.ge [sflag:s22], s20  }
0x9f: {  	s4 =	ssub.s32 $0x0, s20;
	[sflag:s22] =	ssyncset.done $0x0  }
0xa0: {  	[sflag:s22] =	ssyncadd.s32 s4;
	_ =	sdelay $0x1  }
0xa1: {  	s23 =	simm.s32 $0x1B8B  }
0xa2: {  	_ =	swait.ge [sflag:s23], $0x1  }
0xa3: {  	[sflag:s23] =	ssyncset.done $0x0  }
0xa4: {  	s25 =	simm.s32 $0x1B8E;
	s24 =	sld [smem:$0x3FFE];
	[sflag:s23] =	ssyncadd.s32 $0xFFFFFFFF  }
0xa5: {  	s26 =	simm.s32 $execute0_lowered;
	[smem:$0x3FD2] =	sst s25  }
0xa6: {  	s5 =	sshll.u32 s26, $0x1;
	_ =	strace $0x80000049;
	[dreg:$0x1] =	wrdreg $0xFFFFFFFF  }
0xa7: {  	s28 =	simm.s32 $_size_execute0_lowered;
	s3 =	sadd.s32 s3, s5;
	[dreg:$0x0] =	wrdreg $0x0  }
0xa8: {  	s5 =	sshll.u32 s28, $0x1;
	[dreg:$0x2] =	wrdreg s3  }
0xa9: {  	[dreg:$0x3] =	wrdreg s5  }
0xaa: {  	[dreg:$0x4] =	wrdreg $0xC0  }
0xab: {  	_ =	task [dreg:s7], $0x5FFFF  }
0xac: {  	[dreg:$0x1] =	wrdreg $0xFFFFFFFF  }
0xad: {  	[dreg:$0x0] =	wrdreg $0x60  }
0xae: {  	[dreg:$0x2] =	wrdreg s2  }
0xaf: {  	[dreg:$0x3] =	wrdreg s24  }
0xb0: {  	[dreg:$0x4] =	wrdreg $0x9  }
0xb1: {  	_ =	task.clear_ibuf [dreg:s7], $0x5FFFF;
	_ =	strace $0x90000049  }
0xb2: {  	s29 =	simm.s32 $0x9;
	_ =	strace $0x8000004B  }
0xb3: {  	_ =	swait.ge [sflag:s29], $0x1  }
0xb4: {  	[sflag:s29] =	ssyncadd.s32 $0xFFFFFFFF  }
0xb5: {  	_ =	strace $0x9000004B  }
0xb6: {  	_ =	sfence  }
0xb7: {  	s30 =	sld [smem:$0x0];
	_ =	sdelay $0x2  }
0xb8: {  	s31 =	sshll.u32 s1, $0xD;
	s1 =	sshrl.u32 s1, $0x2  }
0xb9: {  	s3 =	sand.u32 $0x4000, s31;
	s1 =	sadd.s32 s1, s30  }
0xba: {  	s0 =	sor.u32 s3, s0;
	s1 =	sshll.u32 s1, $0x11  }
0xbb: {  	s0 =	sor.u32 s1, s0  }
0xbc: {  	s0 =	sadd.s32 $0x8F2B, s0  }
0xbd: {  	[sflag:s0] =	ssyncadd.remote.s32 $0x1  }
0xbe: {  	_ =	sfence.sel $0xFFFF  }
0xbf: {  	[dreg:$0x0] =	wrdreg $0xFFFFFFFF;
	(pc) =	sbr.abs _section_cstart, $3  }
0xc0: {  	[dreg:$0x1] =	wrdreg $0xFFFFFFFF  }
0xc1: {  	_ =	task.clear_ibuf [dreg:s7], $0x2FFFF;
	_ =	strace $0x9FFFFFFF  }
0xc2: {  	(tm) =	ssettm $0x7FFFFFFF  }
0xc3: {  	_ =	shalt  }
tec
execute0_lowered:
.L_overlay_start_1:
0x0: {  	(tag) =	ssettag $0x1  }
0x1: {  	s2 =	rddreg [dreg:$0x0];
	s1 =	srdreg.scid  }
0x2: {  	s0 =	stileid.u32;
	s5 =	rddreg [dreg:$0x1];
	s3 =	simm.s32 $0x0  }
0x3: {  	s16 =	simm.s32 $0xA00;
	s17 =	simm.s32 $0xAA00;
	s18 =	simm.s32 $0x1  }
0x4: {  	s19 =	simm.s32 $0x0;
	s11 =	sand.u32 $0x1, s1;
	s13 =	smul.u32 $0xC800, s0  }
0x5: {  	s4 =	sshll.u32 s0, $0x1;
	s1 =	rddreg [dreg:$0x2];
	s30 =	smul.u32 $0x32000, s0  }
0x6: {  	[smem:$0x7FF] =	sst s3;
	s12 =	sadd.s32 $0x3D1400, s5;
	s14 =	smul.u32 $0x6400, s11  }
0x7: {  	s6 =	sor.u32 s11, s4;
	s8 =	ssub.s32 $0x2, s11;
	s15 =	smul.u32 $0x19000, s11  }
0x8: {  	_ =	strace $0x8000004A;
	s7 =	smul.u32 $0x6400, s6;
	s25 =	sshrl.u32 s8, $0x1  }
0x9: {  	s4 =	sadd.s32 $0xA00, s5;
	s26 =	smul.u32 $0x19000, s6;
	s8 =	ssub.s32 s8, s25  }
0xa: {  	s13 =	sadd.s32 s14, s13;
	s14 =	sadd.s32 s30, s12;
	s9 =	sshrl.u32 s7, $0x3  }
0xb: {  	s6 =	smax.u32 s8, $0x1;
	s10 =	sadd.s32 $0x5F00, s7;
	s28 =	sadd.s32 s12, s26  }
0xc: {  	s5 =	sadd.s32 s2, s9;
	s7 =	sshrl.u32 s10, $0x3;
	s8 =	sadd.s32 $0x16800, s28  }
0xd: {  	s29 =	sshll.u32 s10, $0x2;
	s10 =	sadd.s32 $0xA00, s13;
	s13 =	sadd.s32 $0x500, s13  }
0xe: {  	s7 =	sadd.s32 s2, s7;
	s31 =	sshll.u32 s13, $0x2;
	s13 =	sshrl.u32 s13, $0x3  }
0xf: {  	s9 =	sadd.s32 s12, s29;
	s11 =	sadd.s32 s31, s12;
	s12 =	sadd.s32 s13, s2  }
0x10: {  	s13 =	sadd.s32 s15, s14;
	s14 =	simm.s32 $0x2;
	s15 =	simm.s32 $0x500  }
.LBB2_1:
0x11: {  	[tilespmem:s3], [sflag:$0x2] =	stream.linear.gather [hbm4b:s5+s3], $0x500, $0x38;
	[tilespmem:$0x14A00] =	vst v63  }
0x12: {  	_ =	swait.ge [sflag:s14], $0x500  }
0x13: {  	[sflag:s14] =	ssyncset.done $0x0  }
0x14: {  	[sflag:s14] =	ssyncadd.s32 $0xFFFFFB00  }
0x15: {  	[tilespmem:s16], [sflag:$0x1] =	stream.indirect.gather [hbm4b:s4+s15], $0x20, s3, s15, $0xb8;
	[tilespmem:$0x14A00] =	vst v63  }
0x16: {  	_ = 	snop  }
0x17: {  	[tilespmem:s15], [sflag:$0x2] =	stream.linear.gather [hbm4b:s12+s3], $0x500, $0x38;
	[tilespmem:$0x14A00] =	vst v63  }
0x18: {  	_ =	swait.ge [sflag:s14], $0x500  }
0x19: {  	[sflag:s14] =	ssyncset.done $0x0  }
0x1a: {  	[sflag:s14] =	ssyncadd.s32 $0xFFFFFB00  }
0x1b: {  	[tilespmem:s17], [sflag:$0x1] =	stream.indirect.gather [hbm4b:s4+s15], $0x20, s15, s15, $0xb8;
	[tilespmem:$0x14A00] =	vst v63  }
0x1c: {  	_ =	swait.ge [sflag:s18], $0xA000  }
0x1d: {  	[sflag:s18] =	ssyncset.done $0x0  }
0x1e: {  	s20 =	sadd.s32 $0x0, s13;
	[sflag:s18] =	ssyncadd.s32 $0xFFFF6000  }
0x1f: {  	[hbm4b:s20+s3] =	stream.linear.scatter [tilespmem:s16], [sflag:$0x2], $0xA000, $0x38;
	[tilespmem:$0x14A00] =	vst v63  }
0x20: {  	_ =	swait.ge [sflag:s14], $0xA000  }
0x21: {  	s30 =	sshrl.u32 s10, $0x3;
	[sflag:s14] =	ssyncset.done $0x0  }
0x22: {  	s20 =	sadd.s32 s2, s30;
	[sflag:s14] =	ssyncadd.s32 $0xFFFF6000  }
0x23: {  	[tilespmem:s3], [sflag:$0x2] =	stream.linear.gather [hbm4b:s20+s3], $0x500, $0x38;
	[tilespmem:$0x14A00] =	vst v63  }
0x24: {  	_ =	swait.ge [sflag:s14], $0x500  }
0x25: {  	[sflag:s14] =	ssyncset.done $0x0  }
0x26: {  	[sflag:s14] =	ssyncadd.s32 $0xFFFFFB00  }
0x27: {  	[tilespmem:s16], [sflag:$0x1] =	stream.indirect.gather [hbm4b:s4+s15], $0x20, s3, s15, $0xb8;
	[tilespmem:$0x14A00] =	vst v63  }
0x28: {  	_ =	swait.ge [sflag:s18], $0xA000  }
0x29: {  	[sflag:s18] =	ssyncset.done $0x0  }
0x2a: {  	s31 =	sadd.s32 $0x0, s11;
	[sflag:s18] =	ssyncadd.s32 $0xFFFF6000  }
0x2b: {  	[hbm4b:s31+s3] =	stream.linear.scatter [tilespmem:s17], [sflag:$0x2], $0xA000, $0x38;
	[tilespmem:$0x14A00] =	vst v63  }
0x2c: {  	s21 =	smov.u32 s10;
	_ =	swait.ge [sflag:s14], $0xA000  }
0x2d: {  	s22 =	smov.u32 s12;
	s20 =	simm.s32 $0x2800;
	[sflag:s14] =	ssyncset.done $0x0  }
.LBB2_2:
0x2e: {  	[sflag:s14] =	ssyncadd.s32 $0xFFFF6000  }
0x2f: {  	s21 =	sadd.s32 $0xA00, s21;
	s22 =	sadd.s32 $0x140, s22;
	s23 =	smov.u32 s20  }
0x30: {  	[tilespmem:s15], [sflag:$0x2] =	stream.linear.gather [hbm4b:s22+s3], $0x500, $0x38;
	[tilespmem:$0x14A00] =	vst v63  }
0x31: {  	p0 =	sne.s32 s20, $0x14000;
	s20 =	sadd.s32 $0x2800, s20;
	_ =	swait.ge [sflag:s14], $0x500  }
0x32: {  	[sflag:s14] =	ssyncset.done $0x0  }
0x33: {  	[sflag:s14] =	ssyncadd.s32 $0xFFFFFB00  }
0x34: {  	[tilespmem:s17], [sflag:$0x1] =	stream.indirect.gather [hbm4b:s4+s15], $0x20, s15, s15, $0xb8;
	[tilespmem:$0x14A00] =	vst v63  }
0x35: {  	_ =	swait.ge [sflag:s18], $0xA000  }
0x36: {  	[sflag:s18] =	ssyncset.done $0x0  }
0x37: {  	s24 =	sadd.s32 s23, s13;
	[sflag:s18] =	ssyncadd.s32 $0xFFFF6000  }
0x38: {  	[hbm4b:s24+s3] =	stream.linear.scatter [tilespmem:s16], [sflag:$0x2], $0xA000, $0x38;
	[tilespmem:$0x14A00] =	vst v63  }
0x39: {  	_ =	swait.ge [sflag:s14], $0xA000  }
0x3a: {  	s24 =	sshrl.u32 s21, $0x3;
	[sflag:s14] =	ssyncset.done $0x0  }
0x3b: {  	s24 =	sadd.s32 s2, s24;
	[sflag:s14] =	ssyncadd.s32 $0xFFFF6000  }
0x3c: {  	[tilespmem:s3], [sflag:$0x2] =	stream.linear.gather [hbm4b:s24+s3], $0x500, $0x38;
	[tilespmem:$0x14A00] =	vst v63  }
0x3d: {  	_ =	swait.ge [sflag:s14], $0x500  }
0x3e: {  	[sflag:s14] =	ssyncset.done $0x0  }
0x3f: {  	[sflag:s14] =	ssyncadd.s32 $0xFFFFFB00  }
0x40: {  	[tilespmem:s16], [sflag:$0x1] =	stream.indirect.gather [hbm4b:s4+s15], $0x20, s3, s15, $0xb8;
	[tilespmem:$0x14A00] =	vst v63  }
0x41: {  	_ =	swait.ge [sflag:s18], $0xA000  }
.Ltmp0:
0x42: {  	[sflag:s18] =	ssyncset.done $0x0;
	(pc) =	sbr.rel @p0 .LBB2_2-.Ltmp0, $4  }
0x43: {  	s23 =	sadd.s32 s23, s11;
	[sflag:s18] =	ssyncadd.s32 $0xFFFF6000  }
0x44: {  	[hbm4b:s23+s3] =	stream.linear.scatter [tilespmem:s17], [sflag:$0x2], $0xA000, $0x38;
	[tilespmem:$0x14A00] =	vst v63  }
0x45: {  	_ =	swait.ge [sflag:s14], $0xA000  }
0x46: {  	[sflag:s14] =	ssyncset.done $0x0  }
0x47: {  	[sflag:s14] =	ssyncadd.s32 $0xFFFF6000  }
0x48: {  	[tilespmem:s15], [sflag:$0x2] =	stream.linear.gather [hbm4b:s7+s3], $0x500, $0x38;
	[tilespmem:$0x14A00] =	vst v63  }
0x49: {  	_ =	swait.ge [sflag:s14], $0x500  }
0x4a: {  	[sflag:s14] =	ssyncset.done $0x0  }
0x4b: {  	[sflag:s14] =	ssyncadd.s32 $0xFFFFFB00  }
0x4c: {  	[tilespmem:s17], [sflag:$0x1] =	stream.indirect.gather [hbm4b:s4+s15], $0x20, s15, s15, $0xb8;
	[tilespmem:$0x14A00] =	vst v63  }
0x4d: {  	_ =	swait.ge [sflag:s18], $0xA000  }
0x4e: {  	[sflag:s18] =	ssyncset.done $0x0  }
0x4f: {  	[sflag:s18] =	ssyncadd.s32 $0xFFFF6000  }
0x50: {  	[hbm4b:s8+s3] =	stream.linear.scatter [tilespmem:s16], [sflag:$0x2], $0xA000, $0x38;
	[tilespmem:$0x14A00] =	vst v63  }
0x51: {  	_ =	swait.ge [sflag:s14], $0xA000  }
0x52: {  	[sflag:s14] =	ssyncset.done $0x0  }
0x53: {  	[sflag:s14] =	ssyncadd.s32 $0xFFFF6000  }
0x54: {  	s19 =	sadd.s32 $0x1, s19;
	_ =	swait.ge [sflag:s18], $0xA000  }
0x55: {  	p0 =	sne.s32 s19, s6;
	[sflag:s18] =	ssyncset.done $0x0  }
.Ltmp1:
0x56: {  	[sflag:s18] =	ssyncadd.s32 $0xFFFF6000;
	(pc) =	sbr.rel @p0 .LBB2_1-.Ltmp1, $4  }
0x57: {  	[hbm4b:s9+s3] =	stream.linear.scatter [tilespmem:s17], [sflag:$0x2], $0xA000, $0x38;
	[tilespmem:$0x14A00] =	vst v63  }
0x58: {  	_ =	swait.ge [sflag:s14], $0xA000  }
0x59: {  	[sflag:s14] =	ssyncset.done $0x0  }
0x5a: {  	[sflag:s14] =	ssyncadd.s32 $0xFFFF6000  }
0x5b: {  	_ =	sfence.sel $0x180000  }
0x5c: {  	[bflag:$0x0] =	sbarrier.arrive $0xFFFF  }
0x5d: {  	p0 =	sne.s32 s0, $0x0;
	_ =	strace $0x9000004A  }
0x5e: {  	s0 =	sadd.s32 @!p0 $0x100000, s1;
	[bflag:$0x2] =	sbarrier.arrive $0xFFFF  }
0x5f: {  	[sflag:s0] =	ssyncadd.tile.s32 @!p0 $0x1;
	_ =	shalt  }
.Lfunc_end2:
_tile_overlayer_lowered:
.L_overlay_start_2:
0x60: {  	(tag) =	ssettag $0x2  }
0x61: {  	s0 =	rddreg [dreg:$0x0];
	s2 =	stileid.u32  }
0x62: {  	s1 =	rddreg [dreg:$0x1];
	p0 =	sne.s32 s2, $0x0  }
0x63: {  	s3 =	rddreg [dreg:$0x2];
	[bflag:$0x3] =	sbarrier.arrive $0xFFFF;
	s2 =	simm.s32 @!p0 $0x1C02  }
0x64: {  	[timem:s3], [sflag:s2] =	dma.local @!p0 [hbm:s0], s1  }
0x65: {  	s0 =	simm.s32 @!p0 $0x2  }
0x66: {  	_ =	swait.ge @!p0 [sflag:s0], s1  }
0x67: {  	s1 =	ssub.s32 @!p0 $0x0, s1;
	[sflag:s0] =	ssyncset.done @!p0 $0x0  }
0x68: {  	[sflag:s0] =	ssyncadd.s32 @!p0 s1  }
0x69: {  	[bflag:$0x3] =	sbarrier.arrive $0xFFFF  }
0x6a: {  	_ =	shalt  }

</sc_bundles>
